<compile_context>
chip_gen: v7x
topology: tpu7x:2x2x1
jax: 0.10.2.dev20260603
libtpu: 0.0.44.dev20260713+nightly
codegen_flags: <defaults>
</compile_context>

<pallas_src>
import functools

import jax
import jax.numpy as jnp
from jax.experimental import pallas as pl



def _fps_body(xyz_ref, out_ref, *, npoint, n):
    x = xyz_ref[:, 0, :]
    y = xyz_ref[:, 1, :]
    z = xyz_ref[:, 2, :]
    b = x.shape[0]
    lane = (jax.lax.broadcasted_iota(jnp.int32, (b, n), 1)
            + jax.lax.broadcasted_iota(jnp.int32, (b, n), 0) * 0)
    step_iota = (jax.lax.broadcasted_iota(jnp.int32, (b, npoint), 1)
                 + jax.lax.broadcasted_iota(jnp.int32, (b, npoint), 0) * 0)

    out_ref[...] = step_iota * 0

    def step(i, carry):
        dists, far = carry
        farb = far + step_iota * 0
        out_ref[...] = jnp.where(step_iota == i, farb, out_ref[...])
        sel = lane == far
        cx = jnp.sum(jnp.where(sel, x, 0.0), axis=1, keepdims=True)
        cy = jnp.sum(jnp.where(sel, y, 0.0), axis=1, keepdims=True)
        cz = jnp.sum(jnp.where(sel, z, 0.0), axis=1, keepdims=True)
        d = (x - cx) ** 2 + (y - cy) ** 2 + (z - cz) ** 2
        dists = jnp.minimum(dists, d)
        m = jnp.max(dists, axis=1, keepdims=True)
        far = jnp.min(jnp.where(dists == m, lane, n), axis=1, keepdims=True)
        return dists, far

    dists0 = x * 0.0 + 1e10
    far0 = lane[:, 0:1] * 0
    jax.lax.fori_loop(0, npoint, step, (dists0, far0))


def _fps(xyz, npoint):
    b, n, _ = xyz.shape
    xyz_t = jnp.transpose(xyz, (0, 2, 1))
    return pl.pallas_call(
        functools.partial(_fps_body, npoint=npoint, n=n),
        out_shape=jax.ShapeDtypeStruct((b, npoint), jnp.int32),
    )(xyz_t)



def _bq_body(pts_ref, cent_ref, out_ref, *, radius, nsample, n, s):
    px = pts_ref[0, :, 0:1]
    py = pts_ref[0, :, 1:2]
    pz = pts_ref[0, :, 2:3]
    cx = cent_ref[0, 0:1, :]
    cy = cent_ref[0, 1:2, :]
    cz = cent_ref[0, 2:3, :]
    d2 = (px - cx) ** 2 + (py - cy) ** 2 + (pz - cz) ** 2
    idx = (jax.lax.broadcasted_iota(jnp.int32, (n, s), 0)
           + jax.lax.broadcasted_iota(jnp.int32, (n, s), 1) * 0)
    cand = jnp.where(d2 < radius * radius, idx, n)
    rows = []
    for _ in range(nsample):
        cur = jnp.min(cand, axis=0, keepdims=True)
        rows.append(cur)
        cand = jnp.where(cand == cur, n, cand)
    outm = jnp.concatenate(rows, axis=0)
    outm = jnp.where(outm == n, outm[0:1, :], outm)
    out_ref[0] = outm


def _ball_query(xyz, new_xyz, radius, nsample):
    b, n, _ = xyz.shape
    s = new_xyz.shape[1]
    cent_t = jnp.transpose(new_xyz, (0, 2, 1))
    out = pl.pallas_call(
        functools.partial(_bq_body, radius=radius, nsample=nsample, n=n, s=s),
        grid=(b,),
        in_specs=[
            pl.BlockSpec((1, n, 3), lambda i: (i, 0, 0)),
            pl.BlockSpec((1, 3, s), lambda i: (i, 0, 0)),
        ],
        out_specs=pl.BlockSpec((1, nsample, s), lambda i: (i, 0, 0)),
        out_shape=jax.ShapeDtypeStruct((b, nsample, s), jnp.int32),
    )(xyz, cent_t)
    return jnp.transpose(out, (0, 2, 1))




def _layer_body(x_ref, a_ref, c_ref, w_ref, y_ref, p_ref, *, fuse):
    x = x_ref[...]
    if fuse:
        x = jnp.maximum(x * a_ref[...] + c_ref[...], 0.0)
    y = jnp.dot(x, w_ref[...], preferred_element_type=jnp.float32)
    y_ref[...] = y
    p_ref[0, 0, :] = jnp.sum(y, axis=0)
    p_ref[0, 1, :] = jnp.sum(y * y, axis=0)


def _layer(x, a, c, wt, fuse, tile):
    r, cin = x.shape
    cout = wt.shape[1]
    ncell = r // tile
    y, p = pl.pallas_call(
        functools.partial(_layer_body, fuse=fuse),
        grid=(ncell,),
        in_specs=[
            pl.BlockSpec((tile, cin), lambda i: (i, 0)),
            pl.BlockSpec((1, cin), lambda i: (0, 0)),
            pl.BlockSpec((1, cin), lambda i: (0, 0)),
            pl.BlockSpec((cin, cout), lambda i: (0, 0)),
        ],
        out_specs=[
            pl.BlockSpec((tile, cout), lambda i: (i, 0)),
            pl.BlockSpec((1, 2, cout), lambda i: (i, 0, 0)),
        ],
        out_shape=[
            jax.ShapeDtypeStruct((r, cout), jnp.float32),
            jax.ShapeDtypeStruct((ncell, 2, cout), jnp.float32),
        ],
    )(x, a.reshape(1, cin), c.reshape(1, cin), wt)
    return y, p


def _maxpool_body(y_ref, a_ref, c_ref, o_ref):
    a = a_ref[...]
    c = c_ref[...]
    ns = y_ref.shape[1]
    m = jnp.maximum(y_ref[:, 0, :] * a + c, 0.0)
    for k in range(1, ns):
        m = jnp.maximum(m, jnp.maximum(y_ref[:, k, :] * a + c, 0.0))
    o_ref[...] = m


def _maxpool(y, a, c, groups, ns, gtile):
    cout = y.shape[-1]
    yg = y.reshape(groups, ns, cout)
    return pl.pallas_call(
        _maxpool_body,
        grid=(groups // gtile,),
        in_specs=[
            pl.BlockSpec((gtile, ns, cout), lambda i: (i, 0, 0)),
            pl.BlockSpec((1, cout), lambda i: (0, 0)),
            pl.BlockSpec((1, cout), lambda i: (0, 0)),
        ],
        out_specs=pl.BlockSpec((gtile, cout), lambda i: (i, 0)),
        out_shape=jax.ShapeDtypeStruct((groups, cout), jnp.float32),
    )(yg, a.reshape(1, cout), c.reshape(1, cout))


def _mlp_stack(x, params, b, s, ns, tile, gtile):
    r = x.shape[0]
    a = None
    c = None
    y = x
    for li, (w, g, bb) in enumerate(params):
        wt = jnp.transpose(w)
        y, p = _layer(y, a if a is not None else jnp.zeros((y.shape[1],), jnp.float32),
                      c if c is not None else jnp.zeros((y.shape[1],), jnp.float32),
                      wt, fuse=li > 0, tile=tile)
        ps = jnp.sum(p, axis=0)
        mean = ps[0] / r
        var = ps[1] / r - mean * mean
        a = g / jnp.sqrt(var + 1e-5)
        c = bb - mean * a
    cout = y.shape[-1]
    f = _maxpool(y, a, c, b * s, ns, gtile)
    return f.reshape(b, s, cout)




def _cls_body(x_ref, w1_ref, b1_ref, w2_ref, b2_ref, w3_ref, b3_ref, o_ref):
    h = jnp.maximum(
        jnp.dot(x_ref[...], w1_ref[...], preferred_element_type=jnp.float32)
        + b1_ref[...], 0.0)
    h = jnp.maximum(
        jnp.dot(h, w2_ref[...], preferred_element_type=jnp.float32)
        + b2_ref[...], 0.0)
    o_ref[...] = (
        jnp.dot(h, w3_ref[...], preferred_element_type=jnp.float32)
        + b3_ref[...])


def _classifier(x, cls):
    b = x.shape[0]
    (w1, b1), (w2, b2), (w3, b3) = cls
    return pl.pallas_call(
        _cls_body,
        out_shape=jax.ShapeDtypeStruct((b, w3.shape[0]), jnp.float32),
    )(x, jnp.transpose(w1), b1.reshape(1, -1),
      jnp.transpose(w2), b2.reshape(1, -1),
      jnp.transpose(w3), b3.reshape(1, -1))




def _gather(points, idx):
    b, s, ns = idx.shape
    flat = idx.reshape(b, s * ns)
    out = jnp.take_along_axis(points, flat[:, :, None], axis=1)
    return out.reshape(b, s, ns, points.shape[-1])


def kernel(input, mlp1, mlp2, mlp3, cls):
    b, n, _ = input.shape
    xyz = input[:, :, :3]

    fidx = _fps(xyz, 512)
    new_xyz = jnp.take_along_axis(xyz, fidx[:, :, None], axis=1)
    gidx = _ball_query(xyz, new_xyz, 0.2, 32)
    gx = _gather(xyz, gidx) - new_xyz[:, :, None, :]
    x1 = gx.reshape(b * 512 * 32, 3)
    f1 = _mlp_stack(x1, mlp1, b, 512, 32, tile=2048, gtile=64)

    fidx2 = _fps(new_xyz, 128)
    xyz2 = jnp.take_along_axis(new_xyz, fidx2[:, :, None], axis=1)
    gidx2 = _ball_query(new_xyz, xyz2, 0.4, 64)
    gx2 = _gather(new_xyz, gidx2) - xyz2[:, :, None, :]
    gf2 = _gather(f1, gidx2)
    x2 = jnp.concatenate([gx2, gf2], axis=-1).reshape(b * 128 * 64, 131)
    f2 = _mlp_stack(x2, mlp2, b, 128, 64, tile=2048, gtile=64)

    x3 = jnp.concatenate([xyz2[:, None, :, :], f2[:, None, :, :]],
                         axis=-1).reshape(b * 128, 259)
    f3 = _mlp_stack(x3, mlp3, b, 1, 128, tile=2048, gtile=16)

    return _classifier(f3[:, 0, :], cls)

# --- scband reference (transcript-rebuilt; emitter-appended) ---
"""Pipeline reference for scband-model-1769526526664 (READ-ONLY COPY).

The authoritative reference and input builder live on the scoring server;
editing this copy changes nothing except your own understanding.
"""

import jax, jax.numpy as jnp
import numpy as np


def _fps(xyz, npoint):
    B, N, _ = xyz.shape
    xyz = jax.lax.stop_gradient(xyz)

    def step(carry, _):
        dists, farthest = carry
        centroid = jnp.take_along_axis(xyz, farthest[:, None, None], axis=1)
        d = jnp.sum((xyz - centroid) ** 2, axis=-1)
        dists = jnp.minimum(dists, d)
        new_far = jnp.argmax(dists, axis=-1).astype(jnp.int32)
        return (dists, new_far), farthest

    init = (jnp.full((B, N), 1e10, dtype=jnp.float32), jnp.zeros((B,), jnp.int32))
    _, idxs = jax.lax.scan(step, init, None, length=npoint)
    return jnp.transpose(idxs, (1, 0))


def _ball_query(xyz, new_xyz, radius, nsample):
    N = xyz.shape[1]
    d2 = jnp.sum((new_xyz[:, :, None, :] - xyz[:, None, :, :]) ** 2, axis=-1)
    mask = d2 < radius * radius
    ar = jnp.arange(N, dtype=jnp.int32)
    cand = jnp.where(mask, ar[None, None, :], N)
    idx = jnp.sort(cand, axis=-1)[:, :, :nsample]
    first = idx[:, :, :1]
    idx = jnp.where(idx == N, first, idx)
    return jax.lax.stop_gradient(idx)


def _gather(points, idx):
    B, S, ns = idx.shape
    flat = idx.reshape(B, S * ns)
    out = jnp.take_along_axis(points, flat[:, :, None], axis=1)
    return out.reshape(B, S, ns, points.shape[-1])


def _shared_mlp(x, params):
    for W, g, b in params:
        x = jnp.einsum('oi,bisn->bosn', W, x)
        mean = jnp.mean(x, axis=(0, 2, 3), keepdims=True)
        var = jnp.var(x, axis=(0, 2, 3), keepdims=True)
        x = (x - mean) / jnp.sqrt(var + 1e-5)
        x = x * g[None, :, None, None] + b[None, :, None, None]
        x = jax.nn.relu(x)
    return x


def _sa_module(xyz, feat, npoint, radius, nsample, params):
    if npoint is None:
        grouped = xyz[:, None, :, :]
        if feat is not None:
            grouped = jnp.concatenate([grouped, feat[:, None, :, :]], axis=-1)
        new_xyz = None
    else:
        fidx = _fps(xyz, npoint)
        new_xyz = jnp.take_along_axis(xyz, fidx[:, :, None], axis=1)
        gidx = _ball_query(xyz, new_xyz, radius, nsample)
        g_xyz = _gather(xyz, gidx) - new_xyz[:, :, None, :]
        if feat is not None:
            grouped = jnp.concatenate([g_xyz, _gather(feat, gidx)], axis=-1)
        else:
            grouped = g_xyz
    x = jnp.transpose(grouped, (0, 3, 1, 2))
    x = _shared_mlp(x, params)
    x = jnp.max(x, axis=-1)
    return new_xyz, jnp.transpose(x, (0, 2, 1))


def _forward(inp, mlp1, mlp2, mlp3, cls):
    xyz = inp[:, :, :3]
    xyz1, f1 = _sa_module(xyz, None, 512, 0.2, 32, mlp1)
    xyz2, f2 = _sa_module(xyz1, f1, 128, 0.4, 64, mlp2)
    _, f3 = _sa_module(xyz2, f2, None, None, None, mlp3)
    x = f3[:, 0, :]
    n = len(cls)
    for i, (W, b) in enumerate(cls):
        x = x @ W.T + b
        if i < n - 1:
            x = jax.nn.relu(x)
    return x


def setup_inputs(seed: int = 0):
    key = jax.random.key(seed)
    ks = jax.random.split(key, 16)
    B, N = 16, 4096
    inp = jax.random.uniform(ks[0], (B, N, 3), dtype=jnp.float32)

    def mlp_params(key, dims):
        kk = jax.random.split(key, len(dims) - 1)
        ps = []
        for i in range(len(dims) - 1):
            cin, cout = dims[i], dims[i + 1]
            W = jax.random.normal(kk[i], (cout, cin), dtype=jnp.float32) * (2.0 / cin) ** 0.5
            ps.append((W, jnp.ones((cout,), jnp.float32), jnp.zeros((cout,), jnp.float32)))
        return ps

    mlp1 = mlp_params(ks[1], [3, 64, 64, 128])
    mlp2 = mlp_params(ks[2], [131, 128, 128, 256])
    mlp3 = mlp_params(ks[3], [259, 256, 512, 1024])

    def lin(key, cin, cout):
        W = jax.random.normal(key, (cout, cin), dtype=jnp.float32) * (1.0 / cin) ** 0.5
        return (W, jnp.zeros((cout,), jnp.float32))

    cls = [lin(ks[4], 1024, 512), lin(ks[5], 512, 256), lin(ks[6], 256, 40)]
    return {"input": inp, "mlp1": mlp1, "mlp2": mlp2, "mlp3": mlp3, "cls": cls}


def reference(input, mlp1, mlp2, mlp3, cls):
    return _forward(input, mlp1, mlp2, mlp3, cls)

if __name__ == "__main__":
    import jax
    _d = setup_inputs()
    print(jax.jit(kernel)(*tuple(_d.values())))

</pallas_src>

<mosaic_0001>
module attributes {stable_mosaic.version = 14 : i64} {
  func.func @_layer_body(%arg0: i32, %arg1: memref<2048x3xf32, #tpu.memory_space<vmem>>, %arg2: memref<1x3xf32, #tpu.memory_space<vmem>>, %arg3: memref<1x3xf32, #tpu.memory_space<vmem>>, %arg4: memref<3x64xf32, #tpu.memory_space<vmem>>, %arg5: memref<2048x64xf32, #tpu.memory_space<vmem>>, %arg6: memref<1x2x64xf32, #tpu.memory_space<vmem>>) attributes {dimension_semantics = [#tpu.dimension_semantics<arbitrary>], iteration_bounds = array<i64: 128>, scalar_prefetch = 0 : i64, scratch_operands = 0 : i64, tpu.core_type = #tpu.core_type<tc>, window_params = [{transform_indices = @transform_0, window_bounds = array<i64: 2048, 3>}, {pipeline_mode = #tpu.pipeline_mode<synchronous>, transform_indices = @transform_1, window_bounds = array<i64: 1, 3>}, {pipeline_mode = #tpu.pipeline_mode<synchronous>, transform_indices = @transform_2, window_bounds = array<i64: 1, 3>}, {pipeline_mode = #tpu.pipeline_mode<synchronous>, transform_indices = @transform_3, window_bounds = array<i64: 3, 64>}, {transform_indices = @transform_4, window_bounds = array<i64: 2048, 64>}, {transform_indices = @transform_5, window_bounds = array<i64: 1, 2, 64>}]} {
    %get3A = arith.constant 0 : index
    %get3A_0 = arith.constant 0 : index
    %get3A_1 = vector.load %arg1[%get3A, %get3A_0] : memref<2048x3xf32, #tpu.memory_space<vmem>>, vector<2048x3xf32>
    %get3A_2 = arith.constant 0 : index
    %get3A_3 = arith.constant 0 : index
    %get3A_4 = vector.load %arg4[%get3A_2, %get3A_3] : memref<3x64xf32, #tpu.memory_space<vmem>>, vector<3x64xf32>
    %dot_general3A = arith.constant dense<0.000000e+00> : vector<2048x64xf32>
    %dot_general3A_5 = tpu.matmul %get3A_1, %get3A_4, %dot_general3A {dimension_numbers = #tpu.dot_dimension_numbers<[1], [0], [0], [1], [0, 0, 1, 1], [], []>, transpose_lhs_hint = false} : vector<2048x3xf32>, vector<3x64xf32>, vector<2048x64xf32> -> vector<2048x64xf32>
    %swap3A = arith.constant 0 : index
    %swap3A_6 = arith.constant 0 : index
    %swap3A_7 = vector.load %arg5[%swap3A, %swap3A_6] : memref<2048x64xf32, #tpu.memory_space<vmem>>, vector<2048x64xf32>
    tpu.vector_store %arg5[%swap3A, %swap3A_6], %dot_general3A_5 {strides = array<i32>} : memref<2048x64xf32, #tpu.memory_space<vmem>>, vector<2048x64xf32>,
    %reduce_sum3A = arith.constant dense<0.000000e+00> : vector<64xf32>
    %reduce_sum3A_8 = vector.multi_reduction <add>, %dot_general3A_5, %reduce_sum3A [0] : vector<2048x64xf32> to vector<64xf32>
    %swap3A_9 = arith.constant 0 : index
    %swap3A_10 = arith.constant 0 : index
    %swap3A_11 = arith.constant 0 : index
    %swap3A_12 = vector.load %arg6[%swap3A_9, %swap3A_10, %swap3A_11] : memref<1x2x64xf32, #tpu.memory_space<vmem>>, vector<1x1x64xf32>
    %swap3A_13 = vector.shape_cast %swap3A_12 : vector<1x1x64xf32> to vector<64xf32>
    %swap3A_14 = vector.shape_cast %reduce_sum3A_8 : vector<64xf32> to vector<1x1x64xf32>
    tpu.vector_store %arg6[%swap3A_9, %swap3A_10, %swap3A_11], %swap3A_14 {strides = array<i32>} : memref<1x2x64xf32, #tpu.memory_space<vmem>>, vector<1x1x64xf32>,
    %mul3A = arith.mulf %dot_general3A_5, %dot_general3A_5 : vector<2048x64xf32>
    %reduce_sum3A_15 = arith.constant dense<0.000000e+00> : vector<64xf32>
    %reduce_sum3A_16 = vector.multi_reduction <add>, %mul3A, %reduce_sum3A_15 [0] : vector<2048x64xf32> to vector<64xf32>
    %swap3A_17 = arith.constant 0 : index
    %swap3A_18 = arith.constant 1 : index
    %swap3A_19 = arith.constant 0 : index
    %swap3A_20 = vector.load %arg6[%swap3A_17, %swap3A_18, %swap3A_19] : memref<1x2x64xf32, #tpu.memory_space<vmem>>, vector<1x1x64xf32>
    %swap3A_21 = vector.shape_cast %swap3A_20 : vector<1x1x64xf32> to vector<64xf32>
    %swap3A_22 = vector.shape_cast %reduce_sum3A_16 : vector<64xf32> to vector<1x1x64xf32>
    tpu.vector_store %arg6[%swap3A_17, %swap3A_18, %swap3A_19], %swap3A_22 {strides = array<i32>} : memref<1x2x64xf32, #tpu.memory_space<vmem>>, vector<1x1x64xf32>,
    return
  }
  func.func @transform_0(%arg0: i32) -> (i32, i32) {
    %c0_i32 = arith.constant 0 : i32
    %c0_i32_0 = arith.constant 0 : i32
    return %arg0, %c0_i32 : i32, i32
  }
  func.func @transform_1(%arg0: i32) -> (i32, i32) {
    %c0_i32 = arith.constant 0 : i32
    %c0_i32_0 = arith.constant 0 : i32
    %c0_i32_1 = arith.constant 0 : i32
    return %c0_i32, %c0_i32_0 : i32, i32
  }
  func.func @transform_2(%arg0: i32) -> (i32, i32) {
    %c0_i32 = arith.constant 0 : i32
    %c0_i32_0 = arith.constant 0 : i32
    %c0_i32_1 = arith.constant 0 : i32
    return %c0_i32, %c0_i32_0 : i32, i32
  }
  func.func @transform_3(%arg0: i32) -> (i32, i32) {
    %c0_i32 = arith.constant 0 : i32
    %c0_i32_0 = arith.constant 0 : i32
    %c0_i32_1 = arith.constant 0 : i32
    return %c0_i32, %c0_i32_0 : i32, i32
  }
  func.func @transform_4(%arg0: i32) -> (i32, i32) {
    %c0_i32 = arith.constant 0 : i32
    %c0_i32_0 = arith.constant 0 : i32
    return %arg0, %c0_i32 : i32, i32
  }
  func.func @transform_5(%arg0: i32) -> (i32, i32, i32) {
    %c0_i32 = arith.constant 0 : i32
    %c0_i32_0 = arith.constant 0 : i32
    %c0_i32_1 = arith.constant 0 : i32
    return %arg0, %c0_i32, %c0_i32_0 : i32, i32, i32
  }
}

module attributes {stable_mosaic.version = 14 : i64} {
  func.func @_layer_body(%arg0: i32, %arg1: memref<2048x64xf32, #tpu.memory_space<vmem>>, %arg2: memref<1x64xf32, #tpu.memory_space<vmem>>, %arg3: memref<1x64xf32, #tpu.memory_space<vmem>>, %arg4: memref<64x64xf32, #tpu.memory_space<vmem>>, %arg5: memref<2048x64xf32, #tpu.memory_space<vmem>>, %arg6: memref<1x2x64xf32, #tpu.memory_space<vmem>>) attributes {dimension_semantics = [#tpu.dimension_semantics<arbitrary>], iteration_bounds = array<i64: 128>, scalar_prefetch = 0 : i64, scratch_operands = 0 : i64, tpu.core_type = #tpu.core_type<tc>, window_params = [{transform_indices = @transform_0, window_bounds = array<i64: 2048, 64>}, {pipeline_mode = #tpu.pipeline_mode<synchronous>, transform_indices = @transform_1, window_bounds = array<i64: 1, 64>}, {pipeline_mode = #tpu.pipeline_mode<synchronous>, transform_indices = @transform_2, window_bounds = array<i64: 1, 64>}, {pipeline_mode = #tpu.pipeline_mode<synchronous>, transform_indices = @transform_3, window_bounds = array<i64: 64, 64>}, {transform_indices = @transform_4, window_bounds = array<i64: 2048, 64>}, {transform_indices = @transform_5, window_bounds = array<i64: 1, 2, 64>}]} {
    %get3A = arith.constant 0 : index
    %get3A_0 = arith.constant 0 : index
    %get3A_1 = vector.load %arg1[%get3A, %get3A_0] : memref<2048x64xf32, #tpu.memory_space<vmem>>, vector<2048x64xf32>
    %get3A_2 = arith.constant 0 : index
    %get3A_3 = arith.constant 0 : index
    %get3A_4 = vector.load %arg2[%get3A_2, %get3A_3] : memref<1x64xf32, #tpu.memory_space<vmem>>, vector<1x64xf32>
    %mul3A = vector.broadcast %get3A_4 : vector<1x64xf32> to vector<2048x64xf32>
    %mul3A_5 = arith.mulf %get3A_1, %mul3A : vector<2048x64xf32>
    %get3A_6 = arith.constant 0 : index
    %get3A_7 = arith.constant 0 : index
    %get3A_8 = vector.load %arg3[%get3A_6, %get3A_7] : memref<1x64xf32, #tpu.memory_space<vmem>>, vector<1x64xf32>
    %add3A = vector.broadcast %get3A_8 : vector<1x64xf32> to vector<2048x64xf32>
    %add3A_9 = arith.addf %mul3A_5, %add3A : vector<2048x64xf32>
    %max3A = arith.constant 0.000000e+00 : f32
    %max3A_10 = vector.broadcast %max3A : f32 to vector<2048x64xf32>
    %max3A_11 = arith.maximumf %add3A_9, %max3A_10 : vector<2048x64xf32>
    %get3A_12 = arith.constant 0 : index
    %get3A_13 = arith.constant 0 : index
    %get3A_14 = vector.load %arg4[%get3A_12, %get3A_13] : memref<64x64xf32, #tpu.memory_space<vmem>>, vector<64x64xf32>
    %dot_general3A = arith.constant dense<0.000000e+00> : vector<2048x64xf32>
    %dot_general3A_15 = tpu.matmul %max3A_11, %get3A_14, %dot_general3A {dimension_numbers = #tpu.dot_dimension_numbers<[1], [0], [0], [1], [0, 0, 1, 1], [], []>, transpose_lhs_hint = false} : vector<2048x64xf32>, vector<64x64xf32>, vector<2048x64xf32> -> vector<2048x64xf32>
    %swap3A = arith.constant 0 : index
    %swap3A_16 = arith.constant 0 : index
    %swap3A_17 = vector.load %arg5[%swap3A, %swap3A_16] : memref<2048x64xf32, #tpu.memory_space<vmem>>, vector<2048x64xf32>
    tpu.vector_store %arg5[%swap3A, %swap3A_16], %dot_general3A_15 {strides = array<i32>} : memref<2048x64xf32, #tpu.memory_space<vmem>>, vector<2048x64xf32>,
    %reduce_sum3A = arith.constant dense<0.000000e+00> : vector<64xf32>
    %reduce_sum3A_18 = vector.multi_reduction <add>, %dot_general3A_15, %reduce_sum3A [0] : vector<2048x64xf32> to vector<64xf32>
    %swap3A_19 = arith.constant 0 : index
    %swap3A_20 = arith.constant 0 : index
    %swap3A_21 = arith.constant 0 : index
    %swap3A_22 = vector.load %arg6[%swap3A_19, %swap3A_20, %swap3A_21] : memref<1x2x64xf32, #tpu.memory_space<vmem>>, vector<1x1x64xf32>
    %swap3A_23 = vector.shape_cast %swap3A_22 : vector<1x1x64xf32> to vector<64xf32>
    %swap3A_24 = vector.shape_cast %reduce_sum3A_18 : vector<64xf32> to vector<1x1x64xf32>
    tpu.vector_store %arg6[%swap3A_19, %swap3A_20, %swap3A_21], %swap3A_24 {strides = array<i32>} : memref<1x2x64xf32, #tpu.memory_space<vmem>>, vector<1x1x64xf32>,
    %mul3A_25 = arith.mulf %dot_general3A_15, %dot_general3A_15 : vector<2048x64xf32>
    %reduce_sum3A_26 = arith.constant dense<0.000000e+00> : vector<64xf32>
    %reduce_sum3A_27 = vector.multi_reduction <add>, %mul3A_25, %reduce_sum3A_26 [0] : vector<2048x64xf32> to vector<64xf32>
    %swap3A_28 = arith.constant 0 : index
    %swap3A_29 = arith.constant 1 : index
    %swap3A_30 = arith.constant 0 : index
    %swap3A_31 = vector.load %arg6[%swap3A_28, %swap3A_29, %swap3A_30] : memref<1x2x64xf32, #tpu.memory_space<vmem>>, vector<1x1x64xf32>
    %swap3A_32 = vector.shape_cast %swap3A_31 : vector<1x1x64xf32> to vector<64xf32>
    %swap3A_33 = vector.shape_cast %reduce_sum3A_27 : vector<64xf32> to vector<1x1x64xf32>
    tpu.vector_store %arg6[%swap3A_28, %swap3A_29, %swap3A_30], %swap3A_33 {strides = array<i32>} : memref<1x2x64xf32, #tpu.memory_space<vmem>>, vector<1x1x64xf32>,
    return
  }
  func.func @transform_0(%arg0: i32) -> (i32, i32) {
    %c0_i32 = arith.constant 0 : i32
    %c0_i32_0 = arith.constant 0 : i32
    return %arg0, %c0_i32 : i32, i32
  }
  func.func @transform_1(%arg0: i32) -> (i32, i32) {
    %c0_i32 = arith.constant 0 : i32
    %c0_i32_0 = arith.constant 0 : i32
    %c0_i32_1 = arith.constant 0 : i32
    return %c0_i32, %c0_i32_0 : i32, i32
  }
  func.func @transform_2(%arg0: i32) -> (i32, i32) {
    %c0_i32 = arith.constant 0 : i32
    %c0_i32_0 = arith.constant 0 : i32
    %c0_i32_1 = arith.constant 0 : i32
    return %c0_i32, %c0_i32_0 : i32, i32
  }
  func.func @transform_3(%arg0: i32) -> (i32, i32) {
    %c0_i32 = arith.constant 0 : i32
    %c0_i32_0 = arith.constant 0 : i32
    %c0_i32_1 = arith.constant 0 : i32
    return %c0_i32, %c0_i32_0 : i32, i32
  }
  func.func @transform_4(%arg0: i32) -> (i32, i32) {
    %c0_i32 = arith.constant 0 : i32
    %c0_i32_0 = arith.constant 0 : i32
    return %arg0, %c0_i32 : i32, i32
  }
  func.func @transform_5(%arg0: i32) -> (i32, i32, i32) {
    %c0_i32 = arith.constant 0 : i32
    %c0_i32_0 = arith.constant 0 : i32
    %c0_i32_1 = arith.constant 0 : i32
    return %arg0, %c0_i32, %c0_i32_0 : i32, i32, i32
  }
}

module attributes {stable_mosaic.version = 14 : i64} {
  func.func @_layer_body(%arg0: i32, %arg1: memref<2048x64xf32, #tpu.memory_space<vmem>>, %arg2: memref<1x64xf32, #tpu.memory_space<vmem>>, %arg3: memref<1x64xf32, #tpu.memory_space<vmem>>, %arg4: memref<64x128xf32, #tpu.memory_space<vmem>>, %arg5: memref<2048x128xf32, #tpu.memory_space<vmem>>, %arg6: memref<1x2x128xf32, #tpu.memory_space<vmem>>) attributes {dimension_semantics = [#tpu.dimension_semantics<arbitrary>], iteration_bounds = array<i64: 128>, scalar_prefetch = 0 : i64, scratch_operands = 0 : i64, tpu.core_type = #tpu.core_type<tc>, window_params = [{transform_indices = @transform_0, window_bounds = array<i64: 2048, 64>}, {pipeline_mode = #tpu.pipeline_mode<synchronous>, transform_indices = @transform_1, window_bounds = array<i64: 1, 64>}, {pipeline_mode = #tpu.pipeline_mode<synchronous>, transform_indices = @transform_2, window_bounds = array<i64: 1, 64>}, {pipeline_mode = #tpu.pipeline_mode<synchronous>, transform_indices = @transform_3, window_bounds = array<i64: 64, 128>}, {transform_indices = @transform_4, window_bounds = array<i64: 2048, 128>}, {transform_indices = @transform_5, window_bounds = array<i64: 1, 2, 128>}]} {
    %get3A = arith.constant 0 : index
    %get3A_0 = arith.constant 0 : index
    %get3A_1 = vector.load %arg1[%get3A, %get3A_0] : memref<2048x64xf32, #tpu.memory_space<vmem>>, vector<2048x64xf32>
    %get3A_2 = arith.constant 0 : index
    %get3A_3 = arith.constant 0 : index
    %get3A_4 = vector.load %arg2[%get3A_2, %get3A_3] : memref<1x64xf32, #tpu.memory_space<vmem>>, vector<1x64xf32>
    %mul3A = vector.broadcast %get3A_4 : vector<1x64xf32> to vector<2048x64xf32>
    %mul3A_5 = arith.mulf %get3A_1, %mul3A : vector<2048x64xf32>
    %get3A_6 = arith.constant 0 : index
    %get3A_7 = arith.constant 0 : index
    %get3A_8 = vector.load %arg3[%get3A_6, %get3A_7] : memref<1x64xf32, #tpu.memory_space<vmem>>, vector<1x64xf32>
    %add3A = vector.broadcast %get3A_8 : vector<1x64xf32> to vector<2048x64xf32>
    %add3A_9 = arith.addf %mul3A_5, %add3A : vector<2048x64xf32>
    %max3A = arith.constant 0.000000e+00 : f32
    %max3A_10 = vector.broadcast %max3A : f32 to vector<2048x64xf32>
    %max3A_11 = arith.maximumf %add3A_9, %max3A_10 : vector<2048x64xf32>
    %get3A_12 = arith.constant 0 : index
    %get3A_13 = arith.constant 0 : index
    %get3A_14 = vector.load %arg4[%get3A_12, %get3A_13] : memref<64x128xf32, #tpu.memory_space<vmem>>, vector<64x128xf32>
    %dot_general3A = arith.constant dense<0.000000e+00> : vector<2048x128xf32>
    %dot_general3A_15 = tpu.matmul %max3A_11, %get3A_14, %dot_general3A {dimension_numbers = #tpu.dot_dimension_numbers<[1], [0], [0], [1], [0, 0, 1, 1], [], []>, transpose_lhs_hint = false} : vector<2048x64xf32>, vector<64x128xf32>, vector<2048x128xf32> -> vector<2048x128xf32>
    %swap3A = arith.constant 0 : index
    %swap3A_16 = arith.constant 0 : index
    %swap3A_17 = vector.load %arg5[%swap3A, %swap3A_16] : memref<2048x128xf32, #tpu.memory_space<vmem>>, vector<2048x128xf32>
    tpu.vector_store %arg5[%swap3A, %swap3A_16], %dot_general3A_15 {strides = array<i32>} : memref<2048x128xf32, #tpu.memory_space<vmem>>, vector<2048x128xf32>,
    %reduce_sum3A = arith.constant dense<0.000000e+00> : vector<128xf32>
    %reduce_sum3A_18 = vector.multi_reduction <add>, %dot_general3A_15, %reduce_sum3A [0] : vector<2048x128xf32> to vector<128xf32>
    %swap3A_19 = arith.constant 0 : index
    %swap3A_20 = arith.constant 0 : index
    %swap3A_21 = arith.constant 0 : index
    %swap3A_22 = vector.load %arg6[%swap3A_19, %swap3A_20, %swap3A_21] : memref<1x2x128xf32, #tpu.memory_space<vmem>>, vector<1x1x128xf32>
    %swap3A_23 = vector.shape_cast %swap3A_22 : vector<1x1x128xf32> to vector<128xf32>
    %swap3A_24 = vector.shape_cast %reduce_sum3A_18 : vector<128xf32> to vector<1x1x128xf32>
    tpu.vector_store %arg6[%swap3A_19, %swap3A_20, %swap3A_21], %swap3A_24 {strides = array<i32>} : memref<1x2x128xf32, #tpu.memory_space<vmem>>, vector<1x1x128xf32>,
    %mul3A_25 = arith.mulf %dot_general3A_15, %dot_general3A_15 : vector<2048x128xf32>
    %reduce_sum3A_26 = arith.constant dense<0.000000e+00> : vector<128xf32>
    %reduce_sum3A_27 = vector.multi_reduction <add>, %mul3A_25, %reduce_sum3A_26 [0] : vector<2048x128xf32> to vector<128xf32>
    %swap3A_28 = arith.constant 0 : index
    %swap3A_29 = arith.constant 1 : index
    %swap3A_30 = arith.constant 0 : index
    %swap3A_31 = vector.load %arg6[%swap3A_28, %swap3A_29, %swap3A_30] : memref<1x2x128xf32, #tpu.memory_space<vmem>>, vector<1x1x128xf32>
    %swap3A_32 = vector.shape_cast %swap3A_31 : vector<1x1x128xf32> to vector<128xf32>
    %swap3A_33 = vector.shape_cast %reduce_sum3A_27 : vector<128xf32> to vector<1x1x128xf32>
    tpu.vector_store %arg6[%swap3A_28, %swap3A_29, %swap3A_30], %swap3A_33 {strides = array<i32>} : memref<1x2x128xf32, #tpu.memory_space<vmem>>, vector<1x1x128xf32>,
    return
  }
  func.func @transform_0(%arg0: i32) -> (i32, i32) {
    %c0_i32 = arith.constant 0 : i32
    %c0_i32_0 = arith.constant 0 : i32
    return %arg0, %c0_i32 : i32, i32
  }
  func.func @transform_1(%arg0: i32) -> (i32, i32) {
    %c0_i32 = arith.constant 0 : i32
    %c0_i32_0 = arith.constant 0 : i32
    %c0_i32_1 = arith.constant 0 : i32
    return %c0_i32, %c0_i32_0 : i32, i32
  }
  func.func @transform_2(%arg0: i32) -> (i32, i32) {
    %c0_i32 = arith.constant 0 : i32
    %c0_i32_0 = arith.constant 0 : i32
    %c0_i32_1 = arith.constant 0 : i32
    return %c0_i32, %c0_i32_0 : i32, i32
  }
  func.func @transform_3(%arg0: i32) -> (i32, i32) {
    %c0_i32 = arith.constant 0 : i32
    %c0_i32_0 = arith.constant 0 : i32
    %c0_i32_1 = arith.constant 0 : i32
    return %c0_i32, %c0_i32_0 : i32, i32
  }
  func.func @transform_4(%arg0: i32) -> (i32, i32) {
    %c0_i32 = arith.constant 0 : i32
    %c0_i32_0 = arith.constant 0 : i32
    return %arg0, %c0_i32 : i32, i32
  }
  func.func @transform_5(%arg0: i32) -> (i32, i32, i32) {
    %c0_i32 = arith.constant 0 : i32
    %c0_i32_0 = arith.constant 0 : i32
    %c0_i32_1 = arith.constant 0 : i32
    return %arg0, %c0_i32, %c0_i32_0 : i32, i32, i32
  }
}

module attributes {stable_mosaic.version = 14 : i64} {
  func.func @_maxpool_body(%arg0: i32, %arg1: memref<64x32x128xf32, #tpu.memory_space<vmem>>, %arg2: memref<1x128xf32, #tpu.memory_space<vmem>>, %arg3: memref<1x128xf32, #tpu.memory_space<vmem>>, %arg4: memref<64x128xf32, #tpu.memory_space<vmem>>) attributes {dimension_semantics = [#tpu.dimension_semantics<arbitrary>], iteration_bounds = array<i64: 128>, scalar_prefetch = 0 : i64, scratch_operands = 0 : i64, tpu.core_type = #tpu.core_type<tc>, window_params = [{transform_indices = @transform_0, window_bounds = array<i64: 64, 32, 128>}, {pipeline_mode = #tpu.pipeline_mode<synchronous>, transform_indices = @transform_1, window_bounds = array<i64: 1, 128>}, {pipeline_mode = #tpu.pipeline_mode<synchronous>, transform_indices = @transform_2, window_bounds = array<i64: 1, 128>}, {transform_indices = @transform_3, window_bounds = array<i64: 64, 128>}]} {
    %get3A = arith.constant 0 : index
    %get3A_0 = arith.constant 0 : index
    %get3A_1 = vector.load %arg2[%get3A, %get3A_0] : memref<1x128xf32, #tpu.memory_space<vmem>>, vector<1x128xf32>
    %get3A_2 = arith.constant 0 : index
    %get3A_3 = arith.constant 0 : index
    %get3A_4 = vector.load %arg3[%get3A_2, %get3A_3] : memref<1x128xf32, #tpu.memory_space<vmem>>, vector<1x128xf32>
    %get3A_5 = arith.constant 0 : index
    %get3A_6 = arith.constant 0 : index
    %get3A_7 = arith.constant 0 : index
    %get3A_8 = vector.load %arg1[%get3A_5, %get3A_6, %get3A_7] : memref<64x32x128xf32, #tpu.memory_space<vmem>>, vector<64x1x128xf32>
    %get3A_9 = vector.shape_cast %get3A_8 : vector<64x1x128xf32> to vector<64x128xf32>
    %mul3A = vector.broadcast %get3A_1 : vector<1x128xf32> to vector<64x128xf32>
    %mul3A_10 = arith.mulf %get3A_9, %mul3A : vector<64x128xf32>
    %add3A = vector.broadcast %get3A_4 : vector<1x128xf32> to vector<64x128xf32>
    %add3A_11 = arith.addf %mul3A_10, %add3A : vector<64x128xf32>
    %max3A = arith.constant 0.000000e+00 : f32
    %max3A_12 = vector.broadcast %max3A : f32 to vector<64x128xf32>
    %max3A_13 = arith.maximumf %add3A_11, %max3A_12 : vector<64x128xf32>
    %get3A_14 = arith.constant 0 : index
    %get3A_15 = arith.constant 1 : index
    %get3A_16 = arith.constant 0 : index
    %get3A_17 = vector.load %arg1[%get3A_14, %get3A_15, %get3A_16] : memref<64x32x128xf32, #tpu.memory_space<vmem>>, vector<64x1x128xf32>
    %get3A_18 = vector.shape_cast %get3A_17 : vector<64x1x128xf32> to vector<64x128xf32>
    %mul3A_19 = vector.broadcast %get3A_1 : vector<1x128xf32> to vector<64x128xf32>
    %mul3A_20 = arith.mulf %get3A_18, %mul3A_19 : vector<64x128xf32>
    %add3A_21 = vector.broadcast %get3A_4 : vector<1x128xf32> to vector<64x128xf32>
    %add3A_22 = arith.addf %mul3A_20, %add3A_21 : vector<64x128xf32>
    %max3A_23 = arith.constant 0.000000e+00 : f32
    %max3A_24 = vector.broadcast %max3A_23 : f32 to vector<64x128xf32>
    %max3A_25 = arith.maximumf %add3A_22, %max3A_24 : vector<64x128xf32>
    %max3A_26 = arith.maximumf %max3A_13, %max3A_25 : vector<64x128xf32>
    %get3A_27 = arith.constant 0 : index
    %get3A_28 = arith.constant 2 : index
    %get3A_29 = arith.constant 0 : index
    %get3A_30 = vector.load %arg1[%get3A_27, %get3A_28, %get3A_29] : memref<64x32x128xf32, #tpu.memory_space<vmem>>, vector<64x1x128xf32>
    %get3A_31 = vector.shape_cast %get3A_30 : vector<64x1x128xf32> to vector<64x128xf32>
    %mul3A_32 = vector.broadcast %get3A_1 : vector<1x128xf32> to vector<64x128xf32>
    %mul3A_33 = arith.mulf %get3A_31, %mul3A_32 : vector<64x128xf32>
    %add3A_34 = vector.broadcast %get3A_4 : vector<1x128xf32> to vector<64x128xf32>
    %add3A_35 = arith.addf %mul3A_33, %add3A_34 : vector<64x128xf32>
    %max3A_36 = arith.constant 0.000000e+00 : f32
    %max3A_37 = vector.broadcast %max3A_36 : f32 to vector<64x128xf32>
    %max3A_38 = arith.maximumf %add3A_35, %max3A_37 : vector<64x128xf32>
    %max3A_39 = arith.maximumf %max3A_26, %max3A_38 : vector<64x128xf32>
    %get3A_40 = arith.constant 0 : index
    %get3A_41 = arith.constant 3 : index
    %get3A_42 = arith.constant 0 : index
    %get3A_43 = vector.load %arg1[%get3A_40, %get3A_41, %get3A_42] : memref<64x32x128xf32, #tpu.memory_space<vmem>>, vector<64x1x128xf32>
    %get3A_44 = vector.shape_cast %get3A_43 : vector<64x1x128xf32> to vector<64x128xf32>
    %mul3A_45 = vector.broadcast %get3A_1 : vector<1x128xf32> to vector<64x128xf32>
    %mul3A_46 = arith.mulf %get3A_44, %mul3A_45 : vector<64x128xf32>
    %add3A_47 = vector.broadcast %get3A_4 : vector<1x128xf32> to vector<64x128xf32>
    %add3A_48 = arith.addf %mul3A_46, %add3A_47 : vector<64x128xf32>
    %max3A_49 = arith.constant 0.000000e+00 : f32
    %max3A_50 = vector.broadcast %max3A_49 : f32 to vector<64x128xf32>
    %max3A_51 = arith.maximumf %add3A_48, %max3A_50 : vector<64x128xf32>
    %max3A_52 = arith.maximumf %max3A_39, %max3A_51 : vector<64x128xf32>
    %get3A_53 = arith.constant 0 : index
    %get3A_54 = arith.constant 4 : index
    %get3A_55 = arith.constant 0 : index
    %get3A_56 = vector.load %arg1[%get3A_53, %get3A_54, %get3A_55] : memref<64x32x128xf32, #tpu.memory_space<vmem>>, vector<64x1x128xf32>
    %get3A_57 = vector.shape_cast %get3A_56 : vector<64x1x128xf32> to vector<64x128xf32>
    %mul3A_58 = vector.broadcast %get3A_1 : vector<1x128xf32> to vector<64x128xf32>
    %mul3A_59 = arith.mulf %get3A_57, %mul3A_58 : vector<64x128xf32>
    %add3A_60 = vector.broadcast %get3A_4 : vector<1x128xf32> to vector<64x128xf32>
    %add3A_61 = arith.addf %mul3A_59, %add3A_60 : vector<64x128xf32>
    %max3A_62 = arith.constant 0.000000e+00 : f32
    %max3A_63 = vector.broadcast %max3A_62 : f32 to vector<64x128xf32>
    %max3A_64 = arith.maximumf %add3A_61, %max3A_63 : vector<64x128xf32>
    %max3A_65 = arith.maximumf %max3A_52, %max3A_64 : vector<64x128xf32>
    %get3A_66 = arith.constant 0 : index
    %get3A_67 = arith.constant 5 : index
    %get3A_68 = arith.constant 0 : index
    %get3A_69 = vector.load %arg1[%get3A_66, %get3A_67, %get3A_68] : memref<64x32x128xf32, #tpu.memory_space<vmem>>, vector<64x1x128xf32>
    %get3A_70 = vector.shape_cast %get3A_69 : vector<64x1x128xf32> to vector<64x128xf32>
    %mul3A_71 = vector.broadcast %get3A_1 : vector<1x128xf32> to vector<64x128xf32>
    %mul3A_72 = arith.mulf %get3A_70, %mul3A_71 : vector<64x128xf32>
    %add3A_73 = vector.broadcast %get3A_4 : vector<1x128xf32> to vector<64x128xf32>
    %add3A_74 = arith.addf %mul3A_72, %add3A_73 : vector<64x128xf32>
    %max3A_75 = arith.constant 0.000000e+00 : f32
    %max3A_76 = vector.broadcast %max3A_75 : f32 to vector<64x128xf32>
    %max3A_77 = arith.maximumf %add3A_74, %max3A_76 : vector<64x128xf32>
    %max3A_78 = arith.maximumf %max3A_65, %max3A_77 : vector<64x128xf32>
    %get3A_79 = arith.constant 0 : index
    %get3A_80 = arith.constant 6 : index
    %get3A_81 = arith.constant 0 : index
    %get3A_82 = vector.load %arg1[%get3A_79, %get3A_80, %get3A_81] : memref<64x32x128xf32, #tpu.memory_space<vmem>>, vector<64x1x128xf32>
    %get3A_83 = vector.shape_cast %get3A_82 : vector<64x1x128xf32> to vector<64x128xf32>
    %mul3A_84 = vector.broadcast %get3A_1 : vector<1x128xf32> to vector<64x128xf32>
    %mul3A_85 = arith.mulf %get3A_83, %mul3A_84 : vector<64x128xf32>
    %add3A_86 = vector.broadcast %get3A_4 : vector<1x128xf32> to vector<64x128xf32>
    %add3A_87 = arith.addf %mul3A_85, %add3A_86 : vector<64x128xf32>
    %max3A_88 = arith.constant 0.000000e+00 : f32
    %max3A_89 = vector.broadcast %max3A_88 : f32 to vector<64x128xf32>
    %max3A_90 = arith.maximumf %add3A_87, %max3A_89 : vector<64x128xf32>
    %max3A_91 = arith.maximumf %max3A_78, %max3A_90 : vector<64x128xf32>
    %get3A_92 = arith.constant 0 : index
    %get3A_93 = arith.constant 7 : index
    %get3A_94 = arith.constant 0 : index
    %get3A_95 = vector.load %arg1[%get3A_92, %get3A_93, %get3A_94] : memref<64x32x128xf32, #tpu.memory_space<vmem>>, vector<64x1x128xf32>
    %get3A_96 = vector.shape_cast %get3A_95 : vector<64x1x128xf32> to vector<64x128xf32>
    %mul3A_97 = vector.broadcast %get3A_1 : vector<1x128xf32> to vector<64x128xf32>
    %mul3A_98 = arith.mulf %get3A_96, %mul3A_97 : vector<64x128xf32>
    %add3A_99 = vector.broadcast %get3A_4 : vector<1x128xf32> to vector<64x128xf32>
    %add3A_100 = arith.addf %mul3A_98, %add3A_99 : vector<64x128xf32>
    %max3A_101 = arith.constant 0.000000e+00 : f32
    %max3A_102 = vector.broadcast %max3A_101 : f32 to vector<64x128xf32>
    %max3A_103 = arith.maximumf %add3A_100, %max3A_102 : vector<64x128xf32>
    %max3A_104 = arith.maximumf %max3A_91, %max3A_103 : vector<64x128xf32>
    %get3A_105 = arith.constant 0 : index
    %get3A_106 = arith.constant 8 : index
    %get3A_107 = arith.constant 0 : index
    %get3A_108 = vector.load %arg1[%get3A_105, %get3A_106, %get3A_107] : memref<64x32x128xf32, #tpu.memory_space<vmem>>, vector<64x1x128xf32>
    %get3A_109 = vector.shape_cast %get3A_108 : vector<64x1x128xf32> to vector<64x128xf32>
    %mul3A_110 = vector.broadcast %get3A_1 : vector<1x128xf32> to vector<64x128xf32>
    %mul3A_111 = arith.mulf %get3A_109, %mul3A_110 : vector<64x128xf32>
    %add3A_112 = vector.broadcast %get3A_4 : vector<1x128xf32> to vector<64x128xf32>
    %add3A_113 = arith.addf %mul3A_111, %add3A_112 : vector<64x128xf32>
    %max3A_114 = arith.constant 0.000000e+00 : f32
    %max3A_115 = vector.broadcast %max3A_114 : f32 to vector<64x128xf32>
    %max3A_116 = arith.maximumf %add3A_113, %max3A_115 : vector<64x128xf32>
    %max3A_117 = arith.maximumf %max3A_104, %max3A_116 : vector<64x128xf32>
    %get3A_118 = arith.constant 0 : index
    %get3A_119 = arith.constant 9 : index
    %get3A_120 = arith.constant 0 : index
    %get3A_121 = vector.load %arg1[%get3A_118, %get3A_119, %get3A_120] : memref<64x32x128xf32, #tpu.memory_space<vmem>>, vector<64x1x128xf32>
    %get3A_122 = vector.shape_cast %get3A_121 : vector<64x1x128xf32> to vector<64x128xf32>
    %mul3A_123 = vector.broadcast %get3A_1 : vector<1x128xf32> to vector<64x128xf32>
    %mul3A_124 = arith.mulf %get3A_122, %mul3A_123 : vector<64x128xf32>
    %add3A_125 = vector.broadcast %get3A_4 : vector<1x128xf32> to vector<64x128xf32>
    %add3A_126 = arith.addf %mul3A_124, %add3A_125 : vector<64x128xf32>
    %max3A_127 = arith.constant 0.000000e+00 : f32
    %max3A_128 = vector.broadcast %max3A_127 : f32 to vector<64x128xf32>
    %max3A_129 = arith.maximumf %add3A_126, %max3A_128 : vector<64x128xf32>
    %max3A_130 = arith.maximumf %max3A_117, %max3A_129 : vector<64x128xf32>
    %get3A_131 = arith.constant 0 : index
    %get3A_132 = arith.constant 10 : index
    %get3A_133 = arith.constant 0 : index
    %get3A_134 = vector.load %arg1[%get3A_131, %get3A_132, %get3A_133] : memref<64x32x128xf32, #tpu.memory_space<vmem>>, vector<64x1x128xf32>
    %get3A_135 = vector.shape_cast %get3A_134 : vector<64x1x128xf32> to vector<64x128xf32>
    %mul3A_136 = vector.broadcast %get3A_1 : vector<1x128xf32> to vector<64x128xf32>
    %mul3A_137 = arith.mulf %get3A_135, %mul3A_136 : vector<64x128xf32>
    %add3A_138 = vector.broadcast %get3A_4 : vector<1x128xf32> to vector<64x128xf32>
    %add3A_139 = arith.addf %mul3A_137, %add3A_138 : vector<64x128xf32>
    %max3A_140 = arith.constant 0.000000e+00 : f32
    %max3A_141 = vector.broadcast %max3A_140 : f32 to vector<64x128xf32>
    %max3A_142 = arith.maximumf %add3A_139, %max3A_141 : vector<64x128xf32>
    %max3A_143 = arith.maximumf %max3A_130, %max3A_142 : vector<64x128xf32>
    %get3A_144 = arith.constant 0 : index
    %get3A_145 = arith.constant 11 : index
    %get3A_146 = arith.constant 0 : index
    %get3A_147 = vector.load %arg1[%get3A_144, %get3A_145, %get3A_146] : memref<64x32x128xf32, #tpu.memory_space<vmem>>, vector<64x1x128xf32>
    %get3A_148 = vector.shape_cast %get3A_147 : vector<64x1x128xf32> to vector<64x128xf32>
    %mul3A_149 = vector.broadcast %get3A_1 : vector<1x128xf32> to vector<64x128xf32>
    %mul3A_150 = arith.mulf %get3A_148, %mul3A_149 : vector<64x128xf32>
    %add3A_151 = vector.broadcast %get3A_4 : vector<1x128xf32> to vector<64x128xf32>
    %add3A_152 = arith.addf %mul3A_150, %add3A_151 : vector<64x128xf32>
    %max3A_153 = arith.constant 0.000000e+00 : f32
    %max3A_154 = vector.broadcast %max3A_153 : f32 to vector<64x128xf32>
    %max3A_155 = arith.maximumf %add3A_152, %max3A_154 : vector<64x128xf32>
    %max3A_156 = arith.maximumf %max3A_143, %max3A_155 : vector<64x128xf32>
    %get3A_157 = arith.constant 0 : index
    %get3A_158 = arith.constant 12 : index
    %get3A_159 = arith.constant 0 : index
    %get3A_160 = vector.load %arg1[%get3A_157, %get3A_158, %get3A_159] : memref<64x32x128xf32, #tpu.memory_space<vmem>>, vector<64x1x128xf32>
    %get3A_161 = vector.shape_cast %get3A_160 : vector<64x1x128xf32> to vector<64x128xf32>
    %mul3A_162 = vector.broadcast %get3A_1 : vector<1x128xf32> to vector<64x128xf32>
    %mul3A_163 = arith.mulf %get3A_161, %mul3A_162 : vector<64x128xf32>
    %add3A_164 = vector.broadcast %get3A_4 : vector<1x128xf32> to vector<64x128xf32>
    %add3A_165 = arith.addf %mul3A_163, %add3A_164 : vector<64x128xf32>
    %max3A_166 = arith.constant 0.000000e+00 : f32
    %max3A_167 = vector.broadcast %max3A_166 : f32 to vector<64x128xf32>
    %max3A_168 = arith.maximumf %add3A_165, %max3A_167 : vector<64x128xf32>
    %max3A_169 = arith.maximumf %max3A_156, %max3A_168 : vector<64x128xf32>
    %get3A_170 = arith.constant 0 : index
    %get3A_171 = arith.constant 13 : index
    %get3A_172 = arith.constant 0 : index
    %get3A_173 = vector.load %arg1[%get3A_170, %get3A_171, %get3A_172] : memref<64x32x128xf32, #tpu.memory_space<vmem>>, vector<64x1x128xf32>
    %get3A_174 = vector.shape_cast %get3A_173 : vector<64x1x128xf32> to vector<64x128xf32>
    %mul3A_175 = vector.broadcast %get3A_1 : vector<1x128xf32> to vector<64x128xf32>
    %mul3A_176 = arith.mulf %get3A_174, %mul3A_175 : vector<64x128xf32>
    %add3A_177 = vector.broadcast %get3A_4 : vector<1x128xf32> to vector<64x128xf32>
    %add3A_178 = arith.addf %mul3A_176, %add3A_177 : vector<64x128xf32>
    %max3A_179 = arith.constant 0.000000e+00 : f32
    %max3A_180 = vector.broadcast %max3A_179 : f32 to vector<64x128xf32>
    %max3A_181 = arith.maximumf %add3A_178, %max3A_180 : vector<64x128xf32>
    %max3A_182 = arith.maximumf %max3A_169, %max3A_181 : vector<64x128xf32>
    %get3A_183 = arith.constant 0 : index
    %get3A_184 = arith.constant 14 : index
    %get3A_185 = arith.constant 0 : index
    %get3A_186 = vector.load %arg1[%get3A_183, %get3A_184, %get3A_185] : memref<64x32x128xf32, #tpu.memory_space<vmem>>, vector<64x1x128xf32>
    %get3A_187 = vector.shape_cast %get3A_186 : vector<64x1x128xf32> to vector<64x128xf32>
    %mul3A_188 = vector.broadcast %get3A_1 : vector<1x128xf32> to vector<64x128xf32>
    %mul3A_189 = arith.mulf %get3A_187, %mul3A_188 : vector<64x128xf32>
    %add3A_190 = vector.broadcast %get3A_4 : vector<1x128xf32> to vector<64x128xf32>
    %add3A_191 = arith.addf %mul3A_189, %add3A_190 : vector<64x128xf32>
    %max3A_192 = arith.constant 0.000000e+00 : f32
    %max3A_193 = vector.broadcast %max3A_192 : f32 to vector<64x128xf32>
    %max3A_194 = arith.maximumf %add3A_191, %max3A_193 : vector<64x128xf32>
    %max3A_195 = arith.maximumf %max3A_182, %max3A_194 : vector<64x128xf32>
    %get3A_196 = arith.constant 0 : index
    %get3A_197 = arith.constant 15 : index
    %get3A_198 = arith.constant 0 : index
    %get3A_199 = vector.load %arg1[%get3A_196, %get3A_197, %get3A_198] : memref<64x32x128xf32, #tpu.memory_space<vmem>>, vector<64x1x128xf32>
    %get3A_200 = vector.shape_cast %get3A_199 : vector<64x1x128xf32> to vector<64x128xf32>
    %mul3A_201 = vector.broadcast %get3A_1 : vector<1x128xf32> to vector<64x128xf32>
    %mul3A_202 = arith.mulf %get3A_200, %mul3A_201 : vector<64x128xf32>
    %add3A_203 = vector.broadcast %get3A_4 : vector<1x128xf32> to vector<64x128xf32>
    %add3A_204 = arith.addf %mul3A_202, %add3A_203 : vector<64x128xf32>
    %max3A_205 = arith.constant 0.000000e+00 : f32
    %max3A_206 = vector.broadcast %max3A_205 : f32 to vector<64x128xf32>
    %max3A_207 = arith.maximumf %add3A_204, %max3A_206 : vector<64x128xf32>
    %max3A_208 = arith.maximumf %max3A_195, %max3A_207 : vector<64x128xf32>
    %get3A_209 = arith.constant 0 : index
    %get3A_210 = arith.constant 16 : index
    %get3A_211 = arith.constant 0 : index
    %get3A_212 = vector.load %arg1[%get3A_209, %get3A_210, %get3A_211] : memref<64x32x128xf32, #tpu.memory_space<vmem>>, vector<64x1x128xf32>
    %get3A_213 = vector.shape_cast %get3A_212 : vector<64x1x128xf32> to vector<64x128xf32>
    %mul3A_214 = vector.broadcast %get3A_1 : vector<1x128xf32> to vector<64x128xf32>
    %mul3A_215 = arith.mulf %get3A_213, %mul3A_214 : vector<64x128xf32>
    %add3A_216 = vector.broadcast %get3A_4 : vector<1x128xf32> to vector<64x128xf32>
    %add3A_217 = arith.addf %mul3A_215, %add3A_216 : vector<64x128xf32>
    %max3A_218 = arith.constant 0.000000e+00 : f32
    %max3A_219 = vector.broadcast %max3A_218 : f32 to vector<64x128xf32>
    %max3A_220 = arith.maximumf %add3A_217, %max3A_219 : vector<64x128xf32>
    %max3A_221 = arith.maximumf %max3A_208, %max3A_220 : vector<64x128xf32>
    %get3A_222 = arith.constant 0 : index
    %get3A_223 = arith.constant 17 : index
    %get3A_224 = arith.constant 0 : index
    %get3A_225 = vector.load %arg1[%get3A_222, %get3A_223, %get3A_224] : memref<64x32x128xf32, #tpu.memory_space<vmem>>, vector<64x1x128xf32>
    %get3A_226 = vector.shape_cast %get3A_225 : vector<64x1x128xf32> to vector<64x128xf32>
    %mul3A_227 = vector.broadcast %get3A_1 : vector<1x128xf32> to vector<64x128xf32>
    %mul3A_228 = arith.mulf %get3A_226, %mul3A_227 : vector<64x128xf32>
    %add3A_229 = vector.broadcast %get3A_4 : vector<1x128xf32> to vector<64x128xf32>
    %add3A_230 = arith.addf %mul3A_228, %add3A_229 : vector<64x128xf32>
    %max3A_231 = arith.constant 0.000000e+00 : f32
    %max3A_232 = vector.broadcast %max3A_231 : f32 to vector<64x128xf32>
    %max3A_233 = arith.maximumf %add3A_230, %max3A_232 : vector<64x128xf32>
    %max3A_234 = arith.maximumf %max3A_221, %max3A_233 : vector<64x128xf32>
    %get3A_235 = arith.constant 0 : index
    %get3A_236 = arith.constant 18 : index
    %get3A_237 = arith.constant 0 : index
    %get3A_238 = vector.load %arg1[%get3A_235, %get3A_236, %get3A_237] : memref<64x32x128xf32, #tpu.memory_space<vmem>>, vector<64x1x128xf32>
    %get3A_239 = vector.shape_cast %get3A_238 : vector<64x1x128xf32> to vector<64x128xf32>
    %mul3A_240 = vector.broadcast %get3A_1 : vector<1x128xf32> to vector<64x128xf32>
    %mul3A_241 = arith.mulf %get3A_239, %mul3A_240 : vector<64x128xf32>
    %add3A_242 = vector.broadcast %get3A_4 : vector<1x128xf32> to vector<64x128xf32>
    %add3A_243 = arith.addf %mul3A_241, %add3A_242 : vector<64x128xf32>
    %max3A_244 = arith.constant 0.000000e+00 : f32
    %max3A_245 = vector.broadcast %max3A_244 : f32 to vector<64x128xf32>
    %max3A_246 = arith.maximumf %add3A_243, %max3A_245 : vector<64x128xf32>
    %max3A_247 = arith.maximumf %max3A_234, %max3A_246 : vector<64x128xf32>
    %get3A_248 = arith.constant 0 : index
    %get3A_249 = arith.constant 19 : index
    %get3A_250 = arith.constant 0 : index
    %get3A_251 = vector.load %arg1[%get3A_248, %get3A_249, %get3A_250] : memref<64x32x128xf32, #tpu.memory_space<vmem>>, vector<64x1x128xf32>
    %get3A_252 = vector.shape_cast %get3A_251 : vector<64x1x128xf32> to vector<64x128xf32>
    %mul3A_253 = vector.broadcast %get3A_1 : vector<1x128xf32> to vector<64x128xf32>
    %mul3A_254 = arith.mulf %get3A_252, %mul3A_253 : vector<64x128xf32>
    %add3A_255 = vector.broadcast %get3A_4 : vector<1x128xf32> to vector<64x128xf32>
    %add3A_256 = arith.addf %mul3A_254, %add3A_255 : vector<64x128xf32>
    %max3A_257 = arith.constant 0.000000e+00 : f32
    %max3A_258 = vector.broadcast %max3A_257 : f32 to vector<64x128xf32>
    %max3A_259 = arith.maximumf %add3A_256, %max3A_258 : vector<64x128xf32>
    %max3A_260 = arith.maximumf %max3A_247, %max3A_259 : vector<64x128xf32>
    %get3A_261 = arith.constant 0 : index
    %get3A_262 = arith.constant 20 : index
    %get3A_263 = arith.constant 0 : index
    %get3A_264 = vector.load %arg1[%get3A_261, %get3A_262, %get3A_263] : memref<64x32x128xf32, #tpu.memory_space<vmem>>, vector<64x1x128xf32>
    %get3A_265 = vector.shape_cast %get3A_264 : vector<64x1x128xf32> to vector<64x128xf32>
    %mul3A_266 = vector.broadcast %get3A_1 : vector<1x128xf32> to vector<64x128xf32>
    %mul3A_267 = arith.mulf %get3A_265, %mul3A_266 : vector<64x128xf32>
    %add3A_268 = vector.broadcast %get3A_4 : vector<1x128xf32> to vector<64x128xf32>
    %add3A_269 = arith.addf %mul3A_267, %add3A_268 : vector<64x128xf32>
    %max3A_270 = arith.constant 0.000000e+00 : f32
    %max3A_271 = vector.broadcast %max3A_270 : f32 to vector<64x128xf32>
    %max3A_272 = arith.maximumf %add3A_269, %max3A_271 : vector<64x128xf32>
    %max3A_273 = arith.maximumf %max3A_260, %max3A_272 : vector<64x128xf32>
    %get3A_274 = arith.constant 0 : index
    %get3A_275 = arith.constant 21 : index
    %get3A_276 = arith.constant 0 : index
    %get3A_277 = vector.load %arg1[%get3A_274, %get3A_275, %get3A_276] : memref<64x32x128xf32, #tpu.memory_space<vmem>>, vector<64x1x128xf32>
    %get3A_278 = vector.shape_cast %get3A_277 : vector<64x1x128xf32> to vector<64x128xf32>
    %mul3A_279 = vector.broadcast %get3A_1 : vector<1x128xf32> to vector<64x128xf32>
    %mul3A_280 = arith.mulf %get3A_278, %mul3A_279 : vector<64x128xf32>
    %add3A_281 = vector.broadcast %get3A_4 : vector<1x128xf32> to vector<64x128xf32>
    %add3A_282 = arith.addf %mul3A_280, %add3A_281 : vector<64x128xf32>
    %max3A_283 = arith.constant 0.000000e+00 : f32
    %max3A_284 = vector.broadcast %max3A_283 : f32 to vector<64x128xf32>
    %max3A_285 = arith.maximumf %add3A_282, %max3A_284 : vector<64x128xf32>
    %max3A_286 = arith.maximumf %max3A_273, %max3A_285 : vector<64x128xf32>
    %get3A_287 = arith.constant 0 : index
    %get3A_288 = arith.constant 22 : index
    %get3A_289 = arith.constant 0 : index
    %get3A_290 = vector.load %arg1[%get3A_287, %get3A_288, %get3A_289] : memref<64x32x128xf32, #tpu.memory_space<vmem>>, vector<64x1x128xf32>
    %get3A_291 = vector.shape_cast %get3A_290 : vector<64x1x128xf32> to vector<64x128xf32>
    %mul3A_292 = vector.broadcast %get3A_1 : vector<1x128xf32> to vector<64x128xf32>
    %mul3A_293 = arith.mulf %get3A_291, %mul3A_292 : vector<64x128xf32>
    %add3A_294 = vector.broadcast %get3A_4 : vector<1x128xf32> to vector<64x128xf32>
    %add3A_295 = arith.addf %mul3A_293, %add3A_294 : vector<64x128xf32>
    %max3A_296 = arith.constant 0.000000e+00 : f32
    %max3A_297 = vector.broadcast %max3A_296 : f32 to vector<64x128xf32>
    %max3A_298 = arith.maximumf %add3A_295, %max3A_297 : vector<64x128xf32>
    %max3A_299 = arith.maximumf %max3A_286, %max3A_298 : vector<64x128xf32>
    %get3A_300 = arith.constant 0 : index
    %get3A_301 = arith.constant 23 : index
    %get3A_302 = arith.constant 0 : index
    %get3A_303 = vector.load %arg1[%get3A_300, %get3A_301, %get3A_302] : memref<64x32x128xf32, #tpu.memory_space<vmem>>, vector<64x1x128xf32>
    %get3A_304 = vector.shape_cast %get3A_303 : vector<64x1x128xf32> to vector<64x128xf32>
    %mul3A_305 = vector.broadcast %get3A_1 : vector<1x128xf32> to vector<64x128xf32>
    %mul3A_306 = arith.mulf %get3A_304, %mul3A_305 : vector<64x128xf32>
    %add3A_307 = vector.broadcast %get3A_4 : vector<1x128xf32> to vector<64x128xf32>
    %add3A_308 = arith.addf %mul3A_306, %add3A_307 : vector<64x128xf32>
    %max3A_309 = arith.constant 0.000000e+00 : f32
    %max3A_310 = vector.broadcast %max3A_309 : f32 to vector<64x128xf32>
    %max3A_311 = arith.maximumf %add3A_308, %max3A_310 : vector<64x128xf32>
    %max3A_312 = arith.maximumf %max3A_299, %max3A_311 : vector<64x128xf32>
    %get3A_313 = arith.constant 0 : index
    %get3A_314 = arith.constant 24 : index
    %get3A_315 = arith.constant 0 : index
    %get3A_316 = vector.load %arg1[%get3A_313, %get3A_314, %get3A_315] : memref<64x32x128xf32, #tpu.memory_space<vmem>>, vector<64x1x128xf32>
    %get3A_317 = vector.shape_cast %get3A_316 : vector<64x1x128xf32> to vector<64x128xf32>
    %mul3A_318 = vector.broadcast %get3A_1 : vector<1x128xf32> to vector<64x128xf32>
    %mul3A_319 = arith.mulf %get3A_317, %mul3A_318 : vector<64x128xf32>
    %add3A_320 = vector.broadcast %get3A_4 : vector<1x128xf32> to vector<64x128xf32>
    %add3A_321 = arith.addf %mul3A_319, %add3A_320 : vector<64x128xf32>
    %max3A_322 = arith.constant 0.000000e+00 : f32
    %max3A_323 = vector.broadcast %max3A_322 : f32 to vector<64x128xf32>
    %max3A_324 = arith.maximumf %add3A_321, %max3A_323 : vector<64x128xf32>
    %max3A_325 = arith.maximumf %max3A_312, %max3A_324 : vector<64x128xf32>
    %get3A_326 = arith.constant 0 : index
    %get3A_327 = arith.constant 25 : index
    %get3A_328 = arith.constant 0 : index
    %get3A_329 = vector.load %arg1[%get3A_326, %get3A_327, %get3A_328] : memref<64x32x128xf32, #tpu.memory_space<vmem>>, vector<64x1x128xf32>
    %get3A_330 = vector.shape_cast %get3A_329 : vector<64x1x128xf32> to vector<64x128xf32>
    %mul3A_331 = vector.broadcast %get3A_1 : vector<1x128xf32> to vector<64x128xf32>
    %mul3A_332 = arith.mulf %get3A_330, %mul3A_331 : vector<64x128xf32>
    %add3A_333 = vector.broadcast %get3A_4 : vector<1x128xf32> to vector<64x128xf32>
    %add3A_334 = arith.addf %mul3A_332, %add3A_333 : vector<64x128xf32>
    %max3A_335 = arith.constant 0.000000e+00 : f32
    %max3A_336 = vector.broadcast %max3A_335 : f32 to vector<64x128xf32>
    %max3A_337 = arith.maximumf %add3A_334, %max3A_336 : vector<64x128xf32>
    %max3A_338 = arith.maximumf %max3A_325, %max3A_337 : vector<64x128xf32>
    %get3A_339 = arith.constant 0 : index
    %get3A_340 = arith.constant 26 : index
    %get3A_341 = arith.constant 0 : index
    %get3A_342 = vector.load %arg1[%get3A_339, %get3A_340, %get3A_341] : memref<64x32x128xf32, #tpu.memory_space<vmem>>, vector<64x1x128xf32>
    %get3A_343 = vector.shape_cast %get3A_342 : vector<64x1x128xf32> to vector<64x128xf32>
    %mul3A_344 = vector.broadcast %get3A_1 : vector<1x128xf32> to vector<64x128xf32>
    %mul3A_345 = arith.mulf %get3A_343, %mul3A_344 : vector<64x128xf32>
    %add3A_346 = vector.broadcast %get3A_4 : vector<1x128xf32> to vector<64x128xf32>
    %add3A_347 = arith.addf %mul3A_345, %add3A_346 : vector<64x128xf32>
    %max3A_348 = arith.constant 0.000000e+00 : f32
    %max3A_349 = vector.broadcast %max3A_348 : f32 to vector<64x128xf32>
    %max3A_350 = arith.maximumf %add3A_347, %max3A_349 : vector<64x128xf32>
    %max3A_351 = arith.maximumf %max3A_338, %max3A_350 : vector<64x128xf32>
    %get3A_352 = arith.constant 0 : index
    %get3A_353 = arith.constant 27 : index
    %get3A_354 = arith.constant 0 : index
    %get3A_355 = vector.load %arg1[%get3A_352, %get3A_353, %get3A_354] : memref<64x32x128xf32, #tpu.memory_space<vmem>>, vector<64x1x128xf32>
    %get3A_356 = vector.shape_cast %get3A_355 : vector<64x1x128xf32> to vector<64x128xf32>
    %mul3A_357 = vector.broadcast %get3A_1 : vector<1x128xf32> to vector<64x128xf32>
    %mul3A_358 = arith.mulf %get3A_356, %mul3A_357 : vector<64x128xf32>
    %add3A_359 = vector.broadcast %get3A_4 : vector<1x128xf32> to vector<64x128xf32>
    %add3A_360 = arith.addf %mul3A_358, %add3A_359 : vector<64x128xf32>
    %max3A_361 = arith.constant 0.000000e+00 : f32
    %max3A_362 = vector.broadcast %max3A_361 : f32 to vector<64x128xf32>
    %max3A_363 = arith.maximumf %add3A_360, %max3A_362 : vector<64x128xf32>
    %max3A_364 = arith.maximumf %max3A_351, %max3A_363 : vector<64x128xf32>
    %get3A_365 = arith.constant 0 : index
    %get3A_366 = arith.constant 28 : index
    %get3A_367 = arith.constant 0 : index
    %get3A_368 = vector.load %arg1[%get3A_365, %get3A_366, %get3A_367] : memref<64x32x128xf32, #tpu.memory_space<vmem>>, vector<64x1x128xf32>
    %get3A_369 = vector.shape_cast %get3A_368 : vector<64x1x128xf32> to vector<64x128xf32>
    %mul3A_370 = vector.broadcast %get3A_1 : vector<1x128xf32> to vector<64x128xf32>
    %mul3A_371 = arith.mulf %get3A_369, %mul3A_370 : vector<64x128xf32>
    %add3A_372 = vector.broadcast %get3A_4 : vector<1x128xf32> to vector<64x128xf32>
    %add3A_373 = arith.addf %mul3A_371, %add3A_372 : vector<64x128xf32>
    %max3A_374 = arith.constant 0.000000e+00 : f32
    %max3A_375 = vector.broadcast %max3A_374 : f32 to vector<64x128xf32>
    %max3A_376 = arith.maximumf %add3A_373, %max3A_375 : vector<64x128xf32>
    %max3A_377 = arith.maximumf %max3A_364, %max3A_376 : vector<64x128xf32>
    %get3A_378 = arith.constant 0 : index
    %get3A_379 = arith.constant 29 : index
    %get3A_380 = arith.constant 0 : index
    %get3A_381 = vector.load %arg1[%get3A_378, %get3A_379, %get3A_380] : memref<64x32x128xf32, #tpu.memory_space<vmem>>, vector<64x1x128xf32>
    %get3A_382 = vector.shape_cast %get3A_381 : vector<64x1x128xf32> to vector<64x128xf32>
    %mul3A_383 = vector.broadcast %get3A_1 : vector<1x128xf32> to vector<64x128xf32>
    %mul3A_384 = arith.mulf %get3A_382, %mul3A_383 : vector<64x128xf32>
    %add3A_385 = vector.broadcast %get3A_4 : vector<1x128xf32> to vector<64x128xf32>
    %add3A_386 = arith.addf %mul3A_384, %add3A_385 : vector<64x128xf32>
    %max3A_387 = arith.constant 0.000000e+00 : f32
    %max3A_388 = vector.broadcast %max3A_387 : f32 to vector<64x128xf32>
    %max3A_389 = arith.maximumf %add3A_386, %max3A_388 : vector<64x128xf32>
    %max3A_390 = arith.maximumf %max3A_377, %max3A_389 : vector<64x128xf32>
    %get3A_391 = arith.constant 0 : index
    %get3A_392 = arith.constant 30 : index
    %get3A_393 = arith.constant 0 : index
    %get3A_394 = vector.load %arg1[%get3A_391, %get3A_392, %get3A_393] : memref<64x32x128xf32, #tpu.memory_space<vmem>>, vector<64x1x128xf32>
    %get3A_395 = vector.shape_cast %get3A_394 : vector<64x1x128xf32> to vector<64x128xf32>
    %mul3A_396 = vector.broadcast %get3A_1 : vector<1x128xf32> to vector<64x128xf32>
    %mul3A_397 = arith.mulf %get3A_395, %mul3A_396 : vector<64x128xf32>
    %add3A_398 = vector.broadcast %get3A_4 : vector<1x128xf32> to vector<64x128xf32>
    %add3A_399 = arith.addf %mul3A_397, %add3A_398 : vector<64x128xf32>
    %max3A_400 = arith.constant 0.000000e+00 : f32
    %max3A_401 = vector.broadcast %max3A_400 : f32 to vector<64x128xf32>
    %max3A_402 = arith.maximumf %add3A_399, %max3A_401 : vector<64x128xf32>
    %max3A_403 = arith.maximumf %max3A_390, %max3A_402 : vector<64x128xf32>
    %get3A_404 = arith.constant 0 : index
    %get3A_405 = arith.constant 31 : index
    %get3A_406 = arith.constant 0 : index
    %get3A_407 = vector.load %arg1[%get3A_404, %get3A_405, %get3A_406] : memref<64x32x128xf32, #tpu.memory_space<vmem>>, vector<64x1x128xf32>
    %get3A_408 = vector.shape_cast %get3A_407 : vector<64x1x128xf32> to vector<64x128xf32>
    %mul3A_409 = vector.broadcast %get3A_1 : vector<1x128xf32> to vector<64x128xf32>
    %mul3A_410 = arith.mulf %get3A_408, %mul3A_409 : vector<64x128xf32>
    %add3A_411 = vector.broadcast %get3A_4 : vector<1x128xf32> to vector<64x128xf32>
    %add3A_412 = arith.addf %mul3A_410, %add3A_411 : vector<64x128xf32>
    %max3A_413 = arith.constant 0.000000e+00 : f32
    %max3A_414 = vector.broadcast %max3A_413 : f32 to vector<64x128xf32>
    %max3A_415 = arith.maximumf %add3A_412, %max3A_414 : vector<64x128xf32>
    %max3A_416 = arith.maximumf %max3A_403, %max3A_415 : vector<64x128xf32>
    %swap3A = arith.constant 0 : index
    %swap3A_417 = arith.constant 0 : index
    %swap3A_418 = vector.load %arg4[%swap3A, %swap3A_417] : memref<64x128xf32, #tpu.memory_space<vmem>>, vector<64x128xf32>
    tpu.vector_store %arg4[%swap3A, %swap3A_417], %max3A_416 {strides = array<i32>} : memref<64x128xf32, #tpu.memory_space<vmem>>, vector<64x128xf32>,
    return
  }
  func.func @transform_0(%arg0: i32) -> (i32, i32, i32) {
    %c0_i32 = arith.constant 0 : i32
    %c0_i32_0 = arith.constant 0 : i32
    %c0_i32_1 = arith.constant 0 : i32
    return %arg0, %c0_i32, %c0_i32_0 : i32, i32, i32
  }
  func.func @transform_1(%arg0: i32) -> (i32, i32) {
    %c0_i32 = arith.constant 0 : i32
    %c0_i32_0 = arith.constant 0 : i32
    %c0_i32_1 = arith.constant 0 : i32
    return %c0_i32, %c0_i32_0 : i32, i32
  }
  func.func @transform_2(%arg0: i32) -> (i32, i32) {
    %c0_i32 = arith.constant 0 : i32
    %c0_i32_0 = arith.constant 0 : i32
    %c0_i32_1 = arith.constant 0 : i32
    return %c0_i32, %c0_i32_0 : i32, i32
  }
  func.func @transform_3(%arg0: i32) -> (i32, i32) {
    %c0_i32 = arith.constant 0 : i32
    %c0_i32_0 = arith.constant 0 : i32
    return %arg0, %c0_i32 : i32, i32
  }
}

module attributes {stable_mosaic.version = 14 : i64} {
  func.func @_layer_body(%arg0: i32, %arg1: memref<2048x131xf32, #tpu.memory_space<vmem>>, %arg2: memref<1x131xf32, #tpu.memory_space<vmem>>, %arg3: memref<1x131xf32, #tpu.memory_space<vmem>>, %arg4: memref<131x128xf32, #tpu.memory_space<vmem>>, %arg5: memref<2048x128xf32, #tpu.memory_space<vmem>>, %arg6: memref<1x2x128xf32, #tpu.memory_space<vmem>>) attributes {dimension_semantics = [#tpu.dimension_semantics<arbitrary>], iteration_bounds = array<i64: 64>, scalar_prefetch = 0 : i64, scratch_operands = 0 : i64, tpu.core_type = #tpu.core_type<tc>, window_params = [{transform_indices = @transform_0, window_bounds = array<i64: 2048, 131>}, {pipeline_mode = #tpu.pipeline_mode<synchronous>, transform_indices = @transform_1, window_bounds = array<i64: 1, 131>}, {pipeline_mode = #tpu.pipeline_mode<synchronous>, transform_indices = @transform_2, window_bounds = array<i64: 1, 131>}, {pipeline_mode = #tpu.pipeline_mode<synchronous>, transform_indices = @transform_3, window_bounds = array<i64: 131, 128>}, {transform_indices = @transform_4, window_bounds = array<i64: 2048, 128>}, {transform_indices = @transform_5, window_bounds = array<i64: 1, 2, 128>}]} {
    %get3A = arith.constant 0 : index
    %get3A_0 = arith.constant 0 : index
    %get3A_1 = vector.load %arg1[%get3A, %get3A_0] : memref<2048x131xf32, #tpu.memory_space<vmem>>, vector<2048x131xf32>
    %get3A_2 = arith.constant 0 : index
    %get3A_3 = arith.constant 0 : index
    %get3A_4 = vector.load %arg4[%get3A_2, %get3A_3] : memref<131x128xf32, #tpu.memory_space<vmem>>, vector<131x128xf32>
    %dot_general3A = arith.constant dense<0.000000e+00> : vector<2048x128xf32>
    %dot_general3A_5 = tpu.matmul %get3A_1, %get3A_4, %dot_general3A {dimension_numbers = #tpu.dot_dimension_numbers<[1], [0], [0], [1], [0, 0, 1, 1], [], []>, transpose_lhs_hint = false} : vector<2048x131xf32>, vector<131x128xf32>, vector<2048x128xf32> -> vector<2048x128xf32>
    %swap3A = arith.constant 0 : index
    %swap3A_6 = arith.constant 0 : index
    %swap3A_7 = vector.load %arg5[%swap3A, %swap3A_6] : memref<2048x128xf32, #tpu.memory_space<vmem>>, vector<2048x128xf32>
    tpu.vector_store %arg5[%swap3A, %swap3A_6], %dot_general3A_5 {strides = array<i32>} : memref<2048x128xf32, #tpu.memory_space<vmem>>, vector<2048x128xf32>,
    %reduce_sum3A = arith.constant dense<0.000000e+00> : vector<128xf32>
    %reduce_sum3A_8 = vector.multi_reduction <add>, %dot_general3A_5, %reduce_sum3A [0] : vector<2048x128xf32> to vector<128xf32>
    %swap3A_9 = arith.constant 0 : index
    %swap3A_10 = arith.constant 0 : index
    %swap3A_11 = arith.constant 0 : index
    %swap3A_12 = vector.load %arg6[%swap3A_9, %swap3A_10, %swap3A_11] : memref<1x2x128xf32, #tpu.memory_space<vmem>>, vector<1x1x128xf32>
    %swap3A_13 = vector.shape_cast %swap3A_12 : vector<1x1x128xf32> to vector<128xf32>
    %swap3A_14 = vector.shape_cast %reduce_sum3A_8 : vector<128xf32> to vector<1x1x128xf32>
    tpu.vector_store %arg6[%swap3A_9, %swap3A_10, %swap3A_11], %swap3A_14 {strides = array<i32>} : memref<1x2x128xf32, #tpu.memory_space<vmem>>, vector<1x1x128xf32>,
    %mul3A = arith.mulf %dot_general3A_5, %dot_general3A_5 : vector<2048x128xf32>
    %reduce_sum3A_15 = arith.constant dense<0.000000e+00> : vector<128xf32>
    %reduce_sum3A_16 = vector.multi_reduction <add>, %mul3A, %reduce_sum3A_15 [0] : vector<2048x128xf32> to vector<128xf32>
    %swap3A_17 = arith.constant 0 : index
    %swap3A_18 = arith.constant 1 : index
    %swap3A_19 = arith.constant 0 : index
    %swap3A_20 = vector.load %arg6[%swap3A_17, %swap3A_18, %swap3A_19] : memref<1x2x128xf32, #tpu.memory_space<vmem>>, vector<1x1x128xf32>
    %swap3A_21 = vector.shape_cast %swap3A_20 : vector<1x1x128xf32> to vector<128xf32>
    %swap3A_22 = vector.shape_cast %reduce_sum3A_16 : vector<128xf32> to vector<1x1x128xf32>
    tpu.vector_store %arg6[%swap3A_17, %swap3A_18, %swap3A_19], %swap3A_22 {strides = array<i32>} : memref<1x2x128xf32, #tpu.memory_space<vmem>>, vector<1x1x128xf32>,
    return
  }
  func.func @transform_0(%arg0: i32) -> (i32, i32) {
    %c0_i32 = arith.constant 0 : i32
    %c0_i32_0 = arith.constant 0 : i32
    return %arg0, %c0_i32 : i32, i32
  }
  func.func @transform_1(%arg0: i32) -> (i32, i32) {
    %c0_i32 = arith.constant 0 : i32
    %c0_i32_0 = arith.constant 0 : i32
    %c0_i32_1 = arith.constant 0 : i32
    return %c0_i32, %c0_i32_0 : i32, i32
  }
  func.func @transform_2(%arg0: i32) -> (i32, i32) {
    %c0_i32 = arith.constant 0 : i32
    %c0_i32_0 = arith.constant 0 : i32
    %c0_i32_1 = arith.constant 0 : i32
    return %c0_i32, %c0_i32_0 : i32, i32
  }
  func.func @transform_3(%arg0: i32) -> (i32, i32) {
    %c0_i32 = arith.constant 0 : i32
    %c0_i32_0 = arith.constant 0 : i32
    %c0_i32_1 = arith.constant 0 : i32
    return %c0_i32, %c0_i32_0 : i32, i32
  }
  func.func @transform_4(%arg0: i32) -> (i32, i32) {
    %c0_i32 = arith.constant 0 : i32
    %c0_i32_0 = arith.constant 0 : i32
    return %arg0, %c0_i32 : i32, i32
  }
  func.func @transform_5(%arg0: i32) -> (i32, i32, i32) {
    %c0_i32 = arith.constant 0 : i32
    %c0_i32_0 = arith.constant 0 : i32
    %c0_i32_1 = arith.constant 0 : i32
    return %arg0, %c0_i32, %c0_i32_0 : i32, i32, i32
  }
}

module attributes {stable_mosaic.version = 14 : i64} {
  func.func @_layer_body(%arg0: i32, %arg1: memref<2048x128xf32, #tpu.memory_space<vmem>>, %arg2: memref<1x128xf32, #tpu.memory_space<vmem>>, %arg3: memref<1x128xf32, #tpu.memory_space<vmem>>, %arg4: memref<128x128xf32, #tpu.memory_space<vmem>>, %arg5: memref<2048x128xf32, #tpu.memory_space<vmem>>, %arg6: memref<1x2x128xf32, #tpu.memory_space<vmem>>) attributes {dimension_semantics = [#tpu.dimension_semantics<arbitrary>], iteration_bounds = array<i64: 64>, scalar_prefetch = 0 : i64, scratch_operands = 0 : i64, tpu.core_type = #tpu.core_type<tc>, window_params = [{transform_indices = @transform_0, window_bounds = array<i64: 2048, 128>}, {pipeline_mode = #tpu.pipeline_mode<synchronous>, transform_indices = @transform_1, window_bounds = array<i64: 1, 128>}, {pipeline_mode = #tpu.pipeline_mode<synchronous>, transform_indices = @transform_2, window_bounds = array<i64: 1, 128>}, {pipeline_mode = #tpu.pipeline_mode<synchronous>, transform_indices = @transform_3, window_bounds = array<i64: 128, 128>}, {transform_indices = @transform_4, window_bounds = array<i64: 2048, 128>}, {transform_indices = @transform_5, window_bounds = array<i64: 1, 2, 128>}]} {
    %get3A = arith.constant 0 : index
    %get3A_0 = arith.constant 0 : index
    %get3A_1 = vector.load %arg1[%get3A, %get3A_0] : memref<2048x128xf32, #tpu.memory_space<vmem>>, vector<2048x128xf32>
    %get3A_2 = arith.constant 0 : index
    %get3A_3 = arith.constant 0 : index
    %get3A_4 = vector.load %arg2[%get3A_2, %get3A_3] : memref<1x128xf32, #tpu.memory_space<vmem>>, vector<1x128xf32>
    %mul3A = vector.broadcast %get3A_4 : vector<1x128xf32> to vector<2048x128xf32>
    %mul3A_5 = arith.mulf %get3A_1, %mul3A : vector<2048x128xf32>
    %get3A_6 = arith.constant 0 : index
    %get3A_7 = arith.constant 0 : index
    %get3A_8 = vector.load %arg3[%get3A_6, %get3A_7] : memref<1x128xf32, #tpu.memory_space<vmem>>, vector<1x128xf32>
    %add3A = vector.broadcast %get3A_8 : vector<1x128xf32> to vector<2048x128xf32>
    %add3A_9 = arith.addf %mul3A_5, %add3A : vector<2048x128xf32>
    %max3A = arith.constant 0.000000e+00 : f32
    %max3A_10 = vector.broadcast %max3A : f32 to vector<2048x128xf32>
    %max3A_11 = arith.maximumf %add3A_9, %max3A_10 : vector<2048x128xf32>
    %get3A_12 = arith.constant 0 : index
    %get3A_13 = arith.constant 0 : index
    %get3A_14 = vector.load %arg4[%get3A_12, %get3A_13] : memref<128x128xf32, #tpu.memory_space<vmem>>, vector<128x128xf32>
    %dot_general3A = arith.constant dense<0.000000e+00> : vector<2048x128xf32>
    %dot_general3A_15 = tpu.matmul %max3A_11, %get3A_14, %dot_general3A {dimension_numbers = #tpu.dot_dimension_numbers<[1], [0], [0], [1], [0, 0, 1, 1], [], []>, transpose_lhs_hint = false} : vector<2048x128xf32>, vector<128x128xf32>, vector<2048x128xf32> -> vector<2048x128xf32>
    %swap3A = arith.constant 0 : index
    %swap3A_16 = arith.constant 0 : index
    %swap3A_17 = vector.load %arg5[%swap3A, %swap3A_16] : memref<2048x128xf32, #tpu.memory_space<vmem>>, vector<2048x128xf32>
    tpu.vector_store %arg5[%swap3A, %swap3A_16], %dot_general3A_15 {strides = array<i32>} : memref<2048x128xf32, #tpu.memory_space<vmem>>, vector<2048x128xf32>,
    %reduce_sum3A = arith.constant dense<0.000000e+00> : vector<128xf32>
    %reduce_sum3A_18 = vector.multi_reduction <add>, %dot_general3A_15, %reduce_sum3A [0] : vector<2048x128xf32> to vector<128xf32>
    %swap3A_19 = arith.constant 0 : index
    %swap3A_20 = arith.constant 0 : index
    %swap3A_21 = arith.constant 0 : index
    %swap3A_22 = vector.load %arg6[%swap3A_19, %swap3A_20, %swap3A_21] : memref<1x2x128xf32, #tpu.memory_space<vmem>>, vector<1x1x128xf32>
    %swap3A_23 = vector.shape_cast %swap3A_22 : vector<1x1x128xf32> to vector<128xf32>
    %swap3A_24 = vector.shape_cast %reduce_sum3A_18 : vector<128xf32> to vector<1x1x128xf32>
    tpu.vector_store %arg6[%swap3A_19, %swap3A_20, %swap3A_21], %swap3A_24 {strides = array<i32>} : memref<1x2x128xf32, #tpu.memory_space<vmem>>, vector<1x1x128xf32>,
    %mul3A_25 = arith.mulf %dot_general3A_15, %dot_general3A_15 : vector<2048x128xf32>
    %reduce_sum3A_26 = arith.constant dense<0.000000e+00> : vector<128xf32>
    %reduce_sum3A_27 = vector.multi_reduction <add>, %mul3A_25, %reduce_sum3A_26 [0] : vector<2048x128xf32> to vector<128xf32>
    %swap3A_28 = arith.constant 0 : index
    %swap3A_29 = arith.constant 1 : index
    %swap3A_30 = arith.constant 0 : index
    %swap3A_31 = vector.load %arg6[%swap3A_28, %swap3A_29, %swap3A_30] : memref<1x2x128xf32, #tpu.memory_space<vmem>>, vector<1x1x128xf32>
    %swap3A_32 = vector.shape_cast %swap3A_31 : vector<1x1x128xf32> to vector<128xf32>
    %swap3A_33 = vector.shape_cast %reduce_sum3A_27 : vector<128xf32> to vector<1x1x128xf32>
    tpu.vector_store %arg6[%swap3A_28, %swap3A_29, %swap3A_30], %swap3A_33 {strides = array<i32>} : memref<1x2x128xf32, #tpu.memory_space<vmem>>, vector<1x1x128xf32>,
    return
  }
  func.func @transform_0(%arg0: i32) -> (i32, i32) {
    %c0_i32 = arith.constant 0 : i32
    %c0_i32_0 = arith.constant 0 : i32
    return %arg0, %c0_i32 : i32, i32
  }
  func.func @transform_1(%arg0: i32) -> (i32, i32) {
    %c0_i32 = arith.constant 0 : i32
    %c0_i32_0 = arith.constant 0 : i32
    %c0_i32_1 = arith.constant 0 : i32
    return %c0_i32, %c0_i32_0 : i32, i32
  }
  func.func @transform_2(%arg0: i32) -> (i32, i32) {
    %c0_i32 = arith.constant 0 : i32
    %c0_i32_0 = arith.constant 0 : i32
    %c0_i32_1 = arith.constant 0 : i32
    return %c0_i32, %c0_i32_0 : i32, i32
  }
  func.func @transform_3(%arg0: i32) -> (i32, i32) {
    %c0_i32 = arith.constant 0 : i32
    %c0_i32_0 = arith.constant 0 : i32
    %c0_i32_1 = arith.constant 0 : i32
    return %c0_i32, %c0_i32_0 : i32, i32
  }
  func.func @transform_4(%arg0: i32) -> (i32, i32) {
    %c0_i32 = arith.constant 0 : i32
    %c0_i32_0 = arith.constant 0 : i32
    return %arg0, %c0_i32 : i32, i32
  }
  func.func @transform_5(%arg0: i32) -> (i32, i32, i32) {
    %c0_i32 = arith.constant 0 : i32
    %c0_i32_0 = arith.constant 0 : i32
    %c0_i32_1 = arith.constant 0 : i32
    return %arg0, %c0_i32, %c0_i32_0 : i32, i32, i32
  }
}

module attributes {stable_mosaic.version = 14 : i64} {
  func.func @_layer_body(%arg0: i32, %arg1: memref<2048x128xf32, #tpu.memory_space<vmem>>, %arg2: memref<1x128xf32, #tpu.memory_space<vmem>>, %arg3: memref<1x128xf32, #tpu.memory_space<vmem>>, %arg4: memref<128x256xf32, #tpu.memory_space<vmem>>, %arg5: memref<2048x256xf32, #tpu.memory_space<vmem>>, %arg6: memref<1x2x256xf32, #tpu.memory_space<vmem>>) attributes {dimension_semantics = [#tpu.dimension_semantics<arbitrary>], iteration_bounds = array<i64: 64>, scalar_prefetch = 0 : i64, scratch_operands = 0 : i64, tpu.core_type = #tpu.core_type<tc>, window_params = [{transform_indices = @transform_0, window_bounds = array<i64: 2048, 128>}, {pipeline_mode = #tpu.pipeline_mode<synchronous>, transform_indices = @transform_1, window_bounds = array<i64: 1, 128>}, {pipeline_mode = #tpu.pipeline_mode<synchronous>, transform_indices = @transform_2, window_bounds = array<i64: 1, 128>}, {pipeline_mode = #tpu.pipeline_mode<synchronous>, transform_indices = @transform_3, window_bounds = array<i64: 128, 256>}, {transform_indices = @transform_4, window_bounds = array<i64: 2048, 256>}, {transform_indices = @transform_5, window_bounds = array<i64: 1, 2, 256>}]} {
    %get3A = arith.constant 0 : index
    %get3A_0 = arith.constant 0 : index
    %get3A_1 = vector.load %arg1[%get3A, %get3A_0] : memref<2048x128xf32, #tpu.memory_space<vmem>>, vector<2048x128xf32>
    %get3A_2 = arith.constant 0 : index
    %get3A_3 = arith.constant 0 : index
    %get3A_4 = vector.load %arg2[%get3A_2, %get3A_3] : memref<1x128xf32, #tpu.memory_space<vmem>>, vector<1x128xf32>
    %mul3A = vector.broadcast %get3A_4 : vector<1x128xf32> to vector<2048x128xf32>
    %mul3A_5 = arith.mulf %get3A_1, %mul3A : vector<2048x128xf32>
    %get3A_6 = arith.constant 0 : index
    %get3A_7 = arith.constant 0 : index
    %get3A_8 = vector.load %arg3[%get3A_6, %get3A_7] : memref<1x128xf32, #tpu.memory_space<vmem>>, vector<1x128xf32>
    %add3A = vector.broadcast %get3A_8 : vector<1x128xf32> to vector<2048x128xf32>
    %add3A_9 = arith.addf %mul3A_5, %add3A : vector<2048x128xf32>
    %max3A = arith.constant 0.000000e+00 : f32
    %max3A_10 = vector.broadcast %max3A : f32 to vector<2048x128xf32>
    %max3A_11 = arith.maximumf %add3A_9, %max3A_10 : vector<2048x128xf32>
    %get3A_12 = arith.constant 0 : index
    %get3A_13 = arith.constant 0 : index
    %get3A_14 = vector.load %arg4[%get3A_12, %get3A_13] : memref<128x256xf32, #tpu.memory_space<vmem>>, vector<128x256xf32>
    %dot_general3A = arith.constant dense<0.000000e+00> : vector<2048x256xf32>
    %dot_general3A_15 = tpu.matmul %max3A_11, %get3A_14, %dot_general3A {dimension_numbers = #tpu.dot_dimension_numbers<[1], [0], [0], [1], [0, 0, 1, 1], [], []>, transpose_lhs_hint = false} : vector<2048x128xf32>, vector<128x256xf32>, vector<2048x256xf32> -> vector<2048x256xf32>
    %swap3A = arith.constant 0 : index
    %swap3A_16 = arith.constant 0 : index
    %swap3A_17 = vector.load %arg5[%swap3A, %swap3A_16] : memref<2048x256xf32, #tpu.memory_space<vmem>>, vector<2048x256xf32>
    tpu.vector_store %arg5[%swap3A, %swap3A_16], %dot_general3A_15 {strides = array<i32>} : memref<2048x256xf32, #tpu.memory_space<vmem>>, vector<2048x256xf32>,
    %reduce_sum3A = arith.constant dense<0.000000e+00> : vector<256xf32>
    %reduce_sum3A_18 = vector.multi_reduction <add>, %dot_general3A_15, %reduce_sum3A [0] : vector<2048x256xf32> to vector<256xf32>
    %swap3A_19 = arith.constant 0 : index
    %swap3A_20 = arith.constant 0 : index
    %swap3A_21 = arith.constant 0 : index
    %swap3A_22 = vector.load %arg6[%swap3A_19, %swap3A_20, %swap3A_21] : memref<1x2x256xf32, #tpu.memory_space<vmem>>, vector<1x1x256xf32>
    %swap3A_23 = vector.shape_cast %swap3A_22 : vector<1x1x256xf32> to vector<256xf32>
    %swap3A_24 = vector.shape_cast %reduce_sum3A_18 : vector<256xf32> to vector<1x1x256xf32>
    tpu.vector_store %arg6[%swap3A_19, %swap3A_20, %swap3A_21], %swap3A_24 {strides = array<i32>} : memref<1x2x256xf32, #tpu.memory_space<vmem>>, vector<1x1x256xf32>,
    %mul3A_25 = arith.mulf %dot_general3A_15, %dot_general3A_15 : vector<2048x256xf32>
    %reduce_sum3A_26 = arith.constant dense<0.000000e+00> : vector<256xf32>
    %reduce_sum3A_27 = vector.multi_reduction <add>, %mul3A_25, %reduce_sum3A_26 [0] : vector<2048x256xf32> to vector<256xf32>
    %swap3A_28 = arith.constant 0 : index
    %swap3A_29 = arith.constant 1 : index
    %swap3A_30 = arith.constant 0 : index
    %swap3A_31 = vector.load %arg6[%swap3A_28, %swap3A_29, %swap3A_30] : memref<1x2x256xf32, #tpu.memory_space<vmem>>, vector<1x1x256xf32>
    %swap3A_32 = vector.shape_cast %swap3A_31 : vector<1x1x256xf32> to vector<256xf32>
    %swap3A_33 = vector.shape_cast %reduce_sum3A_27 : vector<256xf32> to vector<1x1x256xf32>
    tpu.vector_store %arg6[%swap3A_28, %swap3A_29, %swap3A_30], %swap3A_33 {strides = array<i32>} : memref<1x2x256xf32, #tpu.memory_space<vmem>>, vector<1x1x256xf32>,
    return
  }
  func.func @transform_0(%arg0: i32) -> (i32, i32) {
    %c0_i32 = arith.constant 0 : i32
    %c0_i32_0 = arith.constant 0 : i32
    return %arg0, %c0_i32 : i32, i32
  }
  func.func @transform_1(%arg0: i32) -> (i32, i32) {
    %c0_i32 = arith.constant 0 : i32
    %c0_i32_0 = arith.constant 0 : i32
    %c0_i32_1 = arith.constant 0 : i32
    return %c0_i32, %c0_i32_0 : i32, i32
  }
  func.func @transform_2(%arg0: i32) -> (i32, i32) {
    %c0_i32 = arith.constant 0 : i32
    %c0_i32_0 = arith.constant 0 : i32
    %c0_i32_1 = arith.constant 0 : i32
    return %c0_i32, %c0_i32_0 : i32, i32
  }
  func.func @transform_3(%arg0: i32) -> (i32, i32) {
    %c0_i32 = arith.constant 0 : i32
    %c0_i32_0 = arith.constant 0 : i32
    %c0_i32_1 = arith.constant 0 : i32
    return %c0_i32, %c0_i32_0 : i32, i32
  }
  func.func @transform_4(%arg0: i32) -> (i32, i32) {
    %c0_i32 = arith.constant 0 : i32
    %c0_i32_0 = arith.constant 0 : i32
    return %arg0, %c0_i32 : i32, i32
  }
  func.func @transform_5(%arg0: i32) -> (i32, i32, i32) {
    %c0_i32 = arith.constant 0 : i32
    %c0_i32_0 = arith.constant 0 : i32
    %c0_i32_1 = arith.constant 0 : i32
    return %arg0, %c0_i32, %c0_i32_0 : i32, i32, i32
  }
}

module attributes {stable_mosaic.version = 14 : i64} {
  func.func @_maxpool_body(%arg0: i32, %arg1: memref<64x64x256xf32, #tpu.memory_space<vmem>>, %arg2: memref<1x256xf32, #tpu.memory_space<vmem>>, %arg3: memref<1x256xf32, #tpu.memory_space<vmem>>, %arg4: memref<64x256xf32, #tpu.memory_space<vmem>>) attributes {dimension_semantics = [#tpu.dimension_semantics<arbitrary>], iteration_bounds = array<i64: 32>, scalar_prefetch = 0 : i64, scratch_operands = 0 : i64, tpu.core_type = #tpu.core_type<tc>, window_params = [{transform_indices = @transform_0, window_bounds = array<i64: 64, 64, 256>}, {pipeline_mode = #tpu.pipeline_mode<synchronous>, transform_indices = @transform_1, window_bounds = array<i64: 1, 256>}, {pipeline_mode = #tpu.pipeline_mode<synchronous>, transform_indices = @transform_2, window_bounds = array<i64: 1, 256>}, {transform_indices = @transform_3, window_bounds = array<i64: 64, 256>}]} {
    %get3A = arith.constant 0 : index
    %get3A_0 = arith.constant 0 : index
    %get3A_1 = vector.load %arg2[%get3A, %get3A_0] : memref<1x256xf32, #tpu.memory_space<vmem>>, vector<1x256xf32>
    %get3A_2 = arith.constant 0 : index
    %get3A_3 = arith.constant 0 : index
    %get3A_4 = vector.load %arg3[%get3A_2, %get3A_3] : memref<1x256xf32, #tpu.memory_space<vmem>>, vector<1x256xf32>
    %get3A_5 = arith.constant 0 : index
    %get3A_6 = arith.constant 0 : index
    %get3A_7 = arith.constant 0 : index
    %get3A_8 = vector.load %arg1[%get3A_5, %get3A_6, %get3A_7] : memref<64x64x256xf32, #tpu.memory_space<vmem>>, vector<64x1x256xf32>
    %get3A_9 = vector.shape_cast %get3A_8 : vector<64x1x256xf32> to vector<64x256xf32>
    %mul3A = vector.broadcast %get3A_1 : vector<1x256xf32> to vector<64x256xf32>
    %mul3A_10 = arith.mulf %get3A_9, %mul3A : vector<64x256xf32>
    %add3A = vector.broadcast %get3A_4 : vector<1x256xf32> to vector<64x256xf32>
    %add3A_11 = arith.addf %mul3A_10, %add3A : vector<64x256xf32>
    %max3A = arith.constant 0.000000e+00 : f32
    %max3A_12 = vector.broadcast %max3A : f32 to vector<64x256xf32>
    %max3A_13 = arith.maximumf %add3A_11, %max3A_12 : vector<64x256xf32>
    %get3A_14 = arith.constant 0 : index
    %get3A_15 = arith.constant 1 : index
    %get3A_16 = arith.constant 0 : index
    %get3A_17 = vector.load %arg1[%get3A_14, %get3A_15, %get3A_16] : memref<64x64x256xf32, #tpu.memory_space<vmem>>, vector<64x1x256xf32>
    %get3A_18 = vector.shape_cast %get3A_17 : vector<64x1x256xf32> to vector<64x256xf32>
    %mul3A_19 = vector.broadcast %get3A_1 : vector<1x256xf32> to vector<64x256xf32>
    %mul3A_20 = arith.mulf %get3A_18, %mul3A_19 : vector<64x256xf32>
    %add3A_21 = vector.broadcast %get3A_4 : vector<1x256xf32> to vector<64x256xf32>
    %add3A_22 = arith.addf %mul3A_20, %add3A_21 : vector<64x256xf32>
    %max3A_23 = arith.constant 0.000000e+00 : f32
    %max3A_24 = vector.broadcast %max3A_23 : f32 to vector<64x256xf32>
    %max3A_25 = arith.maximumf %add3A_22, %max3A_24 : vector<64x256xf32>
    %max3A_26 = arith.maximumf %max3A_13, %max3A_25 : vector<64x256xf32>
    %get3A_27 = arith.constant 0 : index
    %get3A_28 = arith.constant 2 : index
    %get3A_29 = arith.constant 0 : index
    %get3A_30 = vector.load %arg1[%get3A_27, %get3A_28, %get3A_29] : memref<64x64x256xf32, #tpu.memory_space<vmem>>, vector<64x1x256xf32>
    %get3A_31 = vector.shape_cast %get3A_30 : vector<64x1x256xf32> to vector<64x256xf32>
    %mul3A_32 = vector.broadcast %get3A_1 : vector<1x256xf32> to vector<64x256xf32>
    %mul3A_33 = arith.mulf %get3A_31, %mul3A_32 : vector<64x256xf32>
    %add3A_34 = vector.broadcast %get3A_4 : vector<1x256xf32> to vector<64x256xf32>
    %add3A_35 = arith.addf %mul3A_33, %add3A_34 : vector<64x256xf32>
    %max3A_36 = arith.constant 0.000000e+00 : f32
    %max3A_37 = vector.broadcast %max3A_36 : f32 to vector<64x256xf32>
    %max3A_38 = arith.maximumf %add3A_35, %max3A_37 : vector<64x256xf32>
    %max3A_39 = arith.maximumf %max3A_26, %max3A_38 : vector<64x256xf32>
    %get3A_40 = arith.constant 0 : index
    %get3A_41 = arith.constant 3 : index
    %get3A_42 = arith.constant 0 : index
    %get3A_43 = vector.load %arg1[%get3A_40, %get3A_41, %get3A_42] : memref<64x64x256xf32, #tpu.memory_space<vmem>>, vector<64x1x256xf32>
    %get3A_44 = vector.shape_cast %get3A_43 : vector<64x1x256xf32> to vector<64x256xf32>
    %mul3A_45 = vector.broadcast %get3A_1 : vector<1x256xf32> to vector<64x256xf32>
    %mul3A_46 = arith.mulf %get3A_44, %mul3A_45 : vector<64x256xf32>
    %add3A_47 = vector.broadcast %get3A_4 : vector<1x256xf32> to vector<64x256xf32>
    %add3A_48 = arith.addf %mul3A_46, %add3A_47 : vector<64x256xf32>
    %max3A_49 = arith.constant 0.000000e+00 : f32
    %max3A_50 = vector.broadcast %max3A_49 : f32 to vector<64x256xf32>
    %max3A_51 = arith.maximumf %add3A_48, %max3A_50 : vector<64x256xf32>
    %max3A_52 = arith.maximumf %max3A_39, %max3A_51 : vector<64x256xf32>
    %get3A_53 = arith.constant 0 : index
    %get3A_54 = arith.constant 4 : index
    %get3A_55 = arith.constant 0 : index
    %get3A_56 = vector.load %arg1[%get3A_53, %get3A_54, %get3A_55] : memref<64x64x256xf32, #tpu.memory_space<vmem>>, vector<64x1x256xf32>
    %get3A_57 = vector.shape_cast %get3A_56 : vector<64x1x256xf32> to vector<64x256xf32>
    %mul3A_58 = vector.broadcast %get3A_1 : vector<1x256xf32> to vector<64x256xf32>
    %mul3A_59 = arith.mulf %get3A_57, %mul3A_58 : vector<64x256xf32>
    %add3A_60 = vector.broadcast %get3A_4 : vector<1x256xf32> to vector<64x256xf32>
    %add3A_61 = arith.addf %mul3A_59, %add3A_60 : vector<64x256xf32>
    %max3A_62 = arith.constant 0.000000e+00 : f32
    %max3A_63 = vector.broadcast %max3A_62 : f32 to vector<64x256xf32>
    %max3A_64 = arith.maximumf %add3A_61, %max3A_63 : vector<64x256xf32>
    %max3A_65 = arith.maximumf %max3A_52, %max3A_64 : vector<64x256xf32>
    %get3A_66 = arith.constant 0 : index
    %get3A_67 = arith.constant 5 : index
    %get3A_68 = arith.constant 0 : index
    %get3A_69 = vector.load %arg1[%get3A_66, %get3A_67, %get3A_68] : memref<64x64x256xf32, #tpu.memory_space<vmem>>, vector<64x1x256xf32>
    %get3A_70 = vector.shape_cast %get3A_69 : vector<64x1x256xf32> to vector<64x256xf32>
    %mul3A_71 = vector.broadcast %get3A_1 : vector<1x256xf32> to vector<64x256xf32>
    %mul3A_72 = arith.mulf %get3A_70, %mul3A_71 : vector<64x256xf32>
    %add3A_73 = vector.broadcast %get3A_4 : vector<1x256xf32> to vector<64x256xf32>
    %add3A_74 = arith.addf %mul3A_72, %add3A_73 : vector<64x256xf32>
    %max3A_75 = arith.constant 0.000000e+00 : f32
    %max3A_76 = vector.broadcast %max3A_75 : f32 to vector<64x256xf32>
    %max3A_77 = arith.maximumf %add3A_74, %max3A_76 : vector<64x256xf32>
    %max3A_78 = arith.maximumf %max3A_65, %max3A_77 : vector<64x256xf32>
    %get3A_79 = arith.constant 0 : index
    %get3A_80 = arith.constant 6 : index
    %get3A_81 = arith.constant 0 : index
    %get3A_82 = vector.load %arg1[%get3A_79, %get3A_80, %get3A_81] : memref<64x64x256xf32, #tpu.memory_space<vmem>>, vector<64x1x256xf32>
    %get3A_83 = vector.shape_cast %get3A_82 : vector<64x1x256xf32> to vector<64x256xf32>
    %mul3A_84 = vector.broadcast %get3A_1 : vector<1x256xf32> to vector<64x256xf32>
    %mul3A_85 = arith.mulf %get3A_83, %mul3A_84 : vector<64x256xf32>
    %add3A_86 = vector.broadcast %get3A_4 : vector<1x256xf32> to vector<64x256xf32>
    %add3A_87 = arith.addf %mul3A_85, %add3A_86 : vector<64x256xf32>
    %max3A_88 = arith.constant 0.000000e+00 : f32
    %max3A_89 = vector.broadcast %max3A_88 : f32 to vector<64x256xf32>
    %max3A_90 = arith.maximumf %add3A_87, %max3A_89 : vector<64x256xf32>
    %max3A_91 = arith.maximumf %max3A_78, %max3A_90 : vector<64x256xf32>
    %get3A_92 = arith.constant 0 : index
    %get3A_93 = arith.constant 7 : index
    %get3A_94 = arith.constant 0 : index
    %get3A_95 = vector.load %arg1[%get3A_92, %get3A_93, %get3A_94] : memref<64x64x256xf32, #tpu.memory_space<vmem>>, vector<64x1x256xf32>
    %get3A_96 = vector.shape_cast %get3A_95 : vector<64x1x256xf32> to vector<64x256xf32>
    %mul3A_97 = vector.broadcast %get3A_1 : vector<1x256xf32> to vector<64x256xf32>
    %mul3A_98 = arith.mulf %get3A_96, %mul3A_97 : vector<64x256xf32>
    %add3A_99 = vector.broadcast %get3A_4 : vector<1x256xf32> to vector<64x256xf32>
    %add3A_100 = arith.addf %mul3A_98, %add3A_99 : vector<64x256xf32>
    %max3A_101 = arith.constant 0.000000e+00 : f32
    %max3A_102 = vector.broadcast %max3A_101 : f32 to vector<64x256xf32>
    %max3A_103 = arith.maximumf %add3A_100, %max3A_102 : vector<64x256xf32>
    %max3A_104 = arith.maximumf %max3A_91, %max3A_103 : vector<64x256xf32>
    %get3A_105 = arith.constant 0 : index
    %get3A_106 = arith.constant 8 : index
    %get3A_107 = arith.constant 0 : index
    %get3A_108 = vector.load %arg1[%get3A_105, %get3A_106, %get3A_107] : memref<64x64x256xf32, #tpu.memory_space<vmem>>, vector<64x1x256xf32>
    %get3A_109 = vector.shape_cast %get3A_108 : vector<64x1x256xf32> to vector<64x256xf32>
    %mul3A_110 = vector.broadcast %get3A_1 : vector<1x256xf32> to vector<64x256xf32>
    %mul3A_111 = arith.mulf %get3A_109, %mul3A_110 : vector<64x256xf32>
    %add3A_112 = vector.broadcast %get3A_4 : vector<1x256xf32> to vector<64x256xf32>
    %add3A_113 = arith.addf %mul3A_111, %add3A_112 : vector<64x256xf32>
    %max3A_114 = arith.constant 0.000000e+00 : f32
    %max3A_115 = vector.broadcast %max3A_114 : f32 to vector<64x256xf32>
    %max3A_116 = arith.maximumf %add3A_113, %max3A_115 : vector<64x256xf32>
    %max3A_117 = arith.maximumf %max3A_104, %max3A_116 : vector<64x256xf32>
    %get3A_118 = arith.constant 0 : index
    %get3A_119 = arith.constant 9 : index
    %get3A_120 = arith.constant 0 : index
    %get3A_121 = vector.load %arg1[%get3A_118, %get3A_119, %get3A_120] : memref<64x64x256xf32, #tpu.memory_space<vmem>>, vector<64x1x256xf32>
    %get3A_122 = vector.shape_cast %get3A_121 : vector<64x1x256xf32> to vector<64x256xf32>
    %mul3A_123 = vector.broadcast %get3A_1 : vector<1x256xf32> to vector<64x256xf32>
    %mul3A_124 = arith.mulf %get3A_122, %mul3A_123 : vector<64x256xf32>
    %add3A_125 = vector.broadcast %get3A_4 : vector<1x256xf32> to vector<64x256xf32>
    %add3A_126 = arith.addf %mul3A_124, %add3A_125 : vector<64x256xf32>
    %max3A_127 = arith.constant 0.000000e+00 : f32
    %max3A_128 = vector.broadcast %max3A_127 : f32 to vector<64x256xf32>
    %max3A_129 = arith.maximumf %add3A_126, %max3A_128 : vector<64x256xf32>
    %max3A_130 = arith.maximumf %max3A_117, %max3A_129 : vector<64x256xf32>
    %get3A_131 = arith.constant 0 : index
    %get3A_132 = arith.constant 10 : index
    %get3A_133 = arith.constant 0 : index
    %get3A_134 = vector.load %arg1[%get3A_131, %get3A_132, %get3A_133] : memref<64x64x256xf32, #tpu.memory_space<vmem>>, vector<64x1x256xf32>
    %get3A_135 = vector.shape_cast %get3A_134 : vector<64x1x256xf32> to vector<64x256xf32>
    %mul3A_136 = vector.broadcast %get3A_1 : vector<1x256xf32> to vector<64x256xf32>
    %mul3A_137 = arith.mulf %get3A_135, %mul3A_136 : vector<64x256xf32>
    %add3A_138 = vector.broadcast %get3A_4 : vector<1x256xf32> to vector<64x256xf32>
    %add3A_139 = arith.addf %mul3A_137, %add3A_138 : vector<64x256xf32>
    %max3A_140 = arith.constant 0.000000e+00 : f32
    %max3A_141 = vector.broadcast %max3A_140 : f32 to vector<64x256xf32>
    %max3A_142 = arith.maximumf %add3A_139, %max3A_141 : vector<64x256xf32>
    %max3A_143 = arith.maximumf %max3A_130, %max3A_142 : vector<64x256xf32>
    %get3A_144 = arith.constant 0 : index
    %get3A_145 = arith.constant 11 : index
    %get3A_146 = arith.constant 0 : index
    %get3A_147 = vector.load %arg1[%get3A_144, %get3A_145, %get3A_146] : memref<64x64x256xf32, #tpu.memory_space<vmem>>, vector<64x1x256xf32>
    %get3A_148 = vector.shape_cast %get3A_147 : vector<64x1x256xf32> to vector<64x256xf32>
    %mul3A_149 = vector.broadcast %get3A_1 : vector<1x256xf32> to vector<64x256xf32>
    %mul3A_150 = arith.mulf %get3A_148, %mul3A_149 : vector<64x256xf32>
    %add3A_151 = vector.broadcast %get3A_4 : vector<1x256xf32> to vector<64x256xf32>
    %add3A_152 = arith.addf %mul3A_150, %add3A_151 : vector<64x256xf32>
    %max3A_153 = arith.constant 0.000000e+00 : f32
    %max3A_154 = vector.broadcast %max3A_153 : f32 to vector<64x256xf32>
    %max3A_155 = arith.maximumf %add3A_152, %max3A_154 : vector<64x256xf32>
    %max3A_156 = arith.maximumf %max3A_143, %max3A_155 : vector<64x256xf32>
    %get3A_157 = arith.constant 0 : index
    %get3A_158 = arith.constant 12 : index
    %get3A_159 = arith.constant 0 : index
    %get3A_160 = vector.load %arg1[%get3A_157, %get3A_158, %get3A_159] : memref<64x64x256xf32, #tpu.memory_space<vmem>>, vector<64x1x256xf32>
    %get3A_161 = vector.shape_cast %get3A_160 : vector<64x1x256xf32> to vector<64x256xf32>
    %mul3A_162 = vector.broadcast %get3A_1 : vector<1x256xf32> to vector<64x256xf32>
    %mul3A_163 = arith.mulf %get3A_161, %mul3A_162 : vector<64x256xf32>
    %add3A_164 = vector.broadcast %get3A_4 : vector<1x256xf32> to vector<64x256xf32>
    %add3A_165 = arith.addf %mul3A_163, %add3A_164 : vector<64x256xf32>
    %max3A_166 = arith.constant 0.000000e+00 : f32
    %max3A_167 = vector.broadcast %max3A_166 : f32 to vector<64x256xf32>
    %max3A_168 = arith.maximumf %add3A_165, %max3A_167 : vector<64x256xf32>
    %max3A_169 = arith.maximumf %max3A_156, %max3A_168 : vector<64x256xf32>
    %get3A_170 = arith.constant 0 : index
    %get3A_171 = arith.constant 13 : index
    %get3A_172 = arith.constant 0 : index
    %get3A_173 = vector.load %arg1[%get3A_170, %get3A_171, %get3A_172] : memref<64x64x256xf32, #tpu.memory_space<vmem>>, vector<64x1x256xf32>
    %get3A_174 = vector.shape_cast %get3A_173 : vector<64x1x256xf32> to vector<64x256xf32>
    %mul3A_175 = vector.broadcast %get3A_1 : vector<1x256xf32> to vector<64x256xf32>
    %mul3A_176 = arith.mulf %get3A_174, %mul3A_175 : vector<64x256xf32>
    %add3A_177 = vector.broadcast %get3A_4 : vector<1x256xf32> to vector<64x256xf32>
    %add3A_178 = arith.addf %mul3A_176, %add3A_177 : vector<64x256xf32>
    %max3A_179 = arith.constant 0.000000e+00 : f32
    %max3A_180 = vector.broadcast %max3A_179 : f32 to vector<64x256xf32>
    %max3A_181 = arith.maximumf %add3A_178, %max3A_180 : vector<64x256xf32>
    %max3A_182 = arith.maximumf %max3A_169, %max3A_181 : vector<64x256xf32>
    %get3A_183 = arith.constant 0 : index
    %get3A_184 = arith.constant 14 : index
    %get3A_185 = arith.constant 0 : index
    %get3A_186 = vector.load %arg1[%get3A_183, %get3A_184, %get3A_185] : memref<64x64x256xf32, #tpu.memory_space<vmem>>, vector<64x1x256xf32>
    %get3A_187 = vector.shape_cast %get3A_186 : vector<64x1x256xf32> to vector<64x256xf32>
    %mul3A_188 = vector.broadcast %get3A_1 : vector<1x256xf32> to vector<64x256xf32>
    %mul3A_189 = arith.mulf %get3A_187, %mul3A_188 : vector<64x256xf32>
    %add3A_190 = vector.broadcast %get3A_4 : vector<1x256xf32> to vector<64x256xf32>
    %add3A_191 = arith.addf %mul3A_189, %add3A_190 : vector<64x256xf32>
    %max3A_192 = arith.constant 0.000000e+00 : f32
    %max3A_193 = vector.broadcast %max3A_192 : f32 to vector<64x256xf32>
    %max3A_194 = arith.maximumf %add3A_191, %max3A_193 : vector<64x256xf32>
    %max3A_195 = arith.maximumf %max3A_182, %max3A_194 : vector<64x256xf32>
    %get3A_196 = arith.constant 0 : index
    %get3A_197 = arith.constant 15 : index
    %get3A_198 = arith.constant 0 : index
    %get3A_199 = vector.load %arg1[%get3A_196, %get3A_197, %get3A_198] : memref<64x64x256xf32, #tpu.memory_space<vmem>>, vector<64x1x256xf32>
    %get3A_200 = vector.shape_cast %get3A_199 : vector<64x1x256xf32> to vector<64x256xf32>
    %mul3A_201 = vector.broadcast %get3A_1 : vector<1x256xf32> to vector<64x256xf32>
    %mul3A_202 = arith.mulf %get3A_200, %mul3A_201 : vector<64x256xf32>
    %add3A_203 = vector.broadcast %get3A_4 : vector<1x256xf32> to vector<64x256xf32>
    %add3A_204 = arith.addf %mul3A_202, %add3A_203 : vector<64x256xf32>
    %max3A_205 = arith.constant 0.000000e+00 : f32
    %max3A_206 = vector.broadcast %max3A_205 : f32 to vector<64x256xf32>
    %max3A_207 = arith.maximumf %add3A_204, %max3A_206 : vector<64x256xf32>
    %max3A_208 = arith.maximumf %max3A_195, %max3A_207 : vector<64x256xf32>
    %get3A_209 = arith.constant 0 : index
    %get3A_210 = arith.constant 16 : index
    %get3A_211 = arith.constant 0 : index
    %get3A_212 = vector.load %arg1[%get3A_209, %get3A_210, %get3A_211] : memref<64x64x256xf32, #tpu.memory_space<vmem>>, vector<64x1x256xf32>
    %get3A_213 = vector.shape_cast %get3A_212 : vector<64x1x256xf32> to vector<64x256xf32>
    %mul3A_214 = vector.broadcast %get3A_1 : vector<1x256xf32> to vector<64x256xf32>
    %mul3A_215 = arith.mulf %get3A_213, %mul3A_214 : vector<64x256xf32>
    %add3A_216 = vector.broadcast %get3A_4 : vector<1x256xf32> to vector<64x256xf32>
    %add3A_217 = arith.addf %mul3A_215, %add3A_216 : vector<64x256xf32>
    %max3A_218 = arith.constant 0.000000e+00 : f32
    %max3A_219 = vector.broadcast %max3A_218 : f32 to vector<64x256xf32>
    %max3A_220 = arith.maximumf %add3A_217, %max3A_219 : vector<64x256xf32>
    %max3A_221 = arith.maximumf %max3A_208, %max3A_220 : vector<64x256xf32>
    %get3A_222 = arith.constant 0 : index
    %get3A_223 = arith.constant 17 : index
    %get3A_224 = arith.constant 0 : index
    %get3A_225 = vector.load %arg1[%get3A_222, %get3A_223, %get3A_224] : memref<64x64x256xf32, #tpu.memory_space<vmem>>, vector<64x1x256xf32>
    %get3A_226 = vector.shape_cast %get3A_225 : vector<64x1x256xf32> to vector<64x256xf32>
    %mul3A_227 = vector.broadcast %get3A_1 : vector<1x256xf32> to vector<64x256xf32>
    %mul3A_228 = arith.mulf %get3A_226, %mul3A_227 : vector<64x256xf32>
    %add3A_229 = vector.broadcast %get3A_4 : vector<1x256xf32> to vector<64x256xf32>
    %add3A_230 = arith.addf %mul3A_228, %add3A_229 : vector<64x256xf32>
    %max3A_231 = arith.constant 0.000000e+00 : f32
    %max3A_232 = vector.broadcast %max3A_231 : f32 to vector<64x256xf32>
    %max3A_233 = arith.maximumf %add3A_230, %max3A_232 : vector<64x256xf32>
    %max3A_234 = arith.maximumf %max3A_221, %max3A_233 : vector<64x256xf32>
    %get3A_235 = arith.constant 0 : index
    %get3A_236 = arith.constant 18 : index
    %get3A_237 = arith.constant 0 : index
    %get3A_238 = vector.load %arg1[%get3A_235, %get3A_236, %get3A_237] : memref<64x64x256xf32, #tpu.memory_space<vmem>>, vector<64x1x256xf32>
    %get3A_239 = vector.shape_cast %get3A_238 : vector<64x1x256xf32> to vector<64x256xf32>
    %mul3A_240 = vector.broadcast %get3A_1 : vector<1x256xf32> to vector<64x256xf32>
    %mul3A_241 = arith.mulf %get3A_239, %mul3A_240 : vector<64x256xf32>
    %add3A_242 = vector.broadcast %get3A_4 : vector<1x256xf32> to vector<64x256xf32>
    %add3A_243 = arith.addf %mul3A_241, %add3A_242 : vector<64x256xf32>
    %max3A_244 = arith.constant 0.000000e+00 : f32
    %max3A_245 = vector.broadcast %max3A_244 : f32 to vector<64x256xf32>
    %max3A_246 = arith.maximumf %add3A_243, %max3A_245 : vector<64x256xf32>
    %max3A_247 = arith.maximumf %max3A_234, %max3A_246 : vector<64x256xf32>
    %get3A_248 = arith.constant 0 : index
    %get3A_249 = arith.constant 19 : index
    %get3A_250 = arith.constant 0 : index
    %get3A_251 = vector.load %arg1[%get3A_248, %get3A_249, %get3A_250] : memref<64x64x256xf32, #tpu.memory_space<vmem>>, vector<64x1x256xf32>
    %get3A_252 = vector.shape_cast %get3A_251 : vector<64x1x256xf32> to vector<64x256xf32>
    %mul3A_253 = vector.broadcast %get3A_1 : vector<1x256xf32> to vector<64x256xf32>
    %mul3A_254 = arith.mulf %get3A_252, %mul3A_253 : vector<64x256xf32>
    %add3A_255 = vector.broadcast %get3A_4 : vector<1x256xf32> to vector<64x256xf32>
    %add3A_256 = arith.addf %mul3A_254, %add3A_255 : vector<64x256xf32>
    %max3A_257 = arith.constant 0.000000e+00 : f32
    %max3A_258 = vector.broadcast %max3A_257 : f32 to vector<64x256xf32>
    %max3A_259 = arith.maximumf %add3A_256, %max3A_258 : vector<64x256xf32>
    %max3A_260 = arith.maximumf %max3A_247, %max3A_259 : vector<64x256xf32>
    %get3A_261 = arith.constant 0 : index
    %get3A_262 = arith.constant 20 : index
    %get3A_263 = arith.constant 0 : index
    %get3A_264 = vector.load %arg1[%get3A_261, %get3A_262, %get3A_263] : memref<64x64x256xf32, #tpu.memory_space<vmem>>, vector<64x1x256xf32>
    %get3A_265 = vector.shape_cast %get3A_264 : vector<64x1x256xf32> to vector<64x256xf32>
    %mul3A_266 = vector.broadcast %get3A_1 : vector<1x256xf32> to vector<64x256xf32>
    %mul3A_267 = arith.mulf %get3A_265, %mul3A_266 : vector<64x256xf32>
    %add3A_268 = vector.broadcast %get3A_4 : vector<1x256xf32> to vector<64x256xf32>
    %add3A_269 = arith.addf %mul3A_267, %add3A_268 : vector<64x256xf32>
    %max3A_270 = arith.constant 0.000000e+00 : f32
    %max3A_271 = vector.broadcast %max3A_270 : f32 to vector<64x256xf32>
    %max3A_272 = arith.maximumf %add3A_269, %max3A_271 : vector<64x256xf32>
    %max3A_273 = arith.maximumf %max3A_260, %max3A_272 : vector<64x256xf32>
    %get3A_274 = arith.constant 0 : index
    %get3A_275 = arith.constant 21 : index
    %get3A_276 = arith.constant 0 : index
    %get3A_277 = vector.load %arg1[%get3A_274, %get3A_275, %get3A_276] : memref<64x64x256xf32, #tpu.memory_space<vmem>>, vector<64x1x256xf32>
    %get3A_278 = vector.shape_cast %get3A_277 : vector<64x1x256xf32> to vector<64x256xf32>
    %mul3A_279 = vector.broadcast %get3A_1 : vector<1x256xf32> to vector<64x256xf32>
    %mul3A_280 = arith.mulf %get3A_278, %mul3A_279 : vector<64x256xf32>
    %add3A_281 = vector.broadcast %get3A_4 : vector<1x256xf32> to vector<64x256xf32>
    %add3A_282 = arith.addf %mul3A_280, %add3A_281 : vector<64x256xf32>
    %max3A_283 = arith.constant 0.000000e+00 : f32
    %max3A_284 = vector.broadcast %max3A_283 : f32 to vector<64x256xf32>
    %max3A_285 = arith.maximumf %add3A_282, %max3A_284 : vector<64x256xf32>
    %max3A_286 = arith.maximumf %max3A_273, %max3A_285 : vector<64x256xf32>
    %get3A_287 = arith.constant 0 : index
    %get3A_288 = arith.constant 22 : index
    %get3A_289 = arith.constant 0 : index
    %get3A_290 = vector.load %arg1[%get3A_287, %get3A_288, %get3A_289] : memref<64x64x256xf32, #tpu.memory_space<vmem>>, vector<64x1x256xf32>
    %get3A_291 = vector.shape_cast %get3A_290 : vector<64x1x256xf32> to vector<64x256xf32>
    %mul3A_292 = vector.broadcast %get3A_1 : vector<1x256xf32> to vector<64x256xf32>
    %mul3A_293 = arith.mulf %get3A_291, %mul3A_292 : vector<64x256xf32>
    %add3A_294 = vector.broadcast %get3A_4 : vector<1x256xf32> to vector<64x256xf32>
    %add3A_295 = arith.addf %mul3A_293, %add3A_294 : vector<64x256xf32>
    %max3A_296 = arith.constant 0.000000e+00 : f32
    %max3A_297 = vector.broadcast %max3A_296 : f32 to vector<64x256xf32>
    %max3A_298 = arith.maximumf %add3A_295, %max3A_297 : vector<64x256xf32>
    %max3A_299 = arith.maximumf %max3A_286, %max3A_298 : vector<64x256xf32>
    %get3A_300 = arith.constant 0 : index
    %get3A_301 = arith.constant 23 : index
    %get3A_302 = arith.constant 0 : index
    %get3A_303 = vector.load %arg1[%get3A_300, %get3A_301, %get3A_302] : memref<64x64x256xf32, #tpu.memory_space<vmem>>, vector<64x1x256xf32>
    %get3A_304 = vector.shape_cast %get3A_303 : vector<64x1x256xf32> to vector<64x256xf32>
    %mul3A_305 = vector.broadcast %get3A_1 : vector<1x256xf32> to vector<64x256xf32>
    %mul3A_306 = arith.mulf %get3A_304, %mul3A_305 : vector<64x256xf32>
    %add3A_307 = vector.broadcast %get3A_4 : vector<1x256xf32> to vector<64x256xf32>
    %add3A_308 = arith.addf %mul3A_306, %add3A_307 : vector<64x256xf32>
    %max3A_309 = arith.constant 0.000000e+00 : f32
    %max3A_310 = vector.broadcast %max3A_309 : f32 to vector<64x256xf32>
    %max3A_311 = arith.maximumf %add3A_308, %max3A_310 : vector<64x256xf32>
    %max3A_312 = arith.maximumf %max3A_299, %max3A_311 : vector<64x256xf32>
    %get3A_313 = arith.constant 0 : index
    %get3A_314 = arith.constant 24 : index
    %get3A_315 = arith.constant 0 : index
    %get3A_316 = vector.load %arg1[%get3A_313, %get3A_314, %get3A_315] : memref<64x64x256xf32, #tpu.memory_space<vmem>>, vector<64x1x256xf32>
    %get3A_317 = vector.shape_cast %get3A_316 : vector<64x1x256xf32> to vector<64x256xf32>
    %mul3A_318 = vector.broadcast %get3A_1 : vector<1x256xf32> to vector<64x256xf32>
    %mul3A_319 = arith.mulf %get3A_317, %mul3A_318 : vector<64x256xf32>
    %add3A_320 = vector.broadcast %get3A_4 : vector<1x256xf32> to vector<64x256xf32>
    %add3A_321 = arith.addf %mul3A_319, %add3A_320 : vector<64x256xf32>
    %max3A_322 = arith.constant 0.000000e+00 : f32
    %max3A_323 = vector.broadcast %max3A_322 : f32 to vector<64x256xf32>
    %max3A_324 = arith.maximumf %add3A_321, %max3A_323 : vector<64x256xf32>
    %max3A_325 = arith.maximumf %max3A_312, %max3A_324 : vector<64x256xf32>
    %get3A_326 = arith.constant 0 : index
    %get3A_327 = arith.constant 25 : index
    %get3A_328 = arith.constant 0 : index
    %get3A_329 = vector.load %arg1[%get3A_326, %get3A_327, %get3A_328] : memref<64x64x256xf32, #tpu.memory_space<vmem>>, vector<64x1x256xf32>
    %get3A_330 = vector.shape_cast %get3A_329 : vector<64x1x256xf32> to vector<64x256xf32>
    %mul3A_331 = vector.broadcast %get3A_1 : vector<1x256xf32> to vector<64x256xf32>
    %mul3A_332 = arith.mulf %get3A_330, %mul3A_331 : vector<64x256xf32>
    %add3A_333 = vector.broadcast %get3A_4 : vector<1x256xf32> to vector<64x256xf32>
    %add3A_334 = arith.addf %mul3A_332, %add3A_333 : vector<64x256xf32>
    %max3A_335 = arith.constant 0.000000e+00 : f32
    %max3A_336 = vector.broadcast %max3A_335 : f32 to vector<64x256xf32>
    %max3A_337 = arith.maximumf %add3A_334, %max3A_336 : vector<64x256xf32>
    %max3A_338 = arith.maximumf %max3A_325, %max3A_337 : vector<64x256xf32>
    %get3A_339 = arith.constant 0 : index
    %get3A_340 = arith.constant 26 : index
    %get3A_341 = arith.constant 0 : index
    %get3A_342 = vector.load %arg1[%get3A_339, %get3A_340, %get3A_341] : memref<64x64x256xf32, #tpu.memory_space<vmem>>, vector<64x1x256xf32>
    %get3A_343 = vector.shape_cast %get3A_342 : vector<64x1x256xf32> to vector<64x256xf32>
    %mul3A_344 = vector.broadcast %get3A_1 : vector<1x256xf32> to vector<64x256xf32>
    %mul3A_345 = arith.mulf %get3A_343, %mul3A_344 : vector<64x256xf32>
    %add3A_346 = vector.broadcast %get3A_4 : vector<1x256xf32> to vector<64x256xf32>
    %add3A_347 = arith.addf %mul3A_345, %add3A_346 : vector<64x256xf32>
    %max3A_348 = arith.constant 0.000000e+00 : f32
    %max3A_349 = vector.broadcast %max3A_348 : f32 to vector<64x256xf32>
    %max3A_350 = arith.maximumf %add3A_347, %max3A_349 : vector<64x256xf32>
    %max3A_351 = arith.maximumf %max3A_338, %max3A_350 : vector<64x256xf32>
    %get3A_352 = arith.constant 0 : index
    %get3A_353 = arith.constant 27 : index
    %get3A_354 = arith.constant 0 : index
    %get3A_355 = vector.load %arg1[%get3A_352, %get3A_353, %get3A_354] : memref<64x64x256xf32, #tpu.memory_space<vmem>>, vector<64x1x256xf32>
    %get3A_356 = vector.shape_cast %get3A_355 : vector<64x1x256xf32> to vector<64x256xf32>
    %mul3A_357 = vector.broadcast %get3A_1 : vector<1x256xf32> to vector<64x256xf32>
    %mul3A_358 = arith.mulf %get3A_356, %mul3A_357 : vector<64x256xf32>
    %add3A_359 = vector.broadcast %get3A_4 : vector<1x256xf32> to vector<64x256xf32>
    %add3A_360 = arith.addf %mul3A_358, %add3A_359 : vector<64x256xf32>
    %max3A_361 = arith.constant 0.000000e+00 : f32
    %max3A_362 = vector.broadcast %max3A_361 : f32 to vector<64x256xf32>
    %max3A_363 = arith.maximumf %add3A_360, %max3A_362 : vector<64x256xf32>
    %max3A_364 = arith.maximumf %max3A_351, %max3A_363 : vector<64x256xf32>
    %get3A_365 = arith.constant 0 : index
    %get3A_366 = arith.constant 28 : index
    %get3A_367 = arith.constant 0 : index
    %get3A_368 = vector.load %arg1[%get3A_365, %get3A_366, %get3A_367] : memref<64x64x256xf32, #tpu.memory_space<vmem>>, vector<64x1x256xf32>
    %get3A_369 = vector.shape_cast %get3A_368 : vector<64x1x256xf32> to vector<64x256xf32>
    %mul3A_370 = vector.broadcast %get3A_1 : vector<1x256xf32> to vector<64x256xf32>
    %mul3A_371 = arith.mulf %get3A_369, %mul3A_370 : vector<64x256xf32>
    %add3A_372 = vector.broadcast %get3A_4 : vector<1x256xf32> to vector<64x256xf32>
    %add3A_373 = arith.addf %mul3A_371, %add3A_372 : vector<64x256xf32>
    %max3A_374 = arith.constant 0.000000e+00 : f32
    %max3A_375 = vector.broadcast %max3A_374 : f32 to vector<64x256xf32>
    %max3A_376 = arith.maximumf %add3A_373, %max3A_375 : vector<64x256xf32>
    %max3A_377 = arith.maximumf %max3A_364, %max3A_376 : vector<64x256xf32>
    %get3A_378 = arith.constant 0 : index
    %get3A_379 = arith.constant 29 : index
    %get3A_380 = arith.constant 0 : index
    %get3A_381 = vector.load %arg1[%get3A_378, %get3A_379, %get3A_380] : memref<64x64x256xf32, #tpu.memory_space<vmem>>, vector<64x1x256xf32>
    %get3A_382 = vector.shape_cast %get3A_381 : vector<64x1x256xf32> to vector<64x256xf32>
    %mul3A_383 = vector.broadcast %get3A_1 : vector<1x256xf32> to vector<64x256xf32>
    %mul3A_384 = arith.mulf %get3A_382, %mul3A_383 : vector<64x256xf32>
    %add3A_385 = vector.broadcast %get3A_4 : vector<1x256xf32> to vector<64x256xf32>
    %add3A_386 = arith.addf %mul3A_384, %add3A_385 : vector<64x256xf32>
    %max3A_387 = arith.constant 0.000000e+00 : f32
    %max3A_388 = vector.broadcast %max3A_387 : f32 to vector<64x256xf32>
    %max3A_389 = arith.maximumf %add3A_386, %max3A_388 : vector<64x256xf32>
    %max3A_390 = arith.maximumf %max3A_377, %max3A_389 : vector<64x256xf32>
    %get3A_391 = arith.constant 0 : index
    %get3A_392 = arith.constant 30 : index
    %get3A_393 = arith.constant 0 : index
    %get3A_394 = vector.load %arg1[%get3A_391, %get3A_392, %get3A_393] : memref<64x64x256xf32, #tpu.memory_space<vmem>>, vector<64x1x256xf32>
    %get3A_395 = vector.shape_cast %get3A_394 : vector<64x1x256xf32> to vector<64x256xf32>
    %mul3A_396 = vector.broadcast %get3A_1 : vector<1x256xf32> to vector<64x256xf32>
    %mul3A_397 = arith.mulf %get3A_395, %mul3A_396 : vector<64x256xf32>
    %add3A_398 = vector.broadcast %get3A_4 : vector<1x256xf32> to vector<64x256xf32>
    %add3A_399 = arith.addf %mul3A_397, %add3A_398 : vector<64x256xf32>
    %max3A_400 = arith.constant 0.000000e+00 : f32
    %max3A_401 = vector.broadcast %max3A_400 : f32 to vector<64x256xf32>
    %max3A_402 = arith.maximumf %add3A_399, %max3A_401 : vector<64x256xf32>
    %max3A_403 = arith.maximumf %max3A_390, %max3A_402 : vector<64x256xf32>
    %get3A_404 = arith.constant 0 : index
    %get3A_405 = arith.constant 31 : index
    %get3A_406 = arith.constant 0 : index
    %get3A_407 = vector.load %arg1[%get3A_404, %get3A_405, %get3A_406] : memref<64x64x256xf32, #tpu.memory_space<vmem>>, vector<64x1x256xf32>
    %get3A_408 = vector.shape_cast %get3A_407 : vector<64x1x256xf32> to vector<64x256xf32>
    %mul3A_409 = vector.broadcast %get3A_1 : vector<1x256xf32> to vector<64x256xf32>
    %mul3A_410 = arith.mulf %get3A_408, %mul3A_409 : vector<64x256xf32>
    %add3A_411 = vector.broadcast %get3A_4 : vector<1x256xf32> to vector<64x256xf32>
    %add3A_412 = arith.addf %mul3A_410, %add3A_411 : vector<64x256xf32>
    %max3A_413 = arith.constant 0.000000e+00 : f32
    %max3A_414 = vector.broadcast %max3A_413 : f32 to vector<64x256xf32>
    %max3A_415 = arith.maximumf %add3A_412, %max3A_414 : vector<64x256xf32>
    %max3A_416 = arith.maximumf %max3A_403, %max3A_415 : vector<64x256xf32>
    %get3A_417 = arith.constant 0 : index
    %get3A_418 = arith.constant 32 : index
    %get3A_419 = arith.constant 0 : index
    %get3A_420 = vector.load %arg1[%get3A_417, %get3A_418, %get3A_419] : memref<64x64x256xf32, #tpu.memory_space<vmem>>, vector<64x1x256xf32>
    %get3A_421 = vector.shape_cast %get3A_420 : vector<64x1x256xf32> to vector<64x256xf32>
    %mul3A_422 = vector.broadcast %get3A_1 : vector<1x256xf32> to vector<64x256xf32>
    %mul3A_423 = arith.mulf %get3A_421, %mul3A_422 : vector<64x256xf32>
    %add3A_424 = vector.broadcast %get3A_4 : vector<1x256xf32> to vector<64x256xf32>
    %add3A_425 = arith.addf %mul3A_423, %add3A_424 : vector<64x256xf32>
    %max3A_426 = arith.constant 0.000000e+00 : f32
    %max3A_427 = vector.broadcast %max3A_426 : f32 to vector<64x256xf32>
    %max3A_428 = arith.maximumf %add3A_425, %max3A_427 : vector<64x256xf32>
    %max3A_429 = arith.maximumf %max3A_416, %max3A_428 : vector<64x256xf32>
    %get3A_430 = arith.constant 0 : index
    %get3A_431 = arith.constant 33 : index
    %get3A_432 = arith.constant 0 : index
    %get3A_433 = vector.load %arg1[%get3A_430, %get3A_431, %get3A_432] : memref<64x64x256xf32, #tpu.memory_space<vmem>>, vector<64x1x256xf32>
    %get3A_434 = vector.shape_cast %get3A_433 : vector<64x1x256xf32> to vector<64x256xf32>
    %mul3A_435 = vector.broadcast %get3A_1 : vector<1x256xf32> to vector<64x256xf32>
    %mul3A_436 = arith.mulf %get3A_434, %mul3A_435 : vector<64x256xf32>
    %add3A_437 = vector.broadcast %get3A_4 : vector<1x256xf32> to vector<64x256xf32>
    %add3A_438 = arith.addf %mul3A_436, %add3A_437 : vector<64x256xf32>
    %max3A_439 = arith.constant 0.000000e+00 : f32
    %max3A_440 = vector.broadcast %max3A_439 : f32 to vector<64x256xf32>
    %max3A_441 = arith.maximumf %add3A_438, %max3A_440 : vector<64x256xf32>
    %max3A_442 = arith.maximumf %max3A_429, %max3A_441 : vector<64x256xf32>
    %get3A_443 = arith.constant 0 : index
    %get3A_444 = arith.constant 34 : index
    %get3A_445 = arith.constant 0 : index
    %get3A_446 = vector.load %arg1[%get3A_443, %get3A_444, %get3A_445] : memref<64x64x256xf32, #tpu.memory_space<vmem>>, vector<64x1x256xf32>
    %get3A_447 = vector.shape_cast %get3A_446 : vector<64x1x256xf32> to vector<64x256xf32>
    %mul3A_448 = vector.broadcast %get3A_1 : vector<1x256xf32> to vector<64x256xf32>
    %mul3A_449 = arith.mulf %get3A_447, %mul3A_448 : vector<64x256xf32>
    %add3A_450 = vector.broadcast %get3A_4 : vector<1x256xf32> to vector<64x256xf32>
    %add3A_451 = arith.addf %mul3A_449, %add3A_450 : vector<64x256xf32>
    %max3A_452 = arith.constant 0.000000e+00 : f32
    %max3A_453 = vector.broadcast %max3A_452 : f32 to vector<64x256xf32>
    %max3A_454 = arith.maximumf %add3A_451, %max3A_453 : vector<64x256xf32>
    %max3A_455 = arith.maximumf %max3A_442, %max3A_454 : vector<64x256xf32>
    %get3A_456 = arith.constant 0 : index
    %get3A_457 = arith.constant 35 : index
    %get3A_458 = arith.constant 0 : index
    %get3A_459 = vector.load %arg1[%get3A_456, %get3A_457, %get3A_458] : memref<64x64x256xf32, #tpu.memory_space<vmem>>, vector<64x1x256xf32>
    %get3A_460 = vector.shape_cast %get3A_459 : vector<64x1x256xf32> to vector<64x256xf32>
    %mul3A_461 = vector.broadcast %get3A_1 : vector<1x256xf32> to vector<64x256xf32>
    %mul3A_462 = arith.mulf %get3A_460, %mul3A_461 : vector<64x256xf32>
    %add3A_463 = vector.broadcast %get3A_4 : vector<1x256xf32> to vector<64x256xf32>
    %add3A_464 = arith.addf %mul3A_462, %add3A_463 : vector<64x256xf32>
    %max3A_465 = arith.constant 0.000000e+00 : f32
    %max3A_466 = vector.broadcast %max3A_465 : f32 to vector<64x256xf32>
    %max3A_467 = arith.maximumf %add3A_464, %max3A_466 : vector<64x256xf32>
    %max3A_468 = arith.maximumf %max3A_455, %max3A_467 : vector<64x256xf32>
    %get3A_469 = arith.constant 0 : index
    %get3A_470 = arith.constant 36 : index
    %get3A_471 = arith.constant 0 : index
    %get3A_472 = vector.load %arg1[%get3A_469, %get3A_470, %get3A_471] : memref<64x64x256xf32, #tpu.memory_space<vmem>>, vector<64x1x256xf32>
    %get3A_473 = vector.shape_cast %get3A_472 : vector<64x1x256xf32> to vector<64x256xf32>
    %mul3A_474 = vector.broadcast %get3A_1 : vector<1x256xf32> to vector<64x256xf32>
    %mul3A_475 = arith.mulf %get3A_473, %mul3A_474 : vector<64x256xf32>
    %add3A_476 = vector.broadcast %get3A_4 : vector<1x256xf32> to vector<64x256xf32>
    %add3A_477 = arith.addf %mul3A_475, %add3A_476 : vector<64x256xf32>
    %max3A_478 = arith.constant 0.000000e+00 : f32
    %max3A_479 = vector.broadcast %max3A_478 : f32 to vector<64x256xf32>
    %max3A_480 = arith.maximumf %add3A_477, %max3A_479 : vector<64x256xf32>
    %max3A_481 = arith.maximumf %max3A_468, %max3A_480 : vector<64x256xf32>
    %get3A_482 = arith.constant 0 : index
    %get3A_483 = arith.constant 37 : index
    %get3A_484 = arith.constant 0 : index
    %get3A_485 = vector.load %arg1[%get3A_482, %get3A_483, %get3A_484] : memref<64x64x256xf32, #tpu.memory_space<vmem>>, vector<64x1x256xf32>
    %get3A_486 = vector.shape_cast %get3A_485 : vector<64x1x256xf32> to vector<64x256xf32>
    %mul3A_487 = vector.broadcast %get3A_1 : vector<1x256xf32> to vector<64x256xf32>
    %mul3A_488 = arith.mulf %get3A_486, %mul3A_487 : vector<64x256xf32>
    %add3A_489 = vector.broadcast %get3A_4 : vector<1x256xf32> to vector<64x256xf32>
    %add3A_490 = arith.addf %mul3A_488, %add3A_489 : vector<64x256xf32>
    %max3A_491 = arith.constant 0.000000e+00 : f32
    %max3A_492 = vector.broadcast %max3A_491 : f32 to vector<64x256xf32>
    %max3A_493 = arith.maximumf %add3A_490, %max3A_492 : vector<64x256xf32>
    %max3A_494 = arith.maximumf %max3A_481, %max3A_493 : vector<64x256xf32>
    %get3A_495 = arith.constant 0 : index
    %get3A_496 = arith.constant 38 : index
    %get3A_497 = arith.constant 0 : index
    %get3A_498 = vector.load %arg1[%get3A_495, %get3A_496, %get3A_497] : memref<64x64x256xf32, #tpu.memory_space<vmem>>, vector<64x1x256xf32>
    %get3A_499 = vector.shape_cast %get3A_498 : vector<64x1x256xf32> to vector<64x256xf32>
    %mul3A_500 = vector.broadcast %get3A_1 : vector<1x256xf32> to vector<64x256xf32>
    %mul3A_501 = arith.mulf %get3A_499, %mul3A_500 : vector<64x256xf32>
    %add3A_502 = vector.broadcast %get3A_4 : vector<1x256xf32> to vector<64x256xf32>
    %add3A_503 = arith.addf %mul3A_501, %add3A_502 : vector<64x256xf32>
    %max3A_504 = arith.constant 0.000000e+00 : f32
    %max3A_505 = vector.broadcast %max3A_504 : f32 to vector<64x256xf32>
    %max3A_506 = arith.maximumf %add3A_503, %max3A_505 : vector<64x256xf32>
    %max3A_507 = arith.maximumf %max3A_494, %max3A_506 : vector<64x256xf32>
    %get3A_508 = arith.constant 0 : index
    %get3A_509 = arith.constant 39 : index
    %get3A_510 = arith.constant 0 : index
    %get3A_511 = vector.load %arg1[%get3A_508, %get3A_509, %get3A_510] : memref<64x64x256xf32, #tpu.memory_space<vmem>>, vector<64x1x256xf32>
    %get3A_512 = vector.shape_cast %get3A_511 : vector<64x1x256xf32> to vector<64x256xf32>
    %mul3A_513 = vector.broadcast %get3A_1 : vector<1x256xf32> to vector<64x256xf32>
    %mul3A_514 = arith.mulf %get3A_512, %mul3A_513 : vector<64x256xf32>
    %add3A_515 = vector.broadcast %get3A_4 : vector<1x256xf32> to vector<64x256xf32>
    %add3A_516 = arith.addf %mul3A_514, %add3A_515 : vector<64x256xf32>
    %max3A_517 = arith.constant 0.000000e+00 : f32
    %max3A_518 = vector.broadcast %max3A_517 : f32 to vector<64x256xf32>
    %max3A_519 = arith.maximumf %add3A_516, %max3A_518 : vector<64x256xf32>
    %max3A_520 = arith.maximumf %max3A_507, %max3A_519 : vector<64x256xf32>
    %get3A_521 = arith.constant 0 : index
    %get3A_522 = arith.constant 40 : index
    %get3A_523 = arith.constant 0 : index
    %get3A_524 = vector.load %arg1[%get3A_521, %get3A_522, %get3A_523] : memref<64x64x256xf32, #tpu.memory_space<vmem>>, vector<64x1x256xf32>
    %get3A_525 = vector.shape_cast %get3A_524 : vector<64x1x256xf32> to vector<64x256xf32>
    %mul3A_526 = vector.broadcast %get3A_1 : vector<1x256xf32> to vector<64x256xf32>
    %mul3A_527 = arith.mulf %get3A_525, %mul3A_526 : vector<64x256xf32>
    %add3A_528 = vector.broadcast %get3A_4 : vector<1x256xf32> to vector<64x256xf32>
    %add3A_529 = arith.addf %mul3A_527, %add3A_528 : vector<64x256xf32>
    %max3A_530 = arith.constant 0.000000e+00 : f32
    %max3A_531 = vector.broadcast %max3A_530 : f32 to vector<64x256xf32>
    %max3A_532 = arith.maximumf %add3A_529, %max3A_531 : vector<64x256xf32>
    %max3A_533 = arith.maximumf %max3A_520, %max3A_532 : vector<64x256xf32>
    %get3A_534 = arith.constant 0 : index
    %get3A_535 = arith.constant 41 : index
    %get3A_536 = arith.constant 0 : index
    %get3A_537 = vector.load %arg1[%get3A_534, %get3A_535, %get3A_536] : memref<64x64x256xf32, #tpu.memory_space<vmem>>, vector<64x1x256xf32>
    %get3A_538 = vector.shape_cast %get3A_537 : vector<64x1x256xf32> to vector<64x256xf32>
    %mul3A_539 = vector.broadcast %get3A_1 : vector<1x256xf32> to vector<64x256xf32>
    %mul3A_540 = arith.mulf %get3A_538, %mul3A_539 : vector<64x256xf32>
    %add3A_541 = vector.broadcast %get3A_4 : vector<1x256xf32> to vector<64x256xf32>
    %add3A_542 = arith.addf %mul3A_540, %add3A_541 : vector<64x256xf32>
    %max3A_543 = arith.constant 0.000000e+00 : f32
    %max3A_544 = vector.broadcast %max3A_543 : f32 to vector<64x256xf32>
    %max3A_545 = arith.maximumf %add3A_542, %max3A_544 : vector<64x256xf32>
    %max3A_546 = arith.maximumf %max3A_533, %max3A_545 : vector<64x256xf32>
    %get3A_547 = arith.constant 0 : index
    %get3A_548 = arith.constant 42 : index
    %get3A_549 = arith.constant 0 : index
    %get3A_550 = vector.load %arg1[%get3A_547, %get3A_548, %get3A_549] : memref<64x64x256xf32, #tpu.memory_space<vmem>>, vector<64x1x256xf32>
    %get3A_551 = vector.shape_cast %get3A_550 : vector<64x1x256xf32> to vector<64x256xf32>
    %mul3A_552 = vector.broadcast %get3A_1 : vector<1x256xf32> to vector<64x256xf32>
    %mul3A_553 = arith.mulf %get3A_551, %mul3A_552 : vector<64x256xf32>
    %add3A_554 = vector.broadcast %get3A_4 : vector<1x256xf32> to vector<64x256xf32>
    %add3A_555 = arith.addf %mul3A_553, %add3A_554 : vector<64x256xf32>
    %max3A_556 = arith.constant 0.000000e+00 : f32
    %max3A_557 = vector.broadcast %max3A_556 : f32 to vector<64x256xf32>
    %max3A_558 = arith.maximumf %add3A_555, %max3A_557 : vector<64x256xf32>
    %max3A_559 = arith.maximumf %max3A_546, %max3A_558 : vector<64x256xf32>
    %get3A_560 = arith.constant 0 : index
    %get3A_561 = arith.constant 43 : index
    %get3A_562 = arith.constant 0 : index
    %get3A_563 = vector.load %arg1[%get3A_560, %get3A_561, %get3A_562] : memref<64x64x256xf32, #tpu.memory_space<vmem>>, vector<64x1x256xf32>
    %get3A_564 = vector.shape_cast %get3A_563 : vector<64x1x256xf32> to vector<64x256xf32>
    %mul3A_565 = vector.broadcast %get3A_1 : vector<1x256xf32> to vector<64x256xf32>
    %mul3A_566 = arith.mulf %get3A_564, %mul3A_565 : vector<64x256xf32>
    %add3A_567 = vector.broadcast %get3A_4 : vector<1x256xf32> to vector<64x256xf32>
    %add3A_568 = arith.addf %mul3A_566, %add3A_567 : vector<64x256xf32>
    %max3A_569 = arith.constant 0.000000e+00 : f32
    %max3A_570 = vector.broadcast %max3A_569 : f32 to vector<64x256xf32>
    %max3A_571 = arith.maximumf %add3A_568, %max3A_570 : vector<64x256xf32>
    %max3A_572 = arith.maximumf %max3A_559, %max3A_571 : vector<64x256xf32>
    %get3A_573 = arith.constant 0 : index
    %get3A_574 = arith.constant 44 : index
    %get3A_575 = arith.constant 0 : index
    %get3A_576 = vector.load %arg1[%get3A_573, %get3A_574, %get3A_575] : memref<64x64x256xf32, #tpu.memory_space<vmem>>, vector<64x1x256xf32>
    %get3A_577 = vector.shape_cast %get3A_576 : vector<64x1x256xf32> to vector<64x256xf32>
    %mul3A_578 = vector.broadcast %get3A_1 : vector<1x256xf32> to vector<64x256xf32>
    %mul3A_579 = arith.mulf %get3A_577, %mul3A_578 : vector<64x256xf32>
    %add3A_580 = vector.broadcast %get3A_4 : vector<1x256xf32> to vector<64x256xf32>
    %add3A_581 = arith.addf %mul3A_579, %add3A_580 : vector<64x256xf32>
    %max3A_582 = arith.constant 0.000000e+00 : f32
    %max3A_583 = vector.broadcast %max3A_582 : f32 to vector<64x256xf32>
    %max3A_584 = arith.maximumf %add3A_581, %max3A_583 : vector<64x256xf32>
    %max3A_585 = arith.maximumf %max3A_572, %max3A_584 : vector<64x256xf32>
    %get3A_586 = arith.constant 0 : index
    %get3A_587 = arith.constant 45 : index
    %get3A_588 = arith.constant 0 : index
    %get3A_589 = vector.load %arg1[%get3A_586, %get3A_587, %get3A_588] : memref<64x64x256xf32, #tpu.memory_space<vmem>>, vector<64x1x256xf32>
    %get3A_590 = vector.shape_cast %get3A_589 : vector<64x1x256xf32> to vector<64x256xf32>
    %mul3A_591 = vector.broadcast %get3A_1 : vector<1x256xf32> to vector<64x256xf32>
    %mul3A_592 = arith.mulf %get3A_590, %mul3A_591 : vector<64x256xf32>
    %add3A_593 = vector.broadcast %get3A_4 : vector<1x256xf32> to vector<64x256xf32>
    %add3A_594 = arith.addf %mul3A_592, %add3A_593 : vector<64x256xf32>
    %max3A_595 = arith.constant 0.000000e+00 : f32
    %max3A_596 = vector.broadcast %max3A_595 : f32 to vector<64x256xf32>
    %max3A_597 = arith.maximumf %add3A_594, %max3A_596 : vector<64x256xf32>
    %max3A_598 = arith.maximumf %max3A_585, %max3A_597 : vector<64x256xf32>
    %get3A_599 = arith.constant 0 : index
    %get3A_600 = arith.constant 46 : index
    %get3A_601 = arith.constant 0 : index
    %get3A_602 = vector.load %arg1[%get3A_599, %get3A_600, %get3A_601] : memref<64x64x256xf32, #tpu.memory_space<vmem>>, vector<64x1x256xf32>
    %get3A_603 = vector.shape_cast %get3A_602 : vector<64x1x256xf32> to vector<64x256xf32>
    %mul3A_604 = vector.broadcast %get3A_1 : vector<1x256xf32> to vector<64x256xf32>
    %mul3A_605 = arith.mulf %get3A_603, %mul3A_604 : vector<64x256xf32>
    %add3A_606 = vector.broadcast %get3A_4 : vector<1x256xf32> to vector<64x256xf32>
    %add3A_607 = arith.addf %mul3A_605, %add3A_606 : vector<64x256xf32>
    %max3A_608 = arith.constant 0.000000e+00 : f32
    %max3A_609 = vector.broadcast %max3A_608 : f32 to vector<64x256xf32>
    %max3A_610 = arith.maximumf %add3A_607, %max3A_609 : vector<64x256xf32>
    %max3A_611 = arith.maximumf %max3A_598, %max3A_610 : vector<64x256xf32>
    %get3A_612 = arith.constant 0 : index
    %get3A_613 = arith.constant 47 : index
    %get3A_614 = arith.constant 0 : index
    %get3A_615 = vector.load %arg1[%get3A_612, %get3A_613, %get3A_614] : memref<64x64x256xf32, #tpu.memory_space<vmem>>, vector<64x1x256xf32>
    %get3A_616 = vector.shape_cast %get3A_615 : vector<64x1x256xf32> to vector<64x256xf32>
    %mul3A_617 = vector.broadcast %get3A_1 : vector<1x256xf32> to vector<64x256xf32>
    %mul3A_618 = arith.mulf %get3A_616, %mul3A_617 : vector<64x256xf32>
    %add3A_619 = vector.broadcast %get3A_4 : vector<1x256xf32> to vector<64x256xf32>
    %add3A_620 = arith.addf %mul3A_618, %add3A_619 : vector<64x256xf32>
    %max3A_621 = arith.constant 0.000000e+00 : f32
    %max3A_622 = vector.broadcast %max3A_621 : f32 to vector<64x256xf32>
    %max3A_623 = arith.maximumf %add3A_620, %max3A_622 : vector<64x256xf32>
    %max3A_624 = arith.maximumf %max3A_611, %max3A_623 : vector<64x256xf32>
    %get3A_625 = arith.constant 0 : index
    %get3A_626 = arith.constant 48 : index
    %get3A_627 = arith.constant 0 : index
    %get3A_628 = vector.load %arg1[%get3A_625, %get3A_626, %get3A_627] : memref<64x64x256xf32, #tpu.memory_space<vmem>>, vector<64x1x256xf32>
    %get3A_629 = vector.shape_cast %get3A_628 : vector<64x1x256xf32> to vector<64x256xf32>
    %mul3A_630 = vector.broadcast %get3A_1 : vector<1x256xf32> to vector<64x256xf32>
    %mul3A_631 = arith.mulf %get3A_629, %mul3A_630 : vector<64x256xf32>
    %add3A_632 = vector.broadcast %get3A_4 : vector<1x256xf32> to vector<64x256xf32>
    %add3A_633 = arith.addf %mul3A_631, %add3A_632 : vector<64x256xf32>
    %max3A_634 = arith.constant 0.000000e+00 : f32
    %max3A_635 = vector.broadcast %max3A_634 : f32 to vector<64x256xf32>
    %max3A_636 = arith.maximumf %add3A_633, %max3A_635 : vector<64x256xf32>
    %max3A_637 = arith.maximumf %max3A_624, %max3A_636 : vector<64x256xf32>
    %get3A_638 = arith.constant 0 : index
    %get3A_639 = arith.constant 49 : index
    %get3A_640 = arith.constant 0 : index
    %get3A_641 = vector.load %arg1[%get3A_638, %get3A_639, %get3A_640] : memref<64x64x256xf32, #tpu.memory_space<vmem>>, vector<64x1x256xf32>
    %get3A_642 = vector.shape_cast %get3A_641 : vector<64x1x256xf32> to vector<64x256xf32>
    %mul3A_643 = vector.broadcast %get3A_1 : vector<1x256xf32> to vector<64x256xf32>
    %mul3A_644 = arith.mulf %get3A_642, %mul3A_643 : vector<64x256xf32>
    %add3A_645 = vector.broadcast %get3A_4 : vector<1x256xf32> to vector<64x256xf32>
    %add3A_646 = arith.addf %mul3A_644, %add3A_645 : vector<64x256xf32>
    %max3A_647 = arith.constant 0.000000e+00 : f32
    %max3A_648 = vector.broadcast %max3A_647 : f32 to vector<64x256xf32>
    %max3A_649 = arith.maximumf %add3A_646, %max3A_648 : vector<64x256xf32>
    %max3A_650 = arith.maximumf %max3A_637, %max3A_649 : vector<64x256xf32>
    %get3A_651 = arith.constant 0 : index
    %get3A_652 = arith.constant 50 : index
    %get3A_653 = arith.constant 0 : index
    %get3A_654 = vector.load %arg1[%get3A_651, %get3A_652, %get3A_653] : memref<64x64x256xf32, #tpu.memory_space<vmem>>, vector<64x1x256xf32>
    %get3A_655 = vector.shape_cast %get3A_654 : vector<64x1x256xf32> to vector<64x256xf32>
    %mul3A_656 = vector.broadcast %get3A_1 : vector<1x256xf32> to vector<64x256xf32>
    %mul3A_657 = arith.mulf %get3A_655, %mul3A_656 : vector<64x256xf32>
    %add3A_658 = vector.broadcast %get3A_4 : vector<1x256xf32> to vector<64x256xf32>
    %add3A_659 = arith.addf %mul3A_657, %add3A_658 : vector<64x256xf32>
    %max3A_660 = arith.constant 0.000000e+00 : f32
    %max3A_661 = vector.broadcast %max3A_660 : f32 to vector<64x256xf32>
    %max3A_662 = arith.maximumf %add3A_659, %max3A_661 : vector<64x256xf32>
    %max3A_663 = arith.maximumf %max3A_650, %max3A_662 : vector<64x256xf32>
    %get3A_664 = arith.constant 0 : index
    %get3A_665 = arith.constant 51 : index
    %get3A_666 = arith.constant 0 : index
    %get3A_667 = vector.load %arg1[%get3A_664, %get3A_665, %get3A_666] : memref<64x64x256xf32, #tpu.memory_space<vmem>>, vector<64x1x256xf32>
    %get3A_668 = vector.shape_cast %get3A_667 : vector<64x1x256xf32> to vector<64x256xf32>
    %mul3A_669 = vector.broadcast %get3A_1 : vector<1x256xf32> to vector<64x256xf32>
    %mul3A_670 = arith.mulf %get3A_668, %mul3A_669 : vector<64x256xf32>
    %add3A_671 = vector.broadcast %get3A_4 : vector<1x256xf32> to vector<64x256xf32>
    %add3A_672 = arith.addf %mul3A_670, %add3A_671 : vector<64x256xf32>
    %max3A_673 = arith.constant 0.000000e+00 : f32
    %max3A_674 = vector.broadcast %max3A_673 : f32 to vector<64x256xf32>
    %max3A_675 = arith.maximumf %add3A_672, %max3A_674 : vector<64x256xf32>
    %max3A_676 = arith.maximumf %max3A_663, %max3A_675 : vector<64x256xf32>
    %get3A_677 = arith.constant 0 : index
    %get3A_678 = arith.constant 52 : index
    %get3A_679 = arith.constant 0 : index
    %get3A_680 = vector.load %arg1[%get3A_677, %get3A_678, %get3A_679] : memref<64x64x256xf32, #tpu.memory_space<vmem>>, vector<64x1x256xf32>
    %get3A_681 = vector.shape_cast %get3A_680 : vector<64x1x256xf32> to vector<64x256xf32>
    %mul3A_682 = vector.broadcast %get3A_1 : vector<1x256xf32> to vector<64x256xf32>
    %mul3A_683 = arith.mulf %get3A_681, %mul3A_682 : vector<64x256xf32>
    %add3A_684 = vector.broadcast %get3A_4 : vector<1x256xf32> to vector<64x256xf32>
    %add3A_685 = arith.addf %mul3A_683, %add3A_684 : vector<64x256xf32>
    %max3A_686 = arith.constant 0.000000e+00 : f32
    %max3A_687 = vector.broadcast %max3A_686 : f32 to vector<64x256xf32>
    %max3A_688 = arith.maximumf %add3A_685, %max3A_687 : vector<64x256xf32>
    %max3A_689 = arith.maximumf %max3A_676, %max3A_688 : vector<64x256xf32>
    %get3A_690 = arith.constant 0 : index
    %get3A_691 = arith.constant 53 : index
    %get3A_692 = arith.constant 0 : index
    %get3A_693 = vector.load %arg1[%get3A_690, %get3A_691, %get3A_692] : memref<64x64x256xf32, #tpu.memory_space<vmem>>, vector<64x1x256xf32>
    %get3A_694 = vector.shape_cast %get3A_693 : vector<64x1x256xf32> to vector<64x256xf32>
    %mul3A_695 = vector.broadcast %get3A_1 : vector<1x256xf32> to vector<64x256xf32>
    %mul3A_696 = arith.mulf %get3A_694, %mul3A_695 : vector<64x256xf32>
    %add3A_697 = vector.broadcast %get3A_4 : vector<1x256xf32> to vector<64x256xf32>
    %add3A_698 = arith.addf %mul3A_696, %add3A_697 : vector<64x256xf32>
    %max3A_699 = arith.constant 0.000000e+00 : f32
    %max3A_700 = vector.broadcast %max3A_699 : f32 to vector<64x256xf32>
    %max3A_701 = arith.maximumf %add3A_698, %max3A_700 : vector<64x256xf32>
    %max3A_702 = arith.maximumf %max3A_689, %max3A_701 : vector<64x256xf32>
    %get3A_703 = arith.constant 0 : index
    %get3A_704 = arith.constant 54 : index
    %get3A_705 = arith.constant 0 : index
    %get3A_706 = vector.load %arg1[%get3A_703, %get3A_704, %get3A_705] : memref<64x64x256xf32, #tpu.memory_space<vmem>>, vector<64x1x256xf32>
    %get3A_707 = vector.shape_cast %get3A_706 : vector<64x1x256xf32> to vector<64x256xf32>
    %mul3A_708 = vector.broadcast %get3A_1 : vector<1x256xf32> to vector<64x256xf32>
    %mul3A_709 = arith.mulf %get3A_707, %mul3A_708 : vector<64x256xf32>
    %add3A_710 = vector.broadcast %get3A_4 : vector<1x256xf32> to vector<64x256xf32>
    %add3A_711 = arith.addf %mul3A_709, %add3A_710 : vector<64x256xf32>
    %max3A_712 = arith.constant 0.000000e+00 : f32
    %max3A_713 = vector.broadcast %max3A_712 : f32 to vector<64x256xf32>
    %max3A_714 = arith.maximumf %add3A_711, %max3A_713 : vector<64x256xf32>
    %max3A_715 = arith.maximumf %max3A_702, %max3A_714 : vector<64x256xf32>
    %get3A_716 = arith.constant 0 : index
    %get3A_717 = arith.constant 55 : index
    %get3A_718 = arith.constant 0 : index
    %get3A_719 = vector.load %arg1[%get3A_716, %get3A_717, %get3A_718] : memref<64x64x256xf32, #tpu.memory_space<vmem>>, vector<64x1x256xf32>
    %get3A_720 = vector.shape_cast %get3A_719 : vector<64x1x256xf32> to vector<64x256xf32>
    %mul3A_721 = vector.broadcast %get3A_1 : vector<1x256xf32> to vector<64x256xf32>
    %mul3A_722 = arith.mulf %get3A_720, %mul3A_721 : vector<64x256xf32>
    %add3A_723 = vector.broadcast %get3A_4 : vector<1x256xf32> to vector<64x256xf32>
    %add3A_724 = arith.addf %mul3A_722, %add3A_723 : vector<64x256xf32>
    %max3A_725 = arith.constant 0.000000e+00 : f32
    %max3A_726 = vector.broadcast %max3A_725 : f32 to vector<64x256xf32>
    %max3A_727 = arith.maximumf %add3A_724, %max3A_726 : vector<64x256xf32>
    %max3A_728 = arith.maximumf %max3A_715, %max3A_727 : vector<64x256xf32>
    %get3A_729 = arith.constant 0 : index
    %get3A_730 = arith.constant 56 : index
    %get3A_731 = arith.constant 0 : index
    %get3A_732 = vector.load %arg1[%get3A_729, %get3A_730, %get3A_731] : memref<64x64x256xf32, #tpu.memory_space<vmem>>, vector<64x1x256xf32>
    %get3A_733 = vector.shape_cast %get3A_732 : vector<64x1x256xf32> to vector<64x256xf32>
    %mul3A_734 = vector.broadcast %get3A_1 : vector<1x256xf32> to vector<64x256xf32>
    %mul3A_735 = arith.mulf %get3A_733, %mul3A_734 : vector<64x256xf32>
    %add3A_736 = vector.broadcast %get3A_4 : vector<1x256xf32> to vector<64x256xf32>
    %add3A_737 = arith.addf %mul3A_735, %add3A_736 : vector<64x256xf32>
    %max3A_738 = arith.constant 0.000000e+00 : f32
    %max3A_739 = vector.broadcast %max3A_738 : f32 to vector<64x256xf32>
    %max3A_740 = arith.maximumf %add3A_737, %max3A_739 : vector<64x256xf32>
    %max3A_741 = arith.maximumf %max3A_728, %max3A_740 : vector<64x256xf32>
    %get3A_742 = arith.constant 0 : index
    %get3A_743 = arith.constant 57 : index
    %get3A_744 = arith.constant 0 : index
    %get3A_745 = vector.load %arg1[%get3A_742, %get3A_743, %get3A_744] : memref<64x64x256xf32, #tpu.memory_space<vmem>>, vector<64x1x256xf32>
    %get3A_746 = vector.shape_cast %get3A_745 : vector<64x1x256xf32> to vector<64x256xf32>
    %mul3A_747 = vector.broadcast %get3A_1 : vector<1x256xf32> to vector<64x256xf32>
    %mul3A_748 = arith.mulf %get3A_746, %mul3A_747 : vector<64x256xf32>
    %add3A_749 = vector.broadcast %get3A_4 : vector<1x256xf32> to vector<64x256xf32>
    %add3A_750 = arith.addf %mul3A_748, %add3A_749 : vector<64x256xf32>
    %max3A_751 = arith.constant 0.000000e+00 : f32
    %max3A_752 = vector.broadcast %max3A_751 : f32 to vector<64x256xf32>
    %max3A_753 = arith.maximumf %add3A_750, %max3A_752 : vector<64x256xf32>
    %max3A_754 = arith.maximumf %max3A_741, %max3A_753 : vector<64x256xf32>
    %get3A_755 = arith.constant 0 : index
    %get3A_756 = arith.constant 58 : index
    %get3A_757 = arith.constant 0 : index
    %get3A_758 = vector.load %arg1[%get3A_755, %get3A_756, %get3A_757] : memref<64x64x256xf32, #tpu.memory_space<vmem>>, vector<64x1x256xf32>
    %get3A_759 = vector.shape_cast %get3A_758 : vector<64x1x256xf32> to vector<64x256xf32>
    %mul3A_760 = vector.broadcast %get3A_1 : vector<1x256xf32> to vector<64x256xf32>
    %mul3A_761 = arith.mulf %get3A_759, %mul3A_760 : vector<64x256xf32>
    %add3A_762 = vector.broadcast %get3A_4 : vector<1x256xf32> to vector<64x256xf32>
    %add3A_763 = arith.addf %mul3A_761, %add3A_762 : vector<64x256xf32>
    %max3A_764 = arith.constant 0.000000e+00 : f32
    %max3A_765 = vector.broadcast %max3A_764 : f32 to vector<64x256xf32>
    %max3A_766 = arith.maximumf %add3A_763, %max3A_765 : vector<64x256xf32>
    %max3A_767 = arith.maximumf %max3A_754, %max3A_766 : vector<64x256xf32>
    %get3A_768 = arith.constant 0 : index
    %get3A_769 = arith.constant 59 : index
    %get3A_770 = arith.constant 0 : index
    %get3A_771 = vector.load %arg1[%get3A_768, %get3A_769, %get3A_770] : memref<64x64x256xf32, #tpu.memory_space<vmem>>, vector<64x1x256xf32>
    %get3A_772 = vector.shape_cast %get3A_771 : vector<64x1x256xf32> to vector<64x256xf32>
    %mul3A_773 = vector.broadcast %get3A_1 : vector<1x256xf32> to vector<64x256xf32>
    %mul3A_774 = arith.mulf %get3A_772, %mul3A_773 : vector<64x256xf32>
    %add3A_775 = vector.broadcast %get3A_4 : vector<1x256xf32> to vector<64x256xf32>
    %add3A_776 = arith.addf %mul3A_774, %add3A_775 : vector<64x256xf32>
    %max3A_777 = arith.constant 0.000000e+00 : f32
    %max3A_778 = vector.broadcast %max3A_777 : f32 to vector<64x256xf32>
    %max3A_779 = arith.maximumf %add3A_776, %max3A_778 : vector<64x256xf32>
    %max3A_780 = arith.maximumf %max3A_767, %max3A_779 : vector<64x256xf32>
    %get3A_781 = arith.constant 0 : index
    %get3A_782 = arith.constant 60 : index
    %get3A_783 = arith.constant 0 : index
    %get3A_784 = vector.load %arg1[%get3A_781, %get3A_782, %get3A_783] : memref<64x64x256xf32, #tpu.memory_space<vmem>>, vector<64x1x256xf32>
    %get3A_785 = vector.shape_cast %get3A_784 : vector<64x1x256xf32> to vector<64x256xf32>
    %mul3A_786 = vector.broadcast %get3A_1 : vector<1x256xf32> to vector<64x256xf32>
    %mul3A_787 = arith.mulf %get3A_785, %mul3A_786 : vector<64x256xf32>
    %add3A_788 = vector.broadcast %get3A_4 : vector<1x256xf32> to vector<64x256xf32>
    %add3A_789 = arith.addf %mul3A_787, %add3A_788 : vector<64x256xf32>
    %max3A_790 = arith.constant 0.000000e+00 : f32
    %max3A_791 = vector.broadcast %max3A_790 : f32 to vector<64x256xf32>
    %max3A_792 = arith.maximumf %add3A_789, %max3A_791 : vector<64x256xf32>
    %max3A_793 = arith.maximumf %max3A_780, %max3A_792 : vector<64x256xf32>
    %get3A_794 = arith.constant 0 : index
    %get3A_795 = arith.constant 61 : index
    %get3A_796 = arith.constant 0 : index
    %get3A_797 = vector.load %arg1[%get3A_794, %get3A_795, %get3A_796] : memref<64x64x256xf32, #tpu.memory_space<vmem>>, vector<64x1x256xf32>
    %get3A_798 = vector.shape_cast %get3A_797 : vector<64x1x256xf32> to vector<64x256xf32>
    %mul3A_799 = vector.broadcast %get3A_1 : vector<1x256xf32> to vector<64x256xf32>
    %mul3A_800 = arith.mulf %get3A_798, %mul3A_799 : vector<64x256xf32>
    %add3A_801 = vector.broadcast %get3A_4 : vector<1x256xf32> to vector<64x256xf32>
    %add3A_802 = arith.addf %mul3A_800, %add3A_801 : vector<64x256xf32>
    %max3A_803 = arith.constant 0.000000e+00 : f32
    %max3A_804 = vector.broadcast %max3A_803 : f32 to vector<64x256xf32>
    %max3A_805 = arith.maximumf %add3A_802, %max3A_804 : vector<64x256xf32>
    %max3A_806 = arith.maximumf %max3A_793, %max3A_805 : vector<64x256xf32>
    %get3A_807 = arith.constant 0 : index
    %get3A_808 = arith.constant 62 : index
    %get3A_809 = arith.constant 0 : index
    %get3A_810 = vector.load %arg1[%get3A_807, %get3A_808, %get3A_809] : memref<64x64x256xf32, #tpu.memory_space<vmem>>, vector<64x1x256xf32>
    %get3A_811 = vector.shape_cast %get3A_810 : vector<64x1x256xf32> to vector<64x256xf32>
    %mul3A_812 = vector.broadcast %get3A_1 : vector<1x256xf32> to vector<64x256xf32>
    %mul3A_813 = arith.mulf %get3A_811, %mul3A_812 : vector<64x256xf32>
    %add3A_814 = vector.broadcast %get3A_4 : vector<1x256xf32> to vector<64x256xf32>
    %add3A_815 = arith.addf %mul3A_813, %add3A_814 : vector<64x256xf32>
    %max3A_816 = arith.constant 0.000000e+00 : f32
    %max3A_817 = vector.broadcast %max3A_816 : f32 to vector<64x256xf32>
    %max3A_818 = arith.maximumf %add3A_815, %max3A_817 : vector<64x256xf32>
    %max3A_819 = arith.maximumf %max3A_806, %max3A_818 : vector<64x256xf32>
    %get3A_820 = arith.constant 0 : index
    %get3A_821 = arith.constant 63 : index
    %get3A_822 = arith.constant 0 : index
    %get3A_823 = vector.load %arg1[%get3A_820, %get3A_821, %get3A_822] : memref<64x64x256xf32, #tpu.memory_space<vmem>>, vector<64x1x256xf32>
    %get3A_824 = vector.shape_cast %get3A_823 : vector<64x1x256xf32> to vector<64x256xf32>
    %mul3A_825 = vector.broadcast %get3A_1 : vector<1x256xf32> to vector<64x256xf32>
    %mul3A_826 = arith.mulf %get3A_824, %mul3A_825 : vector<64x256xf32>
    %add3A_827 = vector.broadcast %get3A_4 : vector<1x256xf32> to vector<64x256xf32>
    %add3A_828 = arith.addf %mul3A_826, %add3A_827 : vector<64x256xf32>
    %max3A_829 = arith.constant 0.000000e+00 : f32
    %max3A_830 = vector.broadcast %max3A_829 : f32 to vector<64x256xf32>
    %max3A_831 = arith.maximumf %add3A_828, %max3A_830 : vector<64x256xf32>
    %max3A_832 = arith.maximumf %max3A_819, %max3A_831 : vector<64x256xf32>
    %swap3A = arith.constant 0 : index
    %swap3A_833 = arith.constant 0 : index
    %swap3A_834 = vector.load %arg4[%swap3A, %swap3A_833] : memref<64x256xf32, #tpu.memory_space<vmem>>, vector<64x256xf32>
    tpu.vector_store %arg4[%swap3A, %swap3A_833], %max3A_832 {strides = array<i32>} : memref<64x256xf32, #tpu.memory_space<vmem>>, vector<64x256xf32>,
    return
  }
  func.func @transform_0(%arg0: i32) -> (i32, i32, i32) {
    %c0_i32 = arith.constant 0 : i32
    %c0_i32_0 = arith.constant 0 : i32
    %c0_i32_1 = arith.constant 0 : i32
    return %arg0, %c0_i32, %c0_i32_0 : i32, i32, i32
  }
  func.func @transform_1(%arg0: i32) -> (i32, i32) {
    %c0_i32 = arith.constant 0 : i32
    %c0_i32_0 = arith.constant 0 : i32
    %c0_i32_1 = arith.constant 0 : i32
    return %c0_i32, %c0_i32_0 : i32, i32
  }
  func.func @transform_2(%arg0: i32) -> (i32, i32) {
    %c0_i32 = arith.constant 0 : i32
    %c0_i32_0 = arith.constant 0 : i32
    %c0_i32_1 = arith.constant 0 : i32
    return %c0_i32, %c0_i32_0 : i32, i32
  }
  func.func @transform_3(%arg0: i32) -> (i32, i32) {
    %c0_i32 = arith.constant 0 : i32
    %c0_i32_0 = arith.constant 0 : i32
    return %arg0, %c0_i32 : i32, i32
  }
}

module attributes {stable_mosaic.version = 14 : i64} {
  func.func @_layer_body(%arg0: i32, %arg1: memref<2048x259xf32, #tpu.memory_space<vmem>>, %arg2: memref<1x259xf32, #tpu.memory_space<vmem>>, %arg3: memref<1x259xf32, #tpu.memory_space<vmem>>, %arg4: memref<259x256xf32, #tpu.memory_space<vmem>>, %arg5: memref<2048x256xf32, #tpu.memory_space<vmem>>, %arg6: memref<1x2x256xf32, #tpu.memory_space<vmem>>) attributes {dimension_semantics = [#tpu.dimension_semantics<arbitrary>], iteration_bounds = array<i64: 1>, scalar_prefetch = 0 : i64, scratch_operands = 0 : i64, tpu.core_type = #tpu.core_type<tc>, window_params = [{transform_indices = @transform_0, window_bounds = array<i64: 2048, 259>}, {pipeline_mode = #tpu.pipeline_mode<synchronous>, transform_indices = @transform_1, window_bounds = array<i64: 1, 259>}, {pipeline_mode = #tpu.pipeline_mode<synchronous>, transform_indices = @transform_2, window_bounds = array<i64: 1, 259>}, {pipeline_mode = #tpu.pipeline_mode<synchronous>, transform_indices = @transform_3, window_bounds = array<i64: 259, 256>}, {transform_indices = @transform_4, window_bounds = array<i64: 2048, 256>}, {transform_indices = @transform_5, window_bounds = array<i64: 1, 2, 256>}]} {
    %get3A = arith.constant 0 : index
    %get3A_0 = arith.constant 0 : index
    %get3A_1 = vector.load %arg1[%get3A, %get3A_0] : memref<2048x259xf32, #tpu.memory_space<vmem>>, vector<2048x259xf32>
    %get3A_2 = arith.constant 0 : index
    %get3A_3 = arith.constant 0 : index
    %get3A_4 = vector.load %arg4[%get3A_2, %get3A_3] : memref<259x256xf32, #tpu.memory_space<vmem>>, vector<259x256xf32>
    %dot_general3A = arith.constant dense<0.000000e+00> : vector<2048x256xf32>
    %dot_general3A_5 = tpu.matmul %get3A_1, %get3A_4, %dot_general3A {dimension_numbers = #tpu.dot_dimension_numbers<[1], [0], [0], [1], [0, 0, 1, 1], [], []>, transpose_lhs_hint = false} : vector<2048x259xf32>, vector<259x256xf32>, vector<2048x256xf32> -> vector<2048x256xf32>
    %swap3A = arith.constant 0 : index
    %swap3A_6 = arith.constant 0 : index
    %swap3A_7 = vector.load %arg5[%swap3A, %swap3A_6] : memref<2048x256xf32, #tpu.memory_space<vmem>>, vector<2048x256xf32>
    tpu.vector_store %arg5[%swap3A, %swap3A_6], %dot_general3A_5 {strides = array<i32>} : memref<2048x256xf32, #tpu.memory_space<vmem>>, vector<2048x256xf32>,
    %reduce_sum3A = arith.constant dense<0.000000e+00> : vector<256xf32>
    %reduce_sum3A_8 = vector.multi_reduction <add>, %dot_general3A_5, %reduce_sum3A [0] : vector<2048x256xf32> to vector<256xf32>
    %swap3A_9 = arith.constant 0 : index
    %swap3A_10 = arith.constant 0 : index
    %swap3A_11 = arith.constant 0 : index
    %swap3A_12 = vector.load %arg6[%swap3A_9, %swap3A_10, %swap3A_11] : memref<1x2x256xf32, #tpu.memory_space<vmem>>, vector<1x1x256xf32>
    %swap3A_13 = vector.shape_cast %swap3A_12 : vector<1x1x256xf32> to vector<256xf32>
    %swap3A_14 = vector.shape_cast %reduce_sum3A_8 : vector<256xf32> to vector<1x1x256xf32>
    tpu.vector_store %arg6[%swap3A_9, %swap3A_10, %swap3A_11], %swap3A_14 {strides = array<i32>} : memref<1x2x256xf32, #tpu.memory_space<vmem>>, vector<1x1x256xf32>,
    %mul3A = arith.mulf %dot_general3A_5, %dot_general3A_5 : vector<2048x256xf32>
    %reduce_sum3A_15 = arith.constant dense<0.000000e+00> : vector<256xf32>
    %reduce_sum3A_16 = vector.multi_reduction <add>, %mul3A, %reduce_sum3A_15 [0] : vector<2048x256xf32> to vector<256xf32>
    %swap3A_17 = arith.constant 0 : index
    %swap3A_18 = arith.constant 1 : index
    %swap3A_19 = arith.constant 0 : index
    %swap3A_20 = vector.load %arg6[%swap3A_17, %swap3A_18, %swap3A_19] : memref<1x2x256xf32, #tpu.memory_space<vmem>>, vector<1x1x256xf32>
    %swap3A_21 = vector.shape_cast %swap3A_20 : vector<1x1x256xf32> to vector<256xf32>
    %swap3A_22 = vector.shape_cast %reduce_sum3A_16 : vector<256xf32> to vector<1x1x256xf32>
    tpu.vector_store %arg6[%swap3A_17, %swap3A_18, %swap3A_19], %swap3A_22 {strides = array<i32>} : memref<1x2x256xf32, #tpu.memory_space<vmem>>, vector<1x1x256xf32>,
    return
  }
  func.func @transform_0(%arg0: i32) -> (i32, i32) {
    %c0_i32 = arith.constant 0 : i32
    %c0_i32_0 = arith.constant 0 : i32
    return %arg0, %c0_i32 : i32, i32
  }
  func.func @transform_1(%arg0: i32) -> (i32, i32) {
    %c0_i32 = arith.constant 0 : i32
    %c0_i32_0 = arith.constant 0 : i32
    %c0_i32_1 = arith.constant 0 : i32
    return %c0_i32, %c0_i32_0 : i32, i32
  }
  func.func @transform_2(%arg0: i32) -> (i32, i32) {
    %c0_i32 = arith.constant 0 : i32
    %c0_i32_0 = arith.constant 0 : i32
    %c0_i32_1 = arith.constant 0 : i32
    return %c0_i32, %c0_i32_0 : i32, i32
  }
  func.func @transform_3(%arg0: i32) -> (i32, i32) {
    %c0_i32 = arith.constant 0 : i32
    %c0_i32_0 = arith.constant 0 : i32
    %c0_i32_1 = arith.constant 0 : i32
    return %c0_i32, %c0_i32_0 : i32, i32
  }
  func.func @transform_4(%arg0: i32) -> (i32, i32) {
    %c0_i32 = arith.constant 0 : i32
    %c0_i32_0 = arith.constant 0 : i32
    return %arg0, %c0_i32 : i32, i32
  }
  func.func @transform_5(%arg0: i32) -> (i32, i32, i32) {
    %c0_i32 = arith.constant 0 : i32
    %c0_i32_0 = arith.constant 0 : i32
    %c0_i32_1 = arith.constant 0 : i32
    return %arg0, %c0_i32, %c0_i32_0 : i32, i32, i32
  }
}

module attributes {stable_mosaic.version = 14 : i64} {
  func.func @_layer_body(%arg0: i32, %arg1: memref<2048x256xf32, #tpu.memory_space<vmem>>, %arg2: memref<1x256xf32, #tpu.memory_space<vmem>>, %arg3: memref<1x256xf32, #tpu.memory_space<vmem>>, %arg4: memref<256x512xf32, #tpu.memory_space<vmem>>, %arg5: memref<2048x512xf32, #tpu.memory_space<vmem>>, %arg6: memref<1x2x512xf32, #tpu.memory_space<vmem>>) attributes {dimension_semantics = [#tpu.dimension_semantics<arbitrary>], iteration_bounds = array<i64: 1>, scalar_prefetch = 0 : i64, scratch_operands = 0 : i64, tpu.core_type = #tpu.core_type<tc>, window_params = [{transform_indices = @transform_0, window_bounds = array<i64: 2048, 256>}, {pipeline_mode = #tpu.pipeline_mode<synchronous>, transform_indices = @transform_1, window_bounds = array<i64: 1, 256>}, {pipeline_mode = #tpu.pipeline_mode<synchronous>, transform_indices = @transform_2, window_bounds = array<i64: 1, 256>}, {pipeline_mode = #tpu.pipeline_mode<synchronous>, transform_indices = @transform_3, window_bounds = array<i64: 256, 512>}, {transform_indices = @transform_4, window_bounds = array<i64: 2048, 512>}, {transform_indices = @transform_5, window_bounds = array<i64: 1, 2, 512>}]} {
    %get3A = arith.constant 0 : index
    %get3A_0 = arith.constant 0 : index
    %get3A_1 = vector.load %arg1[%get3A, %get3A_0] : memref<2048x256xf32, #tpu.memory_space<vmem>>, vector<2048x256xf32>
    %get3A_2 = arith.constant 0 : index
    %get3A_3 = arith.constant 0 : index
    %get3A_4 = vector.load %arg2[%get3A_2, %get3A_3] : memref<1x256xf32, #tpu.memory_space<vmem>>, vector<1x256xf32>
    %mul3A = vector.broadcast %get3A_4 : vector<1x256xf32> to vector<2048x256xf32>
    %mul3A_5 = arith.mulf %get3A_1, %mul3A : vector<2048x256xf32>
    %get3A_6 = arith.constant 0 : index
    %get3A_7 = arith.constant 0 : index
    %get3A_8 = vector.load %arg3[%get3A_6, %get3A_7] : memref<1x256xf32, #tpu.memory_space<vmem>>, vector<1x256xf32>
    %add3A = vector.broadcast %get3A_8 : vector<1x256xf32> to vector<2048x256xf32>
    %add3A_9 = arith.addf %mul3A_5, %add3A : vector<2048x256xf32>
    %max3A = arith.constant 0.000000e+00 : f32
    %max3A_10 = vector.broadcast %max3A : f32 to vector<2048x256xf32>
    %max3A_11 = arith.maximumf %add3A_9, %max3A_10 : vector<2048x256xf32>
    %get3A_12 = arith.constant 0 : index
    %get3A_13 = arith.constant 0 : index
    %get3A_14 = vector.load %arg4[%get3A_12, %get3A_13] : memref<256x512xf32, #tpu.memory_space<vmem>>, vector<256x512xf32>
    %dot_general3A = arith.constant dense<0.000000e+00> : vector<2048x512xf32>
    %dot_general3A_15 = tpu.matmul %max3A_11, %get3A_14, %dot_general3A {dimension_numbers = #tpu.dot_dimension_numbers<[1], [0], [0], [1], [0, 0, 1, 1], [], []>, transpose_lhs_hint = false} : vector<2048x256xf32>, vector<256x512xf32>, vector<2048x512xf32> -> vector<2048x512xf32>
    %swap3A = arith.constant 0 : index
    %swap3A_16 = arith.constant 0 : index
    %swap3A_17 = vector.load %arg5[%swap3A, %swap3A_16] : memref<2048x512xf32, #tpu.memory_space<vmem>>, vector<2048x512xf32>
    tpu.vector_store %arg5[%swap3A, %swap3A_16], %dot_general3A_15 {strides = array<i32>} : memref<2048x512xf32, #tpu.memory_space<vmem>>, vector<2048x512xf32>,
    %reduce_sum3A = arith.constant dense<0.000000e+00> : vector<512xf32>
    %reduce_sum3A_18 = vector.multi_reduction <add>, %dot_general3A_15, %reduce_sum3A [0] : vector<2048x512xf32> to vector<512xf32>
    %swap3A_19 = arith.constant 0 : index
    %swap3A_20 = arith.constant 0 : index
    %swap3A_21 = arith.constant 0 : index
    %swap3A_22 = vector.load %arg6[%swap3A_19, %swap3A_20, %swap3A_21] : memref<1x2x512xf32, #tpu.memory_space<vmem>>, vector<1x1x512xf32>
    %swap3A_23 = vector.shape_cast %swap3A_22 : vector<1x1x512xf32> to vector<512xf32>
    %swap3A_24 = vector.shape_cast %reduce_sum3A_18 : vector<512xf32> to vector<1x1x512xf32>
    tpu.vector_store %arg6[%swap3A_19, %swap3A_20, %swap3A_21], %swap3A_24 {strides = array<i32>} : memref<1x2x512xf32, #tpu.memory_space<vmem>>, vector<1x1x512xf32>,
    %mul3A_25 = arith.mulf %dot_general3A_15, %dot_general3A_15 : vector<2048x512xf32>
    %reduce_sum3A_26 = arith.constant dense<0.000000e+00> : vector<512xf32>
    %reduce_sum3A_27 = vector.multi_reduction <add>, %mul3A_25, %reduce_sum3A_26 [0] : vector<2048x512xf32> to vector<512xf32>
    %swap3A_28 = arith.constant 0 : index
    %swap3A_29 = arith.constant 1 : index
    %swap3A_30 = arith.constant 0 : index
    %swap3A_31 = vector.load %arg6[%swap3A_28, %swap3A_29, %swap3A_30] : memref<1x2x512xf32, #tpu.memory_space<vmem>>, vector<1x1x512xf32>
    %swap3A_32 = vector.shape_cast %swap3A_31 : vector<1x1x512xf32> to vector<512xf32>
    %swap3A_33 = vector.shape_cast %reduce_sum3A_27 : vector<512xf32> to vector<1x1x512xf32>
    tpu.vector_store %arg6[%swap3A_28, %swap3A_29, %swap3A_30], %swap3A_33 {strides = array<i32>} : memref<1x2x512xf32, #tpu.memory_space<vmem>>, vector<1x1x512xf32>,
    return
  }
  func.func @transform_0(%arg0: i32) -> (i32, i32) {
    %c0_i32 = arith.constant 0 : i32
    %c0_i32_0 = arith.constant 0 : i32
    return %arg0, %c0_i32 : i32, i32
  }
  func.func @transform_1(%arg0: i32) -> (i32, i32) {
    %c0_i32 = arith.constant 0 : i32
    %c0_i32_0 = arith.constant 0 : i32
    %c0_i32_1 = arith.constant 0 : i32
    return %c0_i32, %c0_i32_0 : i32, i32
  }
  func.func @transform_2(%arg0: i32) -> (i32, i32) {
    %c0_i32 = arith.constant 0 : i32
    %c0_i32_0 = arith.constant 0 : i32
    %c0_i32_1 = arith.constant 0 : i32
    return %c0_i32, %c0_i32_0 : i32, i32
  }
  func.func @transform_3(%arg0: i32) -> (i32, i32) {
    %c0_i32 = arith.constant 0 : i32
    %c0_i32_0 = arith.constant 0 : i32
    %c0_i32_1 = arith.constant 0 : i32
    return %c0_i32, %c0_i32_0 : i32, i32
  }
  func.func @transform_4(%arg0: i32) -> (i32, i32) {
    %c0_i32 = arith.constant 0 : i32
    %c0_i32_0 = arith.constant 0 : i32
    return %arg0, %c0_i32 : i32, i32
  }
  func.func @transform_5(%arg0: i32) -> (i32, i32, i32) {
    %c0_i32 = arith.constant 0 : i32
    %c0_i32_0 = arith.constant 0 : i32
    %c0_i32_1 = arith.constant 0 : i32
    return %arg0, %c0_i32, %c0_i32_0 : i32, i32, i32
  }
}

module attributes {stable_mosaic.version = 14 : i64} {
  func.func @_layer_body(%arg0: i32, %arg1: memref<2048x512xf32, #tpu.memory_space<vmem>>, %arg2: memref<1x512xf32, #tpu.memory_space<vmem>>, %arg3: memref<1x512xf32, #tpu.memory_space<vmem>>, %arg4: memref<512x1024xf32, #tpu.memory_space<vmem>>, %arg5: memref<2048x1024xf32, #tpu.memory_space<vmem>>, %arg6: memref<1x2x1024xf32, #tpu.memory_space<vmem>>) attributes {dimension_semantics = [#tpu.dimension_semantics<arbitrary>], iteration_bounds = array<i64: 1>, scalar_prefetch = 0 : i64, scratch_operands = 0 : i64, tpu.core_type = #tpu.core_type<tc>, window_params = [{transform_indices = @transform_0, window_bounds = array<i64: 2048, 512>}, {pipeline_mode = #tpu.pipeline_mode<synchronous>, transform_indices = @transform_1, window_bounds = array<i64: 1, 512>}, {pipeline_mode = #tpu.pipeline_mode<synchronous>, transform_indices = @transform_2, window_bounds = array<i64: 1, 512>}, {pipeline_mode = #tpu.pipeline_mode<synchronous>, transform_indices = @transform_3, window_bounds = array<i64: 512, 1024>}, {transform_indices = @transform_4, window_bounds = array<i64: 2048, 1024>}, {transform_indices = @transform_5, window_bounds = array<i64: 1, 2, 1024>}]} {
    %get3A = arith.constant 0 : index
    %get3A_0 = arith.constant 0 : index
    %get3A_1 = vector.load %arg1[%get3A, %get3A_0] : memref<2048x512xf32, #tpu.memory_space<vmem>>, vector<2048x512xf32>
    %get3A_2 = arith.constant 0 : index
    %get3A_3 = arith.constant 0 : index
    %get3A_4 = vector.load %arg2[%get3A_2, %get3A_3] : memref<1x512xf32, #tpu.memory_space<vmem>>, vector<1x512xf32>
    %mul3A = vector.broadcast %get3A_4 : vector<1x512xf32> to vector<2048x512xf32>
    %mul3A_5 = arith.mulf %get3A_1, %mul3A : vector<2048x512xf32>
    %get3A_6 = arith.constant 0 : index
    %get3A_7 = arith.constant 0 : index
    %get3A_8 = vector.load %arg3[%get3A_6, %get3A_7] : memref<1x512xf32, #tpu.memory_space<vmem>>, vector<1x512xf32>
    %add3A = vector.broadcast %get3A_8 : vector<1x512xf32> to vector<2048x512xf32>
    %add3A_9 = arith.addf %mul3A_5, %add3A : vector<2048x512xf32>
    %max3A = arith.constant 0.000000e+00 : f32
    %max3A_10 = vector.broadcast %max3A : f32 to vector<2048x512xf32>
    %max3A_11 = arith.maximumf %add3A_9, %max3A_10 : vector<2048x512xf32>
    %get3A_12 = arith.constant 0 : index
    %get3A_13 = arith.constant 0 : index
    %get3A_14 = vector.load %arg4[%get3A_12, %get3A_13] : memref<512x1024xf32, #tpu.memory_space<vmem>>, vector<512x1024xf32>
    %dot_general3A = arith.constant dense<0.000000e+00> : vector<2048x1024xf32>
    %dot_general3A_15 = tpu.matmul %max3A_11, %get3A_14, %dot_general3A {dimension_numbers = #tpu.dot_dimension_numbers<[1], [0], [0], [1], [0, 0, 1, 1], [], []>, transpose_lhs_hint = false} : vector<2048x512xf32>, vector<512x1024xf32>, vector<2048x1024xf32> -> vector<2048x1024xf32>
    %swap3A = arith.constant 0 : index
    %swap3A_16 = arith.constant 0 : index
    %swap3A_17 = vector.load %arg5[%swap3A, %swap3A_16] : memref<2048x1024xf32, #tpu.memory_space<vmem>>, vector<2048x1024xf32>
    tpu.vector_store %arg5[%swap3A, %swap3A_16], %dot_general3A_15 {strides = array<i32>} : memref<2048x1024xf32, #tpu.memory_space<vmem>>, vector<2048x1024xf32>,
    %reduce_sum3A = arith.constant dense<0.000000e+00> : vector<1024xf32>
    %reduce_sum3A_18 = vector.multi_reduction <add>, %dot_general3A_15, %reduce_sum3A [0] : vector<2048x1024xf32> to vector<1024xf32>
    %swap3A_19 = arith.constant 0 : index
    %swap3A_20 = arith.constant 0 : index
    %swap3A_21 = arith.constant 0 : index
    %swap3A_22 = vector.load %arg6[%swap3A_19, %swap3A_20, %swap3A_21] : memref<1x2x1024xf32, #tpu.memory_space<vmem>>, vector<1x1x1024xf32>
    %swap3A_23 = vector.shape_cast %swap3A_22 : vector<1x1x1024xf32> to vector<1024xf32>
    %swap3A_24 = vector.shape_cast %reduce_sum3A_18 : vector<1024xf32> to vector<1x1x1024xf32>
    tpu.vector_store %arg6[%swap3A_19, %swap3A_20, %swap3A_21], %swap3A_24 {strides = array<i32>} : memref<1x2x1024xf32, #tpu.memory_space<vmem>>, vector<1x1x1024xf32>,
    %mul3A_25 = arith.mulf %dot_general3A_15, %dot_general3A_15 : vector<2048x1024xf32>
    %reduce_sum3A_26 = arith.constant dense<0.000000e+00> : vector<1024xf32>
    %reduce_sum3A_27 = vector.multi_reduction <add>, %mul3A_25, %reduce_sum3A_26 [0] : vector<2048x1024xf32> to vector<1024xf32>
    %swap3A_28 = arith.constant 0 : index
    %swap3A_29 = arith.constant 1 : index
    %swap3A_30 = arith.constant 0 : index
    %swap3A_31 = vector.load %arg6[%swap3A_28, %swap3A_29, %swap3A_30] : memref<1x2x1024xf32, #tpu.memory_space<vmem>>, vector<1x1x1024xf32>
    %swap3A_32 = vector.shape_cast %swap3A_31 : vector<1x1x1024xf32> to vector<1024xf32>
    %swap3A_33 = vector.shape_cast %reduce_sum3A_27 : vector<1024xf32> to vector<1x1x1024xf32>
    tpu.vector_store %arg6[%swap3A_28, %swap3A_29, %swap3A_30], %swap3A_33 {strides = array<i32>} : memref<1x2x1024xf32, #tpu.memory_space<vmem>>, vector<1x1x1024xf32>,
    return
  }
  func.func @transform_0(%arg0: i32) -> (i32, i32) {
    %c0_i32 = arith.constant 0 : i32
    %c0_i32_0 = arith.constant 0 : i32
    return %arg0, %c0_i32 : i32, i32
  }
  func.func @transform_1(%arg0: i32) -> (i32, i32) {
    %c0_i32 = arith.constant 0 : i32
    %c0_i32_0 = arith.constant 0 : i32
    %c0_i32_1 = arith.constant 0 : i32
    return %c0_i32, %c0_i32_0 : i32, i32
  }
  func.func @transform_2(%arg0: i32) -> (i32, i32) {
    %c0_i32 = arith.constant 0 : i32
    %c0_i32_0 = arith.constant 0 : i32
    %c0_i32_1 = arith.constant 0 : i32
    return %c0_i32, %c0_i32_0 : i32, i32
  }
  func.func @transform_3(%arg0: i32) -> (i32, i32) {
    %c0_i32 = arith.constant 0 : i32
    %c0_i32_0 = arith.constant 0 : i32
    %c0_i32_1 = arith.constant 0 : i32
    return %c0_i32, %c0_i32_0 : i32, i32
  }
  func.func @transform_4(%arg0: i32) -> (i32, i32) {
    %c0_i32 = arith.constant 0 : i32
    %c0_i32_0 = arith.constant 0 : i32
    return %arg0, %c0_i32 : i32, i32
  }
  func.func @transform_5(%arg0: i32) -> (i32, i32, i32) {
    %c0_i32 = arith.constant 0 : i32
    %c0_i32_0 = arith.constant 0 : i32
    %c0_i32_1 = arith.constant 0 : i32
    return %arg0, %c0_i32, %c0_i32_0 : i32, i32, i32
  }
}

module attributes {stable_mosaic.version = 14 : i64} {
  func.func @_maxpool_body(%arg0: i32, %arg1: memref<16x128x1024xf32, #tpu.memory_space<vmem>>, %arg2: memref<1x1024xf32, #tpu.memory_space<vmem>>, %arg3: memref<1x1024xf32, #tpu.memory_space<vmem>>, %arg4: memref<16x1024xf32, #tpu.memory_space<vmem>>) attributes {dimension_semantics = [#tpu.dimension_semantics<arbitrary>], iteration_bounds = array<i64: 1>, scalar_prefetch = 0 : i64, scratch_operands = 0 : i64, tpu.core_type = #tpu.core_type<tc>, window_params = [{transform_indices = @transform_0, window_bounds = array<i64: 16, 128, 1024>}, {pipeline_mode = #tpu.pipeline_mode<synchronous>, transform_indices = @transform_1, window_bounds = array<i64: 1, 1024>}, {pipeline_mode = #tpu.pipeline_mode<synchronous>, transform_indices = @transform_2, window_bounds = array<i64: 1, 1024>}, {transform_indices = @transform_3, window_bounds = array<i64: 16, 1024>}]} {
    %get3A = arith.constant 0 : index
    %get3A_0 = arith.constant 0 : index
    %get3A_1 = vector.load %arg2[%get3A, %get3A_0] : memref<1x1024xf32, #tpu.memory_space<vmem>>, vector<1x1024xf32>
    %get3A_2 = arith.constant 0 : index
    %get3A_3 = arith.constant 0 : index
    %get3A_4 = vector.load %arg3[%get3A_2, %get3A_3] : memref<1x1024xf32, #tpu.memory_space<vmem>>, vector<1x1024xf32>
    %get3A_5 = arith.constant 0 : index
    %get3A_6 = arith.constant 0 : index
    %get3A_7 = arith.constant 0 : index
    %get3A_8 = vector.load %arg1[%get3A_5, %get3A_6, %get3A_7] : memref<16x128x1024xf32, #tpu.memory_space<vmem>>, vector<16x1x1024xf32>
    %get3A_9 = vector.shape_cast %get3A_8 : vector<16x1x1024xf32> to vector<16x1024xf32>
    %mul3A = vector.broadcast %get3A_1 : vector<1x1024xf32> to vector<16x1024xf32>
    %mul3A_10 = arith.mulf %get3A_9, %mul3A : vector<16x1024xf32>
    %add3A = vector.broadcast %get3A_4 : vector<1x1024xf32> to vector<16x1024xf32>
    %add3A_11 = arith.addf %mul3A_10, %add3A : vector<16x1024xf32>
    %max3A = arith.constant 0.000000e+00 : f32
    %max3A_12 = vector.broadcast %max3A : f32 to vector<16x1024xf32>
    %max3A_13 = arith.maximumf %add3A_11, %max3A_12 : vector<16x1024xf32>
    %get3A_14 = arith.constant 0 : index
    %get3A_15 = arith.constant 1 : index
    %get3A_16 = arith.constant 0 : index
    %get3A_17 = vector.load %arg1[%get3A_14, %get3A_15, %get3A_16] : memref<16x128x1024xf32, #tpu.memory_space<vmem>>, vector<16x1x1024xf32>
    %get3A_18 = vector.shape_cast %get3A_17 : vector<16x1x1024xf32> to vector<16x1024xf32>
    %mul3A_19 = vector.broadcast %get3A_1 : vector<1x1024xf32> to vector<16x1024xf32>
    %mul3A_20 = arith.mulf %get3A_18, %mul3A_19 : vector<16x1024xf32>
    %add3A_21 = vector.broadcast %get3A_4 : vector<1x1024xf32> to vector<16x1024xf32>
    %add3A_22 = arith.addf %mul3A_20, %add3A_21 : vector<16x1024xf32>
    %max3A_23 = arith.constant 0.000000e+00 : f32
    %max3A_24 = vector.broadcast %max3A_23 : f32 to vector<16x1024xf32>
    %max3A_25 = arith.maximumf %add3A_22, %max3A_24 : vector<16x1024xf32>
    %max3A_26 = arith.maximumf %max3A_13, %max3A_25 : vector<16x1024xf32>
    %get3A_27 = arith.constant 0 : index
    %get3A_28 = arith.constant 2 : index
    %get3A_29 = arith.constant 0 : index
    %get3A_30 = vector.load %arg1[%get3A_27, %get3A_28, %get3A_29] : memref<16x128x1024xf32, #tpu.memory_space<vmem>>, vector<16x1x1024xf32>
    %get3A_31 = vector.shape_cast %get3A_30 : vector<16x1x1024xf32> to vector<16x1024xf32>
    %mul3A_32 = vector.broadcast %get3A_1 : vector<1x1024xf32> to vector<16x1024xf32>
    %mul3A_33 = arith.mulf %get3A_31, %mul3A_32 : vector<16x1024xf32>
    %add3A_34 = vector.broadcast %get3A_4 : vector<1x1024xf32> to vector<16x1024xf32>
    %add3A_35 = arith.addf %mul3A_33, %add3A_34 : vector<16x1024xf32>
    %max3A_36 = arith.constant 0.000000e+00 : f32
    %max3A_37 = vector.broadcast %max3A_36 : f32 to vector<16x1024xf32>
    %max3A_38 = arith.maximumf %add3A_35, %max3A_37 : vector<16x1024xf32>
    %max3A_39 = arith.maximumf %max3A_26, %max3A_38 : vector<16x1024xf32>
    %get3A_40 = arith.constant 0 : index
    %get3A_41 = arith.constant 3 : index
    %get3A_42 = arith.constant 0 : index
    %get3A_43 = vector.load %arg1[%get3A_40, %get3A_41, %get3A_42] : memref<16x128x1024xf32, #tpu.memory_space<vmem>>, vector<16x1x1024xf32>
    %get3A_44 = vector.shape_cast %get3A_43 : vector<16x1x1024xf32> to vector<16x1024xf32>
    %mul3A_45 = vector.broadcast %get3A_1 : vector<1x1024xf32> to vector<16x1024xf32>
    %mul3A_46 = arith.mulf %get3A_44, %mul3A_45 : vector<16x1024xf32>
    %add3A_47 = vector.broadcast %get3A_4 : vector<1x1024xf32> to vector<16x1024xf32>
    %add3A_48 = arith.addf %mul3A_46, %add3A_47 : vector<16x1024xf32>
    %max3A_49 = arith.constant 0.000000e+00 : f32
    %max3A_50 = vector.broadcast %max3A_49 : f32 to vector<16x1024xf32>
    %max3A_51 = arith.maximumf %add3A_48, %max3A_50 : vector<16x1024xf32>
    %max3A_52 = arith.maximumf %max3A_39, %max3A_51 : vector<16x1024xf32>
    %get3A_53 = arith.constant 0 : index
    %get3A_54 = arith.constant 4 : index
    %get3A_55 = arith.constant 0 : index
    %get3A_56 = vector.load %arg1[%get3A_53, %get3A_54, %get3A_55] : memref<16x128x1024xf32, #tpu.memory_space<vmem>>, vector<16x1x1024xf32>
    %get3A_57 = vector.shape_cast %get3A_56 : vector<16x1x1024xf32> to vector<16x1024xf32>
    %mul3A_58 = vector.broadcast %get3A_1 : vector<1x1024xf32> to vector<16x1024xf32>
    %mul3A_59 = arith.mulf %get3A_57, %mul3A_58 : vector<16x1024xf32>
    %add3A_60 = vector.broadcast %get3A_4 : vector<1x1024xf32> to vector<16x1024xf32>
    %add3A_61 = arith.addf %mul3A_59, %add3A_60 : vector<16x1024xf32>
    %max3A_62 = arith.constant 0.000000e+00 : f32
    %max3A_63 = vector.broadcast %max3A_62 : f32 to vector<16x1024xf32>
    %max3A_64 = arith.maximumf %add3A_61, %max3A_63 : vector<16x1024xf32>
    %max3A_65 = arith.maximumf %max3A_52, %max3A_64 : vector<16x1024xf32>
    %get3A_66 = arith.constant 0 : index
    %get3A_67 = arith.constant 5 : index
    %get3A_68 = arith.constant 0 : index
    %get3A_69 = vector.load %arg1[%get3A_66, %get3A_67, %get3A_68] : memref<16x128x1024xf32, #tpu.memory_space<vmem>>, vector<16x1x1024xf32>
    %get3A_70 = vector.shape_cast %get3A_69 : vector<16x1x1024xf32> to vector<16x1024xf32>
    %mul3A_71 = vector.broadcast %get3A_1 : vector<1x1024xf32> to vector<16x1024xf32>
    %mul3A_72 = arith.mulf %get3A_70, %mul3A_71 : vector<16x1024xf32>
    %add3A_73 = vector.broadcast %get3A_4 : vector<1x1024xf32> to vector<16x1024xf32>
    %add3A_74 = arith.addf %mul3A_72, %add3A_73 : vector<16x1024xf32>
    %max3A_75 = arith.constant 0.000000e+00 : f32
    %max3A_76 = vector.broadcast %max3A_75 : f32 to vector<16x1024xf32>
    %max3A_77 = arith.maximumf %add3A_74, %max3A_76 : vector<16x1024xf32>
    %max3A_78 = arith.maximumf %max3A_65, %max3A_77 : vector<16x1024xf32>
    %get3A_79 = arith.constant 0 : index
    %get3A_80 = arith.constant 6 : index
    %get3A_81 = arith.constant 0 : index
    %get3A_82 = vector.load %arg1[%get3A_79, %get3A_80, %get3A_81] : memref<16x128x1024xf32, #tpu.memory_space<vmem>>, vector<16x1x1024xf32>
    %get3A_83 = vector.shape_cast %get3A_82 : vector<16x1x1024xf32> to vector<16x1024xf32>
    %mul3A_84 = vector.broadcast %get3A_1 : vector<1x1024xf32> to vector<16x1024xf32>
    %mul3A_85 = arith.mulf %get3A_83, %mul3A_84 : vector<16x1024xf32>
    %add3A_86 = vector.broadcast %get3A_4 : vector<1x1024xf32> to vector<16x1024xf32>
    %add3A_87 = arith.addf %mul3A_85, %add3A_86 : vector<16x1024xf32>
    %max3A_88 = arith.constant 0.000000e+00 : f32
    %max3A_89 = vector.broadcast %max3A_88 : f32 to vector<16x1024xf32>
    %max3A_90 = arith.maximumf %add3A_87, %max3A_89 : vector<16x1024xf32>
    %max3A_91 = arith.maximumf %max3A_78, %max3A_90 : vector<16x1024xf32>
    %get3A_92 = arith.constant 0 : index
    %get3A_93 = arith.constant 7 : index
    %get3A_94 = arith.constant 0 : index
    %get3A_95 = vector.load %arg1[%get3A_92, %get3A_93, %get3A_94] : memref<16x128x1024xf32, #tpu.memory_space<vmem>>, vector<16x1x1024xf32>
    %get3A_96 = vector.shape_cast %get3A_95 : vector<16x1x1024xf32> to vector<16x1024xf32>
    %mul3A_97 = vector.broadcast %get3A_1 : vector<1x1024xf32> to vector<16x1024xf32>
    %mul3A_98 = arith.mulf %get3A_96, %mul3A_97 : vector<16x1024xf32>
    %add3A_99 = vector.broadcast %get3A_4 : vector<1x1024xf32> to vector<16x1024xf32>
    %add3A_100 = arith.addf %mul3A_98, %add3A_99 : vector<16x1024xf32>
    %max3A_101 = arith.constant 0.000000e+00 : f32
    %max3A_102 = vector.broadcast %max3A_101 : f32 to vector<16x1024xf32>
    %max3A_103 = arith.maximumf %add3A_100, %max3A_102 : vector<16x1024xf32>
    %max3A_104 = arith.maximumf %max3A_91, %max3A_103 : vector<16x1024xf32>
    %get3A_105 = arith.constant 0 : index
    %get3A_106 = arith.constant 8 : index
    %get3A_107 = arith.constant 0 : index
    %get3A_108 = vector.load %arg1[%get3A_105, %get3A_106, %get3A_107] : memref<16x128x1024xf32, #tpu.memory_space<vmem>>, vector<16x1x1024xf32>
    %get3A_109 = vector.shape_cast %get3A_108 : vector<16x1x1024xf32> to vector<16x1024xf32>
    %mul3A_110 = vector.broadcast %get3A_1 : vector<1x1024xf32> to vector<16x1024xf32>
    %mul3A_111 = arith.mulf %get3A_109, %mul3A_110 : vector<16x1024xf32>
    %add3A_112 = vector.broadcast %get3A_4 : vector<1x1024xf32> to vector<16x1024xf32>
    %add3A_113 = arith.addf %mul3A_111, %add3A_112 : vector<16x1024xf32>
    %max3A_114 = arith.constant 0.000000e+00 : f32
    %max3A_115 = vector.broadcast %max3A_114 : f32 to vector<16x1024xf32>
    %max3A_116 = arith.maximumf %add3A_113, %max3A_115 : vector<16x1024xf32>
    %max3A_117 = arith.maximumf %max3A_104, %max3A_116 : vector<16x1024xf32>
    %get3A_118 = arith.constant 0 : index
    %get3A_119 = arith.constant 9 : index
    %get3A_120 = arith.constant 0 : index
    %get3A_121 = vector.load %arg1[%get3A_118, %get3A_119, %get3A_120] : memref<16x128x1024xf32, #tpu.memory_space<vmem>>, vector<16x1x1024xf32>
    %get3A_122 = vector.shape_cast %get3A_121 : vector<16x1x1024xf32> to vector<16x1024xf32>
    %mul3A_123 = vector.broadcast %get3A_1 : vector<1x1024xf32> to vector<16x1024xf32>
    %mul3A_124 = arith.mulf %get3A_122, %mul3A_123 : vector<16x1024xf32>
    %add3A_125 = vector.broadcast %get3A_4 : vector<1x1024xf32> to vector<16x1024xf32>
    %add3A_126 = arith.addf %mul3A_124, %add3A_125 : vector<16x1024xf32>
    %max3A_127 = arith.constant 0.000000e+00 : f32
    %max3A_128 = vector.broadcast %max3A_127 : f32 to vector<16x1024xf32>
    %max3A_129 = arith.maximumf %add3A_126, %max3A_128 : vector<16x1024xf32>
    %max3A_130 = arith.maximumf %max3A_117, %max3A_129 : vector<16x1024xf32>
    %get3A_131 = arith.constant 0 : index
    %get3A_132 = arith.constant 10 : index
    %get3A_133 = arith.constant 0 : index
    %get3A_134 = vector.load %arg1[%get3A_131, %get3A_132, %get3A_133] : memref<16x128x1024xf32, #tpu.memory_space<vmem>>, vector<16x1x1024xf32>
    %get3A_135 = vector.shape_cast %get3A_134 : vector<16x1x1024xf32> to vector<16x1024xf32>
    %mul3A_136 = vector.broadcast %get3A_1 : vector<1x1024xf32> to vector<16x1024xf32>
    %mul3A_137 = arith.mulf %get3A_135, %mul3A_136 : vector<16x1024xf32>
    %add3A_138 = vector.broadcast %get3A_4 : vector<1x1024xf32> to vector<16x1024xf32>
    %add3A_139 = arith.addf %mul3A_137, %add3A_138 : vector<16x1024xf32>
    %max3A_140 = arith.constant 0.000000e+00 : f32
    %max3A_141 = vector.broadcast %max3A_140 : f32 to vector<16x1024xf32>
    %max3A_142 = arith.maximumf %add3A_139, %max3A_141 : vector<16x1024xf32>
    %max3A_143 = arith.maximumf %max3A_130, %max3A_142 : vector<16x1024xf32>
    %get3A_144 = arith.constant 0 : index
    %get3A_145 = arith.constant 11 : index
    %get3A_146 = arith.constant 0 : index
    %get3A_147 = vector.load %arg1[%get3A_144, %get3A_145, %get3A_146] : memref<16x128x1024xf32, #tpu.memory_space<vmem>>, vector<16x1x1024xf32>
    %get3A_148 = vector.shape_cast %get3A_147 : vector<16x1x1024xf32> to vector<16x1024xf32>
    %mul3A_149 = vector.broadcast %get3A_1 : vector<1x1024xf32> to vector<16x1024xf32>
    %mul3A_150 = arith.mulf %get3A_148, %mul3A_149 : vector<16x1024xf32>
    %add3A_151 = vector.broadcast %get3A_4 : vector<1x1024xf32> to vector<16x1024xf32>
    %add3A_152 = arith.addf %mul3A_150, %add3A_151 : vector<16x1024xf32>
    %max3A_153 = arith.constant 0.000000e+00 : f32
    %max3A_154 = vector.broadcast %max3A_153 : f32 to vector<16x1024xf32>
    %max3A_155 = arith.maximumf %add3A_152, %max3A_154 : vector<16x1024xf32>
    %max3A_156 = arith.maximumf %max3A_143, %max3A_155 : vector<16x1024xf32>
    %get3A_157 = arith.constant 0 : index
    %get3A_158 = arith.constant 12 : index
    %get3A_159 = arith.constant 0 : index
    %get3A_160 = vector.load %arg1[%get3A_157, %get3A_158, %get3A_159] : memref<16x128x1024xf32, #tpu.memory_space<vmem>>, vector<16x1x1024xf32>
    %get3A_161 = vector.shape_cast %get3A_160 : vector<16x1x1024xf32> to vector<16x1024xf32>
    %mul3A_162 = vector.broadcast %get3A_1 : vector<1x1024xf32> to vector<16x1024xf32>
    %mul3A_163 = arith.mulf %get3A_161, %mul3A_162 : vector<16x1024xf32>
    %add3A_164 = vector.broadcast %get3A_4 : vector<1x1024xf32> to vector<16x1024xf32>
    %add3A_165 = arith.addf %mul3A_163, %add3A_164 : vector<16x1024xf32>
    %max3A_166 = arith.constant 0.000000e+00 : f32
    %max3A_167 = vector.broadcast %max3A_166 : f32 to vector<16x1024xf32>
    %max3A_168 = arith.maximumf %add3A_165, %max3A_167 : vector<16x1024xf32>
    %max3A_169 = arith.maximumf %max3A_156, %max3A_168 : vector<16x1024xf32>
    %get3A_170 = arith.constant 0 : index
    %get3A_171 = arith.constant 13 : index
    %get3A_172 = arith.constant 0 : index
    %get3A_173 = vector.load %arg1[%get3A_170, %get3A_171, %get3A_172] : memref<16x128x1024xf32, #tpu.memory_space<vmem>>, vector<16x1x1024xf32>
    %get3A_174 = vector.shape_cast %get3A_173 : vector<16x1x1024xf32> to vector<16x1024xf32>
    %mul3A_175 = vector.broadcast %get3A_1 : vector<1x1024xf32> to vector<16x1024xf32>
    %mul3A_176 = arith.mulf %get3A_174, %mul3A_175 : vector<16x1024xf32>
    %add3A_177 = vector.broadcast %get3A_4 : vector<1x1024xf32> to vector<16x1024xf32>
    %add3A_178 = arith.addf %mul3A_176, %add3A_177 : vector<16x1024xf32>
    %max3A_179 = arith.constant 0.000000e+00 : f32
    %max3A_180 = vector.broadcast %max3A_179 : f32 to vector<16x1024xf32>
    %max3A_181 = arith.maximumf %add3A_178, %max3A_180 : vector<16x1024xf32>
    %max3A_182 = arith.maximumf %max3A_169, %max3A_181 : vector<16x1024xf32>
    %get3A_183 = arith.constant 0 : index
    %get3A_184 = arith.constant 14 : index
    %get3A_185 = arith.constant 0 : index
    %get3A_186 = vector.load %arg1[%get3A_183, %get3A_184, %get3A_185] : memref<16x128x1024xf32, #tpu.memory_space<vmem>>, vector<16x1x1024xf32>
    %get3A_187 = vector.shape_cast %get3A_186 : vector<16x1x1024xf32> to vector<16x1024xf32>
    %mul3A_188 = vector.broadcast %get3A_1 : vector<1x1024xf32> to vector<16x1024xf32>
    %mul3A_189 = arith.mulf %get3A_187, %mul3A_188 : vector<16x1024xf32>
    %add3A_190 = vector.broadcast %get3A_4 : vector<1x1024xf32> to vector<16x1024xf32>
    %add3A_191 = arith.addf %mul3A_189, %add3A_190 : vector<16x1024xf32>
    %max3A_192 = arith.constant 0.000000e+00 : f32
    %max3A_193 = vector.broadcast %max3A_192 : f32 to vector<16x1024xf32>
    %max3A_194 = arith.maximumf %add3A_191, %max3A_193 : vector<16x1024xf32>
    %max3A_195 = arith.maximumf %max3A_182, %max3A_194 : vector<16x1024xf32>
    %get3A_196 = arith.constant 0 : index
    %get3A_197 = arith.constant 15 : index
    %get3A_198 = arith.constant 0 : index
    %get3A_199 = vector.load %arg1[%get3A_196, %get3A_197, %get3A_198] : memref<16x128x1024xf32, #tpu.memory_space<vmem>>, vector<16x1x1024xf32>
    %get3A_200 = vector.shape_cast %get3A_199 : vector<16x1x1024xf32> to vector<16x1024xf32>
    %mul3A_201 = vector.broadcast %get3A_1 : vector<1x1024xf32> to vector<16x1024xf32>
    %mul3A_202 = arith.mulf %get3A_200, %mul3A_201 : vector<16x1024xf32>
    %add3A_203 = vector.broadcast %get3A_4 : vector<1x1024xf32> to vector<16x1024xf32>
    %add3A_204 = arith.addf %mul3A_202, %add3A_203 : vector<16x1024xf32>
    %max3A_205 = arith.constant 0.000000e+00 : f32
    %max3A_206 = vector.broadcast %max3A_205 : f32 to vector<16x1024xf32>
    %max3A_207 = arith.maximumf %add3A_204, %max3A_206 : vector<16x1024xf32>
    %max3A_208 = arith.maximumf %max3A_195, %max3A_207 : vector<16x1024xf32>
    %get3A_209 = arith.constant 0 : index
    %get3A_210 = arith.constant 16 : index
    %get3A_211 = arith.constant 0 : index
    %get3A_212 = vector.load %arg1[%get3A_209, %get3A_210, %get3A_211] : memref<16x128x1024xf32, #tpu.memory_space<vmem>>, vector<16x1x1024xf32>
    %get3A_213 = vector.shape_cast %get3A_212 : vector<16x1x1024xf32> to vector<16x1024xf32>
    %mul3A_214 = vector.broadcast %get3A_1 : vector<1x1024xf32> to vector<16x1024xf32>
    %mul3A_215 = arith.mulf %get3A_213, %mul3A_214 : vector<16x1024xf32>
    %add3A_216 = vector.broadcast %get3A_4 : vector<1x1024xf32> to vector<16x1024xf32>
    %add3A_217 = arith.addf %mul3A_215, %add3A_216 : vector<16x1024xf32>
    %max3A_218 = arith.constant 0.000000e+00 : f32
    %max3A_219 = vector.broadcast %max3A_218 : f32 to vector<16x1024xf32>
    %max3A_220 = arith.maximumf %add3A_217, %max3A_219 : vector<16x1024xf32>
    %max3A_221 = arith.maximumf %max3A_208, %max3A_220 : vector<16x1024xf32>
    %get3A_222 = arith.constant 0 : index
    %get3A_223 = arith.constant 17 : index
    %get3A_224 = arith.constant 0 : index
    %get3A_225 = vector.load %arg1[%get3A_222, %get3A_223, %get3A_224] : memref<16x128x1024xf32, #tpu.memory_space<vmem>>, vector<16x1x1024xf32>
    %get3A_226 = vector.shape_cast %get3A_225 : vector<16x1x1024xf32> to vector<16x1024xf32>
    %mul3A_227 = vector.broadcast %get3A_1 : vector<1x1024xf32> to vector<16x1024xf32>
    %mul3A_228 = arith.mulf %get3A_226, %mul3A_227 : vector<16x1024xf32>
    %add3A_229 = vector.broadcast %get3A_4 : vector<1x1024xf32> to vector<16x1024xf32>
    %add3A_230 = arith.addf %mul3A_228, %add3A_229 : vector<16x1024xf32>
    %max3A_231 = arith.constant 0.000000e+00 : f32
    %max3A_232 = vector.broadcast %max3A_231 : f32 to vector<16x1024xf32>
    %max3A_233 = arith.maximumf %add3A_230, %max3A_232 : vector<16x1024xf32>
    %max3A_234 = arith.maximumf %max3A_221, %max3A_233 : vector<16x1024xf32>
    %get3A_235 = arith.constant 0 : index
    %get3A_236 = arith.constant 18 : index
    %get3A_237 = arith.constant 0 : index
    %get3A_238 = vector.load %arg1[%get3A_235, %get3A_236, %get3A_237] : memref<16x128x1024xf32, #tpu.memory_space<vmem>>, vector<16x1x1024xf32>
    %get3A_239 = vector.shape_cast %get3A_238 : vector<16x1x1024xf32> to vector<16x1024xf32>
    %mul3A_240 = vector.broadcast %get3A_1 : vector<1x1024xf32> to vector<16x1024xf32>
    %mul3A_241 = arith.mulf %get3A_239, %mul3A_240 : vector<16x1024xf32>
    %add3A_242 = vector.broadcast %get3A_4 : vector<1x1024xf32> to vector<16x1024xf32>
    %add3A_243 = arith.addf %mul3A_241, %add3A_242 : vector<16x1024xf32>
    %max3A_244 = arith.constant 0.000000e+00 : f32
    %max3A_245 = vector.broadcast %max3A_244 : f32 to vector<16x1024xf32>
    %max3A_246 = arith.maximumf %add3A_243, %max3A_245 : vector<16x1024xf32>
    %max3A_247 = arith.maximumf %max3A_234, %max3A_246 : vector<16x1024xf32>
    %get3A_248 = arith.constant 0 : index
    %get3A_249 = arith.constant 19 : index
    %get3A_250 = arith.constant 0 : index
    %get3A_251 = vector.load %arg1[%get3A_248, %get3A_249, %get3A_250] : memref<16x128x1024xf32, #tpu.memory_space<vmem>>, vector<16x1x1024xf32>
    %get3A_252 = vector.shape_cast %get3A_251 : vector<16x1x1024xf32> to vector<16x1024xf32>
    %mul3A_253 = vector.broadcast %get3A_1 : vector<1x1024xf32> to vector<16x1024xf32>
    %mul3A_254 = arith.mulf %get3A_252, %mul3A_253 : vector<16x1024xf32>
    %add3A_255 = vector.broadcast %get3A_4 : vector<1x1024xf32> to vector<16x1024xf32>
    %add3A_256 = arith.addf %mul3A_254, %add3A_255 : vector<16x1024xf32>
    %max3A_257 = arith.constant 0.000000e+00 : f32
    %max3A_258 = vector.broadcast %max3A_257 : f32 to vector<16x1024xf32>
    %max3A_259 = arith.maximumf %add3A_256, %max3A_258 : vector<16x1024xf32>
    %max3A_260 = arith.maximumf %max3A_247, %max3A_259 : vector<16x1024xf32>
    %get3A_261 = arith.constant 0 : index
    %get3A_262 = arith.constant 20 : index
    %get3A_263 = arith.constant 0 : index
    %get3A_264 = vector.load %arg1[%get3A_261, %get3A_262, %get3A_263] : memref<16x128x1024xf32, #tpu.memory_space<vmem>>, vector<16x1x1024xf32>
    %get3A_265 = vector.shape_cast %get3A_264 : vector<16x1x1024xf32> to vector<16x1024xf32>
    %mul3A_266 = vector.broadcast %get3A_1 : vector<1x1024xf32> to vector<16x1024xf32>
    %mul3A_267 = arith.mulf %get3A_265, %mul3A_266 : vector<16x1024xf32>
    %add3A_268 = vector.broadcast %get3A_4 : vector<1x1024xf32> to vector<16x1024xf32>
    %add3A_269 = arith.addf %mul3A_267, %add3A_268 : vector<16x1024xf32>
    %max3A_270 = arith.constant 0.000000e+00 : f32
    %max3A_271 = vector.broadcast %max3A_270 : f32 to vector<16x1024xf32>
    %max3A_272 = arith.maximumf %add3A_269, %max3A_271 : vector<16x1024xf32>
    %max3A_273 = arith.maximumf %max3A_260, %max3A_272 : vector<16x1024xf32>
    %get3A_274 = arith.constant 0 : index
    %get3A_275 = arith.constant 21 : index
    %get3A_276 = arith.constant 0 : index
    %get3A_277 = vector.load %arg1[%get3A_274, %get3A_275, %get3A_276] : memref<16x128x1024xf32, #tpu.memory_space<vmem>>, vector<16x1x1024xf32>
    %get3A_278 = vector.shape_cast %get3A_277 : vector<16x1x1024xf32> to vector<16x1024xf32>
    %mul3A_279 = vector.broadcast %get3A_1 : vector<1x1024xf32> to vector<16x1024xf32>
    %mul3A_280 = arith.mulf %get3A_278, %mul3A_279 : vector<16x1024xf32>
    %add3A_281 = vector.broadcast %get3A_4 : vector<1x1024xf32> to vector<16x1024xf32>
    %add3A_282 = arith.addf %mul3A_280, %add3A_281 : vector<16x1024xf32>
    %max3A_283 = arith.constant 0.000000e+00 : f32
    %max3A_284 = vector.broadcast %max3A_283 : f32 to vector<16x1024xf32>
    %max3A_285 = arith.maximumf %add3A_282, %max3A_284 : vector<16x1024xf32>
    %max3A_286 = arith.maximumf %max3A_273, %max3A_285 : vector<16x1024xf32>
    %get3A_287 = arith.constant 0 : index
    %get3A_288 = arith.constant 22 : index
    %get3A_289 = arith.constant 0 : index
    %get3A_290 = vector.load %arg1[%get3A_287, %get3A_288, %get3A_289] : memref<16x128x1024xf32, #tpu.memory_space<vmem>>, vector<16x1x1024xf32>
    %get3A_291 = vector.shape_cast %get3A_290 : vector<16x1x1024xf32> to vector<16x1024xf32>
    %mul3A_292 = vector.broadcast %get3A_1 : vector<1x1024xf32> to vector<16x1024xf32>
    %mul3A_293 = arith.mulf %get3A_291, %mul3A_292 : vector<16x1024xf32>
    %add3A_294 = vector.broadcast %get3A_4 : vector<1x1024xf32> to vector<16x1024xf32>
    %add3A_295 = arith.addf %mul3A_293, %add3A_294 : vector<16x1024xf32>
    %max3A_296 = arith.constant 0.000000e+00 : f32
    %max3A_297 = vector.broadcast %max3A_296 : f32 to vector<16x1024xf32>
    %max3A_298 = arith.maximumf %add3A_295, %max3A_297 : vector<16x1024xf32>
    %max3A_299 = arith.maximumf %max3A_286, %max3A_298 : vector<16x1024xf32>
    %get3A_300 = arith.constant 0 : index
    %get3A_301 = arith.constant 23 : index
    %get3A_302 = arith.constant 0 : index
    %get3A_303 = vector.load %arg1[%get3A_300, %get3A_301, %get3A_302] : memref<16x128x1024xf32, #tpu.memory_space<vmem>>, vector<16x1x1024xf32>
    %get3A_304 = vector.shape_cast %get3A_303 : vector<16x1x1024xf32> to vector<16x1024xf32>
    %mul3A_305 = vector.broadcast %get3A_1 : vector<1x1024xf32> to vector<16x1024xf32>
    %mul3A_306 = arith.mulf %get3A_304, %mul3A_305 : vector<16x1024xf32>
    %add3A_307 = vector.broadcast %get3A_4 : vector<1x1024xf32> to vector<16x1024xf32>
    %add3A_308 = arith.addf %mul3A_306, %add3A_307 : vector<16x1024xf32>
    %max3A_309 = arith.constant 0.000000e+00 : f32
    %max3A_310 = vector.broadcast %max3A_309 : f32 to vector<16x1024xf32>
    %max3A_311 = arith.maximumf %add3A_308, %max3A_310 : vector<16x1024xf32>
    %max3A_312 = arith.maximumf %max3A_299, %max3A_311 : vector<16x1024xf32>
    %get3A_313 = arith.constant 0 : index
    %get3A_314 = arith.constant 24 : index
    %get3A_315 = arith.constant 0 : index
    %get3A_316 = vector.load %arg1[%get3A_313, %get3A_314, %get3A_315] : memref<16x128x1024xf32, #tpu.memory_space<vmem>>, vector<16x1x1024xf32>
    %get3A_317 = vector.shape_cast %get3A_316 : vector<16x1x1024xf32> to vector<16x1024xf32>
    %mul3A_318 = vector.broadcast %get3A_1 : vector<1x1024xf32> to vector<16x1024xf32>
    %mul3A_319 = arith.mulf %get3A_317, %mul3A_318 : vector<16x1024xf32>
    %add3A_320 = vector.broadcast %get3A_4 : vector<1x1024xf32> to vector<16x1024xf32>
    %add3A_321 = arith.addf %mul3A_319, %add3A_320 : vector<16x1024xf32>
    %max3A_322 = arith.constant 0.000000e+00 : f32
    %max3A_323 = vector.broadcast %max3A_322 : f32 to vector<16x1024xf32>
    %max3A_324 = arith.maximumf %add3A_321, %max3A_323 : vector<16x1024xf32>
    %max3A_325 = arith.maximumf %max3A_312, %max3A_324 : vector<16x1024xf32>
    %get3A_326 = arith.constant 0 : index
    %get3A_327 = arith.constant 25 : index
    %get3A_328 = arith.constant 0 : index
    %get3A_329 = vector.load %arg1[%get3A_326, %get3A_327, %get3A_328] : memref<16x128x1024xf32, #tpu.memory_space<vmem>>, vector<16x1x1024xf32>
    %get3A_330 = vector.shape_cast %get3A_329 : vector<16x1x1024xf32> to vector<16x1024xf32>
    %mul3A_331 = vector.broadcast %get3A_1 : vector<1x1024xf32> to vector<16x1024xf32>
    %mul3A_332 = arith.mulf %get3A_330, %mul3A_331 : vector<16x1024xf32>
    %add3A_333 = vector.broadcast %get3A_4 : vector<1x1024xf32> to vector<16x1024xf32>
    %add3A_334 = arith.addf %mul3A_332, %add3A_333 : vector<16x1024xf32>
    %max3A_335 = arith.constant 0.000000e+00 : f32
    %max3A_336 = vector.broadcast %max3A_335 : f32 to vector<16x1024xf32>
    %max3A_337 = arith.maximumf %add3A_334, %max3A_336 : vector<16x1024xf32>
    %max3A_338 = arith.maximumf %max3A_325, %max3A_337 : vector<16x1024xf32>
    %get3A_339 = arith.constant 0 : index
    %get3A_340 = arith.constant 26 : index
    %get3A_341 = arith.constant 0 : index
    %get3A_342 = vector.load %arg1[%get3A_339, %get3A_340, %get3A_341] : memref<16x128x1024xf32, #tpu.memory_space<vmem>>, vector<16x1x1024xf32>
    %get3A_343 = vector.shape_cast %get3A_342 : vector<16x1x1024xf32> to vector<16x1024xf32>
    %mul3A_344 = vector.broadcast %get3A_1 : vector<1x1024xf32> to vector<16x1024xf32>
    %mul3A_345 = arith.mulf %get3A_343, %mul3A_344 : vector<16x1024xf32>
    %add3A_346 = vector.broadcast %get3A_4 : vector<1x1024xf32> to vector<16x1024xf32>
    %add3A_347 = arith.addf %mul3A_345, %add3A_346 : vector<16x1024xf32>
    %max3A_348 = arith.constant 0.000000e+00 : f32
    %max3A_349 = vector.broadcast %max3A_348 : f32 to vector<16x1024xf32>
    %max3A_350 = arith.maximumf %add3A_347, %max3A_349 : vector<16x1024xf32>
    %max3A_351 = arith.maximumf %max3A_338, %max3A_350 : vector<16x1024xf32>
    %get3A_352 = arith.constant 0 : index
    %get3A_353 = arith.constant 27 : index
    %get3A_354 = arith.constant 0 : index
    %get3A_355 = vector.load %arg1[%get3A_352, %get3A_353, %get3A_354] : memref<16x128x1024xf32, #tpu.memory_space<vmem>>, vector<16x1x1024xf32>
    %get3A_356 = vector.shape_cast %get3A_355 : vector<16x1x1024xf32> to vector<16x1024xf32>
    %mul3A_357 = vector.broadcast %get3A_1 : vector<1x1024xf32> to vector<16x1024xf32>
    %mul3A_358 = arith.mulf %get3A_356, %mul3A_357 : vector<16x1024xf32>
    %add3A_359 = vector.broadcast %get3A_4 : vector<1x1024xf32> to vector<16x1024xf32>
    %add3A_360 = arith.addf %mul3A_358, %add3A_359 : vector<16x1024xf32>
    %max3A_361 = arith.constant 0.000000e+00 : f32
    %max3A_362 = vector.broadcast %max3A_361 : f32 to vector<16x1024xf32>
    %max3A_363 = arith.maximumf %add3A_360, %max3A_362 : vector<16x1024xf32>
    %max3A_364 = arith.maximumf %max3A_351, %max3A_363 : vector<16x1024xf32>
    %get3A_365 = arith.constant 0 : index
    %get3A_366 = arith.constant 28 : index
    %get3A_367 = arith.constant 0 : index
    %get3A_368 = vector.load %arg1[%get3A_365, %get3A_366, %get3A_367] : memref<16x128x1024xf32, #tpu.memory_space<vmem>>, vector<16x1x1024xf32>
    %get3A_369 = vector.shape_cast %get3A_368 : vector<16x1x1024xf32> to vector<16x1024xf32>
    %mul3A_370 = vector.broadcast %get3A_1 : vector<1x1024xf32> to vector<16x1024xf32>
    %mul3A_371 = arith.mulf %get3A_369, %mul3A_370 : vector<16x1024xf32>
    %add3A_372 = vector.broadcast %get3A_4 : vector<1x1024xf32> to vector<16x1024xf32>
    %add3A_373 = arith.addf %mul3A_371, %add3A_372 : vector<16x1024xf32>
    %max3A_374 = arith.constant 0.000000e+00 : f32
    %max3A_375 = vector.broadcast %max3A_374 : f32 to vector<16x1024xf32>
    %max3A_376 = arith.maximumf %add3A_373, %max3A_375 : vector<16x1024xf32>
    %max3A_377 = arith.maximumf %max3A_364, %max3A_376 : vector<16x1024xf32>
    %get3A_378 = arith.constant 0 : index
    %get3A_379 = arith.constant 29 : index
    %get3A_380 = arith.constant 0 : index
    %get3A_381 = vector.load %arg1[%get3A_378, %get3A_379, %get3A_380] : memref<16x128x1024xf32, #tpu.memory_space<vmem>>, vector<16x1x1024xf32>
    %get3A_382 = vector.shape_cast %get3A_381 : vector<16x1x1024xf32> to vector<16x1024xf32>
    %mul3A_383 = vector.broadcast %get3A_1 : vector<1x1024xf32> to vector<16x1024xf32>
    %mul3A_384 = arith.mulf %get3A_382, %mul3A_383 : vector<16x1024xf32>
    %add3A_385 = vector.broadcast %get3A_4 : vector<1x1024xf32> to vector<16x1024xf32>
    %add3A_386 = arith.addf %mul3A_384, %add3A_385 : vector<16x1024xf32>
    %max3A_387 = arith.constant 0.000000e+00 : f32
    %max3A_388 = vector.broadcast %max3A_387 : f32 to vector<16x1024xf32>
    %max3A_389 = arith.maximumf %add3A_386, %max3A_388 : vector<16x1024xf32>
    %max3A_390 = arith.maximumf %max3A_377, %max3A_389 : vector<16x1024xf32>
    %get3A_391 = arith.constant 0 : index
    %get3A_392 = arith.constant 30 : index
    %get3A_393 = arith.constant 0 : index
    %get3A_394 = vector.load %arg1[%get3A_391, %get3A_392, %get3A_393] : memref<16x128x1024xf32, #tpu.memory_space<vmem>>, vector<16x1x1024xf32>
    %get3A_395 = vector.shape_cast %get3A_394 : vector<16x1x1024xf32> to vector<16x1024xf32>
    %mul3A_396 = vector.broadcast %get3A_1 : vector<1x1024xf32> to vector<16x1024xf32>
    %mul3A_397 = arith.mulf %get3A_395, %mul3A_396 : vector<16x1024xf32>
    %add3A_398 = vector.broadcast %get3A_4 : vector<1x1024xf32> to vector<16x1024xf32>
    %add3A_399 = arith.addf %mul3A_397, %add3A_398 : vector<16x1024xf32>
    %max3A_400 = arith.constant 0.000000e+00 : f32
    %max3A_401 = vector.broadcast %max3A_400 : f32 to vector<16x1024xf32>
    %max3A_402 = arith.maximumf %add3A_399, %max3A_401 : vector<16x1024xf32>
    %max3A_403 = arith.maximumf %max3A_390, %max3A_402 : vector<16x1024xf32>
    %get3A_404 = arith.constant 0 : index
    %get3A_405 = arith.constant 31 : index
    %get3A_406 = arith.constant 0 : index
    %get3A_407 = vector.load %arg1[%get3A_404, %get3A_405, %get3A_406] : memref<16x128x1024xf32, #tpu.memory_space<vmem>>, vector<16x1x1024xf32>
    %get3A_408 = vector.shape_cast %get3A_407 : vector<16x1x1024xf32> to vector<16x1024xf32>
    %mul3A_409 = vector.broadcast %get3A_1 : vector<1x1024xf32> to vector<16x1024xf32>
    %mul3A_410 = arith.mulf %get3A_408, %mul3A_409 : vector<16x1024xf32>
    %add3A_411 = vector.broadcast %get3A_4 : vector<1x1024xf32> to vector<16x1024xf32>
    %add3A_412 = arith.addf %mul3A_410, %add3A_411 : vector<16x1024xf32>
    %max3A_413 = arith.constant 0.000000e+00 : f32
    %max3A_414 = vector.broadcast %max3A_413 : f32 to vector<16x1024xf32>
    %max3A_415 = arith.maximumf %add3A_412, %max3A_414 : vector<16x1024xf32>
    %max3A_416 = arith.maximumf %max3A_403, %max3A_415 : vector<16x1024xf32>
    %get3A_417 = arith.constant 0 : index
    %get3A_418 = arith.constant 32 : index
    %get3A_419 = arith.constant 0 : index
    %get3A_420 = vector.load %arg1[%get3A_417, %get3A_418, %get3A_419] : memref<16x128x1024xf32, #tpu.memory_space<vmem>>, vector<16x1x1024xf32>
    %get3A_421 = vector.shape_cast %get3A_420 : vector<16x1x1024xf32> to vector<16x1024xf32>
    %mul3A_422 = vector.broadcast %get3A_1 : vector<1x1024xf32> to vector<16x1024xf32>
    %mul3A_423 = arith.mulf %get3A_421, %mul3A_422 : vector<16x1024xf32>
    %add3A_424 = vector.broadcast %get3A_4 : vector<1x1024xf32> to vector<16x1024xf32>
    %add3A_425 = arith.addf %mul3A_423, %add3A_424 : vector<16x1024xf32>
    %max3A_426 = arith.constant 0.000000e+00 : f32
    %max3A_427 = vector.broadcast %max3A_426 : f32 to vector<16x1024xf32>
    %max3A_428 = arith.maximumf %add3A_425, %max3A_427 : vector<16x1024xf32>
    %max3A_429 = arith.maximumf %max3A_416, %max3A_428 : vector<16x1024xf32>
    %get3A_430 = arith.constant 0 : index
    %get3A_431 = arith.constant 33 : index
    %get3A_432 = arith.constant 0 : index
    %get3A_433 = vector.load %arg1[%get3A_430, %get3A_431, %get3A_432] : memref<16x128x1024xf32, #tpu.memory_space<vmem>>, vector<16x1x1024xf32>
    %get3A_434 = vector.shape_cast %get3A_433 : vector<16x1x1024xf32> to vector<16x1024xf32>
    %mul3A_435 = vector.broadcast %get3A_1 : vector<1x1024xf32> to vector<16x1024xf32>
    %mul3A_436 = arith.mulf %get3A_434, %mul3A_435 : vector<16x1024xf32>
    %add3A_437 = vector.broadcast %get3A_4 : vector<1x1024xf32> to vector<16x1024xf32>
    %add3A_438 = arith.addf %mul3A_436, %add3A_437 : vector<16x1024xf32>
    %max3A_439 = arith.constant 0.000000e+00 : f32
    %max3A_440 = vector.broadcast %max3A_439 : f32 to vector<16x1024xf32>
    %max3A_441 = arith.maximumf %add3A_438, %max3A_440 : vector<16x1024xf32>
    %max3A_442 = arith.maximumf %max3A_429, %max3A_441 : vector<16x1024xf32>
    %get3A_443 = arith.constant 0 : index
    %get3A_444 = arith.constant 34 : index
    %get3A_445 = arith.constant 0 : index
    %get3A_446 = vector.load %arg1[%get3A_443, %get3A_444, %get3A_445] : memref<16x128x1024xf32, #tpu.memory_space<vmem>>, vector<16x1x1024xf32>
    %get3A_447 = vector.shape_cast %get3A_446 : vector<16x1x1024xf32> to vector<16x1024xf32>
    %mul3A_448 = vector.broadcast %get3A_1 : vector<1x1024xf32> to vector<16x1024xf32>
    %mul3A_449 = arith.mulf %get3A_447, %mul3A_448 : vector<16x1024xf32>
    %add3A_450 = vector.broadcast %get3A_4 : vector<1x1024xf32> to vector<16x1024xf32>
    %add3A_451 = arith.addf %mul3A_449, %add3A_450 : vector<16x1024xf32>
    %max3A_452 = arith.constant 0.000000e+00 : f32
    %max3A_453 = vector.broadcast %max3A_452 : f32 to vector<16x1024xf32>
    %max3A_454 = arith.maximumf %add3A_451, %max3A_453 : vector<16x1024xf32>
    %max3A_455 = arith.maximumf %max3A_442, %max3A_454 : vector<16x1024xf32>
    %get3A_456 = arith.constant 0 : index
    %get3A_457 = arith.constant 35 : index
    %get3A_458 = arith.constant 0 : index
    %get3A_459 = vector.load %arg1[%get3A_456, %get3A_457, %get3A_458] : memref<16x128x1024xf32, #tpu.memory_space<vmem>>, vector<16x1x1024xf32>
    %get3A_460 = vector.shape_cast %get3A_459 : vector<16x1x1024xf32> to vector<16x1024xf32>
    %mul3A_461 = vector.broadcast %get3A_1 : vector<1x1024xf32> to vector<16x1024xf32>
    %mul3A_462 = arith.mulf %get3A_460, %mul3A_461 : vector<16x1024xf32>
    %add3A_463 = vector.broadcast %get3A_4 : vector<1x1024xf32> to vector<16x1024xf32>
    %add3A_464 = arith.addf %mul3A_462, %add3A_463 : vector<16x1024xf32>
    %max3A_465 = arith.constant 0.000000e+00 : f32
    %max3A_466 = vector.broadcast %max3A_465 : f32 to vector<16x1024xf32>
    %max3A_467 = arith.maximumf %add3A_464, %max3A_466 : vector<16x1024xf32>
    %max3A_468 = arith.maximumf %max3A_455, %max3A_467 : vector<16x1024xf32>
    %get3A_469 = arith.constant 0 : index
    %get3A_470 = arith.constant 36 : index
    %get3A_471 = arith.constant 0 : index
    %get3A_472 = vector.load %arg1[%get3A_469, %get3A_470, %get3A_471] : memref<16x128x1024xf32, #tpu.memory_space<vmem>>, vector<16x1x1024xf32>
    %get3A_473 = vector.shape_cast %get3A_472 : vector<16x1x1024xf32> to vector<16x1024xf32>
    %mul3A_474 = vector.broadcast %get3A_1 : vector<1x1024xf32> to vector<16x1024xf32>
    %mul3A_475 = arith.mulf %get3A_473, %mul3A_474 : vector<16x1024xf32>
    %add3A_476 = vector.broadcast %get3A_4 : vector<1x1024xf32> to vector<16x1024xf32>
    %add3A_477 = arith.addf %mul3A_475, %add3A_476 : vector<16x1024xf32>
    %max3A_478 = arith.constant 0.000000e+00 : f32
    %max3A_479 = vector.broadcast %max3A_478 : f32 to vector<16x1024xf32>
    %max3A_480 = arith.maximumf %add3A_477, %max3A_479 : vector<16x1024xf32>
    %max3A_481 = arith.maximumf %max3A_468, %max3A_480 : vector<16x1024xf32>
    %get3A_482 = arith.constant 0 : index
    %get3A_483 = arith.constant 37 : index
    %get3A_484 = arith.constant 0 : index
    %get3A_485 = vector.load %arg1[%get3A_482, %get3A_483, %get3A_484] : memref<16x128x1024xf32, #tpu.memory_space<vmem>>, vector<16x1x1024xf32>
    %get3A_486 = vector.shape_cast %get3A_485 : vector<16x1x1024xf32> to vector<16x1024xf32>
    %mul3A_487 = vector.broadcast %get3A_1 : vector<1x1024xf32> to vector<16x1024xf32>
    %mul3A_488 = arith.mulf %get3A_486, %mul3A_487 : vector<16x1024xf32>
    %add3A_489 = vector.broadcast %get3A_4 : vector<1x1024xf32> to vector<16x1024xf32>
    %add3A_490 = arith.addf %mul3A_488, %add3A_489 : vector<16x1024xf32>
    %max3A_491 = arith.constant 0.000000e+00 : f32
    %max3A_492 = vector.broadcast %max3A_491 : f32 to vector<16x1024xf32>
    %max3A_493 = arith.maximumf %add3A_490, %max3A_492 : vector<16x1024xf32>
    %max3A_494 = arith.maximumf %max3A_481, %max3A_493 : vector<16x1024xf32>
    %get3A_495 = arith.constant 0 : index
    %get3A_496 = arith.constant 38 : index
    %get3A_497 = arith.constant 0 : index
    %get3A_498 = vector.load %arg1[%get3A_495, %get3A_496, %get3A_497] : memref<16x128x1024xf32, #tpu.memory_space<vmem>>, vector<16x1x1024xf32>
    %get3A_499 = vector.shape_cast %get3A_498 : vector<16x1x1024xf32> to vector<16x1024xf32>
    %mul3A_500 = vector.broadcast %get3A_1 : vector<1x1024xf32> to vector<16x1024xf32>
    %mul3A_501 = arith.mulf %get3A_499, %mul3A_500 : vector<16x1024xf32>
    %add3A_502 = vector.broadcast %get3A_4 : vector<1x1024xf32> to vector<16x1024xf32>
    %add3A_503 = arith.addf %mul3A_501, %add3A_502 : vector<16x1024xf32>
    %max3A_504 = arith.constant 0.000000e+00 : f32
    %max3A_505 = vector.broadcast %max3A_504 : f32 to vector<16x1024xf32>
    %max3A_506 = arith.maximumf %add3A_503, %max3A_505 : vector<16x1024xf32>
    %max3A_507 = arith.maximumf %max3A_494, %max3A_506 : vector<16x1024xf32>
    %get3A_508 = arith.constant 0 : index
    %get3A_509 = arith.constant 39 : index
    %get3A_510 = arith.constant 0 : index
    %get3A_511 = vector.load %arg1[%get3A_508, %get3A_509, %get3A_510] : memref<16x128x1024xf32, #tpu.memory_space<vmem>>, vector<16x1x1024xf32>
    %get3A_512 = vector.shape_cast %get3A_511 : vector<16x1x1024xf32> to vector<16x1024xf32>
    %mul3A_513 = vector.broadcast %get3A_1 : vector<1x1024xf32> to vector<16x1024xf32>
    %mul3A_514 = arith.mulf %get3A_512, %mul3A_513 : vector<16x1024xf32>
    %add3A_515 = vector.broadcast %get3A_4 : vector<1x1024xf32> to vector<16x1024xf32>
    %add3A_516 = arith.addf %mul3A_514, %add3A_515 : vector<16x1024xf32>
    %max3A_517 = arith.constant 0.000000e+00 : f32
    %max3A_518 = vector.broadcast %max3A_517 : f32 to vector<16x1024xf32>
    %max3A_519 = arith.maximumf %add3A_516, %max3A_518 : vector<16x1024xf32>
    %max3A_520 = arith.maximumf %max3A_507, %max3A_519 : vector<16x1024xf32>
    %get3A_521 = arith.constant 0 : index
    %get3A_522 = arith.constant 40 : index
    %get3A_523 = arith.constant 0 : index
    %get3A_524 = vector.load %arg1[%get3A_521, %get3A_522, %get3A_523] : memref<16x128x1024xf32, #tpu.memory_space<vmem>>, vector<16x1x1024xf32>
    %get3A_525 = vector.shape_cast %get3A_524 : vector<16x1x1024xf32> to vector<16x1024xf32>
    %mul3A_526 = vector.broadcast %get3A_1 : vector<1x1024xf32> to vector<16x1024xf32>
    %mul3A_527 = arith.mulf %get3A_525, %mul3A_526 : vector<16x1024xf32>
    %add3A_528 = vector.broadcast %get3A_4 : vector<1x1024xf32> to vector<16x1024xf32>
    %add3A_529 = arith.addf %mul3A_527, %add3A_528 : vector<16x1024xf32>
    %max3A_530 = arith.constant 0.000000e+00 : f32
    %max3A_531 = vector.broadcast %max3A_530 : f32 to vector<16x1024xf32>
    %max3A_532 = arith.maximumf %add3A_529, %max3A_531 : vector<16x1024xf32>
    %max3A_533 = arith.maximumf %max3A_520, %max3A_532 : vector<16x1024xf32>
    %get3A_534 = arith.constant 0 : index
    %get3A_535 = arith.constant 41 : index
    %get3A_536 = arith.constant 0 : index
    %get3A_537 = vector.load %arg1[%get3A_534, %get3A_535, %get3A_536] : memref<16x128x1024xf32, #tpu.memory_space<vmem>>, vector<16x1x1024xf32>
    %get3A_538 = vector.shape_cast %get3A_537 : vector<16x1x1024xf32> to vector<16x1024xf32>
    %mul3A_539 = vector.broadcast %get3A_1 : vector<1x1024xf32> to vector<16x1024xf32>
    %mul3A_540 = arith.mulf %get3A_538, %mul3A_539 : vector<16x1024xf32>
    %add3A_541 = vector.broadcast %get3A_4 : vector<1x1024xf32> to vector<16x1024xf32>
    %add3A_542 = arith.addf %mul3A_540, %add3A_541 : vector<16x1024xf32>
    %max3A_543 = arith.constant 0.000000e+00 : f32
    %max3A_544 = vector.broadcast %max3A_543 : f32 to vector<16x1024xf32>
    %max3A_545 = arith.maximumf %add3A_542, %max3A_544 : vector<16x1024xf32>
    %max3A_546 = arith.maximumf %max3A_533, %max3A_545 : vector<16x1024xf32>
    %get3A_547 = arith.constant 0 : index
    %get3A_548 = arith.constant 42 : index
    %get3A_549 = arith.constant 0 : index
    %get3A_550 = vector.load %arg1[%get3A_547, %get3A_548, %get3A_549] : memref<16x128x1024xf32, #tpu.memory_space<vmem>>, vector<16x1x1024xf32>
    %get3A_551 = vector.shape_cast %get3A_550 : vector<16x1x1024xf32> to vector<16x1024xf32>
    %mul3A_552 = vector.broadcast %get3A_1 : vector<1x1024xf32> to vector<16x1024xf32>
    %mul3A_553 = arith.mulf %get3A_551, %mul3A_552 : vector<16x1024xf32>
    %add3A_554 = vector.broadcast %get3A_4 : vector<1x1024xf32> to vector<16x1024xf32>
    %add3A_555 = arith.addf %mul3A_553, %add3A_554 : vector<16x1024xf32>
    %max3A_556 = arith.constant 0.000000e+00 : f32
    %max3A_557 = vector.broadcast %max3A_556 : f32 to vector<16x1024xf32>
    %max3A_558 = arith.maximumf %add3A_555, %max3A_557 : vector<16x1024xf32>
    %max3A_559 = arith.maximumf %max3A_546, %max3A_558 : vector<16x1024xf32>
    %get3A_560 = arith.constant 0 : index
    %get3A_561 = arith.constant 43 : index
    %get3A_562 = arith.constant 0 : index
    %get3A_563 = vector.load %arg1[%get3A_560, %get3A_561, %get3A_562] : memref<16x128x1024xf32, #tpu.memory_space<vmem>>, vector<16x1x1024xf32>
    %get3A_564 = vector.shape_cast %get3A_563 : vector<16x1x1024xf32> to vector<16x1024xf32>
    %mul3A_565 = vector.broadcast %get3A_1 : vector<1x1024xf32> to vector<16x1024xf32>
    %mul3A_566 = arith.mulf %get3A_564, %mul3A_565 : vector<16x1024xf32>
    %add3A_567 = vector.broadcast %get3A_4 : vector<1x1024xf32> to vector<16x1024xf32>
    %add3A_568 = arith.addf %mul3A_566, %add3A_567 : vector<16x1024xf32>
    %max3A_569 = arith.constant 0.000000e+00 : f32
    %max3A_570 = vector.broadcast %max3A_569 : f32 to vector<16x1024xf32>
    %max3A_571 = arith.maximumf %add3A_568, %max3A_570 : vector<16x1024xf32>
    %max3A_572 = arith.maximumf %max3A_559, %max3A_571 : vector<16x1024xf32>
    %get3A_573 = arith.constant 0 : index
    %get3A_574 = arith.constant 44 : index
    %get3A_575 = arith.constant 0 : index
    %get3A_576 = vector.load %arg1[%get3A_573, %get3A_574, %get3A_575] : memref<16x128x1024xf32, #tpu.memory_space<vmem>>, vector<16x1x1024xf32>
    %get3A_577 = vector.shape_cast %get3A_576 : vector<16x1x1024xf32> to vector<16x1024xf32>
    %mul3A_578 = vector.broadcast %get3A_1 : vector<1x1024xf32> to vector<16x1024xf32>
    %mul3A_579 = arith.mulf %get3A_577, %mul3A_578 : vector<16x1024xf32>
    %add3A_580 = vector.broadcast %get3A_4 : vector<1x1024xf32> to vector<16x1024xf32>
    %add3A_581 = arith.addf %mul3A_579, %add3A_580 : vector<16x1024xf32>
    %max3A_582 = arith.constant 0.000000e+00 : f32
    %max3A_583 = vector.broadcast %max3A_582 : f32 to vector<16x1024xf32>
    %max3A_584 = arith.maximumf %add3A_581, %max3A_583 : vector<16x1024xf32>
    %max3A_585 = arith.maximumf %max3A_572, %max3A_584 : vector<16x1024xf32>
    %get3A_586 = arith.constant 0 : index
    %get3A_587 = arith.constant 45 : index
    %get3A_588 = arith.constant 0 : index
    %get3A_589 = vector.load %arg1[%get3A_586, %get3A_587, %get3A_588] : memref<16x128x1024xf32, #tpu.memory_space<vmem>>, vector<16x1x1024xf32>
    %get3A_590 = vector.shape_cast %get3A_589 : vector<16x1x1024xf32> to vector<16x1024xf32>
    %mul3A_591 = vector.broadcast %get3A_1 : vector<1x1024xf32> to vector<16x1024xf32>
    %mul3A_592 = arith.mulf %get3A_590, %mul3A_591 : vector<16x1024xf32>
    %add3A_593 = vector.broadcast %get3A_4 : vector<1x1024xf32> to vector<16x1024xf32>
    %add3A_594 = arith.addf %mul3A_592, %add3A_593 : vector<16x1024xf32>
    %max3A_595 = arith.constant 0.000000e+00 : f32
    %max3A_596 = vector.broadcast %max3A_595 : f32 to vector<16x1024xf32>
    %max3A_597 = arith.maximumf %add3A_594, %max3A_596 : vector<16x1024xf32>
    %max3A_598 = arith.maximumf %max3A_585, %max3A_597 : vector<16x1024xf32>
    %get3A_599 = arith.constant 0 : index
    %get3A_600 = arith.constant 46 : index
    %get3A_601 = arith.constant 0 : index
    %get3A_602 = vector.load %arg1[%get3A_599, %get3A_600, %get3A_601] : memref<16x128x1024xf32, #tpu.memory_space<vmem>>, vector<16x1x1024xf32>
    %get3A_603 = vector.shape_cast %get3A_602 : vector<16x1x1024xf32> to vector<16x1024xf32>
    %mul3A_604 = vector.broadcast %get3A_1 : vector<1x1024xf32> to vector<16x1024xf32>
    %mul3A_605 = arith.mulf %get3A_603, %mul3A_604 : vector<16x1024xf32>
    %add3A_606 = vector.broadcast %get3A_4 : vector<1x1024xf32> to vector<16x1024xf32>
    %add3A_607 = arith.addf %mul3A_605, %add3A_606 : vector<16x1024xf32>
    %max3A_608 = arith.constant 0.000000e+00 : f32
    %max3A_609 = vector.broadcast %max3A_608 : f32 to vector<16x1024xf32>
    %max3A_610 = arith.maximumf %add3A_607, %max3A_609 : vector<16x1024xf32>
    %max3A_611 = arith.maximumf %max3A_598, %max3A_610 : vector<16x1024xf32>
    %get3A_612 = arith.constant 0 : index
    %get3A_613 = arith.constant 47 : index
    %get3A_614 = arith.constant 0 : index
    %get3A_615 = vector.load %arg1[%get3A_612, %get3A_613, %get3A_614] : memref<16x128x1024xf32, #tpu.memory_space<vmem>>, vector<16x1x1024xf32>
    %get3A_616 = vector.shape_cast %get3A_615 : vector<16x1x1024xf32> to vector<16x1024xf32>
    %mul3A_617 = vector.broadcast %get3A_1 : vector<1x1024xf32> to vector<16x1024xf32>
    %mul3A_618 = arith.mulf %get3A_616, %mul3A_617 : vector<16x1024xf32>
    %add3A_619 = vector.broadcast %get3A_4 : vector<1x1024xf32> to vector<16x1024xf32>
    %add3A_620 = arith.addf %mul3A_618, %add3A_619 : vector<16x1024xf32>
    %max3A_621 = arith.constant 0.000000e+00 : f32
    %max3A_622 = vector.broadcast %max3A_621 : f32 to vector<16x1024xf32>
    %max3A_623 = arith.maximumf %add3A_620, %max3A_622 : vector<16x1024xf32>
    %max3A_624 = arith.maximumf %max3A_611, %max3A_623 : vector<16x1024xf32>
    %get3A_625 = arith.constant 0 : index
    %get3A_626 = arith.constant 48 : index
    %get3A_627 = arith.constant 0 : index
    %get3A_628 = vector.load %arg1[%get3A_625, %get3A_626, %get3A_627] : memref<16x128x1024xf32, #tpu.memory_space<vmem>>, vector<16x1x1024xf32>
    %get3A_629 = vector.shape_cast %get3A_628 : vector<16x1x1024xf32> to vector<16x1024xf32>
    %mul3A_630 = vector.broadcast %get3A_1 : vector<1x1024xf32> to vector<16x1024xf32>
    %mul3A_631 = arith.mulf %get3A_629, %mul3A_630 : vector<16x1024xf32>
    %add3A_632 = vector.broadcast %get3A_4 : vector<1x1024xf32> to vector<16x1024xf32>
    %add3A_633 = arith.addf %mul3A_631, %add3A_632 : vector<16x1024xf32>
    %max3A_634 = arith.constant 0.000000e+00 : f32
    %max3A_635 = vector.broadcast %max3A_634 : f32 to vector<16x1024xf32>
    %max3A_636 = arith.maximumf %add3A_633, %max3A_635 : vector<16x1024xf32>
    %max3A_637 = arith.maximumf %max3A_624, %max3A_636 : vector<16x1024xf32>
    %get3A_638 = arith.constant 0 : index
    %get3A_639 = arith.constant 49 : index
    %get3A_640 = arith.constant 0 : index
    %get3A_641 = vector.load %arg1[%get3A_638, %get3A_639, %get3A_640] : memref<16x128x1024xf32, #tpu.memory_space<vmem>>, vector<16x1x1024xf32>
    %get3A_642 = vector.shape_cast %get3A_641 : vector<16x1x1024xf32> to vector<16x1024xf32>
    %mul3A_643 = vector.broadcast %get3A_1 : vector<1x1024xf32> to vector<16x1024xf32>
    %mul3A_644 = arith.mulf %get3A_642, %mul3A_643 : vector<16x1024xf32>
    %add3A_645 = vector.broadcast %get3A_4 : vector<1x1024xf32> to vector<16x1024xf32>
    %add3A_646 = arith.addf %mul3A_644, %add3A_645 : vector<16x1024xf32>
    %max3A_647 = arith.constant 0.000000e+00 : f32
    %max3A_648 = vector.broadcast %max3A_647 : f32 to vector<16x1024xf32>
    %max3A_649 = arith.maximumf %add3A_646, %max3A_648 : vector<16x1024xf32>
    %max3A_650 = arith.maximumf %max3A_637, %max3A_649 : vector<16x1024xf32>
    %get3A_651 = arith.constant 0 : index
    %get3A_652 = arith.constant 50 : index
    %get3A_653 = arith.constant 0 : index
    %get3A_654 = vector.load %arg1[%get3A_651, %get3A_652, %get3A_653] : memref<16x128x1024xf32, #tpu.memory_space<vmem>>, vector<16x1x1024xf32>
    %get3A_655 = vector.shape_cast %get3A_654 : vector<16x1x1024xf32> to vector<16x1024xf32>
    %mul3A_656 = vector.broadcast %get3A_1 : vector<1x1024xf32> to vector<16x1024xf32>
    %mul3A_657 = arith.mulf %get3A_655, %mul3A_656 : vector<16x1024xf32>
    %add3A_658 = vector.broadcast %get3A_4 : vector<1x1024xf32> to vector<16x1024xf32>
    %add3A_659 = arith.addf %mul3A_657, %add3A_658 : vector<16x1024xf32>
    %max3A_660 = arith.constant 0.000000e+00 : f32
    %max3A_661 = vector.broadcast %max3A_660 : f32 to vector<16x1024xf32>
    %max3A_662 = arith.maximumf %add3A_659, %max3A_661 : vector<16x1024xf32>
    %max3A_663 = arith.maximumf %max3A_650, %max3A_662 : vector<16x1024xf32>
    %get3A_664 = arith.constant 0 : index
    %get3A_665 = arith.constant 51 : index
    %get3A_666 = arith.constant 0 : index
    %get3A_667 = vector.load %arg1[%get3A_664, %get3A_665, %get3A_666] : memref<16x128x1024xf32, #tpu.memory_space<vmem>>, vector<16x1x1024xf32>
    %get3A_668 = vector.shape_cast %get3A_667 : vector<16x1x1024xf32> to vector<16x1024xf32>
    %mul3A_669 = vector.broadcast %get3A_1 : vector<1x1024xf32> to vector<16x1024xf32>
    %mul3A_670 = arith.mulf %get3A_668, %mul3A_669 : vector<16x1024xf32>
    %add3A_671 = vector.broadcast %get3A_4 : vector<1x1024xf32> to vector<16x1024xf32>
    %add3A_672 = arith.addf %mul3A_670, %add3A_671 : vector<16x1024xf32>
    %max3A_673 = arith.constant 0.000000e+00 : f32
    %max3A_674 = vector.broadcast %max3A_673 : f32 to vector<16x1024xf32>
    %max3A_675 = arith.maximumf %add3A_672, %max3A_674 : vector<16x1024xf32>
    %max3A_676 = arith.maximumf %max3A_663, %max3A_675 : vector<16x1024xf32>
    %get3A_677 = arith.constant 0 : index
    %get3A_678 = arith.constant 52 : index
    %get3A_679 = arith.constant 0 : index
    %get3A_680 = vector.load %arg1[%get3A_677, %get3A_678, %get3A_679] : memref<16x128x1024xf32, #tpu.memory_space<vmem>>, vector<16x1x1024xf32>
    %get3A_681 = vector.shape_cast %get3A_680 : vector<16x1x1024xf32> to vector<16x1024xf32>
    %mul3A_682 = vector.broadcast %get3A_1 : vector<1x1024xf32> to vector<16x1024xf32>
    %mul3A_683 = arith.mulf %get3A_681, %mul3A_682 : vector<16x1024xf32>
    %add3A_684 = vector.broadcast %get3A_4 : vector<1x1024xf32> to vector<16x1024xf32>
    %add3A_685 = arith.addf %mul3A_683, %add3A_684 : vector<16x1024xf32>
    %max3A_686 = arith.constant 0.000000e+00 : f32
    %max3A_687 = vector.broadcast %max3A_686 : f32 to vector<16x1024xf32>
    %max3A_688 = arith.maximumf %add3A_685, %max3A_687 : vector<16x1024xf32>
    %max3A_689 = arith.maximumf %max3A_676, %max3A_688 : vector<16x1024xf32>
    %get3A_690 = arith.constant 0 : index
    %get3A_691 = arith.constant 53 : index
    %get3A_692 = arith.constant 0 : index
    %get3A_693 = vector.load %arg1[%get3A_690, %get3A_691, %get3A_692] : memref<16x128x1024xf32, #tpu.memory_space<vmem>>, vector<16x1x1024xf32>
    %get3A_694 = vector.shape_cast %get3A_693 : vector<16x1x1024xf32> to vector<16x1024xf32>
    %mul3A_695 = vector.broadcast %get3A_1 : vector<1x1024xf32> to vector<16x1024xf32>
    %mul3A_696 = arith.mulf %get3A_694, %mul3A_695 : vector<16x1024xf32>
    %add3A_697 = vector.broadcast %get3A_4 : vector<1x1024xf32> to vector<16x1024xf32>
    %add3A_698 = arith.addf %mul3A_696, %add3A_697 : vector<16x1024xf32>
    %max3A_699 = arith.constant 0.000000e+00 : f32
    %max3A_700 = vector.broadcast %max3A_699 : f32 to vector<16x1024xf32>
    %max3A_701 = arith.maximumf %add3A_698, %max3A_700 : vector<16x1024xf32>
    %max3A_702 = arith.maximumf %max3A_689, %max3A_701 : vector<16x1024xf32>
    %get3A_703 = arith.constant 0 : index
    %get3A_704 = arith.constant 54 : index
    %get3A_705 = arith.constant 0 : index
    %get3A_706 = vector.load %arg1[%get3A_703, %get3A_704, %get3A_705] : memref<16x128x1024xf32, #tpu.memory_space<vmem>>, vector<16x1x1024xf32>
    %get3A_707 = vector.shape_cast %get3A_706 : vector<16x1x1024xf32> to vector<16x1024xf32>
    %mul3A_708 = vector.broadcast %get3A_1 : vector<1x1024xf32> to vector<16x1024xf32>
    %mul3A_709 = arith.mulf %get3A_707, %mul3A_708 : vector<16x1024xf32>
    %add3A_710 = vector.broadcast %get3A_4 : vector<1x1024xf32> to vector<16x1024xf32>
    %add3A_711 = arith.addf %mul3A_709, %add3A_710 : vector<16x1024xf32>
    %max3A_712 = arith.constant 0.000000e+00 : f32
    %max3A_713 = vector.broadcast %max3A_712 : f32 to vector<16x1024xf32>
    %max3A_714 = arith.maximumf %add3A_711, %max3A_713 : vector<16x1024xf32>
    %max3A_715 = arith.maximumf %max3A_702, %max3A_714 : vector<16x1024xf32>
    %get3A_716 = arith.constant 0 : index
    %get3A_717 = arith.constant 55 : index
    %get3A_718 = arith.constant 0 : index
    %get3A_719 = vector.load %arg1[%get3A_716, %get3A_717, %get3A_718] : memref<16x128x1024xf32, #tpu.memory_space<vmem>>, vector<16x1x1024xf32>
    %get3A_720 = vector.shape_cast %get3A_719 : vector<16x1x1024xf32> to vector<16x1024xf32>
    %mul3A_721 = vector.broadcast %get3A_1 : vector<1x1024xf32> to vector<16x1024xf32>
    %mul3A_722 = arith.mulf %get3A_720, %mul3A_721 : vector<16x1024xf32>
    %add3A_723 = vector.broadcast %get3A_4 : vector<1x1024xf32> to vector<16x1024xf32>
    %add3A_724 = arith.addf %mul3A_722, %add3A_723 : vector<16x1024xf32>
    %max3A_725 = arith.constant 0.000000e+00 : f32
    %max3A_726 = vector.broadcast %max3A_725 : f32 to vector<16x1024xf32>
    %max3A_727 = arith.maximumf %add3A_724, %max3A_726 : vector<16x1024xf32>
    %max3A_728 = arith.maximumf %max3A_715, %max3A_727 : vector<16x1024xf32>
    %get3A_729 = arith.constant 0 : index
    %get3A_730 = arith.constant 56 : index
    %get3A_731 = arith.constant 0 : index
    %get3A_732 = vector.load %arg1[%get3A_729, %get3A_730, %get3A_731] : memref<16x128x1024xf32, #tpu.memory_space<vmem>>, vector<16x1x1024xf32>
    %get3A_733 = vector.shape_cast %get3A_732 : vector<16x1x1024xf32> to vector<16x1024xf32>
    %mul3A_734 = vector.broadcast %get3A_1 : vector<1x1024xf32> to vector<16x1024xf32>
    %mul3A_735 = arith.mulf %get3A_733, %mul3A_734 : vector<16x1024xf32>
    %add3A_736 = vector.broadcast %get3A_4 : vector<1x1024xf32> to vector<16x1024xf32>
    %add3A_737 = arith.addf %mul3A_735, %add3A_736 : vector<16x1024xf32>
    %max3A_738 = arith.constant 0.000000e+00 : f32
    %max3A_739 = vector.broadcast %max3A_738 : f32 to vector<16x1024xf32>
    %max3A_740 = arith.maximumf %add3A_737, %max3A_739 : vector<16x1024xf32>
    %max3A_741 = arith.maximumf %max3A_728, %max3A_740 : vector<16x1024xf32>
    %get3A_742 = arith.constant 0 : index
    %get3A_743 = arith.constant 57 : index
    %get3A_744 = arith.constant 0 : index
    %get3A_745 = vector.load %arg1[%get3A_742, %get3A_743, %get3A_744] : memref<16x128x1024xf32, #tpu.memory_space<vmem>>, vector<16x1x1024xf32>
    %get3A_746 = vector.shape_cast %get3A_745 : vector<16x1x1024xf32> to vector<16x1024xf32>
    %mul3A_747 = vector.broadcast %get3A_1 : vector<1x1024xf32> to vector<16x1024xf32>
    %mul3A_748 = arith.mulf %get3A_746, %mul3A_747 : vector<16x1024xf32>
    %add3A_749 = vector.broadcast %get3A_4 : vector<1x1024xf32> to vector<16x1024xf32>
    %add3A_750 = arith.addf %mul3A_748, %add3A_749 : vector<16x1024xf32>
    %max3A_751 = arith.constant 0.000000e+00 : f32
    %max3A_752 = vector.broadcast %max3A_751 : f32 to vector<16x1024xf32>
    %max3A_753 = arith.maximumf %add3A_750, %max3A_752 : vector<16x1024xf32>
    %max3A_754 = arith.maximumf %max3A_741, %max3A_753 : vector<16x1024xf32>
    %get3A_755 = arith.constant 0 : index
    %get3A_756 = arith.constant 58 : index
    %get3A_757 = arith.constant 0 : index
    %get3A_758 = vector.load %arg1[%get3A_755, %get3A_756, %get3A_757] : memref<16x128x1024xf32, #tpu.memory_space<vmem>>, vector<16x1x1024xf32>
    %get3A_759 = vector.shape_cast %get3A_758 : vector<16x1x1024xf32> to vector<16x1024xf32>
    %mul3A_760 = vector.broadcast %get3A_1 : vector<1x1024xf32> to vector<16x1024xf32>
    %mul3A_761 = arith.mulf %get3A_759, %mul3A_760 : vector<16x1024xf32>
    %add3A_762 = vector.broadcast %get3A_4 : vector<1x1024xf32> to vector<16x1024xf32>
    %add3A_763 = arith.addf %mul3A_761, %add3A_762 : vector<16x1024xf32>
    %max3A_764 = arith.constant 0.000000e+00 : f32
    %max3A_765 = vector.broadcast %max3A_764 : f32 to vector<16x1024xf32>
    %max3A_766 = arith.maximumf %add3A_763, %max3A_765 : vector<16x1024xf32>
    %max3A_767 = arith.maximumf %max3A_754, %max3A_766 : vector<16x1024xf32>
    %get3A_768 = arith.constant 0 : index
    %get3A_769 = arith.constant 59 : index
    %get3A_770 = arith.constant 0 : index
    %get3A_771 = vector.load %arg1[%get3A_768, %get3A_769, %get3A_770] : memref<16x128x1024xf32, #tpu.memory_space<vmem>>, vector<16x1x1024xf32>
    %get3A_772 = vector.shape_cast %get3A_771 : vector<16x1x1024xf32> to vector<16x1024xf32>
    %mul3A_773 = vector.broadcast %get3A_1 : vector<1x1024xf32> to vector<16x1024xf32>
    %mul3A_774 = arith.mulf %get3A_772, %mul3A_773 : vector<16x1024xf32>
    %add3A_775 = vector.broadcast %get3A_4 : vector<1x1024xf32> to vector<16x1024xf32>
    %add3A_776 = arith.addf %mul3A_774, %add3A_775 : vector<16x1024xf32>
    %max3A_777 = arith.constant 0.000000e+00 : f32
    %max3A_778 = vector.broadcast %max3A_777 : f32 to vector<16x1024xf32>
    %max3A_779 = arith.maximumf %add3A_776, %max3A_778 : vector<16x1024xf32>
    %max3A_780 = arith.maximumf %max3A_767, %max3A_779 : vector<16x1024xf32>
    %get3A_781 = arith.constant 0 : index
    %get3A_782 = arith.constant 60 : index
    %get3A_783 = arith.constant 0 : index
    %get3A_784 = vector.load %arg1[%get3A_781, %get3A_782, %get3A_783] : memref<16x128x1024xf32, #tpu.memory_space<vmem>>, vector<16x1x1024xf32>
    %get3A_785 = vector.shape_cast %get3A_784 : vector<16x1x1024xf32> to vector<16x1024xf32>
    %mul3A_786 = vector.broadcast %get3A_1 : vector<1x1024xf32> to vector<16x1024xf32>
    %mul3A_787 = arith.mulf %get3A_785, %mul3A_786 : vector<16x1024xf32>
    %add3A_788 = vector.broadcast %get3A_4 : vector<1x1024xf32> to vector<16x1024xf32>
    %add3A_789 = arith.addf %mul3A_787, %add3A_788 : vector<16x1024xf32>
    %max3A_790 = arith.constant 0.000000e+00 : f32
    %max3A_791 = vector.broadcast %max3A_790 : f32 to vector<16x1024xf32>
    %max3A_792 = arith.maximumf %add3A_789, %max3A_791 : vector<16x1024xf32>
    %max3A_793 = arith.maximumf %max3A_780, %max3A_792 : vector<16x1024xf32>
    %get3A_794 = arith.constant 0 : index
    %get3A_795 = arith.constant 61 : index
    %get3A_796 = arith.constant 0 : index
    %get3A_797 = vector.load %arg1[%get3A_794, %get3A_795, %get3A_796] : memref<16x128x1024xf32, #tpu.memory_space<vmem>>, vector<16x1x1024xf32>
    %get3A_798 = vector.shape_cast %get3A_797 : vector<16x1x1024xf32> to vector<16x1024xf32>
    %mul3A_799 = vector.broadcast %get3A_1 : vector<1x1024xf32> to vector<16x1024xf32>
    %mul3A_800 = arith.mulf %get3A_798, %mul3A_799 : vector<16x1024xf32>
    %add3A_801 = vector.broadcast %get3A_4 : vector<1x1024xf32> to vector<16x1024xf32>
    %add3A_802 = arith.addf %mul3A_800, %add3A_801 : vector<16x1024xf32>
    %max3A_803 = arith.constant 0.000000e+00 : f32
    %max3A_804 = vector.broadcast %max3A_803 : f32 to vector<16x1024xf32>
    %max3A_805 = arith.maximumf %add3A_802, %max3A_804 : vector<16x1024xf32>
    %max3A_806 = arith.maximumf %max3A_793, %max3A_805 : vector<16x1024xf32>
    %get3A_807 = arith.constant 0 : index
    %get3A_808 = arith.constant 62 : index
    %get3A_809 = arith.constant 0 : index
    %get3A_810 = vector.load %arg1[%get3A_807, %get3A_808, %get3A_809] : memref<16x128x1024xf32, #tpu.memory_space<vmem>>, vector<16x1x1024xf32>
    %get3A_811 = vector.shape_cast %get3A_810 : vector<16x1x1024xf32> to vector<16x1024xf32>
    %mul3A_812 = vector.broadcast %get3A_1 : vector<1x1024xf32> to vector<16x1024xf32>
    %mul3A_813 = arith.mulf %get3A_811, %mul3A_812 : vector<16x1024xf32>
    %add3A_814 = vector.broadcast %get3A_4 : vector<1x1024xf32> to vector<16x1024xf32>
    %add3A_815 = arith.addf %mul3A_813, %add3A_814 : vector<16x1024xf32>
    %max3A_816 = arith.constant 0.000000e+00 : f32
    %max3A_817 = vector.broadcast %max3A_816 : f32 to vector<16x1024xf32>
    %max3A_818 = arith.maximumf %add3A_815, %max3A_817 : vector<16x1024xf32>
    %max3A_819 = arith.maximumf %max3A_806, %max3A_818 : vector<16x1024xf32>
    %get3A_820 = arith.constant 0 : index
    %get3A_821 = arith.constant 63 : index
    %get3A_822 = arith.constant 0 : index
    %get3A_823 = vector.load %arg1[%get3A_820, %get3A_821, %get3A_822] : memref<16x128x1024xf32, #tpu.memory_space<vmem>>, vector<16x1x1024xf32>
    %get3A_824 = vector.shape_cast %get3A_823 : vector<16x1x1024xf32> to vector<16x1024xf32>
    %mul3A_825 = vector.broadcast %get3A_1 : vector<1x1024xf32> to vector<16x1024xf32>
    %mul3A_826 = arith.mulf %get3A_824, %mul3A_825 : vector<16x1024xf32>
    %add3A_827 = vector.broadcast %get3A_4 : vector<1x1024xf32> to vector<16x1024xf32>
    %add3A_828 = arith.addf %mul3A_826, %add3A_827 : vector<16x1024xf32>
    %max3A_829 = arith.constant 0.000000e+00 : f32
    %max3A_830 = vector.broadcast %max3A_829 : f32 to vector<16x1024xf32>
    %max3A_831 = arith.maximumf %add3A_828, %max3A_830 : vector<16x1024xf32>
    %max3A_832 = arith.maximumf %max3A_819, %max3A_831 : vector<16x1024xf32>
    %get3A_833 = arith.constant 0 : index
    %get3A_834 = arith.constant 64 : index
    %get3A_835 = arith.constant 0 : index
    %get3A_836 = vector.load %arg1[%get3A_833, %get3A_834, %get3A_835] : memref<16x128x1024xf32, #tpu.memory_space<vmem>>, vector<16x1x1024xf32>
    %get3A_837 = vector.shape_cast %get3A_836 : vector<16x1x1024xf32> to vector<16x1024xf32>
    %mul3A_838 = vector.broadcast %get3A_1 : vector<1x1024xf32> to vector<16x1024xf32>
    %mul3A_839 = arith.mulf %get3A_837, %mul3A_838 : vector<16x1024xf32>
    %add3A_840 = vector.broadcast %get3A_4 : vector<1x1024xf32> to vector<16x1024xf32>
    %add3A_841 = arith.addf %mul3A_839, %add3A_840 : vector<16x1024xf32>
    %max3A_842 = arith.constant 0.000000e+00 : f32
    %max3A_843 = vector.broadcast %max3A_842 : f32 to vector<16x1024xf32>
    %max3A_844 = arith.maximumf %add3A_841, %max3A_843 : vector<16x1024xf32>
    %max3A_845 = arith.maximumf %max3A_832, %max3A_844 : vector<16x1024xf32>
    %get3A_846 = arith.constant 0 : index
    %get3A_847 = arith.constant 65 : index
    %get3A_848 = arith.constant 0 : index
    %get3A_849 = vector.load %arg1[%get3A_846, %get3A_847, %get3A_848] : memref<16x128x1024xf32, #tpu.memory_space<vmem>>, vector<16x1x1024xf32>
    %get3A_850 = vector.shape_cast %get3A_849 : vector<16x1x1024xf32> to vector<16x1024xf32>
    %mul3A_851 = vector.broadcast %get3A_1 : vector<1x1024xf32> to vector<16x1024xf32>
    %mul3A_852 = arith.mulf %get3A_850, %mul3A_851 : vector<16x1024xf32>
    %add3A_853 = vector.broadcast %get3A_4 : vector<1x1024xf32> to vector<16x1024xf32>
    %add3A_854 = arith.addf %mul3A_852, %add3A_853 : vector<16x1024xf32>
    %max3A_855 = arith.constant 0.000000e+00 : f32
    %max3A_856 = vector.broadcast %max3A_855 : f32 to vector<16x1024xf32>
    %max3A_857 = arith.maximumf %add3A_854, %max3A_856 : vector<16x1024xf32>
    %max3A_858 = arith.maximumf %max3A_845, %max3A_857 : vector<16x1024xf32>
    %get3A_859 = arith.constant 0 : index
    %get3A_860 = arith.constant 66 : index
    %get3A_861 = arith.constant 0 : index
    %get3A_862 = vector.load %arg1[%get3A_859, %get3A_860, %get3A_861] : memref<16x128x1024xf32, #tpu.memory_space<vmem>>, vector<16x1x1024xf32>
    %get3A_863 = vector.shape_cast %get3A_862 : vector<16x1x1024xf32> to vector<16x1024xf32>
    %mul3A_864 = vector.broadcast %get3A_1 : vector<1x1024xf32> to vector<16x1024xf32>
    %mul3A_865 = arith.mulf %get3A_863, %mul3A_864 : vector<16x1024xf32>
    %add3A_866 = vector.broadcast %get3A_4 : vector<1x1024xf32> to vector<16x1024xf32>
    %add3A_867 = arith.addf %mul3A_865, %add3A_866 : vector<16x1024xf32>
    %max3A_868 = arith.constant 0.000000e+00 : f32
    %max3A_869 = vector.broadcast %max3A_868 : f32 to vector<16x1024xf32>
    %max3A_870 = arith.maximumf %add3A_867, %max3A_869 : vector<16x1024xf32>
    %max3A_871 = arith.maximumf %max3A_858, %max3A_870 : vector<16x1024xf32>
    %get3A_872 = arith.constant 0 : index
    %get3A_873 = arith.constant 67 : index
    %get3A_874 = arith.constant 0 : index
    %get3A_875 = vector.load %arg1[%get3A_872, %get3A_873, %get3A_874] : memref<16x128x1024xf32, #tpu.memory_space<vmem>>, vector<16x1x1024xf32>
    %get3A_876 = vector.shape_cast %get3A_875 : vector<16x1x1024xf32> to vector<16x1024xf32>
    %mul3A_877 = vector.broadcast %get3A_1 : vector<1x1024xf32> to vector<16x1024xf32>
    %mul3A_878 = arith.mulf %get3A_876, %mul3A_877 : vector<16x1024xf32>
    %add3A_879 = vector.broadcast %get3A_4 : vector<1x1024xf32> to vector<16x1024xf32>
    %add3A_880 = arith.addf %mul3A_878, %add3A_879 : vector<16x1024xf32>
    %max3A_881 = arith.constant 0.000000e+00 : f32
    %max3A_882 = vector.broadcast %max3A_881 : f32 to vector<16x1024xf32>
    %max3A_883 = arith.maximumf %add3A_880, %max3A_882 : vector<16x1024xf32>
    %max3A_884 = arith.maximumf %max3A_871, %max3A_883 : vector<16x1024xf32>
    %get3A_885 = arith.constant 0 : index
    %get3A_886 = arith.constant 68 : index
    %get3A_887 = arith.constant 0 : index
    %get3A_888 = vector.load %arg1[%get3A_885, %get3A_886, %get3A_887] : memref<16x128x1024xf32, #tpu.memory_space<vmem>>, vector<16x1x1024xf32>
    %get3A_889 = vector.shape_cast %get3A_888 : vector<16x1x1024xf32> to vector<16x1024xf32>
    %mul3A_890 = vector.broadcast %get3A_1 : vector<1x1024xf32> to vector<16x1024xf32>
    %mul3A_891 = arith.mulf %get3A_889, %mul3A_890 : vector<16x1024xf32>
    %add3A_892 = vector.broadcast %get3A_4 : vector<1x1024xf32> to vector<16x1024xf32>
    %add3A_893 = arith.addf %mul3A_891, %add3A_892 : vector<16x1024xf32>
    %max3A_894 = arith.constant 0.000000e+00 : f32
    %max3A_895 = vector.broadcast %max3A_894 : f32 to vector<16x1024xf32>
    %max3A_896 = arith.maximumf %add3A_893, %max3A_895 : vector<16x1024xf32>
    %max3A_897 = arith.maximumf %max3A_884, %max3A_896 : vector<16x1024xf32>
    %get3A_898 = arith.constant 0 : index
    %get3A_899 = arith.constant 69 : index
    %get3A_900 = arith.constant 0 : index
    %get3A_901 = vector.load %arg1[%get3A_898, %get3A_899, %get3A_900] : memref<16x128x1024xf32, #tpu.memory_space<vmem>>, vector<16x1x1024xf32>
    %get3A_902 = vector.shape_cast %get3A_901 : vector<16x1x1024xf32> to vector<16x1024xf32>
    %mul3A_903 = vector.broadcast %get3A_1 : vector<1x1024xf32> to vector<16x1024xf32>
    %mul3A_904 = arith.mulf %get3A_902, %mul3A_903 : vector<16x1024xf32>
    %add3A_905 = vector.broadcast %get3A_4 : vector<1x1024xf32> to vector<16x1024xf32>
    %add3A_906 = arith.addf %mul3A_904, %add3A_905 : vector<16x1024xf32>
    %max3A_907 = arith.constant 0.000000e+00 : f32
    %max3A_908 = vector.broadcast %max3A_907 : f32 to vector<16x1024xf32>
    %max3A_909 = arith.maximumf %add3A_906, %max3A_908 : vector<16x1024xf32>
    %max3A_910 = arith.maximumf %max3A_897, %max3A_909 : vector<16x1024xf32>
    %get3A_911 = arith.constant 0 : index
    %get3A_912 = arith.constant 70 : index
    %get3A_913 = arith.constant 0 : index
    %get3A_914 = vector.load %arg1[%get3A_911, %get3A_912, %get3A_913] : memref<16x128x1024xf32, #tpu.memory_space<vmem>>, vector<16x1x1024xf32>
    %get3A_915 = vector.shape_cast %get3A_914 : vector<16x1x1024xf32> to vector<16x1024xf32>
    %mul3A_916 = vector.broadcast %get3A_1 : vector<1x1024xf32> to vector<16x1024xf32>
    %mul3A_917 = arith.mulf %get3A_915, %mul3A_916 : vector<16x1024xf32>
    %add3A_918 = vector.broadcast %get3A_4 : vector<1x1024xf32> to vector<16x1024xf32>
    %add3A_919 = arith.addf %mul3A_917, %add3A_918 : vector<16x1024xf32>
    %max3A_920 = arith.constant 0.000000e+00 : f32
    %max3A_921 = vector.broadcast %max3A_920 : f32 to vector<16x1024xf32>
    %max3A_922 = arith.maximumf %add3A_919, %max3A_921 : vector<16x1024xf32>
    %max3A_923 = arith.maximumf %max3A_910, %max3A_922 : vector<16x1024xf32>
    %get3A_924 = arith.constant 0 : index
    %get3A_925 = arith.constant 71 : index
    %get3A_926 = arith.constant 0 : index
    %get3A_927 = vector.load %arg1[%get3A_924, %get3A_925, %get3A_926] : memref<16x128x1024xf32, #tpu.memory_space<vmem>>, vector<16x1x1024xf32>
    %get3A_928 = vector.shape_cast %get3A_927 : vector<16x1x1024xf32> to vector<16x1024xf32>
    %mul3A_929 = vector.broadcast %get3A_1 : vector<1x1024xf32> to vector<16x1024xf32>
    %mul3A_930 = arith.mulf %get3A_928, %mul3A_929 : vector<16x1024xf32>
    %add3A_931 = vector.broadcast %get3A_4 : vector<1x1024xf32> to vector<16x1024xf32>
    %add3A_932 = arith.addf %mul3A_930, %add3A_931 : vector<16x1024xf32>
    %max3A_933 = arith.constant 0.000000e+00 : f32
    %max3A_934 = vector.broadcast %max3A_933 : f32 to vector<16x1024xf32>
    %max3A_935 = arith.maximumf %add3A_932, %max3A_934 : vector<16x1024xf32>
    %max3A_936 = arith.maximumf %max3A_923, %max3A_935 : vector<16x1024xf32>
    %get3A_937 = arith.constant 0 : index
    %get3A_938 = arith.constant 72 : index
    %get3A_939 = arith.constant 0 : index
    %get3A_940 = vector.load %arg1[%get3A_937, %get3A_938, %get3A_939] : memref<16x128x1024xf32, #tpu.memory_space<vmem>>, vector<16x1x1024xf32>
    %get3A_941 = vector.shape_cast %get3A_940 : vector<16x1x1024xf32> to vector<16x1024xf32>
    %mul3A_942 = vector.broadcast %get3A_1 : vector<1x1024xf32> to vector<16x1024xf32>
    %mul3A_943 = arith.mulf %get3A_941, %mul3A_942 : vector<16x1024xf32>
    %add3A_944 = vector.broadcast %get3A_4 : vector<1x1024xf32> to vector<16x1024xf32>
    %add3A_945 = arith.addf %mul3A_943, %add3A_944 : vector<16x1024xf32>
    %max3A_946 = arith.constant 0.000000e+00 : f32
    %max3A_947 = vector.broadcast %max3A_946 : f32 to vector<16x1024xf32>
    %max3A_948 = arith.maximumf %add3A_945, %max3A_947 : vector<16x1024xf32>
    %max3A_949 = arith.maximumf %max3A_936, %max3A_948 : vector<16x1024xf32>
    %get3A_950 = arith.constant 0 : index
    %get3A_951 = arith.constant 73 : index
    %get3A_952 = arith.constant 0 : index
    %get3A_953 = vector.load %arg1[%get3A_950, %get3A_951, %get3A_952] : memref<16x128x1024xf32, #tpu.memory_space<vmem>>, vector<16x1x1024xf32>
    %get3A_954 = vector.shape_cast %get3A_953 : vector<16x1x1024xf32> to vector<16x1024xf32>
    %mul3A_955 = vector.broadcast %get3A_1 : vector<1x1024xf32> to vector<16x1024xf32>
    %mul3A_956 = arith.mulf %get3A_954, %mul3A_955 : vector<16x1024xf32>
    %add3A_957 = vector.broadcast %get3A_4 : vector<1x1024xf32> to vector<16x1024xf32>
    %add3A_958 = arith.addf %mul3A_956, %add3A_957 : vector<16x1024xf32>
    %max3A_959 = arith.constant 0.000000e+00 : f32
    %max3A_960 = vector.broadcast %max3A_959 : f32 to vector<16x1024xf32>
    %max3A_961 = arith.maximumf %add3A_958, %max3A_960 : vector<16x1024xf32>
    %max3A_962 = arith.maximumf %max3A_949, %max3A_961 : vector<16x1024xf32>
    %get3A_963 = arith.constant 0 : index
    %get3A_964 = arith.constant 74 : index
    %get3A_965 = arith.constant 0 : index
    %get3A_966 = vector.load %arg1[%get3A_963, %get3A_964, %get3A_965] : memref<16x128x1024xf32, #tpu.memory_space<vmem>>, vector<16x1x1024xf32>
    %get3A_967 = vector.shape_cast %get3A_966 : vector<16x1x1024xf32> to vector<16x1024xf32>
    %mul3A_968 = vector.broadcast %get3A_1 : vector<1x1024xf32> to vector<16x1024xf32>
    %mul3A_969 = arith.mulf %get3A_967, %mul3A_968 : vector<16x1024xf32>
    %add3A_970 = vector.broadcast %get3A_4 : vector<1x1024xf32> to vector<16x1024xf32>
    %add3A_971 = arith.addf %mul3A_969, %add3A_970 : vector<16x1024xf32>
    %max3A_972 = arith.constant 0.000000e+00 : f32
    %max3A_973 = vector.broadcast %max3A_972 : f32 to vector<16x1024xf32>
    %max3A_974 = arith.maximumf %add3A_971, %max3A_973 : vector<16x1024xf32>
    %max3A_975 = arith.maximumf %max3A_962, %max3A_974 : vector<16x1024xf32>
    %get3A_976 = arith.constant 0 : index
    %get3A_977 = arith.constant 75 : index
    %get3A_978 = arith.constant 0 : index
    %get3A_979 = vector.load %arg1[%get3A_976, %get3A_977, %get3A_978] : memref<16x128x1024xf32, #tpu.memory_space<vmem>>, vector<16x1x1024xf32>
    %get3A_980 = vector.shape_cast %get3A_979 : vector<16x1x1024xf32> to vector<16x1024xf32>
    %mul3A_981 = vector.broadcast %get3A_1 : vector<1x1024xf32> to vector<16x1024xf32>
    %mul3A_982 = arith.mulf %get3A_980, %mul3A_981 : vector<16x1024xf32>
    %add3A_983 = vector.broadcast %get3A_4 : vector<1x1024xf32> to vector<16x1024xf32>
    %add3A_984 = arith.addf %mul3A_982, %add3A_983 : vector<16x1024xf32>
    %max3A_985 = arith.constant 0.000000e+00 : f32
    %max3A_986 = vector.broadcast %max3A_985 : f32 to vector<16x1024xf32>
    %max3A_987 = arith.maximumf %add3A_984, %max3A_986 : vector<16x1024xf32>
    %max3A_988 = arith.maximumf %max3A_975, %max3A_987 : vector<16x1024xf32>
    %get3A_989 = arith.constant 0 : index
    %get3A_990 = arith.constant 76 : index
    %get3A_991 = arith.constant 0 : index
    %get3A_992 = vector.load %arg1[%get3A_989, %get3A_990, %get3A_991] : memref<16x128x1024xf32, #tpu.memory_space<vmem>>, vector<16x1x1024xf32>
    %get3A_993 = vector.shape_cast %get3A_992 : vector<16x1x1024xf32> to vector<16x1024xf32>
    %mul3A_994 = vector.broadcast %get3A_1 : vector<1x1024xf32> to vector<16x1024xf32>
    %mul3A_995 = arith.mulf %get3A_993, %mul3A_994 : vector<16x1024xf32>
    %add3A_996 = vector.broadcast %get3A_4 : vector<1x1024xf32> to vector<16x1024xf32>
    %add3A_997 = arith.addf %mul3A_995, %add3A_996 : vector<16x1024xf32>
    %max3A_998 = arith.constant 0.000000e+00 : f32
    %max3A_999 = vector.broadcast %max3A_998 : f32 to vector<16x1024xf32>
    %max3A_1000 = arith.maximumf %add3A_997, %max3A_999 : vector<16x1024xf32>
    %max3A_1001 = arith.maximumf %max3A_988, %max3A_1000 : vector<16x1024xf32>
    %get3A_1002 = arith.constant 0 : index
    %get3A_1003 = arith.constant 77 : index
    %get3A_1004 = arith.constant 0 : index
    %get3A_1005 = vector.load %arg1[%get3A_1002, %get3A_1003, %get3A_1004] : memref<16x128x1024xf32, #tpu.memory_space<vmem>>, vector<16x1x1024xf32>
    %get3A_1006 = vector.shape_cast %get3A_1005 : vector<16x1x1024xf32> to vector<16x1024xf32>
    %mul3A_1007 = vector.broadcast %get3A_1 : vector<1x1024xf32> to vector<16x1024xf32>
    %mul3A_1008 = arith.mulf %get3A_1006, %mul3A_1007 : vector<16x1024xf32>
    %add3A_1009 = vector.broadcast %get3A_4 : vector<1x1024xf32> to vector<16x1024xf32>
    %add3A_1010 = arith.addf %mul3A_1008, %add3A_1009 : vector<16x1024xf32>
    %max3A_1011 = arith.constant 0.000000e+00 : f32
    %max3A_1012 = vector.broadcast %max3A_1011 : f32 to vector<16x1024xf32>
    %max3A_1013 = arith.maximumf %add3A_1010, %max3A_1012 : vector<16x1024xf32>
    %max3A_1014 = arith.maximumf %max3A_1001, %max3A_1013 : vector<16x1024xf32>
    %get3A_1015 = arith.constant 0 : index
    %get3A_1016 = arith.constant 78 : index
    %get3A_1017 = arith.constant 0 : index
    %get3A_1018 = vector.load %arg1[%get3A_1015, %get3A_1016, %get3A_1017] : memref<16x128x1024xf32, #tpu.memory_space<vmem>>, vector<16x1x1024xf32>
    %get3A_1019 = vector.shape_cast %get3A_1018 : vector<16x1x1024xf32> to vector<16x1024xf32>
    %mul3A_1020 = vector.broadcast %get3A_1 : vector<1x1024xf32> to vector<16x1024xf32>
    %mul3A_1021 = arith.mulf %get3A_1019, %mul3A_1020 : vector<16x1024xf32>
    %add3A_1022 = vector.broadcast %get3A_4 : vector<1x1024xf32> to vector<16x1024xf32>
    %add3A_1023 = arith.addf %mul3A_1021, %add3A_1022 : vector<16x1024xf32>
    %max3A_1024 = arith.constant 0.000000e+00 : f32
    %max3A_1025 = vector.broadcast %max3A_1024 : f32 to vector<16x1024xf32>
    %max3A_1026 = arith.maximumf %add3A_1023, %max3A_1025 : vector<16x1024xf32>
    %max3A_1027 = arith.maximumf %max3A_1014, %max3A_1026 : vector<16x1024xf32>
    %get3A_1028 = arith.constant 0 : index
    %get3A_1029 = arith.constant 79 : index
    %get3A_1030 = arith.constant 0 : index
    %get3A_1031 = vector.load %arg1[%get3A_1028, %get3A_1029, %get3A_1030] : memref<16x128x1024xf32, #tpu.memory_space<vmem>>, vector<16x1x1024xf32>
    %get3A_1032 = vector.shape_cast %get3A_1031 : vector<16x1x1024xf32> to vector<16x1024xf32>
    %mul3A_1033 = vector.broadcast %get3A_1 : vector<1x1024xf32> to vector<16x1024xf32>
    %mul3A_1034 = arith.mulf %get3A_1032, %mul3A_1033 : vector<16x1024xf32>
    %add3A_1035 = vector.broadcast %get3A_4 : vector<1x1024xf32> to vector<16x1024xf32>
    %add3A_1036 = arith.addf %mul3A_1034, %add3A_1035 : vector<16x1024xf32>
    %max3A_1037 = arith.constant 0.000000e+00 : f32
    %max3A_1038 = vector.broadcast %max3A_1037 : f32 to vector<16x1024xf32>
    %max3A_1039 = arith.maximumf %add3A_1036, %max3A_1038 : vector<16x1024xf32>
    %max3A_1040 = arith.maximumf %max3A_1027, %max3A_1039 : vector<16x1024xf32>
    %get3A_1041 = arith.constant 0 : index
    %get3A_1042 = arith.constant 80 : index
    %get3A_1043 = arith.constant 0 : index
    %get3A_1044 = vector.load %arg1[%get3A_1041, %get3A_1042, %get3A_1043] : memref<16x128x1024xf32, #tpu.memory_space<vmem>>, vector<16x1x1024xf32>
    %get3A_1045 = vector.shape_cast %get3A_1044 : vector<16x1x1024xf32> to vector<16x1024xf32>
    %mul3A_1046 = vector.broadcast %get3A_1 : vector<1x1024xf32> to vector<16x1024xf32>
    %mul3A_1047 = arith.mulf %get3A_1045, %mul3A_1046 : vector<16x1024xf32>
    %add3A_1048 = vector.broadcast %get3A_4 : vector<1x1024xf32> to vector<16x1024xf32>
    %add3A_1049 = arith.addf %mul3A_1047, %add3A_1048 : vector<16x1024xf32>
    %max3A_1050 = arith.constant 0.000000e+00 : f32
    %max3A_1051 = vector.broadcast %max3A_1050 : f32 to vector<16x1024xf32>
    %max3A_1052 = arith.maximumf %add3A_1049, %max3A_1051 : vector<16x1024xf32>
    %max3A_1053 = arith.maximumf %max3A_1040, %max3A_1052 : vector<16x1024xf32>
    %get3A_1054 = arith.constant 0 : index
    %get3A_1055 = arith.constant 81 : index
    %get3A_1056 = arith.constant 0 : index
    %get3A_1057 = vector.load %arg1[%get3A_1054, %get3A_1055, %get3A_1056] : memref<16x128x1024xf32, #tpu.memory_space<vmem>>, vector<16x1x1024xf32>
    %get3A_1058 = vector.shape_cast %get3A_1057 : vector<16x1x1024xf32> to vector<16x1024xf32>
    %mul3A_1059 = vector.broadcast %get3A_1 : vector<1x1024xf32> to vector<16x1024xf32>
    %mul3A_1060 = arith.mulf %get3A_1058, %mul3A_1059 : vector<16x1024xf32>
    %add3A_1061 = vector.broadcast %get3A_4 : vector<1x1024xf32> to vector<16x1024xf32>
    %add3A_1062 = arith.addf %mul3A_1060, %add3A_1061 : vector<16x1024xf32>
    %max3A_1063 = arith.constant 0.000000e+00 : f32
    %max3A_1064 = vector.broadcast %max3A_1063 : f32 to vector<16x1024xf32>
    %max3A_1065 = arith.maximumf %add3A_1062, %max3A_1064 : vector<16x1024xf32>
    %max3A_1066 = arith.maximumf %max3A_1053, %max3A_1065 : vector<16x1024xf32>
    %get3A_1067 = arith.constant 0 : index
    %get3A_1068 = arith.constant 82 : index
    %get3A_1069 = arith.constant 0 : index
    %get3A_1070 = vector.load %arg1[%get3A_1067, %get3A_1068, %get3A_1069] : memref<16x128x1024xf32, #tpu.memory_space<vmem>>, vector<16x1x1024xf32>
    %get3A_1071 = vector.shape_cast %get3A_1070 : vector<16x1x1024xf32> to vector<16x1024xf32>
    %mul3A_1072 = vector.broadcast %get3A_1 : vector<1x1024xf32> to vector<16x1024xf32>
    %mul3A_1073 = arith.mulf %get3A_1071, %mul3A_1072 : vector<16x1024xf32>
    %add3A_1074 = vector.broadcast %get3A_4 : vector<1x1024xf32> to vector<16x1024xf32>
    %add3A_1075 = arith.addf %mul3A_1073, %add3A_1074 : vector<16x1024xf32>
    %max3A_1076 = arith.constant 0.000000e+00 : f32
    %max3A_1077 = vector.broadcast %max3A_1076 : f32 to vector<16x1024xf32>
    %max3A_1078 = arith.maximumf %add3A_1075, %max3A_1077 : vector<16x1024xf32>
    %max3A_1079 = arith.maximumf %max3A_1066, %max3A_1078 : vector<16x1024xf32>
    %get3A_1080 = arith.constant 0 : index
    %get3A_1081 = arith.constant 83 : index
    %get3A_1082 = arith.constant 0 : index
    %get3A_1083 = vector.load %arg1[%get3A_1080, %get3A_1081, %get3A_1082] : memref<16x128x1024xf32, #tpu.memory_space<vmem>>, vector<16x1x1024xf32>
    %get3A_1084 = vector.shape_cast %get3A_1083 : vector<16x1x1024xf32> to vector<16x1024xf32>
    %mul3A_1085 = vector.broadcast %get3A_1 : vector<1x1024xf32> to vector<16x1024xf32>
    %mul3A_1086 = arith.mulf %get3A_1084, %mul3A_1085 : vector<16x1024xf32>
    %add3A_1087 = vector.broadcast %get3A_4 : vector<1x1024xf32> to vector<16x1024xf32>
    %add3A_1088 = arith.addf %mul3A_1086, %add3A_1087 : vector<16x1024xf32>
    %max3A_1089 = arith.constant 0.000000e+00 : f32
    %max3A_1090 = vector.broadcast %max3A_1089 : f32 to vector<16x1024xf32>
    %max3A_1091 = arith.maximumf %add3A_1088, %max3A_1090 : vector<16x1024xf32>
    %max3A_1092 = arith.maximumf %max3A_1079, %max3A_1091 : vector<16x1024xf32>
    %get3A_1093 = arith.constant 0 : index
    %get3A_1094 = arith.constant 84 : index
    %get3A_1095 = arith.constant 0 : index
    %get3A_1096 = vector.load %arg1[%get3A_1093, %get3A_1094, %get3A_1095] : memref<16x128x1024xf32, #tpu.memory_space<vmem>>, vector<16x1x1024xf32>
    %get3A_1097 = vector.shape_cast %get3A_1096 : vector<16x1x1024xf32> to vector<16x1024xf32>
    %mul3A_1098 = vector.broadcast %get3A_1 : vector<1x1024xf32> to vector<16x1024xf32>
    %mul3A_1099 = arith.mulf %get3A_1097, %mul3A_1098 : vector<16x1024xf32>
    %add3A_1100 = vector.broadcast %get3A_4 : vector<1x1024xf32> to vector<16x1024xf32>
    %add3A_1101 = arith.addf %mul3A_1099, %add3A_1100 : vector<16x1024xf32>
    %max3A_1102 = arith.constant 0.000000e+00 : f32
    %max3A_1103 = vector.broadcast %max3A_1102 : f32 to vector<16x1024xf32>
    %max3A_1104 = arith.maximumf %add3A_1101, %max3A_1103 : vector<16x1024xf32>
    %max3A_1105 = arith.maximumf %max3A_1092, %max3A_1104 : vector<16x1024xf32>
    %get3A_1106 = arith.constant 0 : index
    %get3A_1107 = arith.constant 85 : index
    %get3A_1108 = arith.constant 0 : index
    %get3A_1109 = vector.load %arg1[%get3A_1106, %get3A_1107, %get3A_1108] : memref<16x128x1024xf32, #tpu.memory_space<vmem>>, vector<16x1x1024xf32>
    %get3A_1110 = vector.shape_cast %get3A_1109 : vector<16x1x1024xf32> to vector<16x1024xf32>
    %mul3A_1111 = vector.broadcast %get3A_1 : vector<1x1024xf32> to vector<16x1024xf32>
    %mul3A_1112 = arith.mulf %get3A_1110, %mul3A_1111 : vector<16x1024xf32>
    %add3A_1113 = vector.broadcast %get3A_4 : vector<1x1024xf32> to vector<16x1024xf32>
    %add3A_1114 = arith.addf %mul3A_1112, %add3A_1113 : vector<16x1024xf32>
    %max3A_1115 = arith.constant 0.000000e+00 : f32
    %max3A_1116 = vector.broadcast %max3A_1115 : f32 to vector<16x1024xf32>
    %max3A_1117 = arith.maximumf %add3A_1114, %max3A_1116 : vector<16x1024xf32>
    %max3A_1118 = arith.maximumf %max3A_1105, %max3A_1117 : vector<16x1024xf32>
    %get3A_1119 = arith.constant 0 : index
    %get3A_1120 = arith.constant 86 : index
    %get3A_1121 = arith.constant 0 : index
    %get3A_1122 = vector.load %arg1[%get3A_1119, %get3A_1120, %get3A_1121] : memref<16x128x1024xf32, #tpu.memory_space<vmem>>, vector<16x1x1024xf32>
    %get3A_1123 = vector.shape_cast %get3A_1122 : vector<16x1x1024xf32> to vector<16x1024xf32>
    %mul3A_1124 = vector.broadcast %get3A_1 : vector<1x1024xf32> to vector<16x1024xf32>
    %mul3A_1125 = arith.mulf %get3A_1123, %mul3A_1124 : vector<16x1024xf32>
    %add3A_1126 = vector.broadcast %get3A_4 : vector<1x1024xf32> to vector<16x1024xf32>
    %add3A_1127 = arith.addf %mul3A_1125, %add3A_1126 : vector<16x1024xf32>
    %max3A_1128 = arith.constant 0.000000e+00 : f32
    %max3A_1129 = vector.broadcast %max3A_1128 : f32 to vector<16x1024xf32>
    %max3A_1130 = arith.maximumf %add3A_1127, %max3A_1129 : vector<16x1024xf32>
    %max3A_1131 = arith.maximumf %max3A_1118, %max3A_1130 : vector<16x1024xf32>
    %get3A_1132 = arith.constant 0 : index
    %get3A_1133 = arith.constant 87 : index
    %get3A_1134 = arith.constant 0 : index
    %get3A_1135 = vector.load %arg1[%get3A_1132, %get3A_1133, %get3A_1134] : memref<16x128x1024xf32, #tpu.memory_space<vmem>>, vector<16x1x1024xf32>
    %get3A_1136 = vector.shape_cast %get3A_1135 : vector<16x1x1024xf32> to vector<16x1024xf32>
    %mul3A_1137 = vector.broadcast %get3A_1 : vector<1x1024xf32> to vector<16x1024xf32>
    %mul3A_1138 = arith.mulf %get3A_1136, %mul3A_1137 : vector<16x1024xf32>
    %add3A_1139 = vector.broadcast %get3A_4 : vector<1x1024xf32> to vector<16x1024xf32>
    %add3A_1140 = arith.addf %mul3A_1138, %add3A_1139 : vector<16x1024xf32>
    %max3A_1141 = arith.constant 0.000000e+00 : f32
    %max3A_1142 = vector.broadcast %max3A_1141 : f32 to vector<16x1024xf32>
    %max3A_1143 = arith.maximumf %add3A_1140, %max3A_1142 : vector<16x1024xf32>
    %max3A_1144 = arith.maximumf %max3A_1131, %max3A_1143 : vector<16x1024xf32>
    %get3A_1145 = arith.constant 0 : index
    %get3A_1146 = arith.constant 88 : index
    %get3A_1147 = arith.constant 0 : index
    %get3A_1148 = vector.load %arg1[%get3A_1145, %get3A_1146, %get3A_1147] : memref<16x128x1024xf32, #tpu.memory_space<vmem>>, vector<16x1x1024xf32>
    %get3A_1149 = vector.shape_cast %get3A_1148 : vector<16x1x1024xf32> to vector<16x1024xf32>
    %mul3A_1150 = vector.broadcast %get3A_1 : vector<1x1024xf32> to vector<16x1024xf32>
    %mul3A_1151 = arith.mulf %get3A_1149, %mul3A_1150 : vector<16x1024xf32>
    %add3A_1152 = vector.broadcast %get3A_4 : vector<1x1024xf32> to vector<16x1024xf32>
    %add3A_1153 = arith.addf %mul3A_1151, %add3A_1152 : vector<16x1024xf32>
    %max3A_1154 = arith.constant 0.000000e+00 : f32
    %max3A_1155 = vector.broadcast %max3A_1154 : f32 to vector<16x1024xf32>
    %max3A_1156 = arith.maximumf %add3A_1153, %max3A_1155 : vector<16x1024xf32>
    %max3A_1157 = arith.maximumf %max3A_1144, %max3A_1156 : vector<16x1024xf32>
    %get3A_1158 = arith.constant 0 : index
    %get3A_1159 = arith.constant 89 : index
    %get3A_1160 = arith.constant 0 : index
    %get3A_1161 = vector.load %arg1[%get3A_1158, %get3A_1159, %get3A_1160] : memref<16x128x1024xf32, #tpu.memory_space<vmem>>, vector<16x1x1024xf32>
    %get3A_1162 = vector.shape_cast %get3A_1161 : vector<16x1x1024xf32> to vector<16x1024xf32>
    %mul3A_1163 = vector.broadcast %get3A_1 : vector<1x1024xf32> to vector<16x1024xf32>
    %mul3A_1164 = arith.mulf %get3A_1162, %mul3A_1163 : vector<16x1024xf32>
    %add3A_1165 = vector.broadcast %get3A_4 : vector<1x1024xf32> to vector<16x1024xf32>
    %add3A_1166 = arith.addf %mul3A_1164, %add3A_1165 : vector<16x1024xf32>
    %max3A_1167 = arith.constant 0.000000e+00 : f32
    %max3A_1168 = vector.broadcast %max3A_1167 : f32 to vector<16x1024xf32>
    %max3A_1169 = arith.maximumf %add3A_1166, %max3A_1168 : vector<16x1024xf32>
    %max3A_1170 = arith.maximumf %max3A_1157, %max3A_1169 : vector<16x1024xf32>
    %get3A_1171 = arith.constant 0 : index
    %get3A_1172 = arith.constant 90 : index
    %get3A_1173 = arith.constant 0 : index
    %get3A_1174 = vector.load %arg1[%get3A_1171, %get3A_1172, %get3A_1173] : memref<16x128x1024xf32, #tpu.memory_space<vmem>>, vector<16x1x1024xf32>
    %get3A_1175 = vector.shape_cast %get3A_1174 : vector<16x1x1024xf32> to vector<16x1024xf32>
    %mul3A_1176 = vector.broadcast %get3A_1 : vector<1x1024xf32> to vector<16x1024xf32>
    %mul3A_1177 = arith.mulf %get3A_1175, %mul3A_1176 : vector<16x1024xf32>
    %add3A_1178 = vector.broadcast %get3A_4 : vector<1x1024xf32> to vector<16x1024xf32>
    %add3A_1179 = arith.addf %mul3A_1177, %add3A_1178 : vector<16x1024xf32>
    %max3A_1180 = arith.constant 0.000000e+00 : f32
    %max3A_1181 = vector.broadcast %max3A_1180 : f32 to vector<16x1024xf32>
    %max3A_1182 = arith.maximumf %add3A_1179, %max3A_1181 : vector<16x1024xf32>
    %max3A_1183 = arith.maximumf %max3A_1170, %max3A_1182 : vector<16x1024xf32>
    %get3A_1184 = arith.constant 0 : index
    %get3A_1185 = arith.constant 91 : index
    %get3A_1186 = arith.constant 0 : index
    %get3A_1187 = vector.load %arg1[%get3A_1184, %get3A_1185, %get3A_1186] : memref<16x128x1024xf32, #tpu.memory_space<vmem>>, vector<16x1x1024xf32>
    %get3A_1188 = vector.shape_cast %get3A_1187 : vector<16x1x1024xf32> to vector<16x1024xf32>
    %mul3A_1189 = vector.broadcast %get3A_1 : vector<1x1024xf32> to vector<16x1024xf32>
    %mul3A_1190 = arith.mulf %get3A_1188, %mul3A_1189 : vector<16x1024xf32>
    %add3A_1191 = vector.broadcast %get3A_4 : vector<1x1024xf32> to vector<16x1024xf32>
    %add3A_1192 = arith.addf %mul3A_1190, %add3A_1191 : vector<16x1024xf32>
    %max3A_1193 = arith.constant 0.000000e+00 : f32
    %max3A_1194 = vector.broadcast %max3A_1193 : f32 to vector<16x1024xf32>
    %max3A_1195 = arith.maximumf %add3A_1192, %max3A_1194 : vector<16x1024xf32>
    %max3A_1196 = arith.maximumf %max3A_1183, %max3A_1195 : vector<16x1024xf32>
    %get3A_1197 = arith.constant 0 : index
    %get3A_1198 = arith.constant 92 : index
    %get3A_1199 = arith.constant 0 : index
    %get3A_1200 = vector.load %arg1[%get3A_1197, %get3A_1198, %get3A_1199] : memref<16x128x1024xf32, #tpu.memory_space<vmem>>, vector<16x1x1024xf32>
    %get3A_1201 = vector.shape_cast %get3A_1200 : vector<16x1x1024xf32> to vector<16x1024xf32>
    %mul3A_1202 = vector.broadcast %get3A_1 : vector<1x1024xf32> to vector<16x1024xf32>
    %mul3A_1203 = arith.mulf %get3A_1201, %mul3A_1202 : vector<16x1024xf32>
    %add3A_1204 = vector.broadcast %get3A_4 : vector<1x1024xf32> to vector<16x1024xf32>
    %add3A_1205 = arith.addf %mul3A_1203, %add3A_1204 : vector<16x1024xf32>
    %max3A_1206 = arith.constant 0.000000e+00 : f32
    %max3A_1207 = vector.broadcast %max3A_1206 : f32 to vector<16x1024xf32>
    %max3A_1208 = arith.maximumf %add3A_1205, %max3A_1207 : vector<16x1024xf32>
    %max3A_1209 = arith.maximumf %max3A_1196, %max3A_1208 : vector<16x1024xf32>
    %get3A_1210 = arith.constant 0 : index
    %get3A_1211 = arith.constant 93 : index
    %get3A_1212 = arith.constant 0 : index
    %get3A_1213 = vector.load %arg1[%get3A_1210, %get3A_1211, %get3A_1212] : memref<16x128x1024xf32, #tpu.memory_space<vmem>>, vector<16x1x1024xf32>
    %get3A_1214 = vector.shape_cast %get3A_1213 : vector<16x1x1024xf32> to vector<16x1024xf32>
    %mul3A_1215 = vector.broadcast %get3A_1 : vector<1x1024xf32> to vector<16x1024xf32>
    %mul3A_1216 = arith.mulf %get3A_1214, %mul3A_1215 : vector<16x1024xf32>
    %add3A_1217 = vector.broadcast %get3A_4 : vector<1x1024xf32> to vector<16x1024xf32>
    %add3A_1218 = arith.addf %mul3A_1216, %add3A_1217 : vector<16x1024xf32>
    %max3A_1219 = arith.constant 0.000000e+00 : f32
    %max3A_1220 = vector.broadcast %max3A_1219 : f32 to vector<16x1024xf32>
    %max3A_1221 = arith.maximumf %add3A_1218, %max3A_1220 : vector<16x1024xf32>
    %max3A_1222 = arith.maximumf %max3A_1209, %max3A_1221 : vector<16x1024xf32>
    %get3A_1223 = arith.constant 0 : index
    %get3A_1224 = arith.constant 94 : index
    %get3A_1225 = arith.constant 0 : index
    %get3A_1226 = vector.load %arg1[%get3A_1223, %get3A_1224, %get3A_1225] : memref<16x128x1024xf32, #tpu.memory_space<vmem>>, vector<16x1x1024xf32>
    %get3A_1227 = vector.shape_cast %get3A_1226 : vector<16x1x1024xf32> to vector<16x1024xf32>
    %mul3A_1228 = vector.broadcast %get3A_1 : vector<1x1024xf32> to vector<16x1024xf32>
    %mul3A_1229 = arith.mulf %get3A_1227, %mul3A_1228 : vector<16x1024xf32>
    %add3A_1230 = vector.broadcast %get3A_4 : vector<1x1024xf32> to vector<16x1024xf32>
    %add3A_1231 = arith.addf %mul3A_1229, %add3A_1230 : vector<16x1024xf32>
    %max3A_1232 = arith.constant 0.000000e+00 : f32
    %max3A_1233 = vector.broadcast %max3A_1232 : f32 to vector<16x1024xf32>
    %max3A_1234 = arith.maximumf %add3A_1231, %max3A_1233 : vector<16x1024xf32>
    %max3A_1235 = arith.maximumf %max3A_1222, %max3A_1234 : vector<16x1024xf32>
    %get3A_1236 = arith.constant 0 : index
    %get3A_1237 = arith.constant 95 : index
    %get3A_1238 = arith.constant 0 : index
    %get3A_1239 = vector.load %arg1[%get3A_1236, %get3A_1237, %get3A_1238] : memref<16x128x1024xf32, #tpu.memory_space<vmem>>, vector<16x1x1024xf32>
    %get3A_1240 = vector.shape_cast %get3A_1239 : vector<16x1x1024xf32> to vector<16x1024xf32>
    %mul3A_1241 = vector.broadcast %get3A_1 : vector<1x1024xf32> to vector<16x1024xf32>
    %mul3A_1242 = arith.mulf %get3A_1240, %mul3A_1241 : vector<16x1024xf32>
    %add3A_1243 = vector.broadcast %get3A_4 : vector<1x1024xf32> to vector<16x1024xf32>
    %add3A_1244 = arith.addf %mul3A_1242, %add3A_1243 : vector<16x1024xf32>
    %max3A_1245 = arith.constant 0.000000e+00 : f32
    %max3A_1246 = vector.broadcast %max3A_1245 : f32 to vector<16x1024xf32>
    %max3A_1247 = arith.maximumf %add3A_1244, %max3A_1246 : vector<16x1024xf32>
    %max3A_1248 = arith.maximumf %max3A_1235, %max3A_1247 : vector<16x1024xf32>
    %get3A_1249 = arith.constant 0 : index
    %get3A_1250 = arith.constant 96 : index
    %get3A_1251 = arith.constant 0 : index
    %get3A_1252 = vector.load %arg1[%get3A_1249, %get3A_1250, %get3A_1251] : memref<16x128x1024xf32, #tpu.memory_space<vmem>>, vector<16x1x1024xf32>
    %get3A_1253 = vector.shape_cast %get3A_1252 : vector<16x1x1024xf32> to vector<16x1024xf32>
    %mul3A_1254 = vector.broadcast %get3A_1 : vector<1x1024xf32> to vector<16x1024xf32>
    %mul3A_1255 = arith.mulf %get3A_1253, %mul3A_1254 : vector<16x1024xf32>
    %add3A_1256 = vector.broadcast %get3A_4 : vector<1x1024xf32> to vector<16x1024xf32>
    %add3A_1257 = arith.addf %mul3A_1255, %add3A_1256 : vector<16x1024xf32>
    %max3A_1258 = arith.constant 0.000000e+00 : f32
    %max3A_1259 = vector.broadcast %max3A_1258 : f32 to vector<16x1024xf32>
    %max3A_1260 = arith.maximumf %add3A_1257, %max3A_1259 : vector<16x1024xf32>
    %max3A_1261 = arith.maximumf %max3A_1248, %max3A_1260 : vector<16x1024xf32>
    %get3A_1262 = arith.constant 0 : index
    %get3A_1263 = arith.constant 97 : index
    %get3A_1264 = arith.constant 0 : index
    %get3A_1265 = vector.load %arg1[%get3A_1262, %get3A_1263, %get3A_1264] : memref<16x128x1024xf32, #tpu.memory_space<vmem>>, vector<16x1x1024xf32>
    %get3A_1266 = vector.shape_cast %get3A_1265 : vector<16x1x1024xf32> to vector<16x1024xf32>
    %mul3A_1267 = vector.broadcast %get3A_1 : vector<1x1024xf32> to vector<16x1024xf32>
    %mul3A_1268 = arith.mulf %get3A_1266, %mul3A_1267 : vector<16x1024xf32>
    %add3A_1269 = vector.broadcast %get3A_4 : vector<1x1024xf32> to vector<16x1024xf32>
    %add3A_1270 = arith.addf %mul3A_1268, %add3A_1269 : vector<16x1024xf32>
    %max3A_1271 = arith.constant 0.000000e+00 : f32
    %max3A_1272 = vector.broadcast %max3A_1271 : f32 to vector<16x1024xf32>
    %max3A_1273 = arith.maximumf %add3A_1270, %max3A_1272 : vector<16x1024xf32>
    %max3A_1274 = arith.maximumf %max3A_1261, %max3A_1273 : vector<16x1024xf32>
    %get3A_1275 = arith.constant 0 : index
    %get3A_1276 = arith.constant 98 : index
    %get3A_1277 = arith.constant 0 : index
    %get3A_1278 = vector.load %arg1[%get3A_1275, %get3A_1276, %get3A_1277] : memref<16x128x1024xf32, #tpu.memory_space<vmem>>, vector<16x1x1024xf32>
    %get3A_1279 = vector.shape_cast %get3A_1278 : vector<16x1x1024xf32> to vector<16x1024xf32>
    %mul3A_1280 = vector.broadcast %get3A_1 : vector<1x1024xf32> to vector<16x1024xf32>
    %mul3A_1281 = arith.mulf %get3A_1279, %mul3A_1280 : vector<16x1024xf32>
    %add3A_1282 = vector.broadcast %get3A_4 : vector<1x1024xf32> to vector<16x1024xf32>
    %add3A_1283 = arith.addf %mul3A_1281, %add3A_1282 : vector<16x1024xf32>
    %max3A_1284 = arith.constant 0.000000e+00 : f32
    %max3A_1285 = vector.broadcast %max3A_1284 : f32 to vector<16x1024xf32>
    %max3A_1286 = arith.maximumf %add3A_1283, %max3A_1285 : vector<16x1024xf32>
    %max3A_1287 = arith.maximumf %max3A_1274, %max3A_1286 : vector<16x1024xf32>
    %get3A_1288 = arith.constant 0 : index
    %get3A_1289 = arith.constant 99 : index
    %get3A_1290 = arith.constant 0 : index
    %get3A_1291 = vector.load %arg1[%get3A_1288, %get3A_1289, %get3A_1290] : memref<16x128x1024xf32, #tpu.memory_space<vmem>>, vector<16x1x1024xf32>
    %get3A_1292 = vector.shape_cast %get3A_1291 : vector<16x1x1024xf32> to vector<16x1024xf32>
    %mul3A_1293 = vector.broadcast %get3A_1 : vector<1x1024xf32> to vector<16x1024xf32>
    %mul3A_1294 = arith.mulf %get3A_1292, %mul3A_1293 : vector<16x1024xf32>
    %add3A_1295 = vector.broadcast %get3A_4 : vector<1x1024xf32> to vector<16x1024xf32>
    %add3A_1296 = arith.addf %mul3A_1294, %add3A_1295 : vector<16x1024xf32>
    %max3A_1297 = arith.constant 0.000000e+00 : f32
    %max3A_1298 = vector.broadcast %max3A_1297 : f32 to vector<16x1024xf32>
    %max3A_1299 = arith.maximumf %add3A_1296, %max3A_1298 : vector<16x1024xf32>
    %max3A_1300 = arith.maximumf %max3A_1287, %max3A_1299 : vector<16x1024xf32>
    %get3A_1301 = arith.constant 0 : index
    %get3A_1302 = arith.constant 100 : index
    %get3A_1303 = arith.constant 0 : index
    %get3A_1304 = vector.load %arg1[%get3A_1301, %get3A_1302, %get3A_1303] : memref<16x128x1024xf32, #tpu.memory_space<vmem>>, vector<16x1x1024xf32>
    %get3A_1305 = vector.shape_cast %get3A_1304 : vector<16x1x1024xf32> to vector<16x1024xf32>
    %mul3A_1306 = vector.broadcast %get3A_1 : vector<1x1024xf32> to vector<16x1024xf32>
    %mul3A_1307 = arith.mulf %get3A_1305, %mul3A_1306 : vector<16x1024xf32>
    %add3A_1308 = vector.broadcast %get3A_4 : vector<1x1024xf32> to vector<16x1024xf32>
    %add3A_1309 = arith.addf %mul3A_1307, %add3A_1308 : vector<16x1024xf32>
    %max3A_1310 = arith.constant 0.000000e+00 : f32
    %max3A_1311 = vector.broadcast %max3A_1310 : f32 to vector<16x1024xf32>
    %max3A_1312 = arith.maximumf %add3A_1309, %max3A_1311 : vector<16x1024xf32>
    %max3A_1313 = arith.maximumf %max3A_1300, %max3A_1312 : vector<16x1024xf32>
    %get3A_1314 = arith.constant 0 : index
    %get3A_1315 = arith.constant 101 : index
    %get3A_1316 = arith.constant 0 : index
    %get3A_1317 = vector.load %arg1[%get3A_1314, %get3A_1315, %get3A_1316] : memref<16x128x1024xf32, #tpu.memory_space<vmem>>, vector<16x1x1024xf32>
    %get3A_1318 = vector.shape_cast %get3A_1317 : vector<16x1x1024xf32> to vector<16x1024xf32>
    %mul3A_1319 = vector.broadcast %get3A_1 : vector<1x1024xf32> to vector<16x1024xf32>
    %mul3A_1320 = arith.mulf %get3A_1318, %mul3A_1319 : vector<16x1024xf32>
    %add3A_1321 = vector.broadcast %get3A_4 : vector<1x1024xf32> to vector<16x1024xf32>
    %add3A_1322 = arith.addf %mul3A_1320, %add3A_1321 : vector<16x1024xf32>
    %max3A_1323 = arith.constant 0.000000e+00 : f32
    %max3A_1324 = vector.broadcast %max3A_1323 : f32 to vector<16x1024xf32>
    %max3A_1325 = arith.maximumf %add3A_1322, %max3A_1324 : vector<16x1024xf32>
    %max3A_1326 = arith.maximumf %max3A_1313, %max3A_1325 : vector<16x1024xf32>
    %get3A_1327 = arith.constant 0 : index
    %get3A_1328 = arith.constant 102 : index
    %get3A_1329 = arith.constant 0 : index
    %get3A_1330 = vector.load %arg1[%get3A_1327, %get3A_1328, %get3A_1329] : memref<16x128x1024xf32, #tpu.memory_space<vmem>>, vector<16x1x1024xf32>
    %get3A_1331 = vector.shape_cast %get3A_1330 : vector<16x1x1024xf32> to vector<16x1024xf32>
    %mul3A_1332 = vector.broadcast %get3A_1 : vector<1x1024xf32> to vector<16x1024xf32>
    %mul3A_1333 = arith.mulf %get3A_1331, %mul3A_1332 : vector<16x1024xf32>
    %add3A_1334 = vector.broadcast %get3A_4 : vector<1x1024xf32> to vector<16x1024xf32>
    %add3A_1335 = arith.addf %mul3A_1333, %add3A_1334 : vector<16x1024xf32>
    %max3A_1336 = arith.constant 0.000000e+00 : f32
    %max3A_1337 = vector.broadcast %max3A_1336 : f32 to vector<16x1024xf32>
    %max3A_1338 = arith.maximumf %add3A_1335, %max3A_1337 : vector<16x1024xf32>
    %max3A_1339 = arith.maximumf %max3A_1326, %max3A_1338 : vector<16x1024xf32>
    %get3A_1340 = arith.constant 0 : index
    %get3A_1341 = arith.constant 103 : index
    %get3A_1342 = arith.constant 0 : index
    %get3A_1343 = vector.load %arg1[%get3A_1340, %get3A_1341, %get3A_1342] : memref<16x128x1024xf32, #tpu.memory_space<vmem>>, vector<16x1x1024xf32>
    %get3A_1344 = vector.shape_cast %get3A_1343 : vector<16x1x1024xf32> to vector<16x1024xf32>
    %mul3A_1345 = vector.broadcast %get3A_1 : vector<1x1024xf32> to vector<16x1024xf32>
    %mul3A_1346 = arith.mulf %get3A_1344, %mul3A_1345 : vector<16x1024xf32>
    %add3A_1347 = vector.broadcast %get3A_4 : vector<1x1024xf32> to vector<16x1024xf32>
    %add3A_1348 = arith.addf %mul3A_1346, %add3A_1347 : vector<16x1024xf32>
    %max3A_1349 = arith.constant 0.000000e+00 : f32
    %max3A_1350 = vector.broadcast %max3A_1349 : f32 to vector<16x1024xf32>
    %max3A_1351 = arith.maximumf %add3A_1348, %max3A_1350 : vector<16x1024xf32>
    %max3A_1352 = arith.maximumf %max3A_1339, %max3A_1351 : vector<16x1024xf32>
    %get3A_1353 = arith.constant 0 : index
    %get3A_1354 = arith.constant 104 : index
    %get3A_1355 = arith.constant 0 : index
    %get3A_1356 = vector.load %arg1[%get3A_1353, %get3A_1354, %get3A_1355] : memref<16x128x1024xf32, #tpu.memory_space<vmem>>, vector<16x1x1024xf32>
    %get3A_1357 = vector.shape_cast %get3A_1356 : vector<16x1x1024xf32> to vector<16x1024xf32>
    %mul3A_1358 = vector.broadcast %get3A_1 : vector<1x1024xf32> to vector<16x1024xf32>
    %mul3A_1359 = arith.mulf %get3A_1357, %mul3A_1358 : vector<16x1024xf32>
    %add3A_1360 = vector.broadcast %get3A_4 : vector<1x1024xf32> to vector<16x1024xf32>
    %add3A_1361 = arith.addf %mul3A_1359, %add3A_1360 : vector<16x1024xf32>
    %max3A_1362 = arith.constant 0.000000e+00 : f32
    %max3A_1363 = vector.broadcast %max3A_1362 : f32 to vector<16x1024xf32>
    %max3A_1364 = arith.maximumf %add3A_1361, %max3A_1363 : vector<16x1024xf32>
    %max3A_1365 = arith.maximumf %max3A_1352, %max3A_1364 : vector<16x1024xf32>
    %get3A_1366 = arith.constant 0 : index
    %get3A_1367 = arith.constant 105 : index
    %get3A_1368 = arith.constant 0 : index
    %get3A_1369 = vector.load %arg1[%get3A_1366, %get3A_1367, %get3A_1368] : memref<16x128x1024xf32, #tpu.memory_space<vmem>>, vector<16x1x1024xf32>
    %get3A_1370 = vector.shape_cast %get3A_1369 : vector<16x1x1024xf32> to vector<16x1024xf32>
    %mul3A_1371 = vector.broadcast %get3A_1 : vector<1x1024xf32> to vector<16x1024xf32>
    %mul3A_1372 = arith.mulf %get3A_1370, %mul3A_1371 : vector<16x1024xf32>
    %add3A_1373 = vector.broadcast %get3A_4 : vector<1x1024xf32> to vector<16x1024xf32>
    %add3A_1374 = arith.addf %mul3A_1372, %add3A_1373 : vector<16x1024xf32>
    %max3A_1375 = arith.constant 0.000000e+00 : f32
    %max3A_1376 = vector.broadcast %max3A_1375 : f32 to vector<16x1024xf32>
    %max3A_1377 = arith.maximumf %add3A_1374, %max3A_1376 : vector<16x1024xf32>
    %max3A_1378 = arith.maximumf %max3A_1365, %max3A_1377 : vector<16x1024xf32>
    %get3A_1379 = arith.constant 0 : index
    %get3A_1380 = arith.constant 106 : index
    %get3A_1381 = arith.constant 0 : index
    %get3A_1382 = vector.load %arg1[%get3A_1379, %get3A_1380, %get3A_1381] : memref<16x128x1024xf32, #tpu.memory_space<vmem>>, vector<16x1x1024xf32>
    %get3A_1383 = vector.shape_cast %get3A_1382 : vector<16x1x1024xf32> to vector<16x1024xf32>
    %mul3A_1384 = vector.broadcast %get3A_1 : vector<1x1024xf32> to vector<16x1024xf32>
    %mul3A_1385 = arith.mulf %get3A_1383, %mul3A_1384 : vector<16x1024xf32>
    %add3A_1386 = vector.broadcast %get3A_4 : vector<1x1024xf32> to vector<16x1024xf32>
    %add3A_1387 = arith.addf %mul3A_1385, %add3A_1386 : vector<16x1024xf32>
    %max3A_1388 = arith.constant 0.000000e+00 : f32
    %max3A_1389 = vector.broadcast %max3A_1388 : f32 to vector<16x1024xf32>
    %max3A_1390 = arith.maximumf %add3A_1387, %max3A_1389 : vector<16x1024xf32>
    %max3A_1391 = arith.maximumf %max3A_1378, %max3A_1390 : vector<16x1024xf32>
    %get3A_1392 = arith.constant 0 : index
    %get3A_1393 = arith.constant 107 : index
    %get3A_1394 = arith.constant 0 : index
    %get3A_1395 = vector.load %arg1[%get3A_1392, %get3A_1393, %get3A_1394] : memref<16x128x1024xf32, #tpu.memory_space<vmem>>, vector<16x1x1024xf32>
    %get3A_1396 = vector.shape_cast %get3A_1395 : vector<16x1x1024xf32> to vector<16x1024xf32>
    %mul3A_1397 = vector.broadcast %get3A_1 : vector<1x1024xf32> to vector<16x1024xf32>
    %mul3A_1398 = arith.mulf %get3A_1396, %mul3A_1397 : vector<16x1024xf32>
    %add3A_1399 = vector.broadcast %get3A_4 : vector<1x1024xf32> to vector<16x1024xf32>
    %add3A_1400 = arith.addf %mul3A_1398, %add3A_1399 : vector<16x1024xf32>
    %max3A_1401 = arith.constant 0.000000e+00 : f32
    %max3A_1402 = vector.broadcast %max3A_1401 : f32 to vector<16x1024xf32>
    %max3A_1403 = arith.maximumf %add3A_1400, %max3A_1402 : vector<16x1024xf32>
    %max3A_1404 = arith.maximumf %max3A_1391, %max3A_1403 : vector<16x1024xf32>
    %get3A_1405 = arith.constant 0 : index
    %get3A_1406 = arith.constant 108 : index
    %get3A_1407 = arith.constant 0 : index
    %get3A_1408 = vector.load %arg1[%get3A_1405, %get3A_1406, %get3A_1407] : memref<16x128x1024xf32, #tpu.memory_space<vmem>>, vector<16x1x1024xf32>
    %get3A_1409 = vector.shape_cast %get3A_1408 : vector<16x1x1024xf32> to vector<16x1024xf32>
    %mul3A_1410 = vector.broadcast %get3A_1 : vector<1x1024xf32> to vector<16x1024xf32>
    %mul3A_1411 = arith.mulf %get3A_1409, %mul3A_1410 : vector<16x1024xf32>
    %add3A_1412 = vector.broadcast %get3A_4 : vector<1x1024xf32> to vector<16x1024xf32>
    %add3A_1413 = arith.addf %mul3A_1411, %add3A_1412 : vector<16x1024xf32>
    %max3A_1414 = arith.constant 0.000000e+00 : f32
    %max3A_1415 = vector.broadcast %max3A_1414 : f32 to vector<16x1024xf32>
    %max3A_1416 = arith.maximumf %add3A_1413, %max3A_1415 : vector<16x1024xf32>
    %max3A_1417 = arith.maximumf %max3A_1404, %max3A_1416 : vector<16x1024xf32>
    %get3A_1418 = arith.constant 0 : index
    %get3A_1419 = arith.constant 109 : index
    %get3A_1420 = arith.constant 0 : index
    %get3A_1421 = vector.load %arg1[%get3A_1418, %get3A_1419, %get3A_1420] : memref<16x128x1024xf32, #tpu.memory_space<vmem>>, vector<16x1x1024xf32>
    %get3A_1422 = vector.shape_cast %get3A_1421 : vector<16x1x1024xf32> to vector<16x1024xf32>
    %mul3A_1423 = vector.broadcast %get3A_1 : vector<1x1024xf32> to vector<16x1024xf32>
    %mul3A_1424 = arith.mulf %get3A_1422, %mul3A_1423 : vector<16x1024xf32>
    %add3A_1425 = vector.broadcast %get3A_4 : vector<1x1024xf32> to vector<16x1024xf32>
    %add3A_1426 = arith.addf %mul3A_1424, %add3A_1425 : vector<16x1024xf32>
    %max3A_1427 = arith.constant 0.000000e+00 : f32
    %max3A_1428 = vector.broadcast %max3A_1427 : f32 to vector<16x1024xf32>
    %max3A_1429 = arith.maximumf %add3A_1426, %max3A_1428 : vector<16x1024xf32>
    %max3A_1430 = arith.maximumf %max3A_1417, %max3A_1429 : vector<16x1024xf32>
    %get3A_1431 = arith.constant 0 : index
    %get3A_1432 = arith.constant 110 : index
    %get3A_1433 = arith.constant 0 : index
    %get3A_1434 = vector.load %arg1[%get3A_1431, %get3A_1432, %get3A_1433] : memref<16x128x1024xf32, #tpu.memory_space<vmem>>, vector<16x1x1024xf32>
    %get3A_1435 = vector.shape_cast %get3A_1434 : vector<16x1x1024xf32> to vector<16x1024xf32>
    %mul3A_1436 = vector.broadcast %get3A_1 : vector<1x1024xf32> to vector<16x1024xf32>
    %mul3A_1437 = arith.mulf %get3A_1435, %mul3A_1436 : vector<16x1024xf32>
    %add3A_1438 = vector.broadcast %get3A_4 : vector<1x1024xf32> to vector<16x1024xf32>
    %add3A_1439 = arith.addf %mul3A_1437, %add3A_1438 : vector<16x1024xf32>
    %max3A_1440 = arith.constant 0.000000e+00 : f32
    %max3A_1441 = vector.broadcast %max3A_1440 : f32 to vector<16x1024xf32>
    %max3A_1442 = arith.maximumf %add3A_1439, %max3A_1441 : vector<16x1024xf32>
    %max3A_1443 = arith.maximumf %max3A_1430, %max3A_1442 : vector<16x1024xf32>
    %get3A_1444 = arith.constant 0 : index
    %get3A_1445 = arith.constant 111 : index
    %get3A_1446 = arith.constant 0 : index
    %get3A_1447 = vector.load %arg1[%get3A_1444, %get3A_1445, %get3A_1446] : memref<16x128x1024xf32, #tpu.memory_space<vmem>>, vector<16x1x1024xf32>
    %get3A_1448 = vector.shape_cast %get3A_1447 : vector<16x1x1024xf32> to vector<16x1024xf32>
    %mul3A_1449 = vector.broadcast %get3A_1 : vector<1x1024xf32> to vector<16x1024xf32>
    %mul3A_1450 = arith.mulf %get3A_1448, %mul3A_1449 : vector<16x1024xf32>
    %add3A_1451 = vector.broadcast %get3A_4 : vector<1x1024xf32> to vector<16x1024xf32>
    %add3A_1452 = arith.addf %mul3A_1450, %add3A_1451 : vector<16x1024xf32>
    %max3A_1453 = arith.constant 0.000000e+00 : f32
    %max3A_1454 = vector.broadcast %max3A_1453 : f32 to vector<16x1024xf32>
    %max3A_1455 = arith.maximumf %add3A_1452, %max3A_1454 : vector<16x1024xf32>
    %max3A_1456 = arith.maximumf %max3A_1443, %max3A_1455 : vector<16x1024xf32>
    %get3A_1457 = arith.constant 0 : index
    %get3A_1458 = arith.constant 112 : index
    %get3A_1459 = arith.constant 0 : index
    %get3A_1460 = vector.load %arg1[%get3A_1457, %get3A_1458, %get3A_1459] : memref<16x128x1024xf32, #tpu.memory_space<vmem>>, vector<16x1x1024xf32>
    %get3A_1461 = vector.shape_cast %get3A_1460 : vector<16x1x1024xf32> to vector<16x1024xf32>
    %mul3A_1462 = vector.broadcast %get3A_1 : vector<1x1024xf32> to vector<16x1024xf32>
    %mul3A_1463 = arith.mulf %get3A_1461, %mul3A_1462 : vector<16x1024xf32>
    %add3A_1464 = vector.broadcast %get3A_4 : vector<1x1024xf32> to vector<16x1024xf32>
    %add3A_1465 = arith.addf %mul3A_1463, %add3A_1464 : vector<16x1024xf32>
    %max3A_1466 = arith.constant 0.000000e+00 : f32
    %max3A_1467 = vector.broadcast %max3A_1466 : f32 to vector<16x1024xf32>
    %max3A_1468 = arith.maximumf %add3A_1465, %max3A_1467 : vector<16x1024xf32>
    %max3A_1469 = arith.maximumf %max3A_1456, %max3A_1468 : vector<16x1024xf32>
    %get3A_1470 = arith.constant 0 : index
    %get3A_1471 = arith.constant 113 : index
    %get3A_1472 = arith.constant 0 : index
    %get3A_1473 = vector.load %arg1[%get3A_1470, %get3A_1471, %get3A_1472] : memref<16x128x1024xf32, #tpu.memory_space<vmem>>, vector<16x1x1024xf32>
    %get3A_1474 = vector.shape_cast %get3A_1473 : vector<16x1x1024xf32> to vector<16x1024xf32>
    %mul3A_1475 = vector.broadcast %get3A_1 : vector<1x1024xf32> to vector<16x1024xf32>
    %mul3A_1476 = arith.mulf %get3A_1474, %mul3A_1475 : vector<16x1024xf32>
    %add3A_1477 = vector.broadcast %get3A_4 : vector<1x1024xf32> to vector<16x1024xf32>
    %add3A_1478 = arith.addf %mul3A_1476, %add3A_1477 : vector<16x1024xf32>
    %max3A_1479 = arith.constant 0.000000e+00 : f32
    %max3A_1480 = vector.broadcast %max3A_1479 : f32 to vector<16x1024xf32>
    %max3A_1481 = arith.maximumf %add3A_1478, %max3A_1480 : vector<16x1024xf32>
    %max3A_1482 = arith.maximumf %max3A_1469, %max3A_1481 : vector<16x1024xf32>
    %get3A_1483 = arith.constant 0 : index
    %get3A_1484 = arith.constant 114 : index
    %get3A_1485 = arith.constant 0 : index
    %get3A_1486 = vector.load %arg1[%get3A_1483, %get3A_1484, %get3A_1485] : memref<16x128x1024xf32, #tpu.memory_space<vmem>>, vector<16x1x1024xf32>
    %get3A_1487 = vector.shape_cast %get3A_1486 : vector<16x1x1024xf32> to vector<16x1024xf32>
    %mul3A_1488 = vector.broadcast %get3A_1 : vector<1x1024xf32> to vector<16x1024xf32>
    %mul3A_1489 = arith.mulf %get3A_1487, %mul3A_1488 : vector<16x1024xf32>
    %add3A_1490 = vector.broadcast %get3A_4 : vector<1x1024xf32> to vector<16x1024xf32>
    %add3A_1491 = arith.addf %mul3A_1489, %add3A_1490 : vector<16x1024xf32>
    %max3A_1492 = arith.constant 0.000000e+00 : f32
    %max3A_1493 = vector.broadcast %max3A_1492 : f32 to vector<16x1024xf32>
    %max3A_1494 = arith.maximumf %add3A_1491, %max3A_1493 : vector<16x1024xf32>
    %max3A_1495 = arith.maximumf %max3A_1482, %max3A_1494 : vector<16x1024xf32>
    %get3A_1496 = arith.constant 0 : index
    %get3A_1497 = arith.constant 115 : index
    %get3A_1498 = arith.constant 0 : index
    %get3A_1499 = vector.load %arg1[%get3A_1496, %get3A_1497, %get3A_1498] : memref<16x128x1024xf32, #tpu.memory_space<vmem>>, vector<16x1x1024xf32>
    %get3A_1500 = vector.shape_cast %get3A_1499 : vector<16x1x1024xf32> to vector<16x1024xf32>
    %mul3A_1501 = vector.broadcast %get3A_1 : vector<1x1024xf32> to vector<16x1024xf32>
    %mul3A_1502 = arith.mulf %get3A_1500, %mul3A_1501 : vector<16x1024xf32>
    %add3A_1503 = vector.broadcast %get3A_4 : vector<1x1024xf32> to vector<16x1024xf32>
    %add3A_1504 = arith.addf %mul3A_1502, %add3A_1503 : vector<16x1024xf32>
    %max3A_1505 = arith.constant 0.000000e+00 : f32
    %max3A_1506 = vector.broadcast %max3A_1505 : f32 to vector<16x1024xf32>
    %max3A_1507 = arith.maximumf %add3A_1504, %max3A_1506 : vector<16x1024xf32>
    %max3A_1508 = arith.maximumf %max3A_1495, %max3A_1507 : vector<16x1024xf32>
    %get3A_1509 = arith.constant 0 : index
    %get3A_1510 = arith.constant 116 : index
    %get3A_1511 = arith.constant 0 : index
    %get3A_1512 = vector.load %arg1[%get3A_1509, %get3A_1510, %get3A_1511] : memref<16x128x1024xf32, #tpu.memory_space<vmem>>, vector<16x1x1024xf32>
    %get3A_1513 = vector.shape_cast %get3A_1512 : vector<16x1x1024xf32> to vector<16x1024xf32>
    %mul3A_1514 = vector.broadcast %get3A_1 : vector<1x1024xf32> to vector<16x1024xf32>
    %mul3A_1515 = arith.mulf %get3A_1513, %mul3A_1514 : vector<16x1024xf32>
    %add3A_1516 = vector.broadcast %get3A_4 : vector<1x1024xf32> to vector<16x1024xf32>
    %add3A_1517 = arith.addf %mul3A_1515, %add3A_1516 : vector<16x1024xf32>
    %max3A_1518 = arith.constant 0.000000e+00 : f32
    %max3A_1519 = vector.broadcast %max3A_1518 : f32 to vector<16x1024xf32>
    %max3A_1520 = arith.maximumf %add3A_1517, %max3A_1519 : vector<16x1024xf32>
    %max3A_1521 = arith.maximumf %max3A_1508, %max3A_1520 : vector<16x1024xf32>
    %get3A_1522 = arith.constant 0 : index
    %get3A_1523 = arith.constant 117 : index
    %get3A_1524 = arith.constant 0 : index
    %get3A_1525 = vector.load %arg1[%get3A_1522, %get3A_1523, %get3A_1524] : memref<16x128x1024xf32, #tpu.memory_space<vmem>>, vector<16x1x1024xf32>
    %get3A_1526 = vector.shape_cast %get3A_1525 : vector<16x1x1024xf32> to vector<16x1024xf32>
    %mul3A_1527 = vector.broadcast %get3A_1 : vector<1x1024xf32> to vector<16x1024xf32>
    %mul3A_1528 = arith.mulf %get3A_1526, %mul3A_1527 : vector<16x1024xf32>
    %add3A_1529 = vector.broadcast %get3A_4 : vector<1x1024xf32> to vector<16x1024xf32>
    %add3A_1530 = arith.addf %mul3A_1528, %add3A_1529 : vector<16x1024xf32>
    %max3A_1531 = arith.constant 0.000000e+00 : f32
    %max3A_1532 = vector.broadcast %max3A_1531 : f32 to vector<16x1024xf32>
    %max3A_1533 = arith.maximumf %add3A_1530, %max3A_1532 : vector<16x1024xf32>
    %max3A_1534 = arith.maximumf %max3A_1521, %max3A_1533 : vector<16x1024xf32>
    %get3A_1535 = arith.constant 0 : index
    %get3A_1536 = arith.constant 118 : index
    %get3A_1537 = arith.constant 0 : index
    %get3A_1538 = vector.load %arg1[%get3A_1535, %get3A_1536, %get3A_1537] : memref<16x128x1024xf32, #tpu.memory_space<vmem>>, vector<16x1x1024xf32>
    %get3A_1539 = vector.shape_cast %get3A_1538 : vector<16x1x1024xf32> to vector<16x1024xf32>
    %mul3A_1540 = vector.broadcast %get3A_1 : vector<1x1024xf32> to vector<16x1024xf32>
    %mul3A_1541 = arith.mulf %get3A_1539, %mul3A_1540 : vector<16x1024xf32>
    %add3A_1542 = vector.broadcast %get3A_4 : vector<1x1024xf32> to vector<16x1024xf32>
    %add3A_1543 = arith.addf %mul3A_1541, %add3A_1542 : vector<16x1024xf32>
    %max3A_1544 = arith.constant 0.000000e+00 : f32
    %max3A_1545 = vector.broadcast %max3A_1544 : f32 to vector<16x1024xf32>
    %max3A_1546 = arith.maximumf %add3A_1543, %max3A_1545 : vector<16x1024xf32>
    %max3A_1547 = arith.maximumf %max3A_1534, %max3A_1546 : vector<16x1024xf32>
    %get3A_1548 = arith.constant 0 : index
    %get3A_1549 = arith.constant 119 : index
    %get3A_1550 = arith.constant 0 : index
    %get3A_1551 = vector.load %arg1[%get3A_1548, %get3A_1549, %get3A_1550] : memref<16x128x1024xf32, #tpu.memory_space<vmem>>, vector<16x1x1024xf32>
    %get3A_1552 = vector.shape_cast %get3A_1551 : vector<16x1x1024xf32> to vector<16x1024xf32>
    %mul3A_1553 = vector.broadcast %get3A_1 : vector<1x1024xf32> to vector<16x1024xf32>
    %mul3A_1554 = arith.mulf %get3A_1552, %mul3A_1553 : vector<16x1024xf32>
    %add3A_1555 = vector.broadcast %get3A_4 : vector<1x1024xf32> to vector<16x1024xf32>
    %add3A_1556 = arith.addf %mul3A_1554, %add3A_1555 : vector<16x1024xf32>
    %max3A_1557 = arith.constant 0.000000e+00 : f32
    %max3A_1558 = vector.broadcast %max3A_1557 : f32 to vector<16x1024xf32>
    %max3A_1559 = arith.maximumf %add3A_1556, %max3A_1558 : vector<16x1024xf32>
    %max3A_1560 = arith.maximumf %max3A_1547, %max3A_1559 : vector<16x1024xf32>
    %get3A_1561 = arith.constant 0 : index
    %get3A_1562 = arith.constant 120 : index
    %get3A_1563 = arith.constant 0 : index
    %get3A_1564 = vector.load %arg1[%get3A_1561, %get3A_1562, %get3A_1563] : memref<16x128x1024xf32, #tpu.memory_space<vmem>>, vector<16x1x1024xf32>
    %get3A_1565 = vector.shape_cast %get3A_1564 : vector<16x1x1024xf32> to vector<16x1024xf32>
    %mul3A_1566 = vector.broadcast %get3A_1 : vector<1x1024xf32> to vector<16x1024xf32>
    %mul3A_1567 = arith.mulf %get3A_1565, %mul3A_1566 : vector<16x1024xf32>
    %add3A_1568 = vector.broadcast %get3A_4 : vector<1x1024xf32> to vector<16x1024xf32>
    %add3A_1569 = arith.addf %mul3A_1567, %add3A_1568 : vector<16x1024xf32>
    %max3A_1570 = arith.constant 0.000000e+00 : f32
    %max3A_1571 = vector.broadcast %max3A_1570 : f32 to vector<16x1024xf32>
    %max3A_1572 = arith.maximumf %add3A_1569, %max3A_1571 : vector<16x1024xf32>
    %max3A_1573 = arith.maximumf %max3A_1560, %max3A_1572 : vector<16x1024xf32>
    %get3A_1574 = arith.constant 0 : index
    %get3A_1575 = arith.constant 121 : index
    %get3A_1576 = arith.constant 0 : index
    %get3A_1577 = vector.load %arg1[%get3A_1574, %get3A_1575, %get3A_1576] : memref<16x128x1024xf32, #tpu.memory_space<vmem>>, vector<16x1x1024xf32>
    %get3A_1578 = vector.shape_cast %get3A_1577 : vector<16x1x1024xf32> to vector<16x1024xf32>
    %mul3A_1579 = vector.broadcast %get3A_1 : vector<1x1024xf32> to vector<16x1024xf32>
    %mul3A_1580 = arith.mulf %get3A_1578, %mul3A_1579 : vector<16x1024xf32>
    %add3A_1581 = vector.broadcast %get3A_4 : vector<1x1024xf32> to vector<16x1024xf32>
    %add3A_1582 = arith.addf %mul3A_1580, %add3A_1581 : vector<16x1024xf32>
    %max3A_1583 = arith.constant 0.000000e+00 : f32
    %max3A_1584 = vector.broadcast %max3A_1583 : f32 to vector<16x1024xf32>
    %max3A_1585 = arith.maximumf %add3A_1582, %max3A_1584 : vector<16x1024xf32>
    %max3A_1586 = arith.maximumf %max3A_1573, %max3A_1585 : vector<16x1024xf32>
    %get3A_1587 = arith.constant 0 : index
    %get3A_1588 = arith.constant 122 : index
    %get3A_1589 = arith.constant 0 : index
    %get3A_1590 = vector.load %arg1[%get3A_1587, %get3A_1588, %get3A_1589] : memref<16x128x1024xf32, #tpu.memory_space<vmem>>, vector<16x1x1024xf32>
    %get3A_1591 = vector.shape_cast %get3A_1590 : vector<16x1x1024xf32> to vector<16x1024xf32>
    %mul3A_1592 = vector.broadcast %get3A_1 : vector<1x1024xf32> to vector<16x1024xf32>
    %mul3A_1593 = arith.mulf %get3A_1591, %mul3A_1592 : vector<16x1024xf32>
    %add3A_1594 = vector.broadcast %get3A_4 : vector<1x1024xf32> to vector<16x1024xf32>
    %add3A_1595 = arith.addf %mul3A_1593, %add3A_1594 : vector<16x1024xf32>
    %max3A_1596 = arith.constant 0.000000e+00 : f32
    %max3A_1597 = vector.broadcast %max3A_1596 : f32 to vector<16x1024xf32>
    %max3A_1598 = arith.maximumf %add3A_1595, %max3A_1597 : vector<16x1024xf32>
    %max3A_1599 = arith.maximumf %max3A_1586, %max3A_1598 : vector<16x1024xf32>
    %get3A_1600 = arith.constant 0 : index
    %get3A_1601 = arith.constant 123 : index
    %get3A_1602 = arith.constant 0 : index
    %get3A_1603 = vector.load %arg1[%get3A_1600, %get3A_1601, %get3A_1602] : memref<16x128x1024xf32, #tpu.memory_space<vmem>>, vector<16x1x1024xf32>
    %get3A_1604 = vector.shape_cast %get3A_1603 : vector<16x1x1024xf32> to vector<16x1024xf32>
    %mul3A_1605 = vector.broadcast %get3A_1 : vector<1x1024xf32> to vector<16x1024xf32>
    %mul3A_1606 = arith.mulf %get3A_1604, %mul3A_1605 : vector<16x1024xf32>
    %add3A_1607 = vector.broadcast %get3A_4 : vector<1x1024xf32> to vector<16x1024xf32>
    %add3A_1608 = arith.addf %mul3A_1606, %add3A_1607 : vector<16x1024xf32>
    %max3A_1609 = arith.constant 0.000000e+00 : f32
    %max3A_1610 = vector.broadcast %max3A_1609 : f32 to vector<16x1024xf32>
    %max3A_1611 = arith.maximumf %add3A_1608, %max3A_1610 : vector<16x1024xf32>
    %max3A_1612 = arith.maximumf %max3A_1599, %max3A_1611 : vector<16x1024xf32>
    %get3A_1613 = arith.constant 0 : index
    %get3A_1614 = arith.constant 124 : index
    %get3A_1615 = arith.constant 0 : index
    %get3A_1616 = vector.load %arg1[%get3A_1613, %get3A_1614, %get3A_1615] : memref<16x128x1024xf32, #tpu.memory_space<vmem>>, vector<16x1x1024xf32>
    %get3A_1617 = vector.shape_cast %get3A_1616 : vector<16x1x1024xf32> to vector<16x1024xf32>
    %mul3A_1618 = vector.broadcast %get3A_1 : vector<1x1024xf32> to vector<16x1024xf32>
    %mul3A_1619 = arith.mulf %get3A_1617, %mul3A_1618 : vector<16x1024xf32>
    %add3A_1620 = vector.broadcast %get3A_4 : vector<1x1024xf32> to vector<16x1024xf32>
    %add3A_1621 = arith.addf %mul3A_1619, %add3A_1620 : vector<16x1024xf32>
    %max3A_1622 = arith.constant 0.000000e+00 : f32
    %max3A_1623 = vector.broadcast %max3A_1622 : f32 to vector<16x1024xf32>
    %max3A_1624 = arith.maximumf %add3A_1621, %max3A_1623 : vector<16x1024xf32>
    %max3A_1625 = arith.maximumf %max3A_1612, %max3A_1624 : vector<16x1024xf32>
    %get3A_1626 = arith.constant 0 : index
    %get3A_1627 = arith.constant 125 : index
    %get3A_1628 = arith.constant 0 : index
    %get3A_1629 = vector.load %arg1[%get3A_1626, %get3A_1627, %get3A_1628] : memref<16x128x1024xf32, #tpu.memory_space<vmem>>, vector<16x1x1024xf32>
    %get3A_1630 = vector.shape_cast %get3A_1629 : vector<16x1x1024xf32> to vector<16x1024xf32>
    %mul3A_1631 = vector.broadcast %get3A_1 : vector<1x1024xf32> to vector<16x1024xf32>
    %mul3A_1632 = arith.mulf %get3A_1630, %mul3A_1631 : vector<16x1024xf32>
    %add3A_1633 = vector.broadcast %get3A_4 : vector<1x1024xf32> to vector<16x1024xf32>
    %add3A_1634 = arith.addf %mul3A_1632, %add3A_1633 : vector<16x1024xf32>
    %max3A_1635 = arith.constant 0.000000e+00 : f32
    %max3A_1636 = vector.broadcast %max3A_1635 : f32 to vector<16x1024xf32>
    %max3A_1637 = arith.maximumf %add3A_1634, %max3A_1636 : vector<16x1024xf32>
    %max3A_1638 = arith.maximumf %max3A_1625, %max3A_1637 : vector<16x1024xf32>
    %get3A_1639 = arith.constant 0 : index
    %get3A_1640 = arith.constant 126 : index
    %get3A_1641 = arith.constant 0 : index
    %get3A_1642 = vector.load %arg1[%get3A_1639, %get3A_1640, %get3A_1641] : memref<16x128x1024xf32, #tpu.memory_space<vmem>>, vector<16x1x1024xf32>
    %get3A_1643 = vector.shape_cast %get3A_1642 : vector<16x1x1024xf32> to vector<16x1024xf32>
    %mul3A_1644 = vector.broadcast %get3A_1 : vector<1x1024xf32> to vector<16x1024xf32>
    %mul3A_1645 = arith.mulf %get3A_1643, %mul3A_1644 : vector<16x1024xf32>
    %add3A_1646 = vector.broadcast %get3A_4 : vector<1x1024xf32> to vector<16x1024xf32>
    %add3A_1647 = arith.addf %mul3A_1645, %add3A_1646 : vector<16x1024xf32>
    %max3A_1648 = arith.constant 0.000000e+00 : f32
    %max3A_1649 = vector.broadcast %max3A_1648 : f32 to vector<16x1024xf32>
    %max3A_1650 = arith.maximumf %add3A_1647, %max3A_1649 : vector<16x1024xf32>
    %max3A_1651 = arith.maximumf %max3A_1638, %max3A_1650 : vector<16x1024xf32>
    %get3A_1652 = arith.constant 0 : index
    %get3A_1653 = arith.constant 127 : index
    %get3A_1654 = arith.constant 0 : index
    %get3A_1655 = vector.load %arg1[%get3A_1652, %get3A_1653, %get3A_1654] : memref<16x128x1024xf32, #tpu.memory_space<vmem>>, vector<16x1x1024xf32>
    %get3A_1656 = vector.shape_cast %get3A_1655 : vector<16x1x1024xf32> to vector<16x1024xf32>
    %mul3A_1657 = vector.broadcast %get3A_1 : vector<1x1024xf32> to vector<16x1024xf32>
    %mul3A_1658 = arith.mulf %get3A_1656, %mul3A_1657 : vector<16x1024xf32>
    %add3A_1659 = vector.broadcast %get3A_4 : vector<1x1024xf32> to vector<16x1024xf32>
    %add3A_1660 = arith.addf %mul3A_1658, %add3A_1659 : vector<16x1024xf32>
    %max3A_1661 = arith.constant 0.000000e+00 : f32
    %max3A_1662 = vector.broadcast %max3A_1661 : f32 to vector<16x1024xf32>
    %max3A_1663 = arith.maximumf %add3A_1660, %max3A_1662 : vector<16x1024xf32>
    %max3A_1664 = arith.maximumf %max3A_1651, %max3A_1663 : vector<16x1024xf32>
    %swap3A = arith.constant 0 : index
    %swap3A_1665 = arith.constant 0 : index
    %swap3A_1666 = vector.load %arg4[%swap3A, %swap3A_1665] : memref<16x1024xf32, #tpu.memory_space<vmem>>, vector<16x1024xf32>
    tpu.vector_store %arg4[%swap3A, %swap3A_1665], %max3A_1664 {strides = array<i32>} : memref<16x1024xf32, #tpu.memory_space<vmem>>, vector<16x1024xf32>,
    return
  }
  func.func @transform_0(%arg0: i32) -> (i32, i32, i32) {
    %c0_i32 = arith.constant 0 : i32
    %c0_i32_0 = arith.constant 0 : i32
    %c0_i32_1 = arith.constant 0 : i32
    return %arg0, %c0_i32, %c0_i32_0 : i32, i32, i32
  }
  func.func @transform_1(%arg0: i32) -> (i32, i32) {
    %c0_i32 = arith.constant 0 : i32
    %c0_i32_0 = arith.constant 0 : i32
    %c0_i32_1 = arith.constant 0 : i32
    return %c0_i32, %c0_i32_0 : i32, i32
  }
  func.func @transform_2(%arg0: i32) -> (i32, i32) {
    %c0_i32 = arith.constant 0 : i32
    %c0_i32_0 = arith.constant 0 : i32
    %c0_i32_1 = arith.constant 0 : i32
    return %c0_i32, %c0_i32_0 : i32, i32
  }
  func.func @transform_3(%arg0: i32) -> (i32, i32) {
    %c0_i32 = arith.constant 0 : i32
    %c0_i32_0 = arith.constant 0 : i32
    return %arg0, %c0_i32 : i32, i32
  }
}

module attributes {stable_mosaic.version = 14 : i64} {
  func.func @_cls_body(%arg0: memref<16x1024xf32, #tpu.memory_space<vmem>>, %arg1: memref<1024x512xf32, #tpu.memory_space<vmem>>, %arg2: memref<1x512xf32, #tpu.memory_space<vmem>>, %arg3: memref<512x256xf32, #tpu.memory_space<vmem>>, %arg4: memref<1x256xf32, #tpu.memory_space<vmem>>, %arg5: memref<256x40xf32, #tpu.memory_space<vmem>>, %arg6: memref<1x40xf32, #tpu.memory_space<vmem>>, %arg7: memref<16x40xf32, #tpu.memory_space<vmem>>) attributes {dimension_semantics = [], scalar_prefetch = 0 : i64, scratch_operands = 0 : i64, tpu.core_type = #tpu.core_type<tc>} {
    %get3A = arith.constant 0 : index
    %get3A_0 = arith.constant 0 : index
    %get3A_1 = vector.load %arg0[%get3A, %get3A_0] : memref<16x1024xf32, #tpu.memory_space<vmem>>, vector<16x1024xf32>
    %get3A_2 = arith.constant 0 : index
    %get3A_3 = arith.constant 0 : index
    %get3A_4 = vector.load %arg1[%get3A_2, %get3A_3] : memref<1024x512xf32, #tpu.memory_space<vmem>>, vector<1024x512xf32>
    %dot_general3A = arith.constant dense<0.000000e+00> : vector<16x512xf32>
    %dot_general3A_5 = tpu.matmul %get3A_1, %get3A_4, %dot_general3A {dimension_numbers = #tpu.dot_dimension_numbers<[1], [0], [0], [1], [0, 0, 1, 1], [], []>, transpose_lhs_hint = false} : vector<16x1024xf32>, vector<1024x512xf32>, vector<16x512xf32> -> vector<16x512xf32>
    %get3A_6 = arith.constant 0 : index
    %get3A_7 = arith.constant 0 : index
    %get3A_8 = vector.load %arg2[%get3A_6, %get3A_7] : memref<1x512xf32, #tpu.memory_space<vmem>>, vector<1x512xf32>
    %add3A = vector.broadcast %get3A_8 : vector<1x512xf32> to vector<16x512xf32>
    %add3A_9 = arith.addf %dot_general3A_5, %add3A : vector<16x512xf32>
    %max3A = arith.constant 0.000000e+00 : f32
    %max3A_10 = vector.broadcast %max3A : f32 to vector<16x512xf32>
    %max3A_11 = arith.maximumf %add3A_9, %max3A_10 : vector<16x512xf32>
    %get3A_12 = arith.constant 0 : index
    %get3A_13 = arith.constant 0 : index
    %get3A_14 = vector.load %arg3[%get3A_12, %get3A_13] : memref<512x256xf32, #tpu.memory_space<vmem>>, vector<512x256xf32>
    %dot_general3A_15 = arith.constant dense<0.000000e+00> : vector<16x256xf32>
    %dot_general3A_16 = tpu.matmul %max3A_11, %get3A_14, %dot_general3A_15 {dimension_numbers = #tpu.dot_dimension_numbers<[1], [0], [0], [1], [0, 0, 1, 1], [], []>, transpose_lhs_hint = false} : vector<16x512xf32>, vector<512x256xf32>, vector<16x256xf32> -> vector<16x256xf32>
    %get3A_17 = arith.constant 0 : index
    %get3A_18 = arith.constant 0 : index
    %get3A_19 = vector.load %arg4[%get3A_17, %get3A_18] : memref<1x256xf32, #tpu.memory_space<vmem>>, vector<1x256xf32>
    %add3A_20 = vector.broadcast %get3A_19 : vector<1x256xf32> to vector<16x256xf32>
    %add3A_21 = arith.addf %dot_general3A_16, %add3A_20 : vector<16x256xf32>
    %max3A_22 = arith.constant 0.000000e+00 : f32
    %max3A_23 = vector.broadcast %max3A_22 : f32 to vector<16x256xf32>
    %max3A_24 = arith.maximumf %add3A_21, %max3A_23 : vector<16x256xf32>
    %get3A_25 = arith.constant 0 : index
    %get3A_26 = arith.constant 0 : index
    %get3A_27 = vector.load %arg5[%get3A_25, %get3A_26] : memref<256x40xf32, #tpu.memory_space<vmem>>, vector<256x40xf32>
    %dot_general3A_28 = arith.constant dense<0.000000e+00> : vector<16x40xf32>
    %dot_general3A_29 = tpu.matmul %max3A_24, %get3A_27, %dot_general3A_28 {dimension_numbers = #tpu.dot_dimension_numbers<[1], [0], [0], [1], [0, 0, 1, 1], [], []>, transpose_lhs_hint = false} : vector<16x256xf32>, vector<256x40xf32>, vector<16x40xf32> -> vector<16x40xf32>
    %get3A_30 = arith.constant 0 : index
    %get3A_31 = arith.constant 0 : index
    %get3A_32 = vector.load %arg6[%get3A_30, %get3A_31] : memref<1x40xf32, #tpu.memory_space<vmem>>, vector<1x40xf32>
    %add3A_33 = vector.broadcast %get3A_32 : vector<1x40xf32> to vector<16x40xf32>
    %add3A_34 = arith.addf %dot_general3A_29, %add3A_33 : vector<16x40xf32>
    %swap3A = arith.constant 0 : index
    %swap3A_35 = arith.constant 0 : index
    %swap3A_36 = vector.load %arg7[%swap3A, %swap3A_35] : memref<16x40xf32, #tpu.memory_space<vmem>>, vector<16x40xf32>
    tpu.vector_store %arg7[%swap3A, %swap3A_35], %add3A_34 {strides = array<i32>} : memref<16x40xf32, #tpu.memory_space<vmem>>, vector<16x40xf32>,
    return
  }
}

</mosaic_0001>

<sc_bundles>
// kernel: gather_offload_async_start.1
scs
__scs_entry_jumppad:
0x0: {  	(pc) =	sbr.rel $0x88, $3  }
0x1: {  	(tag) =	ssettag $0x0;
	lr =	simm.s32 $0x1  }
0x2: {  	[smem:$0x3F7F] =	sst lr;
	_ =	strace $0xD0000000  }
0x3: {  	_ = 	snop  }
0x4: {  	_ = 	snop  }
0x5: {  	_ = 	snop  }
0x6: {  	_ = 	snop  }
0x7: {  	_ = 	snop  }
__scs_overlays_trampoline_lowered:
0x8: {  	[smem:$0x3F8E] =	sst s0  }
0x9: {  	[smem:$0x3F8F] =	sst s1  }
0xa: {  	[smem:$0x3F90] =	sst s2  }
0xb: {  	[smem:$0x3F91] =	sst s3  }
0xc: {  	[smem:$0x3F92] =	sst s4  }
0xd: {  	[smem:$0x3F93] =	sst s5  }
0xe: {  	[smem:$0x3F94] =	sst s6  }
0xf: {  	[smem:$0x3F95] =	sst s7  }
0x10: {  	[smem:$0x3F96] =	sst s8  }
0x11: {  	[smem:$0x3F97] =	sst s9;
	s0 =	simm.s32 @!p0 $0x0  }
0x12: {  	s1 =	sld [smem:$0x3F7D];
	s0 =	simm.s32 @p0 $0x1  }
0x13: {  	[smem:$0x3F98] =	sst s0;
	s0 =	simm.s32 @!p1 $0x0  }
0x14: {  	s2 =	sld [smem:$0x3F7C];
	s0 =	simm.s32 @p1 $0x1  }
0x15: {  	[smem:$0x3F99] =	sst s0;
	s0 =	simm.s32 @!p2 $0x0  }
0x16: {  	s3 =	sld [smem:$0x3FDB];
	s0 =	simm.s32 @p2 $0x1  }
0x17: {  	s4 =	simm.s32 $0x1BF5;
	[smem:$0x3F9B] =	sst s0  }
0x18: {  	s0 =	sld [smem:$0x3F7E];
	_ =	swait.ge [sflag:s4], $0x0  }
0x19: {  	s7 =	sld [smem:$0x3F7F]  }
0x1a: {  	s8 =	sadd.s32 $0xFFFFE003, lr  }
0x1b: {  	s9 =	sadd.s32 $0xFFFFFEF7, lr;
	s5 =	simm.s32 $0xFFFFFFFF;
	p2 =	slt.u32 s8, $0xFFFFF086  }
0x1c: {  	p1 =	slt.u32 s9, $0xF7A;
	s5 =	simm.s32 @!p2 $0x0  }
0x1d: {  	s5 =	simm.s32 @p1 $0x1;
	p0 =	seq.s32 s7, s2  }
0x1e: {  	s7 =	smul.u32 @!p0 $0xF7A, s2;
	p2 =	seq.s32 @!p0 s5, $0x0  }
0x1f: {  	s9 =	smul.u32 $0xF7A, s1;
	s8 =	simm.s32 @!p0 $0x1BF5;
	p2 =	por !p2, p0  }
0x20: {  	[sflag:s8] =	ssyncset.s32 @!p0 $0xFFFFF086;
	s6 =	sadd.s32 @!p0 s3, s7;
	s7 =	simm.s32 @!p0 $0x108  }
0x21: {  	s3 =	sadd.s32 s3, s9;
	s6 =	sadd.s32 @!p0 $0x88, s6;
	s7 =	simm.s32 @p2 $0x1082  }
0x22: {  	[simem:s7], [sflag:s8] =	dma.local @!p0 [hbm:s6], $0xF7A  }
0x23: {  	s9 =	sor.u32 $0xD0000000, s2;
	s6 =	simm.s32 $0x108;
	_ =	swait.ge @!p0 [sflag:s8], $0x0  }
0x24: {  	s3 =	sadd.s32 $0x88, s3;
	s6 =	simm.s32 @!p1 $0x1082;
	[sflag:s4] =	ssyncset.s32 $0xFFFFF086  }
0x25: {  	[simem:s6], [sflag:s4] =	dma.local [hbm:s3], $0xF7A  }
0x26: {  	[smem:$0x3F7F] =	sst s1;
	(tag) =	ssettag s2;
	_ =	strace s9  }
0x27: {  	s1 =	sld [smem:$0x3F8F]  }
0x28: {  	s2 =	sld [smem:$0x3F90]  }
0x29: {  	s4 =	sld [smem:$0x3F92]  }
0x2a: {  	p0 =	seq.s32 s5, $0x0;
	s5 =	sld [smem:$0x3F93]  }
0x2b: {  	s6 =	sld [smem:$0x3F94]  }
0x2c: {  	s7 =	sld [smem:$0x3F95]  }
0x2d: {  	s3 =	simm.s32 $0x108;
	s8 =	sld [smem:$0x3F96]  }
0x2e: {  	s3 =	simm.s32 @!p0 $0x1082;
	s9 =	sld [smem:$0x3F97]  }
0x2f: {  	lr =	sadd.s32 s0, s3;
	s0 =	sld [smem:$0x3F8E]  }
0x30: {  	s3 =	sld [smem:$0x3F91]  }
0x31: {  	[smem:$0x3F9A] =	sst s10  }
0x32: {  	s10 =	sld [smem:$0x3F98];
	_ =	sdelay $0x3  }
0x33: {  	p0 =	seq.s32 s10, $0x1;
	s10 =	sld [smem:$0x3F9A];
	_ =	sdelay $0x3  }
0x34: {  	[smem:$0x3F9A] =	sst s10  }
0x35: {  	s10 =	sld [smem:$0x3F99];
	_ =	sdelay $0x3  }
0x36: {  	p1 =	seq.s32 s10, $0x1;
	s10 =	sld [smem:$0x3F9A];
	_ =	sdelay $0x3  }
0x37: {  	[smem:$0x3F9A] =	sst s10  }
0x38: {  	s10 =	sld [smem:$0x3F9B]  }
0x39: {  	_ = 	snop;
	(pc) =	sbr.ind lr, $3  }
0x3a: {  	_ = 	snop  }
0x3b: {  	_ = 	snop  }
0x3c: {  	p2 =	seq.s32 s10, $0x1;
	s10 =	sld [smem:$0x3F9A]  }
0x3d: {  	_ =	shalt  }
0x3e: {  	_ =	shalt  }
0x3f: {  	_ =	shalt  }
0x40: {  	_ =	shalt  }
0x41: {  	_ =	shalt  }
0x42: {  	_ =	shalt  }
0x43: {  	_ =	shalt  }
0x44: {  	_ =	shalt  }
0x45: {  	_ =	shalt  }
0x46: {  	_ =	shalt  }
0x47: {  	_ =	shalt  }
0x48: {  	_ =	shalt  }
0x49: {  	_ =	shalt  }
0x4a: {  	_ =	shalt  }
0x4b: {  	_ =	shalt  }
0x4c: {  	_ =	shalt  }
0x4d: {  	_ =	shalt  }
0x4e: {  	_ =	shalt  }
0x4f: {  	_ =	shalt  }
0x50: {  	_ =	shalt  }
0x51: {  	_ =	shalt  }
0x52: {  	_ =	shalt  }
0x53: {  	_ =	shalt  }
0x54: {  	_ =	shalt  }
0x55: {  	_ =	shalt  }
0x56: {  	_ =	shalt  }
0x57: {  	_ =	shalt  }
0x58: {  	_ =	shalt  }
0x59: {  	_ =	shalt  }
0x5a: {  	_ =	shalt  }
0x5b: {  	_ =	shalt  }
0x5c: {  	_ =	shalt  }
0x5d: {  	_ =	shalt  }
0x5e: {  	_ =	shalt  }
0x5f: {  	_ =	shalt  }
0x60: {  	_ =	shalt  }
0x61: {  	_ =	shalt  }
0x62: {  	_ =	shalt  }
0x63: {  	_ =	shalt  }
0x64: {  	_ =	shalt  }
0x65: {  	_ =	shalt  }
0x66: {  	_ =	shalt  }
0x67: {  	_ =	shalt  }
0x68: {  	_ =	shalt  }
0x69: {  	_ =	shalt  }
0x6a: {  	_ =	shalt  }
0x6b: {  	_ =	shalt  }
0x6c: {  	_ =	shalt  }
0x6d: {  	_ =	shalt  }
0x6e: {  	_ =	shalt  }
0x6f: {  	_ =	shalt  }
0x70: {  	_ =	shalt  }
0x71: {  	_ =	shalt  }
0x72: {  	_ =	shalt  }
0x73: {  	_ =	shalt  }
0x74: {  	_ =	shalt  }
0x75: {  	_ =	shalt  }
0x76: {  	_ =	shalt  }
0x77: {  	_ =	shalt  }
0x78: {  	_ =	shalt  }
0x79: {  	_ =	shalt  }
0x7a: {  	_ =	shalt  }
0x7b: {  	_ =	shalt  }
0x7c: {  	_ =	shalt  }
0x7d: {  	_ =	shalt  }
0x7e: {  	_ =	shalt  }
0x7f: {  	_ =	shalt  }
0x80: {  	_ =	shalt  }
0x81: {  	_ =	shalt  }
0x82: {  	_ =	shalt  }
0x83: {  	_ =	shalt  }
0x84: {  	_ =	shalt  }
0x85: {  	_ =	shalt  }
0x86: {  	_ =	shalt  }
0x87: {  	_ =	shalt  }
.Lfunc_end0:
.L_simem_size_0:
called_computation.2_lowered:
.L_overlay_start_0:
0x88: {  	s2 =	sld [smem:$0x3FD9]  }
0x89: {  	s3 =	sld [smem:$0x3FFE];
	_ =	sdelay $0x1  }
0x8a: {  	s1 =	srdreg.scid  }
0x8b: {  	s0 =	sand.u32 $0x1, s1  }
0x8c: {  	s17 =	sshll.u32 s0, $0xA;
	s2 =	sadd.s32 s3, s2  }
0x8d: {  	s2 =	sadd.s32 s2, s17  }
0x8e: {  	[smem:$0x3FA6] =	sst s2  }
0x8f: {  	_ = 	snop  }
0x90: {  	s2 =	sld [smem:$0x3FD0];
	(tm) =	ssettm $0x1  }
0x91: {  	s18 =	sld [smem:$0x3FFB];
	_ =	sdelay $0x3  }
0x92: {  	_ =	strace s18  }
0x93: {  	s3 =	sld [smem:$0x3FFC];
	_ =	sdelay $0x3  }
0x94: {  	_ =	strace s3  }
0x95: {  	s3 =	sld [smem:$0x3FFD];
	_ =	sdelay $0x3  }
0x96: {  	_ =	strace s3  }
0x97: {  	_ =	strace $0x8FFFFFFF  }
0x98: {  	s19 =	sld [smem:$0x3FDB];
	_ =	sdelay $0x1  }
0x99: {  	s4 =	simm.s32 $_scs_section_size  }
0x9a: {  	s5 =	simm.s32 $_size__tile_overlayer_lowered;
	s6 =	simm.s32 $_tile_overlayer_lowered  }
0x9b: {  	s22 =	simm.s32 $0x1BFF;
	s21 =	sshll.u32 s6, $0x1;
	s3 =	sadd.s32 s4, s19  }
0x9c: {  	s7 =	simm.s32 $0x0;
	s20 =	sshll.u32 s5, $0x1;
	s5 =	sadd.s32 s21, s3  }
0x9d: {  	[timem:s7], [sflag:s22] =	dma.local [hbm:s5], s20  }
0x9e: {  	_ =	swait.ge [sflag:s22], s20  }
0x9f: {  	s4 =	ssub.s32 $0x0, s20;
	[sflag:s22] =	ssyncset.done $0x0  }
0xa0: {  	[sflag:s22] =	ssyncadd.s32 s4;
	_ =	sdelay $0x1  }
0xa1: {  	s23 =	simm.s32 $0x1B8B  }
0xa2: {  	_ =	swait.ge [sflag:s23], $0x1  }
0xa3: {  	[sflag:s23] =	ssyncset.done $0x0  }
0xa4: {  	s25 =	simm.s32 $0x1B8E;
	s24 =	sld [smem:$0x3FFE];
	[sflag:s23] =	ssyncadd.s32 $0xFFFFFFFF  }
0xa5: {  	s26 =	simm.s32 $execute0_lowered;
	[smem:$0x3FD2] =	sst s25  }
0xa6: {  	s5 =	sshll.u32 s26, $0x1;
	_ =	strace $0x80000049;
	[dreg:$0x1] =	wrdreg $0xFFFFFFFF  }
0xa7: {  	s28 =	simm.s32 $_size_execute0_lowered;
	s3 =	sadd.s32 s3, s5;
	[dreg:$0x0] =	wrdreg $0x0  }
0xa8: {  	s5 =	sshll.u32 s28, $0x1;
	[dreg:$0x2] =	wrdreg s3  }
0xa9: {  	[dreg:$0x3] =	wrdreg s5  }
0xaa: {  	[dreg:$0x4] =	wrdreg $0xC0  }
0xab: {  	_ =	task [dreg:s7], $0x5FFFF  }
0xac: {  	[dreg:$0x1] =	wrdreg $0xFFFFFFFF  }
0xad: {  	[dreg:$0x0] =	wrdreg $0x60  }
0xae: {  	[dreg:$0x2] =	wrdreg s24  }
0xaf: {  	[dreg:$0x3] =	wrdreg s2  }
0xb0: {  	[dreg:$0x4] =	wrdreg $0xA  }
0xb1: {  	_ =	task.clear_ibuf [dreg:s7], $0x5FFFF;
	_ =	strace $0x90000049  }
0xb2: {  	s29 =	simm.s32 $0xA;
	_ =	strace $0x8000004B  }
0xb3: {  	_ =	swait.ge [sflag:s29], $0x1  }
0xb4: {  	[sflag:s29] =	ssyncadd.s32 $0xFFFFFFFF  }
0xb5: {  	_ =	strace $0x9000004B  }
0xb6: {  	_ =	sfence  }
0xb7: {  	s30 =	sld [smem:$0x0];
	_ =	sdelay $0x2  }
0xb8: {  	s31 =	sshll.u32 s1, $0xD;
	s1 =	sshrl.u32 s1, $0x2  }
0xb9: {  	s3 =	sand.u32 $0x4000, s31;
	s1 =	sadd.s32 s1, s30  }
0xba: {  	s0 =	sor.u32 s3, s0;
	s1 =	sshll.u32 s1, $0x11  }
0xbb: {  	s0 =	sor.u32 s1, s0  }
0xbc: {  	s0 =	sadd.s32 $0x8F2B, s0  }
0xbd: {  	[sflag:s0] =	ssyncadd.remote.s32 $0x1  }
0xbe: {  	_ =	sfence.sel $0xFFFF  }
0xbf: {  	[dreg:$0x0] =	wrdreg $0xFFFFFFFF;
	(pc) =	sbr.abs _section_cstart, $3  }
0xc0: {  	[dreg:$0x1] =	wrdreg $0xFFFFFFFF  }
0xc1: {  	_ =	task.clear_ibuf [dreg:s7], $0x2FFFF;
	_ =	strace $0x9FFFFFFF  }
0xc2: {  	(tm) =	ssettm $0x7FFFFFFF  }
0xc3: {  	_ =	shalt  }
tec
execute0_lowered:
.L_overlay_start_1:
0x0: {  	(tag) =	ssettag $0x1  }
0x1: {  	s7 =	rddreg [dreg:$0x0]  }
0x2: {  	s2 =	rddreg [dreg:$0x1]  }
0x3: {  	s0 =	rddreg [dreg:$0x2]  }
0x4: {  	s1 =	srdreg.scid;
	_ =	strace $0x8000004A;
	s4 =	simm.s32 $0x1  }
0x5: {  	s9 =	simm.s32 $0x3;
	s12 =	simm.s32 $0x0;
	s5 =	sshll.u32 s1, $0x4  }
.Ltmp0:
0x6: {  	s1 =	stileid.u32;
	s5 =	sand.u32 $0x10, s5;
	(pc) =	sbr.rel .LBB2_1-.Ltmp0, $4  }
0x7: {  	s10 =	simm.s32 $0x0;
	s3 =	sadd.s32 $0x4C200, s7;
	s6 =	sor.u32 s1, s5  }
0x8: {  	[sflag:s4] =	ssyncpa.u1 $0x0;
	s5 =	simm.s32 $0x2;
	s6 =	sshll.u32 s6, $0x6  }
0x9: {  	s7 =	sadd.s32 $0x2200, s7;
	[sflag:s5] =	ssyncpa.u1 $0x0;
	s8 =	sadd.s32 $0x40, s6  }
0xa: {  	vm0 =	vmmov $0xff;
	vm1 =	vcmask $0x3F20;
	[sflag:s9] =	ssyncpa.u1 $0x0;
	s9 =	simm.s32 $0x40;
	s11 =	smov.u32 s6  }
.LBB2_9:
0xb: {  	p0 =	seq.s32 s10, $0x2  }
.Ltmp1:
0xc: {  	_ = 	snop;
	(pc) =	sbr.rel @p0 .LBB2_11-.Ltmp1, $1  }
0xd: {  	_ =	sdelay $0x3  }
.LBB2_10:
0xe: {  	s12 =	sadd.s32 $0x40, s11  }
0xf: {  	s13 =	smov.u32 s6;
	p0 =	slt.s32 s12, s8  }
0x10: {  	s13 =	smov.u32 @p0 s12  }
0x11: {  	s10 =	sadd.s32 $0x1, s10;
	s12 =	smov.u32 s11;
	s11 =	smov.u32 s13  }
.LBB2_1:
0x12: {  	p0 =	sne.s32 s10, $0x0  }
.Ltmp2:
0x13: {  	_ = 	snop;
	(pc) =	sbr.rel @!p0 .LBB2_2-.Ltmp2, $1  }
0x14: {  	_ =	sdelay $0x3  }
0x15: {  	s13 =	sand.u32 $0x1, s10  }
0x16: {  	p0 =	seq.s32 s13, $0x0  }
.Ltmp3:
0x17: {  	_ = 	snop;
	(pc) =	sbr.rel @p0 .LBB2_9-.Ltmp3, $1  }
0x18: {  	_ =	sdelay $0x3  }
0x19: {  	_ =	swait.ge [sflag:s5], $0x40  }
0x1a: {  	[sflag:s5] =	ssyncset.done $0x0  }
0x1b: {  	s13 =	simm.s32 $0x0;
	[sflag:s5] =	ssyncadd.s32 $0xFFFFFFC0  }
0x1c: {  	v0 =	vld.msk [tilespmem:s13+$0x40 ss:$0x1], $0xffff;
	_ =	sdelay $0x4  }
0x1d: {  	v1 =	vshll.u32 v0, $0x3  }
0x1e: {  	vm2 =	veq.s32 v0, $0x80000000;
	v0 =	vshll.u32 v0, $0x10;
	v1 =	vand.u32 $0xFF80, v1  }
0x1f: {  	v0 =	vand.u32 $0xF0000, v0;
	v1 =	vsel vm2, $0xFFFFFF80, v1  }
0x20: {  	v0 =	vsel vm2, $0xFFFF0000, v0;
	v2 =	vand.u32 $0xFFFFFC00, v1  }
0x21: {  	v1 =	vand.u32 $0x380, v1;
	v0 =	vadd.s32 v0, v2  }
0x22: {  	v0 =	vor.u32 v1, v0  }
0x23: {  	v0 =	vshrl.u32 v0, $0x3;
	_ =	sdelay $0x3  }
0x24: {  	s13 =	simm.s32 $0x2080  }
0x25: {  	[tilespmem:s13], [sflag:$0x1] =	stream.indirect_vreg.gather [hbm:s3], $0x80, v0, vm0, $0x38;
	[tilespmem:$0x4080] =	vst v63  }
0x26: {  	s14 =	simm.s32 $0x2480;
	s31 =	simm.s32 $0x10  }
0x27: {  	[tilespmem:s14], [sflag:$0x1] =	stream.indirect_vreg.gather [hbm:s3], $0x80, v0, vm1, $0x38;
	[tilespmem:$0x4080] =	vst v63  }
0x28: {  	s14 =	simm.s32 $0x80;
	v0 =	vld.msk [tilespmem:s31+$0x40 ss:$0x1], $0xffff  }
.LBB2_5:
0x29: {  	p0 =	sne.s32 s14, $0xC0;
	_ =	sdelay $0x4  }
0x2a: {  	v1 =	vshll.u32 v0, $0x3  }
0x2b: {  	vm2 =	veq.s32 v0, $0x80000000;
	v0 =	vshll.u32 v0, $0x10;
	v1 =	vand.u32 $0xFF80, v1  }
0x2c: {  	v0 =	vand.u32 $0xF0000, v0;
	v1 =	vsel vm2, $0xFFFFFF80, v1  }
0x2d: {  	v0 =	vsel vm2, $0xFFFF0000, v0;
	v2 =	vand.u32 $0xFFFFFC00, v1  }
0x2e: {  	v1 =	vand.u32 $0x380, v1;
	v0 =	vadd.s32 v0, v2  }
0x2f: {  	v0 =	vor.u32 v1, v0  }
0x30: {  	v0 =	vshrl.u32 v0, $0x3;
	_ =	sdelay $0x3  }
.Ltmp4:
0x31: {  	s13 =	sadd.s32 $0x800, s13;
	(pc) =	sbr.rel @p0 .LBB2_5-.Ltmp4, $4  }
0x32: {  	[tilespmem:s13], [sflag:$0x1] =	stream.indirect_vreg.gather [hbm:s3], $0x80, v0, vm0, $0x38;
	[tilespmem:$0x4080] =	vst v63  }
0x33: {  	s15 =	sshra.s32 s14, $0x2;
	s16 =	sadd.s32 $0x400, s13  }
0x34: {  	[tilespmem:s16], [sflag:$0x1] =	stream.indirect_vreg.gather [hbm:s3], $0x80, v0, vm1, $0x38;
	[tilespmem:$0x4080] =	vst v63  }
0x35: {  	s14 =	sadd.s32 $0x40, s14;
	v0 =	vld.msk [tilespmem:s15+$0x40 ss:$0x1], $0xffff  }
0x36: {  	_ =	sdelay $0x3  }
0x37: {  	v1 =	vshll.u32 v0, $0x3  }
0x38: {  	vm2 =	veq.s32 v0, $0x80000000;
	v63 =	vshll.u32 v0, $0x10;
	v1 =	vand.u32 $0xFF80, v1  }
0x39: {  	v0 =	vand.u32 $0xF0000, v63;
	v1 =	vsel vm2, $0xFFFFFF80, v1  }
0x3a: {  	v0 =	vsel vm2, $0xFFFF0000, v0;
	v2 =	vand.u32 $0xFFFFFC00, v1  }
0x3b: {  	v1 =	vand.u32 $0x380, v1;
	v0 =	vadd.s32 v0, v2  }
0x3c: {  	v0 =	vor.u32 v1, v0  }
0x3d: {  	v0 =	vshrl.u32 v0, $0x3;
	_ =	sdelay $0x3  }
0x3e: {  	s13 =	sadd.s32 $0x800, s13  }
0x3f: {  	[tilespmem:s13], [sflag:$0x1] =	stream.indirect_vreg.gather [hbm:s3], $0x80, v0, vm0, $0x38;
	[tilespmem:$0x4080] =	vst v63  }
0x40: {  	s13 =	sadd.s32 $0x400, s13  }
0x41: {  	[tilespmem:s13], [sflag:$0x1] =	stream.indirect_vreg.gather [hbm:s3], $0x80, v0, vm1, $0x38;
	[tilespmem:$0x4080] =	vst v63  }
0x42: {  	s12 =	sshll.u32 s12, $0x4;
	s14 =	simm.s32 $0x80;
	_ =	swait.ge [sflag:s4], $0x2000  }
0x43: {  	s15 =	simm.s32 $0x2480;
	s12 =	sadd.s32 s12, s7;
	[sflag:s4] =	ssyncset.done $0x0  }
0x44: {  	s16 =	sadd.s32 $0x0, s12;
	s13 =	simm.s32 $0x2080;
	[sflag:s4] =	ssyncadd.s32 $0xFFFFE000  }
.LBB2_7:
0x45: {  	[hbm:s16] =	stream.linear.scatter [tilespmem:s13], [sflag:$0x3], $0x400, $0x38;
	[tilespmem:$0x4080] =	vst v63  }
0x46: {  	s16 =	smov.u32 s14;
	s13 =	smov.u32 s15;
	p0 =	sne.s32 s14, $0x380  }
.Ltmp5:
0x47: {  	s14 =	sadd.s32 $0x80, s14;
	(pc) =	sbr.rel @p0 .LBB2_7-.Ltmp5, $2  }
0x48: {  	_ =	sdelay $0x2  }
0x49: {  	s15 =	sadd.s32 $0x400, s15;
	s16 =	sadd.s32 s16, s12  }
.Ltmp6:
0x4a: {  	(pc) =	sbr.rel .LBB2_9-.Ltmp6, $2  }
0x4b: {  	_ =	sdelay $0x2  }
0x4c: {  	[hbm:s16] =	stream.linear.scatter [tilespmem:s13], [sflag:$0x3], $0x400, $0x38;
	[tilespmem:$0x4080] =	vst v63  }
.LBB2_2:
.Ltmp7:
0x4d: {  	(pc) =	sbr.rel .LBB2_10-.Ltmp7, $4  }
0x4e: {  	_ = 	snop  }
0x4f: {  	s12 =	sshrl.u32 s11, $0x3  }
0x50: {  	s13 =	sand.u32 $0x7, s11;
	s12 =	sadd.s32 s2, s12  }
0x51: {  	[tilespmem:s9], [sflag:$0x2] =	stream.linear.gather [hbm4b:s12+s13], $0x40, $0x38;
	[tilespmem:$0x4080] =	vst v63  }
.LBB2_11:
0x52: {  	s2 =	simm.s32 $0x3  }
0x53: {  	_ =	swait.ge [sflag:s2], $0x2000  }
0x54: {  	[sflag:s2] =	ssyncset.done $0x0  }
0x55: {  	[sflag:s2] =	ssyncadd.s32 $0xFFFFE000  }
0x56: {  	_ =	sfence.sel $0x180000  }
0x57: {  	s3 =	simm.s32 $0x2;
	[bflag:$0x0] =	sbarrier.arrive $0xFFFF  }
0x58: {  	[sflag:s3] =	ssyncpa.u1 $0x1  }
0x59: {  	s31 =	simm.s32 $0x1;
	[sflag:s2] =	ssyncpa.u1 $0x1  }
0x5a: {  	[sflag:s31] =	ssyncpa.u1 $0x1  }
0x5b: {  	p0 =	sne.s32 s1, $0x0;
	_ =	strace $0x9000004A  }
0x5c: {  	s0 =	sadd.s32 @!p0 $0x100000, s0;
	[bflag:$0x2] =	sbarrier.arrive $0xFFFF  }
0x5d: {  	[sflag:s0] =	ssyncadd.tile.s32 @!p0 $0x1;
	_ =	shalt  }
.Lfunc_end2:
_tile_overlayer_lowered:
.L_overlay_start_2:
0x5e: {  	(tag) =	ssettag $0x2  }
0x5f: {  	s0 =	rddreg [dreg:$0x0];
	s2 =	stileid.u32  }
0x60: {  	s1 =	rddreg [dreg:$0x1];
	p0 =	sne.s32 s2, $0x0  }
0x61: {  	s3 =	rddreg [dreg:$0x2];
	[bflag:$0x3] =	sbarrier.arrive $0xFFFF;
	s2 =	simm.s32 @!p0 $0x1C01  }
0x62: {  	[timem:s3], [sflag:s2] =	dma.local @!p0 [hbm:s0], s1  }
0x63: {  	s0 =	simm.s32 @!p0 $0x1  }
0x64: {  	_ =	swait.ge @!p0 [sflag:s0], s1  }
0x65: {  	s1 =	ssub.s32 @!p0 $0x0, s1;
	[sflag:s0] =	ssyncset.done @!p0 $0x0  }
0x66: {  	[sflag:s0] =	ssyncadd.s32 @!p0 s1  }
0x67: {  	[bflag:$0x3] =	sbarrier.arrive $0xFFFF  }
0x68: {  	_ =	shalt  }

// kernel: gather_offload_async_start
scs
__scs_entry_jumppad:
0x0: {  	(pc) =	sbr.rel $0x88, $3  }
0x1: {  	(tag) =	ssettag $0x0;
	lr =	simm.s32 $0x1  }
0x2: {  	[smem:$0x3F7F] =	sst lr;
	_ =	strace $0xD0000000  }
0x3: {  	_ = 	snop  }
0x4: {  	_ = 	snop  }
0x5: {  	_ = 	snop  }
0x6: {  	_ = 	snop  }
0x7: {  	_ = 	snop  }
__scs_overlays_trampoline_lowered:
0x8: {  	[smem:$0x3F8E] =	sst s0  }
0x9: {  	[smem:$0x3F8F] =	sst s1  }
0xa: {  	[smem:$0x3F90] =	sst s2  }
0xb: {  	[smem:$0x3F91] =	sst s3  }
0xc: {  	[smem:$0x3F92] =	sst s4  }
0xd: {  	[smem:$0x3F93] =	sst s5  }
0xe: {  	[smem:$0x3F94] =	sst s6  }
0xf: {  	[smem:$0x3F95] =	sst s7  }
0x10: {  	[smem:$0x3F96] =	sst s8  }
0x11: {  	[smem:$0x3F97] =	sst s9;
	s0 =	simm.s32 @!p0 $0x0  }
0x12: {  	s1 =	sld [smem:$0x3F7D];
	s0 =	simm.s32 @p0 $0x1  }
0x13: {  	[smem:$0x3F98] =	sst s0;
	s0 =	simm.s32 @!p1 $0x0  }
0x14: {  	s2 =	sld [smem:$0x3F7C];
	s0 =	simm.s32 @p1 $0x1  }
0x15: {  	[smem:$0x3F99] =	sst s0;
	s0 =	simm.s32 @!p2 $0x0  }
0x16: {  	s3 =	sld [smem:$0x3FDB];
	s0 =	simm.s32 @p2 $0x1  }
0x17: {  	s4 =	simm.s32 $0x1BF5;
	[smem:$0x3F9B] =	sst s0  }
0x18: {  	s0 =	sld [smem:$0x3F7E];
	_ =	swait.ge [sflag:s4], $0x0  }
0x19: {  	s7 =	sld [smem:$0x3F7F]  }
0x1a: {  	s8 =	sadd.s32 $0xFFFFE003, lr  }
0x1b: {  	s9 =	sadd.s32 $0xFFFFFEF7, lr;
	s5 =	simm.s32 $0xFFFFFFFF;
	p2 =	slt.u32 s8, $0xFFFFF086  }
0x1c: {  	p1 =	slt.u32 s9, $0xF7A;
	s5 =	simm.s32 @!p2 $0x0  }
0x1d: {  	s5 =	simm.s32 @p1 $0x1;
	p0 =	seq.s32 s7, s2  }
0x1e: {  	s7 =	smul.u32 @!p0 $0xF7A, s2;
	p2 =	seq.s32 @!p0 s5, $0x0  }
0x1f: {  	s9 =	smul.u32 $0xF7A, s1;
	s8 =	simm.s32 @!p0 $0x1BF5;
	p2 =	por !p2, p0  }
0x20: {  	[sflag:s8] =	ssyncset.s32 @!p0 $0xFFFFF086;
	s6 =	sadd.s32 @!p0 s3, s7;
	s7 =	simm.s32 @!p0 $0x108  }
0x21: {  	s3 =	sadd.s32 s3, s9;
	s6 =	sadd.s32 @!p0 $0x88, s6;
	s7 =	simm.s32 @p2 $0x1082  }
0x22: {  	[simem:s7], [sflag:s8] =	dma.local @!p0 [hbm:s6], $0xF7A  }
0x23: {  	s9 =	sor.u32 $0xD0000000, s2;
	s6 =	simm.s32 $0x108;
	_ =	swait.ge @!p0 [sflag:s8], $0x0  }
0x24: {  	s3 =	sadd.s32 $0x88, s3;
	s6 =	simm.s32 @!p1 $0x1082;
	[sflag:s4] =	ssyncset.s32 $0xFFFFF086  }
0x25: {  	[simem:s6], [sflag:s4] =	dma.local [hbm:s3], $0xF7A  }
0x26: {  	[smem:$0x3F7F] =	sst s1;
	(tag) =	ssettag s2;
	_ =	strace s9  }
0x27: {  	s1 =	sld [smem:$0x3F8F]  }
0x28: {  	s2 =	sld [smem:$0x3F90]  }
0x29: {  	s4 =	sld [smem:$0x3F92]  }
0x2a: {  	p0 =	seq.s32 s5, $0x0;
	s5 =	sld [smem:$0x3F93]  }
0x2b: {  	s6 =	sld [smem:$0x3F94]  }
0x2c: {  	s7 =	sld [smem:$0x3F95]  }
0x2d: {  	s3 =	simm.s32 $0x108;
	s8 =	sld [smem:$0x3F96]  }
0x2e: {  	s3 =	simm.s32 @!p0 $0x1082;
	s9 =	sld [smem:$0x3F97]  }
0x2f: {  	lr =	sadd.s32 s0, s3;
	s0 =	sld [smem:$0x3F8E]  }
0x30: {  	s3 =	sld [smem:$0x3F91]  }
0x31: {  	[smem:$0x3F9A] =	sst s10  }
0x32: {  	s10 =	sld [smem:$0x3F98];
	_ =	sdelay $0x3  }
0x33: {  	p0 =	seq.s32 s10, $0x1;
	s10 =	sld [smem:$0x3F9A];
	_ =	sdelay $0x3  }
0x34: {  	[smem:$0x3F9A] =	sst s10  }
0x35: {  	s10 =	sld [smem:$0x3F99];
	_ =	sdelay $0x3  }
0x36: {  	p1 =	seq.s32 s10, $0x1;
	s10 =	sld [smem:$0x3F9A];
	_ =	sdelay $0x3  }
0x37: {  	[smem:$0x3F9A] =	sst s10  }
0x38: {  	s10 =	sld [smem:$0x3F9B]  }
0x39: {  	_ = 	snop;
	(pc) =	sbr.ind lr, $3  }
0x3a: {  	_ = 	snop  }
0x3b: {  	_ = 	snop  }
0x3c: {  	p2 =	seq.s32 s10, $0x1;
	s10 =	sld [smem:$0x3F9A]  }
0x3d: {  	_ =	shalt  }
0x3e: {  	_ =	shalt  }
0x3f: {  	_ =	shalt  }
0x40: {  	_ =	shalt  }
0x41: {  	_ =	shalt  }
0x42: {  	_ =	shalt  }
0x43: {  	_ =	shalt  }
0x44: {  	_ =	shalt  }
0x45: {  	_ =	shalt  }
0x46: {  	_ =	shalt  }
0x47: {  	_ =	shalt  }
0x48: {  	_ =	shalt  }
0x49: {  	_ =	shalt  }
0x4a: {  	_ =	shalt  }
0x4b: {  	_ =	shalt  }
0x4c: {  	_ =	shalt  }
0x4d: {  	_ =	shalt  }
0x4e: {  	_ =	shalt  }
0x4f: {  	_ =	shalt  }
0x50: {  	_ =	shalt  }
0x51: {  	_ =	shalt  }
0x52: {  	_ =	shalt  }
0x53: {  	_ =	shalt  }
0x54: {  	_ =	shalt  }
0x55: {  	_ =	shalt  }
0x56: {  	_ =	shalt  }
0x57: {  	_ =	shalt  }
0x58: {  	_ =	shalt  }
0x59: {  	_ =	shalt  }
0x5a: {  	_ =	shalt  }
0x5b: {  	_ =	shalt  }
0x5c: {  	_ =	shalt  }
0x5d: {  	_ =	shalt  }
0x5e: {  	_ =	shalt  }
0x5f: {  	_ =	shalt  }
0x60: {  	_ =	shalt  }
0x61: {  	_ =	shalt  }
0x62: {  	_ =	shalt  }
0x63: {  	_ =	shalt  }
0x64: {  	_ =	shalt  }
0x65: {  	_ =	shalt  }
0x66: {  	_ =	shalt  }
0x67: {  	_ =	shalt  }
0x68: {  	_ =	shalt  }
0x69: {  	_ =	shalt  }
0x6a: {  	_ =	shalt  }
0x6b: {  	_ =	shalt  }
0x6c: {  	_ =	shalt  }
0x6d: {  	_ =	shalt  }
0x6e: {  	_ =	shalt  }
0x6f: {  	_ =	shalt  }
0x70: {  	_ =	shalt  }
0x71: {  	_ =	shalt  }
0x72: {  	_ =	shalt  }
0x73: {  	_ =	shalt  }
0x74: {  	_ =	shalt  }
0x75: {  	_ =	shalt  }
0x76: {  	_ =	shalt  }
0x77: {  	_ =	shalt  }
0x78: {  	_ =	shalt  }
0x79: {  	_ =	shalt  }
0x7a: {  	_ =	shalt  }
0x7b: {  	_ =	shalt  }
0x7c: {  	_ =	shalt  }
0x7d: {  	_ =	shalt  }
0x7e: {  	_ =	shalt  }
0x7f: {  	_ =	shalt  }
0x80: {  	_ =	shalt  }
0x81: {  	_ =	shalt  }
0x82: {  	_ =	shalt  }
0x83: {  	_ =	shalt  }
0x84: {  	_ =	shalt  }
0x85: {  	_ =	shalt  }
0x86: {  	_ =	shalt  }
0x87: {  	_ =	shalt  }
.Lfunc_end0:
.L_simem_size_0:
called_computation.1_lowered:
.L_overlay_start_0:
0x88: {  	s2 =	sld [smem:$0x3FD9]  }
0x89: {  	s3 =	sld [smem:$0x3FFE];
	_ =	sdelay $0x1  }
0x8a: {  	s1 =	srdreg.scid  }
0x8b: {  	s0 =	sand.u32 $0x1, s1  }
0x8c: {  	s16 =	sshll.u32 s0, $0xA;
	s2 =	sadd.s32 s3, s2  }
0x8d: {  	s2 =	sadd.s32 s2, s16  }
0x8e: {  	[smem:$0x3FA6] =	sst s2  }
0x8f: {  	_ = 	snop  }
0x90: {  	(tm) =	ssettm $0x1  }
0x91: {  	s17 =	sld [smem:$0x3FFB];
	_ =	sdelay $0x3  }
0x92: {  	_ =	strace s17  }
0x93: {  	s2 =	sld [smem:$0x3FFC];
	_ =	sdelay $0x3  }
0x94: {  	_ =	strace s2  }
0x95: {  	s2 =	sld [smem:$0x3FFD];
	_ =	sdelay $0x3  }
0x96: {  	_ =	strace s2  }
0x97: {  	_ =	strace $0x8FFFFFFF  }
0x98: {  	s18 =	sld [smem:$0x3FDB];
	_ =	sdelay $0x1  }
0x99: {  	s19 =	simm.s32 $_scs_section_size  }
0x9a: {  	s4 =	simm.s32 $_size__tile_overlayer_lowered;
	s5 =	simm.s32 $_tile_overlayer_lowered  }
0x9b: {  	s22 =	simm.s32 $0x1BFF;
	s21 =	sshll.u32 s5, $0x1;
	s2 =	sadd.s32 s19, s18  }
0x9c: {  	s6 =	simm.s32 $0x0;
	s20 =	sshll.u32 s4, $0x1;
	s4 =	sadd.s32 s21, s2  }
0x9d: {  	[timem:s6], [sflag:s22] =	dma.local [hbm:s4], s20  }
0x9e: {  	_ =	swait.ge [sflag:s22], s20  }
0x9f: {  	s3 =	ssub.s32 $0x0, s20;
	[sflag:s22] =	ssyncset.done $0x0  }
0xa0: {  	[sflag:s22] =	ssyncadd.s32 s3;
	_ =	sdelay $0x1  }
0xa1: {  	s23 =	simm.s32 $0x1B8B  }
0xa2: {  	_ =	swait.ge [sflag:s23], $0x1  }
0xa3: {  	[sflag:s23] =	ssyncset.done $0x0  }
0xa4: {  	s25 =	simm.s32 $0x1B8E;
	s24 =	sld [smem:$0x3FFE];
	[sflag:s23] =	ssyncadd.s32 $0xFFFFFFFF  }
0xa5: {  	s26 =	simm.s32 $execute0_lowered;
	[smem:$0x3FD2] =	sst s25  }
0xa6: {  	s4 =	sshll.u32 s26, $0x1;
	_ =	strace $0x80000046;
	[dreg:$0x1] =	wrdreg $0xFFFFFFFF  }
0xa7: {  	s28 =	simm.s32 $_size_execute0_lowered;
	s2 =	sadd.s32 s2, s4;
	[dreg:$0x0] =	wrdreg $0x0  }
0xa8: {  	s4 =	sshll.u32 s28, $0x1;
	[dreg:$0x2] =	wrdreg s2  }
0xa9: {  	[dreg:$0x3] =	wrdreg s4  }
0xaa: {  	[dreg:$0x4] =	wrdreg $0xC0  }
0xab: {  	_ =	task [dreg:s6], $0x5FFFF  }
0xac: {  	[dreg:$0x1] =	wrdreg $0xFFFFFFFF  }
0xad: {  	[dreg:$0x0] =	wrdreg $0x60  }
0xae: {  	[dreg:$0x2] =	wrdreg s24  }
0xaf: {  	[dreg:$0x3] =	wrdreg $0x9  }
0xb0: {  	_ =	task.clear_ibuf [dreg:s6], $0x4FFFF;
	_ =	strace $0x90000046  }
0xb1: {  	s29 =	simm.s32 $0x9;
	_ =	strace $0x80000048  }
0xb2: {  	_ =	swait.ge [sflag:s29], $0x1  }
0xb3: {  	[sflag:s29] =	ssyncadd.s32 $0xFFFFFFFF  }
0xb4: {  	_ =	strace $0x90000048  }
0xb5: {  	_ =	sfence  }
0xb6: {  	s30 =	sld [smem:$0x0];
	_ =	sdelay $0x2  }
0xb7: {  	s31 =	sshll.u32 s1, $0xD;
	s1 =	sshrl.u32 s1, $0x2  }
0xb8: {  	s3 =	sand.u32 $0x4000, s31;
	s1 =	sadd.s32 s1, s30  }
0xb9: {  	s0 =	sor.u32 s3, s0;
	s1 =	sshll.u32 s1, $0x11  }
0xba: {  	s0 =	sor.u32 s1, s0  }
0xbb: {  	s0 =	sadd.s32 $0x8F2B, s0  }
0xbc: {  	[sflag:s0] =	ssyncadd.remote.s32 $0x1  }
0xbd: {  	_ =	sfence.sel $0xFFFF  }
0xbe: {  	[dreg:$0x0] =	wrdreg $0xFFFFFFFF;
	(pc) =	sbr.abs _section_cstart, $3  }
0xbf: {  	[dreg:$0x1] =	wrdreg $0xFFFFFFFF  }
0xc0: {  	_ =	task.clear_ibuf [dreg:s6], $0x2FFFF;
	_ =	strace $0x9FFFFFFF  }
0xc1: {  	(tm) =	ssettm $0x7FFFFFFF  }
tec
execute0_lowered:
.L_overlay_start_1:
0x0: {  	(tag) =	ssettag $0x1  }
0x1: {  	s7 =	rddreg [dreg:$0x0]  }
0x2: {  	s0 =	rddreg [dreg:$0x1];
	_ =	strace $0x80000047  }
0x3: {  	s1 =	srdreg.scid;
	s4 =	simm.s32 $0x1;
	s9 =	simm.s32 $0x3  }
0x4: {  	s12 =	simm.s32 $0x0;
	s10 =	simm.s32 $0x0;
	s5 =	sshll.u32 s1, $0x4  }
.Ltmp0:
0x5: {  	s1 =	stileid.u32;
	s5 =	sand.u32 $0x10, s5;
	(pc) =	sbr.rel .LBB2_1-.Ltmp0, $4  }
0x6: {  	s2 =	sadd.s32 $0x101200, s7;
	s3 =	sadd.s32 $0x1000, s7;
	s6 =	sor.u32 s1, s5  }
0x7: {  	[sflag:s4] =	ssyncpa.u1 $0x0;
	s5 =	simm.s32 $0x2;
	s6 =	sshll.u32 s6, $0x8  }
0x8: {  	s7 =	sadd.s32 $0x1400, s7;
	[sflag:s5] =	ssyncpa.u1 $0x0;
	s8 =	sadd.s32 $0x100, s6  }
0x9: {  	vm0 =	vmmov $0xff;
	vm1 =	vcmask $0x3F20;
	[sflag:s9] =	ssyncpa.u1 $0x0;
	s9 =	simm.s32 $0x100;
	s11 =	smov.u32 s6  }
.LBB2_9:
0xa: {  	p0 =	seq.s32 s10, $0x2  }
.Ltmp1:
0xb: {  	_ = 	snop;
	(pc) =	sbr.rel @p0 .LBB2_11-.Ltmp1, $1  }
0xc: {  	_ =	sdelay $0x3  }
.LBB2_10:
0xd: {  	s12 =	sadd.s32 $0x100, s11  }
0xe: {  	s13 =	smov.u32 s6;
	p0 =	slt.s32 s12, s8  }
0xf: {  	s13 =	smov.u32 @p0 s12  }
0x10: {  	s10 =	sadd.s32 $0x1, s10;
	s12 =	smov.u32 s11;
	s11 =	smov.u32 s13  }
.LBB2_1:
0x11: {  	p0 =	sne.s32 s10, $0x0  }
.Ltmp2:
0x12: {  	_ = 	snop;
	(pc) =	sbr.rel @!p0 .LBB2_2-.Ltmp2, $1  }
0x13: {  	_ =	sdelay $0x3  }
0x14: {  	s13 =	sand.u32 $0x1, s10  }
0x15: {  	p0 =	seq.s32 s13, $0x0  }
.Ltmp3:
0x16: {  	_ = 	snop;
	(pc) =	sbr.rel @p0 .LBB2_9-.Ltmp3, $1  }
0x17: {  	_ =	sdelay $0x3  }
0x18: {  	_ =	swait.ge [sflag:s5], $0x100  }
0x19: {  	[sflag:s5] =	ssyncset.done $0x0  }
0x1a: {  	s13 =	simm.s32 $0x0;
	[sflag:s5] =	ssyncadd.s32 $0xFFFFFF00  }
0x1b: {  	v0 =	vld.msk [tilespmem:s13+$0x100 ss:$0x1], $0xffff;
	_ =	sdelay $0x4  }
0x1c: {  	v1 =	vshll.u32 v0, $0x3  }
0x1d: {  	vm2 =	veq.s32 v0, $0x80000000;
	v0 =	vshll.u32 v0, $0x13;
	v1 =	vand.u32 $0x7FF80, v1  }
0x1e: {  	v0 =	vand.u32 $0x780000, v0;
	v1 =	vsel vm2, $0xFFFFFF80, v1  }
0x1f: {  	v0 =	vsel vm2, $0xFFF80000, v0;
	v2 =	vand.u32 $0xFFFFFC00, v1  }
0x20: {  	v1 =	vand.u32 $0x380, v1;
	v0 =	vadd.s32 v0, v2  }
0x21: {  	v0 =	vor.u32 v1, v0  }
0x22: {  	v0 =	vshrl.u32 v0, $0x3;
	_ =	sdelay $0x3  }
0x23: {  	s13 =	simm.s32 $0x8200  }
0x24: {  	[tilespmem:s13], [sflag:$0x1] =	stream.indirect_vreg.gather [hbm:s2], $0x80, v0, vm0, $0x38;
	[tilespmem:$0x10200] =	vst v63  }
0x25: {  	s14 =	simm.s32 $0x8600;
	s31 =	simm.s32 $0x10  }
0x26: {  	[tilespmem:s14], [sflag:$0x1] =	stream.indirect_vreg.gather [hbm:s2], $0x80, v0, vm1, $0x38;
	[tilespmem:$0x10200] =	vst v63  }
0x27: {  	s14 =	simm.s32 $0x80;
	v0 =	vld.msk [tilespmem:s31+$0x100 ss:$0x1], $0xffff  }
.LBB2_5:
0x28: {  	p0 =	sne.s32 s14, $0x3C0;
	_ =	sdelay $0x4  }
0x29: {  	v1 =	vshll.u32 v0, $0x3  }
0x2a: {  	vm2 =	veq.s32 v0, $0x80000000;
	v0 =	vshll.u32 v0, $0x13;
	v1 =	vand.u32 $0x7FF80, v1  }
0x2b: {  	v0 =	vand.u32 $0x780000, v0;
	v1 =	vsel vm2, $0xFFFFFF80, v1  }
0x2c: {  	v0 =	vsel vm2, $0xFFF80000, v0;
	v2 =	vand.u32 $0xFFFFFC00, v1  }
0x2d: {  	v1 =	vand.u32 $0x380, v1;
	v0 =	vadd.s32 v0, v2  }
0x2e: {  	v0 =	vor.u32 v1, v0  }
0x2f: {  	v0 =	vshrl.u32 v0, $0x3;
	_ =	sdelay $0x3  }
.Ltmp4:
0x30: {  	s13 =	sadd.s32 $0x800, s13;
	(pc) =	sbr.rel @p0 .LBB2_5-.Ltmp4, $4  }
0x31: {  	[tilespmem:s13], [sflag:$0x1] =	stream.indirect_vreg.gather [hbm:s2], $0x80, v0, vm0, $0x38;
	[tilespmem:$0x10200] =	vst v63  }
0x32: {  	s15 =	sshra.s32 s14, $0x2;
	s16 =	sadd.s32 $0x400, s13  }
0x33: {  	[tilespmem:s16], [sflag:$0x1] =	stream.indirect_vreg.gather [hbm:s2], $0x80, v0, vm1, $0x38;
	[tilespmem:$0x10200] =	vst v63  }
0x34: {  	s14 =	sadd.s32 $0x40, s14;
	v0 =	vld.msk [tilespmem:s15+$0x100 ss:$0x1], $0xffff  }
0x35: {  	_ =	sdelay $0x3  }
0x36: {  	v1 =	vshll.u32 v0, $0x3  }
0x37: {  	vm2 =	veq.s32 v0, $0x80000000;
	v63 =	vshll.u32 v0, $0x13;
	v1 =	vand.u32 $0x7FF80, v1  }
0x38: {  	v0 =	vand.u32 $0x780000, v63;
	v1 =	vsel vm2, $0xFFFFFF80, v1  }
0x39: {  	v0 =	vsel vm2, $0xFFF80000, v0;
	v2 =	vand.u32 $0xFFFFFC00, v1  }
0x3a: {  	v1 =	vand.u32 $0x380, v1;
	v0 =	vadd.s32 v0, v2  }
0x3b: {  	v0 =	vor.u32 v1, v0  }
0x3c: {  	v0 =	vshrl.u32 v0, $0x3;
	_ =	sdelay $0x3  }
0x3d: {  	s13 =	sadd.s32 $0x800, s13  }
0x3e: {  	[tilespmem:s13], [sflag:$0x1] =	stream.indirect_vreg.gather [hbm:s2], $0x80, v0, vm0, $0x38;
	[tilespmem:$0x10200] =	vst v63  }
0x3f: {  	s13 =	sadd.s32 $0x400, s13  }
0x40: {  	[tilespmem:s13], [sflag:$0x1] =	stream.indirect_vreg.gather [hbm:s2], $0x80, v0, vm1, $0x38;
	[tilespmem:$0x10200] =	vst v63  }
0x41: {  	s12 =	sshll.u32 s12, $0x4;
	s14 =	simm.s32 $0x80;
	_ =	swait.ge [sflag:s4], $0x8000  }
0x42: {  	s15 =	simm.s32 $0x8600;
	s12 =	sadd.s32 s12, s7;
	[sflag:s4] =	ssyncset.done $0x0  }
0x43: {  	s16 =	sadd.s32 $0x0, s12;
	s13 =	simm.s32 $0x8200;
	[sflag:s4] =	ssyncadd.s32 $0xFFFF8000  }
.LBB2_7:
0x44: {  	[hbm:s16] =	stream.linear.scatter [tilespmem:s13], [sflag:$0x3], $0x400, $0x38;
	[tilespmem:$0x10200] =	vst v63  }
0x45: {  	s16 =	smov.u32 s14;
	s13 =	smov.u32 s15;
	p0 =	sne.s32 s14, $0xF80  }
.Ltmp5:
0x46: {  	s14 =	sadd.s32 $0x80, s14;
	(pc) =	sbr.rel @p0 .LBB2_7-.Ltmp5, $2  }
0x47: {  	_ =	sdelay $0x2  }
0x48: {  	s15 =	sadd.s32 $0x400, s15;
	s16 =	sadd.s32 s16, s12  }
.Ltmp6:
0x49: {  	(pc) =	sbr.rel .LBB2_9-.Ltmp6, $2  }
0x4a: {  	_ =	sdelay $0x2  }
0x4b: {  	[hbm:s16] =	stream.linear.scatter [tilespmem:s13], [sflag:$0x3], $0x400, $0x38;
	[tilespmem:$0x10200] =	vst v63  }
.LBB2_2:
.Ltmp7:
0x4c: {  	(pc) =	sbr.rel .LBB2_10-.Ltmp7, $4  }
0x4d: {  	_ = 	snop  }
0x4e: {  	s12 =	sshrl.u32 s11, $0x3  }
0x4f: {  	s13 =	sand.u32 $0x7, s11;
	s12 =	sadd.s32 s3, s12  }
0x50: {  	[tilespmem:s9], [sflag:$0x2] =	stream.linear.gather [hbm4b:s12+s13], $0x100, $0x38;
	[tilespmem:$0x10200] =	vst v63  }
.LBB2_11:
0x51: {  	s2 =	simm.s32 $0x3  }
0x52: {  	_ =	swait.ge [sflag:s2], $0x8000  }
0x53: {  	[sflag:s2] =	ssyncset.done $0x0  }
0x54: {  	[sflag:s2] =	ssyncadd.s32 $0xFFFF8000  }
0x55: {  	_ =	sfence.sel $0x180000  }
0x56: {  	s3 =	simm.s32 $0x2;
	[bflag:$0x0] =	sbarrier.arrive $0xFFFF  }
0x57: {  	[sflag:s3] =	ssyncpa.u1 $0x1  }
0x58: {  	s31 =	simm.s32 $0x1;
	[sflag:s2] =	ssyncpa.u1 $0x1  }
0x59: {  	[sflag:s31] =	ssyncpa.u1 $0x1  }
0x5a: {  	p0 =	sne.s32 s1, $0x0;
	_ =	strace $0x90000047  }
0x5b: {  	s0 =	sadd.s32 @!p0 $0x100000, s0;
	[bflag:$0x2] =	sbarrier.arrive $0xFFFF  }
0x5c: {  	[sflag:s0] =	ssyncadd.tile.s32 @!p0 $0x1;
	_ =	shalt  }
.Lfunc_end2:
_tile_overlayer_lowered:
.L_overlay_start_2:
0x5d: {  	(tag) =	ssettag $0x2  }
0x5e: {  	s0 =	rddreg [dreg:$0x0];
	s2 =	stileid.u32  }
0x5f: {  	s1 =	rddreg [dreg:$0x1];
	p0 =	sne.s32 s2, $0x0  }
0x60: {  	s3 =	rddreg [dreg:$0x2];
	[bflag:$0x3] =	sbarrier.arrive $0xFFFF;
	s2 =	simm.s32 @!p0 $0x1C01  }
0x61: {  	[timem:s3], [sflag:s2] =	dma.local @!p0 [hbm:s0], s1  }
0x62: {  	s0 =	simm.s32 @!p0 $0x1  }
0x63: {  	_ =	swait.ge @!p0 [sflag:s0], s1  }
0x64: {  	s1 =	ssub.s32 @!p0 $0x0, s1;
	[sflag:s0] =	ssyncset.done @!p0 $0x0  }
0x65: {  	[sflag:s0] =	ssyncadd.s32 @!p0 s1  }
0x66: {  	[bflag:$0x3] =	sbarrier.arrive $0xFFFF  }
0x67: {  	_ =	shalt  }

// kernel: sparse-core-data-format-call.cloned.1.call-start
scs
called_computation_lowered:
.L_overlay_start_0:
0x0: {  	s2 =	sld [smem:$0x3FD9]  }
0x1: {  	s3 =	sld [smem:$0x3FFE];
	_ =	sdelay $0x1  }
0x2: {  	s1 =	srdreg.scid  }
0x3: {  	s0 =	sand.u32 $0x1, s1  }
0x4: {  	s18 =	sshll.u32 s0, $0xA;
	s2 =	sadd.s32 s3, s2  }
0x5: {  	s2 =	sadd.s32 s2, s18  }
0x6: {  	[smem:$0x3FA6] =	sst s2  }
0x7: {  	_ = 	snop  }
0x8: {  	(tm) =	ssettm $0x1  }
0x9: {  	s19 =	sld [smem:$0x3FFB];
	_ =	sdelay $0x3  }
0xa: {  	_ =	strace s19  }
0xb: {  	s2 =	sld [smem:$0x3FFC];
	_ =	sdelay $0x3  }
0xc: {  	_ =	strace s2  }
0xd: {  	s2 =	sld [smem:$0x3FFD];
	_ =	sdelay $0x3  }
0xe: {  	_ =	strace s2  }
0xf: {  	_ =	strace $0x8FFFFFFF  }
0x10: {  	s20 =	sld [smem:$0x3FDB];
	_ =	sdelay $0x1  }
0x11: {  	s21 =	simm.s32 $_scs_section_size  }
0x12: {  	s4 =	simm.s32 $_size__tile_overlayer_lowered;
	s5 =	simm.s32 $_tile_overlayer_lowered  }
0x13: {  	s6 =	simm.s32 $0x1BFF;
	s22 =	sshll.u32 s5, $0x1;
	s3 =	sadd.s32 s21, s20  }
0x14: {  	s23 =	simm.s32 $0x0;
	s4 =	sshll.u32 s4, $0x1;
	s5 =	sadd.s32 s22, s3  }
0x15: {  	[timem:s23], [sflag:s6] =	dma.local [hbm:s5], s4  }
0x16: {  	_ =	swait.ge [sflag:s6], s4  }
0x17: {  	s4 =	ssub.s32 $0x0, s4;
	[sflag:s6] =	ssyncset.done $0x0  }
0x18: {  	[sflag:s6] =	ssyncadd.s32 s4;
	_ =	sdelay $0x1  }
0x19: {  	s24 =	simm.s32 $0x1B8B  }
0x1a: {  	_ =	swait.ge [sflag:s24], $0x1  }
0x1b: {  	[sflag:s24] =	ssyncset.done $0x0  }
0x1c: {  	[sflag:s24] =	ssyncadd.s32 $0xFFFFFFFF  }
0x1d: {  	s4 =	sld [smem:$0x0]  }
0x1e: {  	s5 =	sand.u32 $0xFFFFFFFE, s1  }
0x1f: {  	p0 =	sne.s32 s1, s5  }
0x20: {  	s5 =	sshll.u32 @p0 s5, $0xE  }
0x21: {  	s5 =	sadd.s32 @p0 $0x11B8D, s5;
	s6 =	sshll.u32 @p0 s4, $0x11  }
0x22: {  	s5 =	sor.u32 @p0 s6, s5  }
0x23: {  	[sflag:s5] =	ssyncadd.remote.s32 @p0 $0x1;
	_ =	sdelay $0x1  }
0x24: {  	s5 =	simm.s32 @p0 $0x1B8D  }
0x25: {  	_ =	swait.eq @p0 [sflag:s5], $0x1  }
0x26: {  	[sflag:s5] =	ssyncadd.s32 @p0 $0xFFFFFFFF  }
0x27: {  	s6 =	sshll.u32 @!p0 s1, $0xE  }
0x28: {  	s6 =	sor.u32 @!p0 $0x4000, s6;
	s5 =	simm.s32 @!p0 $0x1B8D  }
0x29: {  	s4 =	sshll.u32 @!p0 s4, $0x11;
	s6 =	sadd.s32 @!p0 $0x11B8D, s6;
	_ =	swait.eq @!p0 [sflag:s5], $0x1  }
0x2a: {  	s4 =	sor.u32 @!p0 s4, s6;
	[sflag:s5] =	ssyncadd.s32 @!p0 $0xFFFFFFFF  }
0x2b: {  	s26 =	simm.s32 $0x1B8E;
	s25 =	sld [smem:$0x3FFE];
	[sflag:s4] =	ssyncadd.remote.s32 @!p0 $0x1  }
0x2c: {  	s27 =	simm.s32 $execute0_lowered;
	[smem:$0x3FD2] =	sst s26  }
0x2d: {  	s5 =	sshll.u32 s27, $0x1;
	_ =	strace $0x8000004C;
	[dreg:$0x1] =	wrdreg $0xFFFFFFFF  }
0x2e: {  	s28 =	simm.s32 $_size_execute0_lowered;
	s3 =	sadd.s32 s3, s5;
	[dreg:$0x0] =	wrdreg $0x0  }
0x2f: {  	s5 =	sshll.u32 s28, $0x1;
	[dreg:$0x2] =	wrdreg s3  }
0x30: {  	[dreg:$0x3] =	wrdreg s5  }
0x31: {  	[dreg:$0x4] =	wrdreg $0xC0  }
0x32: {  	_ =	task [dreg:s23], $0x5FFFF  }
0x33: {  	[dreg:$0x1] =	wrdreg $0xFFFFFFFF  }
0x34: {  	[dreg:$0x0] =	wrdreg $0x60  }
0x35: {  	[dreg:$0x2] =	wrdreg s25  }
0x36: {  	[dreg:$0x3] =	wrdreg $0x9  }
0x37: {  	_ =	task.clear_ibuf [dreg:s23], $0x4FFFF;
	_ =	strace $0x9000004C  }
0x38: {  	s29 =	simm.s32 $0x9;
	_ =	strace $0x8000004E  }
0x39: {  	_ =	swait.ge [sflag:s29], $0x1  }
0x3a: {  	[sflag:s29] =	ssyncadd.s32 $0xFFFFFFFF  }
0x3b: {  	_ =	strace $0x9000004E  }
0x3c: {  	_ =	sfence  }
0x3d: {  	s30 =	sld [smem:$0x0];
	_ =	sdelay $0x2  }
0x3e: {  	s31 =	sshll.u32 s1, $0xD;
	s1 =	sshrl.u32 s1, $0x2  }
0x3f: {  	s4 =	sand.u32 $0x4000, s31;
	s1 =	sadd.s32 s1, s30  }
0x40: {  	s0 =	sor.u32 s4, s0;
	s1 =	sshll.u32 s1, $0x11  }
0x41: {  	s0 =	sor.u32 s1, s0  }
0x42: {  	s0 =	sadd.s32 $0x8F2B, s0  }
0x43: {  	[sflag:s0] =	ssyncadd.remote.s32 $0x1  }
0x44: {  	_ =	sfence.sel $0xFFFF  }
0x45: {  	[dreg:$0x0] =	wrdreg $0xFFFFFFFF;
	(pc) =	sbr.abs _section_cstart, $3  }
0x46: {  	[dreg:$0x1] =	wrdreg $0xFFFFFFFF  }
0x47: {  	_ =	task.clear_ibuf [dreg:s23], $0x2FFFF;
	_ =	strace $0x9FFFFFFF  }
0x48: {  	(tm) =	ssettm $0x7FFFFFFF  }
0x49: {  	_ =	shalt  }
tec
execute0_lowered:
.L_overlay_start_1:
0x0: {  	(tag) =	ssettag $0x1  }
0x1: {  	s0 =	srdreg.scid;
	s3 =	rddreg [dreg:$0x0];
	s5 =	simm.s32 $0x1  }
0x2: {  	s7 =	simm.s32 $0x2;
	s15 =	simm.s32 $0x0;
	p0 =	por $0x0, $0x0  }
0x3: {  	s8 =	simm.s32 $0x1000;
	s13 =	simm.s32 $0x0;
	s1 =	sshll.u32 s0, $0x7  }
0x4: {  	s14 =	simm.s32 $0x0;
	s9 =	simm.s32 $0x0;
	s1 =	sand.u32 $0x80, s1  }
0x5: {  	s0 =	rddreg [dreg:$0x1];
	_ =	strace $0x8000004D;
	s6 =	ssub.s32 $0x200, s1  }
.Ltmp0:
0x6: {  	s2 =	sadd.s32 $0x201200, s3;
	s31 =	sshrl.u32 s6, $0x7;
	(pc) =	sbr.rel .LBB1_1-.Ltmp0, $4  }
0x7: {  	s4 =	sadd.s32 $0x601200, s3;
	s6 =	sshrl.u32 s6, $0x8;
	s3 =	sand.u32 $0x1, s31  }
0x8: {  	s11 =	stileid.u32;
	[sflag:s5] =	ssyncpa.u1 $0x0;
	s6 =	sadd.s32 s6, s3  }
0x9: {  	s12 =	simm.s32 $0x0;
	[sflag:s7] =	ssyncpa.u1 $0x0;
	s6 =	sshll.u32 s6, $0x5  }
0xa: {  	s10 =	smov.u32 s1;
	s3 =	stileid.u32;
	s7 =	sor.u32 $0x1, s6  }
.LBB1_4:
0xb: {  	v5 =	vld [tilespmem:s18+$0xFFFFFFD0]  }
0xc: {  	[tilespmem:s19+$0x2040 ss:$0x81] =	vst.msk $0xffff, v1;
	v58 =	vld [tilespmem:s18+$0xFFFFFFE0]  }
0xd: {  	[tilespmem:s19+$0x2850 ss:$0x81] =	vst.msk $0xffff, v2;
	v59 =	vld [tilespmem:s18+$0xFFFFFFF0]  }
0xe: {  	s20 =	sshra.s32 s20, $0x2;
	[tilespmem:s19+$0x3060 ss:$0x81] =	vst.msk $0xffff, v3;
	v60 =	vld [tilespmem:s18+$0x0]  }
0xf: {  	[tilespmem:s19+$0x0 ss:$0x81] =	vst.msk $0xffff, v0;
	v61 =	vld [tilespmem:s18+$0x10];
	s17 =	sadd.s32 s20, s17  }
0x10: {  	s25 =	sshll.u32 s15, $0x9;
	v62 =	vld [tilespmem:s18+$0x20];
	[tilespmem:s17+$0x3870 ss:$0x81] =	vst.msk $0xffff, v4  }
0x11: {  	s26 =	sshll.u32 s13, $0x3;
	s27 =	sshll.u32 s15, $0x7;
	v63 =	vld [tilespmem:s18+$0xFFFFFFC0];
	s30 =	sand.u32 $0x78, s13;
	[tilespmem:s17+$0x810 ss:$0x81] =	vst.msk $0xffff, v5  }
0x12: {  	s14 =	sshll.u32 s14, $0x12;
	s19 =	sand.u32 $0x1FF000, s25;
	s20 =	sand.u32 $0x1FFC00, s26;
	[tilespmem:s17+$0x1020 ss:$0x81] =	vst.msk $0xffff, v58  }
0x13: {  	s29 =	sand.u32 $0x200, s27;
	s15 =	sand.u32 $0x180, s27;
	s28 =	sadd.s32 s20, s19;
	[tilespmem:s17+$0x1830 ss:$0x81] =	vst.msk $0xffff, v59  }
0x14: {  	s31 =	sand.u32 $0x7, s13;
	s15 =	sor.u32 s30, s15;
	s18 =	sor.u32 s29, s28;
	[tilespmem:s17+$0x2040 ss:$0x81] =	vst.msk $0xffff, v60  }
0x15: {  	s14 =	sadd.s32 s4, s14;
	s15 =	sshrl.u32 s15, $0x3;
	s18 =	sshrl.u32 s18, $0x3;
	[tilespmem:s17+$0x2850 ss:$0x81] =	vst.msk $0xffff, v61  }
0x16: {  	s13 =	sshll.u32 s31, $0x12;
	s14 =	sadd.s32 s15, s14;
	[tilespmem:s17+$0x3060 ss:$0x81] =	vst.msk $0xffff, v62;
	s18 =	sand.u32 $0x3FFC0, s18  }
0x17: {  	s13 =	sor.u32 $0x400, s13;
	[tilespmem:s17+$0x0 ss:$0x81] =	vst.msk $0xffff, v63;
	s14 =	sadd.s32 s18, s14  }
0x18: {  	[hbm4b:s14+s13] =	stream.strided.scatter [tilespmem:s16], [sflag:$0x2], $0x4000, s8, s13, $0x20;
	[tilespmem:$0x10100] =	vst v63  }
.LBB1_5:
0x19: {  	s16 =	sadd.s32 $0x80, s9  }
0x1a: {  	s13 =	sadd.s32 $0x100, s10;
	s17 =	smov.u32 s10;
	p2 =	sgt.s32 s16, $0xFFF  }
0x1b: {  	s17 =	smov.u32 @p2 s13  }
0x1c: {  	s19 =	smov.u32 s11;
	s13 =	sadd.s32 $0x10, s11;
	p3 =	sgt.s32 s17, $0x1FF  }
0x1d: {  	s19 =	smov.u32 @p3 s13  }
0x1e: {  	s16 =	simm.s32 @p2 $0x0;
	p2 =	sgt.s32 s19, $0xF  }
0x1f: {  	p1 =	slt.u32 s12, $0x2;
	s19 =	smov.u32 @p2 s3;
	p2 =	sne.s32 s12, s7  }
.Ltmp1:
0x20: {  	s18 =	simm.s32 @!p1 $0x2;
	(pc) =	sbr.rel @!p2 .LBB1_6-.Ltmp1, $4  }
0x21: {  	s15 =	smov.u32 s9;
	s14 =	smov.u32 s11;
	_ =	swait.ge @!p1 [sflag:s18], $0x4000  }
0x22: {  	p0 =	por !p0, !p0;
	[sflag:s18] =	ssyncset.done @!p1 $0x0;
	s9 =	smov.u32 s16  }
0x23: {  	s17 =	smov.u32 @p3 s1;
	s13 =	smov.u32 s10;
	[sflag:s18] =	ssyncadd.s32 @!p1 $0xFFFFC000  }
0x24: {  	s10 =	smov.u32 s17;
	s12 =	sadd.s32 $0x1, s12;
	s11 =	smov.u32 s19  }
.LBB1_1:
0x25: {  	p1 =	sge.u32 s12, s6;
	s31 =	sadd.s32 $0xFFFFFFFF, s12  }
0x26: {  	s16 =	sxor.u32 @!p1 $0xFFFFFFFF, s12;
	s17 =	sand.u32 @!p1 $0x78, s9;
	s18 =	sshll.u32 @!p1 s10, $0xC  }
0x27: {  	s19 =	sshll.u32 @!p1 s10, $0x7;
	s20 =	sshll.u32 @!p1 s9, $0x3;
	s16 =	sshll.u32 @!p1 s16, $0xE  }
0x28: {  	s18 =	sand.u32 @!p1 $0x1F8000, s18;
	s19 =	sand.u32 @!p1 $0x380, s19;
	s16 =	sand.u32 @!p1 $0x4000, s16  }
0x29: {  	s18 =	sadd.s32 @!p1 s18, s20;
	s20 =	sand.u32 @!p1 $0xC00, s20;
	s17 =	sor.u32 @!p1 s19, s17  }
0x2a: {  	s19 =	sshll.u32 @!p1 s11, $0x12;
	s17 =	sor.u32 @!p1 s20, s17;
	s18 =	sshrl.u32 @!p1 s18, $0x3  }
0x2b: {  	s19 =	sadd.s32 @!p1 s2, s19;
	s20 =	sand.u32 @!p1 $0x7, s9;
	s18 =	sand.u32 @!p1 $0x3FE00, s18  }
0x2c: {  	s17 =	sshrl.u32 @!p1 s17, $0x3;
	s18 =	sadd.s32 @!p1 s18, s19;
	s19 =	sshll.u32 @!p1 s20, $0x12  }
0x2d: {  	s17 =	sadd.s32 @!p1 s17, s18;
	s18 =	sor.u32 @!p1 $0x400, s19;
	s19 =	simm.s32 @!p1 $0x8000  }
0x2e: {  	[tilespmem:s16], [sflag:$0x1] =	stream.strided.gather @!p1 [hbm4b:s17+s18], $0x4000, s19, s18, $0x38;
	[tilespmem:$0x10100] =	vst v63  }
0x2f: {  	p1 =	sge.u32 s31, s6  }
.Ltmp2:
0x30: {  	_ = 	snop;
	(pc) =	sbr.rel @p1 .LBB1_5-.Ltmp2, $1  }
0x31: {  	_ =	sdelay $0x3  }
0x32: {  	s16 =	simm.s32 $0x1  }
0x33: {  	_ =	swait.ge [sflag:s5], $0x4000;
	s16 =	simm.s32 @!p0 $0x0  }
0x34: {  	[sflag:s5] =	ssyncset.done $0x0;
	s17 =	sshll.u32 s16, $0xE  }
0x35: {  	[sflag:s5] =	ssyncadd.s32 $0xFFFFC000;
	s18 =	sor.u32 $0x40, s17  }
0x36: {  	s16 =	smul.u32 $0x10200, s16;
	v0 =	vld [tilespmem:s18+$0x30]  }
0x37: {  	v3 =	vld [tilespmem:s18+$0xFFFFFFD0]  }
0x38: {  	s16 =	sshrl.u32 s16, $0x2;
	v4 =	vld [tilespmem:s18+$0xFFFFFFE0]  }
0x39: {  	v5 =	vld [tilespmem:s18+$0xFFFFFFF0];
	s17 =	sor.u32 $0x8000, s16  }
0x3a: {  	s31 =	sand.u32 $0x1, s12;
	v1 =	vld [tilespmem:s18+$0x0];
	s19 =	sadd.s32 $0x0, s17  }
0x3b: {  	v2 =	vld [tilespmem:s18+$0x10];
	s16 =	smul.u32 $0x10200, s31;
	[tilespmem:s19+$0x3870 ss:$0x81] =	vst.msk $0xffff, v0  }
0x3c: {  	[tilespmem:s19+$0x810 ss:$0x81] =	vst.msk $0xffff, v3;
	v3 =	vld [tilespmem:s18+$0x20]  }
0x3d: {  	s16 =	sshrl.u32 s16, $0x2;
	v0 =	vld [tilespmem:s18+$0xFFFFFFC0];
	[tilespmem:s19+$0x1020 ss:$0x81] =	vst.msk $0xffff, v4;
	s18 =	sadd.s32 $0x80, s18  }
0x3e: {  	s20 =	simm.s32 $0x4;
	s21 =	simm.s32 $0x8;
	s16 =	sor.u32 $0x8000, s16;
	[tilespmem:s19+$0x1830 ss:$0x81] =	vst.msk $0xffff, v5;
	v4 =	vld [tilespmem:s18+$0x30]  }
.LBB1_3:
0x3f: {  	p1 =	sne.s32 s21, $0x1FC;
	v5 =	vld [tilespmem:s18+$0xFFFFFFD0];
	[tilespmem:s19+$0x2040 ss:$0x81] =	vst.msk $0xffff, v1  }
0x40: {  	v6 =	vld [tilespmem:s18+$0xFFFFFFE0];
	[tilespmem:s19+$0x2850 ss:$0x81] =	vst.msk $0xffff, v2  }
0x41: {  	s22 =	sshra.s32 s20, $0x2;
	s20 =	smov.u32 s21;
	v7 =	vld [tilespmem:s18+$0xFFFFFFF0];
	[tilespmem:s19+$0x3060 ss:$0x81] =	vst.msk $0xffff, v3  }
.Ltmp3:
0x42: {  	v1 =	vld [tilespmem:s18+$0x0];
	[tilespmem:s19+$0x0 ss:$0x81] =	vst.msk $0xffff, v0;
	s19 =	sadd.s32 s22, s17;
	(pc) =	sbr.rel @p1 .LBB1_3-.Ltmp3, $4  }
0x43: {  	v2 =	vld [tilespmem:s18+$0x10];
	[tilespmem:s19+$0x3870 ss:$0x81] =	vst.msk $0xffff, v4  }
0x44: {  	[tilespmem:s19+$0x810 ss:$0x81] =	vst.msk $0xffff, v5;
	v3 =	vld [tilespmem:s18+$0x20]  }
0x45: {  	v0 =	vld [tilespmem:s18+$0xFFFFFFC0];
	[tilespmem:s19+$0x1020 ss:$0x81] =	vst.msk $0xffff, v6;
	s18 =	sadd.s32 $0x80, s18  }
0x46: {  	s21 =	sadd.s32 $0x4, s21;
	v4 =	vld [tilespmem:s18+$0x30];
	[tilespmem:s19+$0x1830 ss:$0x81] =	vst.msk $0xffff, v7  }
.Ltmp4:
0x47: {  	_ = 	snop;
	(pc) =	sbr.rel .LBB1_4-.Ltmp4, $1  }
0x48: {  	_ =	sdelay $0x3  }
.LBB1_6:
0x49: {  	_ =	sfence.sel $0x180000  }
0x4a: {  	s1 =	simm.s32 $0x1;
	[bflag:$0x0] =	sbarrier.arrive $0xFFFF  }
0x4b: {  	s31 =	simm.s32 $0x2;
	[sflag:s1] =	ssyncpa.u1 $0x1  }
0x4c: {  	[sflag:s31] =	ssyncpa.u1 $0x1  }
0x4d: {  	p0 =	sne.s32 s3, $0x0;
	_ =	strace $0x9000004D  }
0x4e: {  	s0 =	sadd.s32 @!p0 $0x100000, s0;
	[bflag:$0x2] =	sbarrier.arrive $0xFFFF  }
0x4f: {  	[sflag:s0] =	ssyncadd.tile.s32 @!p0 $0x1;
	_ =	shalt  }
.Lfunc_end1:
_tile_overlayer_lowered:
.L_overlay_start_2:
0x50: {  	(tag) =	ssettag $0x2  }
0x51: {  	s0 =	rddreg [dreg:$0x0];
	s2 =	stileid.u32  }
0x52: {  	s1 =	rddreg [dreg:$0x1];
	p0 =	sne.s32 s2, $0x0  }
0x53: {  	s3 =	rddreg [dreg:$0x2];
	[bflag:$0x3] =	sbarrier.arrive $0xFFFF;
	s2 =	simm.s32 @!p0 $0x1C01  }
0x54: {  	[timem:s3], [sflag:s2] =	dma.local @!p0 [hbm:s0], s1  }
0x55: {  	s0 =	simm.s32 @!p0 $0x1  }
0x56: {  	_ =	swait.ge @!p0 [sflag:s0], s1  }
0x57: {  	s1 =	ssub.s32 @!p0 $0x0, s1;
	[sflag:s0] =	ssyncset.done @!p0 $0x0  }
0x58: {  	[sflag:s0] =	ssyncadd.s32 @!p0 s1  }
0x59: {  	[bflag:$0x3] =	sbarrier.arrive $0xFFFF  }
0x5a: {  	_ =	shalt  }

</sc_bundles>
